<compile_context>
chip_gen: v7x
topology: tpu7x:2x2x1
jax: 0.10.2.dev20260603
libtpu: 0.0.44.dev20260713+nightly
codegen_flags: <defaults>
</compile_context>

<pallas_src>
import functools

import jax
import jax.numpy as jnp
from jax import lax
from jax.experimental import pallas as pl
from jax.experimental.pallas import tpu as pltpu
from jax.experimental.pallas import tpu_sc as plsc

N = 10000
E = 160000
D = 128
L = 4
NC = 10
NG = 1000
NUM_RUNS = 10
P = 2.0 / 11.0
NSEG = NUM_RUNS * N
ETOT = NUM_RUNS * E

NCORE = 2
NSUB = 16
RUNS_PC = NUM_RUNS // NCORE
SA = 624
G = 125
CPT = (E // NSUB) // G
IGRP = 40


def _stripe_copy(src_at, dst_at, s):
  @pl.when(s < NSUB - 1)
  def _():
    pltpu.sync_copy(src_at(s * SA, SA), dst_at(s * SA, SA))

  @pl.when(s == NSUB - 1)
  def _():
    pltpu.sync_copy(src_at((NSUB - 1) * SA, N - (NSUB - 1) * SA),
                    dst_at((NSUB - 1) * SA, N - (NSUB - 1) * SA))


def _sc_fast_body(xf_hbm, src2_hbm, dst2_hbm, out_hbm,
                  srcbuf, dstbuf, rba, rbb, acc, sema, semb):
  c = lax.axis_index("c")
  s = lax.axis_index("s")

  def gstart(k, buf, sem):
    pltpu.async_copy(xf_hbm.at[srcbuf.at[k]], buf, sem)

  def gwait(k, buf, sem):
    pltpu.make_async_copy(xf_hbm.at[srcbuf.at[k]], buf, sem).wait()

  def run_body(bi, _):
    r = bi * NCORE + c
    rbase = r * N

    _stripe_copy(lambda o, n: xf_hbm.at[pl.ds(rbase + o, n), :],
                 lambda o, n: acc.at[pl.ds(o, n), :], s)
    plsc.subcore_barrier()

    ib = r * (E // G) + s * CPT

    def igroup(gi, _):
      pltpu.sync_copy(src2_hbm.at[pl.ds(ib + gi * IGRP, IGRP), :], srcbuf)
      pltpu.sync_copy(dst2_hbm.at[pl.ds(ib + gi * IGRP, IGRP), :], dstbuf)

      gstart(0, rba, sema)

      def chunk2(t, _):
        k = 2 * t
        gstart(k + 1, rbb, semb)
        gwait(k, rba, sema)
        pltpu.sync_copy(rba, acc.at[dstbuf.at[k]], add=True)

        @pl.when(k + 2 < IGRP)
        def _():
          gstart(k + 2, rba, sema)
        gwait(k + 1, rbb, semb)
        pltpu.sync_copy(rbb, acc.at[dstbuf.at[k + 1]], add=True)
        return 0
      lax.fori_loop(0, IGRP // 2, chunk2, 0)
      return 0
    lax.fori_loop(0, CPT // IGRP, igroup, 0)

    plsc.subcore_barrier()
    _stripe_copy(lambda o, n: acc.at[pl.ds(o, n), :],
                 lambda o, n: out_hbm.at[pl.ds(rbase + o, n), :], s)
    return 0

  lax.fori_loop(0, RUNS_PC, run_body, 0)


_SC_MESH = plsc.VectorSubcoreMesh(core_axis_name="c", subcore_axis_name="s",
                                  num_cores=NCORE, num_subcores=NSUB)

_sc_fast = pl.kernel(
    _sc_fast_body,
    out_type=jax.ShapeDtypeStruct((NSEG, D), jnp.float32),
    mesh=_SC_MESH,
    scratch_types=[
        pltpu.VMEM((IGRP, G), jnp.int32),
        pltpu.VMEM((IGRP, G), jnp.int32),
        pltpu.VMEM((G, D), jnp.float32),
        pltpu.VMEM((G, D), jnp.float32),
        pltpu.VMEM_SHARED((N, D), jnp.float32),
        pltpu.SemaphoreType.DMA,
        pltpu.SemaphoreType.DMA,
    ],
)

RPB = 3200
NBPC = 16
FSTRIPE = RPB // NSUB
G2 = 128
FROWS = 12544
FRPT = FROWS // NSUB
FCB = 112
FCPT = FRPT // FCB


def _sc_gen_body(xf_hbm, src2_hbm, dst2_hbm, out_hbm,
                 srcbuf, dstbuf, rowbuf, acc, sem):
  c = lax.axis_index("c")
  s = lax.axis_index("s")

  def pass_body(bi, _):
    base = (bi * NCORE + c) * RPB
    slo = base + s * FSTRIPE

    @pl.when(slo + FSTRIPE <= NSEG)
    def _():
      pltpu.sync_copy(xf_hbm.at[pl.ds(slo, FSTRIPE), :],
                      acc.at[pl.ds(s * FSTRIPE, FSTRIPE), :])
    plsc.subcore_barrier()

    def block(t, _):
      ib = s * FRPT + t * FCB
      pltpu.sync_copy(src2_hbm.at[pl.ds(ib, FCB), :], srcbuf)
      pltpu.sync_copy(dst2_hbm.at[pl.ds(ib, FCB), :], dstbuf)

      def fix(k, _):
        def grp(j, _):
          sl = pl.ds(j * 16, 16)
          dv = dstbuf[k, sl]
          sv = srcbuf[k, sl]
          m = jnp.logical_and(dv >= base, dv < base + RPB)
          srcbuf[k, sl] = jnp.where(m, sv, jnp.int32(0))
          dstbuf[k, sl] = jnp.where(m, dv - base, jnp.int32(RPB))
          return 0
        lax.fori_loop(0, G2 // 16, grp, 0)
        return 0
      lax.fori_loop(0, FCB, fix, 0)

      def chunk(k, _):
        pltpu.async_copy(xf_hbm.at[srcbuf.at[k]], rowbuf, sem).wait()
        pltpu.sync_copy(rowbuf, acc.at[dstbuf.at[k]], add=True)
        return 0
      lax.fori_loop(0, FCB, chunk, 0)
      return 0
    lax.fori_loop(0, FCPT, block, 0)

    plsc.subcore_barrier()

    @pl.when(slo + FSTRIPE <= NSEG)
    def _():
      pltpu.sync_copy(acc.at[pl.ds(s * FSTRIPE, FSTRIPE), :],
                      out_hbm.at[pl.ds(slo, FSTRIPE), :])
    plsc.subcore_barrier()
    return 0

  lax.fori_loop(0, NBPC, pass_body, 0)


_sc_gen = pl.kernel(
    _sc_gen_body,
    out_type=jax.ShapeDtypeStruct((NSEG, D), jnp.float32),
    mesh=_SC_MESH,
    scratch_types=[
        pltpu.VMEM((FCB, G2), jnp.int32),
        pltpu.VMEM((FCB, G2), jnp.int32),
        pltpu.VMEM((G2, D), jnp.float32),
        pltpu.VMEM_SHARED((RPB + 8, D), jnp.float32),
        pltpu.SemaphoreType.DMA,
    ],
)


BR = 10000
NBLK = NSEG // BR
PBR = 5000
HP = jax.lax.Precision.DEFAULT


def _dot(a, b):
  return lax.dot_general(a, b, (((1,), (0,)), ((), ())),
                         precision=HP, preferred_element_type=jnp.float32)


def _k0_body(x_ref, keep_ref, fcw_ref, xr_ref, q_ref):
  pid = pl.program_id(0)
  xr = x_ref[...] * keep_ref[...]
  xr_ref[...] = xr
  contrib = _dot(xr, fcw_ref[...])

  @pl.when(pid == 0)
  def _():
    q_ref[...] = contrib

  @pl.when(pid > 0)
  def _():
    q_ref[...] = q_ref[...] + contrib


def _ka_body(h_ref, w_ref, b_ref, h1_ref, st_ref, acc):
  pid = pl.program_id(0)
  h1 = _dot(h_ref[...], w_ref[...]) + b_ref[...]
  h1_ref[...] = h1.astype(jnp.bfloat16)
  ssum = jnp.sum(h1, axis=0, keepdims=True)
  ssq = jnp.sum(h1 * h1, axis=0, keepdims=True)

  @pl.when(pid == 0)
  def _():
    acc[0:1, :] = ssum
    acc[1:2, :] = ssq

  @pl.when(pid > 0)
  def _():
    acc[0:1, :] = acc[0:1, :] + ssum
    acc[1:2, :] = acc[1:2, :] + ssq

  @pl.when(pid == NBLK - 1)
  def _():
    st_ref[...] = acc[...]


def _norm_relu(h, st, g, b):
  m = st[0:1, :] * (1.0 / NSEG)
  var = st[1:2, :] * (1.0 / NSEG) - m * m
  scale = lax.rsqrt(var + 1e-5) * g
  shift = b - m * scale
  return jnp.maximum(h * scale + shift, 0.0)


def _kb_body(h1_ref, st_ref, g_ref, bb_ref, w_ref, b2_ref, h2_ref, st2_ref,
             acc):
  pid = pl.program_id(0)
  hn = _norm_relu(h1_ref[...].astype(jnp.float32), st_ref[...], g_ref[...],
                  bb_ref[...])
  h2 = _dot(hn, w_ref[...]) + b2_ref[...]
  h2_ref[...] = h2.astype(jnp.bfloat16)
  ssum = jnp.sum(h2, axis=0, keepdims=True)
  ssq = jnp.sum(h2 * h2, axis=0, keepdims=True)

  @pl.when(pid == 0)
  def _():
    acc[0:1, :] = ssum
    acc[1:2, :] = ssq

  @pl.when(pid > 0)
  def _():
    acc[0:1, :] = acc[0:1, :] + ssum
    acc[1:2, :] = acc[1:2, :] + ssq

  @pl.when(pid == NBLK - 1)
  def _():
    st2_ref[...] = acc[...]


def _kc_body(h2_ref, st_ref, g_ref, bb_ref, fcw_ref, xf_ref, q_ref):
  pid = pl.program_id(0)
  xf = _norm_relu(h2_ref[...].astype(jnp.float32), st_ref[...], g_ref[...],
                  bb_ref[...])
  xf_ref[...] = xf
  contrib = _dot(xf, fcw_ref[...])

  @pl.when(pid == 0)
  def _():
    q_ref[...] = contrib

  @pl.when(pid > 0)
  def _():
    q_ref[...] = q_ref[...] + contrib


def _kf_body(q0, q1, q2, q3, q4, batch_ref, fcb_ref, out_ref, acc):
  pid = pl.program_id(0)
  qs = q0[...] + q1[...] + q2[...] + q3[...] + q4[...]
  bvals = batch_ref[0]
  giota = lax.broadcasted_iota(jnp.int32, (NG, PBR), 0)
  oh = jnp.where(bvals == giota, 1.0, 0.0)
  part = lax.dot_general(oh, qs, (((1,), (0,)), ((), ())),
                         precision=HP, preferred_element_type=jnp.float32)

  @pl.when(pid == 0)
  def _():
    acc[...] = part

  @pl.when(pid == 1)
  def _():
    z = (acc[...] + part) * (1.0 / NUM_RUNS)
    z = z + jnp.sum(fcb_ref[...], axis=0, keepdims=True)
    mx = jnp.max(z, axis=1, keepdims=True)
    zz = z - mx
    out_ref[...] = zz - jnp.log(jnp.sum(jnp.exp(zz), axis=1, keepdims=True))


_f32 = jnp.float32


def _spec(bs, im):
  return pl.BlockSpec(bs, im)


_k0 = pl.pallas_call(
    _k0_body,
    grid=(NBLK,),
    in_specs=[
        _spec((N, D), lambda i: (0, 0)),
        _spec((BR, 1), lambda i: (i, 0)),
        _spec((D, NC), lambda i: (0, 0)),
    ],
    out_specs=[
        _spec((BR, D), lambda i: (i, 0)),
        _spec((N, NC), lambda i: (0, 0)),
    ],
    out_shape=[
        jax.ShapeDtypeStruct((NSEG, D), _f32),
        jax.ShapeDtypeStruct((N, NC), _f32),
    ],
)

_ka = pl.pallas_call(
    _ka_body,
    grid=(NBLK,),
    in_specs=[
        _spec((BR, D), lambda i: (i, 0)),
        _spec((D, D), lambda i: (0, 0)),
        _spec((1, D), lambda i: (0, 0)),
    ],
    out_specs=[
        _spec((BR, D), lambda i: (i, 0)),
        _spec((2, D), lambda i: (0, 0)),
    ],
    out_shape=[
        jax.ShapeDtypeStruct((NSEG, D), jnp.bfloat16),
        jax.ShapeDtypeStruct((2, D), _f32),
    ],
    scratch_shapes=[pltpu.VMEM((2, D), _f32)],
)

_kb = pl.pallas_call(
    _kb_body,
    grid=(NBLK,),
    in_specs=[
        _spec((BR, D), lambda i: (i, 0)),
        _spec((2, D), lambda i: (0, 0)),
        _spec((1, D), lambda i: (0, 0)),
        _spec((1, D), lambda i: (0, 0)),
        _spec((D, D), lambda i: (0, 0)),
        _spec((1, D), lambda i: (0, 0)),
    ],
    out_specs=[
        _spec((BR, D), lambda i: (i, 0)),
        _spec((2, D), lambda i: (0, 0)),
    ],
    out_shape=[
        jax.ShapeDtypeStruct((NSEG, D), jnp.bfloat16),
        jax.ShapeDtypeStruct((2, D), _f32),
    ],
    scratch_shapes=[pltpu.VMEM((2, D), _f32)],
)

_kc = pl.pallas_call(
    _kc_body,
    grid=(NBLK,),
    in_specs=[
        _spec((BR, D), lambda i: (i, 0)),
        _spec((2, D), lambda i: (0, 0)),
        _spec((1, D), lambda i: (0, 0)),
        _spec((1, D), lambda i: (0, 0)),
        _spec((D, NC), lambda i: (0, 0)),
    ],
    out_specs=[
        _spec((BR, D), lambda i: (i, 0)),
        _spec((N, NC), lambda i: (0, 0)),
    ],
    out_shape=[
        jax.ShapeDtypeStruct((NSEG, D), _f32),
        jax.ShapeDtypeStruct((N, NC), _f32),
    ],
)

_kf = pl.pallas_call(
    _kf_body,
    grid=(2,),
    in_specs=[
        _spec((PBR, NC), lambda i: (i, 0)),
        _spec((PBR, NC), lambda i: (i, 0)),
        _spec((PBR, NC), lambda i: (i, 0)),
        _spec((PBR, NC), lambda i: (i, 0)),
        _spec((PBR, NC), lambda i: (i, 0)),
        _spec((1, 1, PBR), lambda i: (i, 0, 0)),
        _spec((L + 1, NC), lambda i: (0, 0)),
    ],
    out_specs=_spec((NG, NC), lambda i: (0, 0)),
    out_shape=jax.ShapeDtypeStruct((NG, NC), _f32),
    scratch_shapes=[pltpu.VMEM((NG, NC), _f32)],
)


def kernel(x, edge_index, batch, convW1, convb1, conv_bn_g, conv_bn_b,
           convW2, convb2, bn_g, bn_b, fc_W, fc_b):
  drop = jax.random.bernoulli(jax.random.key(42), P, (NUM_RUNS, N))
  keep = jnp.where(drop, 0.0, 1.0).astype(jnp.float32).reshape(NSEG, 1)
  offset = edge_index.max() + 1
  run_off = jnp.arange(NUM_RUNS, dtype=edge_index.dtype) * offset
  srcf = (edge_index[0][None, :] + run_off[:, None]).reshape(-1)
  dstf = (edge_index[1][None, :] + run_off[:, None]).reshape(-1)
  src2 = srcf.reshape(ETOT // G, G)
  dstl2 = jnp.broadcast_to(edge_index[1][None, :],
                           (NUM_RUNS, E)).reshape(ETOT // G, G)
  npad = FROWS * G2 - ETOT
  src2g = jnp.concatenate(
      [srcf, jnp.zeros((npad,), jnp.int32)]).reshape(FROWS, G2)
  dst2g = jnp.concatenate(
      [dstf, jnp.full((npad,), -1, jnp.int32)]).reshape(FROWS, G2)

  def segsum(xf):
    return lax.cond(offset == N,
                    lambda a: _sc_fast(a, src2, dstl2),
                    lambda a: _sc_gen(a, src2g, dst2g),
                    xf)

  xr, q0 = _k0(x, keep, fc_W[0])
  qs = [q0]
  xf = xr
  for i in range(L):
    hsum = segsum(xf)
    h1, st1 = _ka(hsum, convW1[i], convb1[i][None, :])
    h2, st2 = _kb(h1, st1, conv_bn_g[i][None, :], conv_bn_b[i][None, :],
                  convW2[i], convb2[i][None, :])
    xf, q = _kc(h2, st2, bn_g[i][None, :], bn_b[i][None, :], fc_W[i + 1])
    qs.append(q)
  return _kf(*qs, batch.reshape(2, 1, PBR), fc_b)

# --- scband reference (transcript-rebuilt; emitter-appended) ---
"""Pipeline reference for scband-drop-gin-3633542332750 (READ-ONLY COPY).

The authoritative reference and input builder live on the scoring server;
editing this copy changes nothing except your own understanding.
"""

import jax, jax.numpy as jnp
import numpy as np

N = 10000
E = 160000
D = 128
L = 4
NC = 10
NG = 1000
NUM_RUNS = 10
P = 2.0 / 11.0


def setup_inputs(seed: int = 0) -> dict:
    key = jax.random.key(seed)
    ks = jax.random.split(key, 12)
    inp = {}
    inp["x"] = jax.random.normal(ks[0], (N, D), dtype=jnp.float32)
    inp["edge_index"] = jax.random.randint(ks[1], (2, E), 0, N, dtype=jnp.int32)
    inp["batch"] = jnp.sort(jax.random.randint(ks[2], (N,), 0, NG, dtype=jnp.int32))
    # GINConv MLP params: Linear(D,D) -> BatchNorm1d(D) -> ReLU -> Linear(D,D), per layer
    inp["convW1"] = jax.random.normal(ks[3], (L, D, D), dtype=jnp.float32) * 0.05
    inp["convb1"] = jnp.zeros((L, D), dtype=jnp.float32)
    inp["conv_bn_g"] = jnp.ones((L, D), dtype=jnp.float32)
    inp["conv_bn_b"] = jnp.zeros((L, D), dtype=jnp.float32)
    inp["convW2"] = jax.random.normal(ks[4], (L, D, D), dtype=jnp.float32) * 0.05
    inp["convb2"] = jnp.zeros((L, D), dtype=jnp.float32)
    # outer BatchNorm1d per layer
    inp["bn_g"] = jnp.ones((L, D), dtype=jnp.float32)
    inp["bn_b"] = jnp.zeros((L, D), dtype=jnp.float32)
    # per-readout Linear(dim_i, num_classes); num_features == dim == 128 so stacked
    inp["fc_W"] = jax.random.normal(ks[5], (L + 1, D, NC), dtype=jnp.float32) * 0.05
    inp["fc_b"] = jnp.zeros((L + 1, NC), dtype=jnp.float32)
    return inp


def _bn(h, g, b):
    m = h.mean(axis=0)
    v = h.var(axis=0)
    return (h - m) / jnp.sqrt(v + 1e-5) * g + b


def reference(x, edge_index, batch, convW1, convb1, conv_bn_g, conv_bn_b, convW2, convb2, bn_g, bn_b, fc_W, fc_b):
    # replicate node features across runs and apply node dropping
    dkey = jax.random.key(42)
    drop = jax.random.bernoulli(dkey, P, (NUM_RUNS, x.shape[0]))
    xr = jnp.where(drop[:, :, None], 0.0, jnp.broadcast_to(x[None], (NUM_RUNS, x.shape[0], x.shape[1])))
    outs = [xr]
    xf = xr.reshape(-1, x.shape[1])
    # run_edge_index = edge_index tiled num_runs times with per-run offset (max+1), as in torch
    offset = edge_index.max() + 1
    run_off = jnp.arange(NUM_RUNS, dtype=edge_index.dtype) * offset
    src = (edge_index[0][None, :] + run_off[:, None]).reshape(-1)
    dst = (edge_index[1][None, :] + run_off[:, None]).reshape(-1)
    nseg = NUM_RUNS * x.shape[0]
    for i in range(L):
        # GINConv (eps=0): nn(x + sum_{j in N(i)} x_j)
        agg = jax.ops.segment_sum(xf[src], dst, num_segments=nseg)
        h = xf + agg
        h = h @ convW1[i] + convb1[i]
        h = jax.nn.relu(_bn(h, conv_bn_g[i], conv_bn_b[i]))
        h = h @ convW2[i] + convb2[i]
        xf = jax.nn.relu(_bn(h, bn_g[i], bn_b[i]))
        outs.append(xf.reshape(NUM_RUNS, x.shape[0], xf.shape[-1]))
    out = jnp.zeros((NG, NC), dtype=jnp.float32)
    for i, o in enumerate(outs):
        m = o.mean(axis=0)
        pooled = jax.ops.segment_sum(m, batch, num_segments=NG)  # global_add_pool
        out = out + (pooled @ fc_W[i] + fc_b[i])  # dropout in eval mode = identity
    return jax.nn.log_softmax(out, axis=-1)

if __name__ == "__main__":
    import jax
    _d = setup_inputs()
    print(jax.jit(kernel)(*tuple(_d.values())))

</pallas_src>

<mosaic_0001>
#map = affine_map<(d0, d1) -> (0, 0)>
module attributes {stable_mosaic.version = 14 : i64} {
  func.func @_sc_fast_body(%arg0: i32, %arg1: i32, %arg2: memref<100000x128xf32, #tpu.memory_space<hbm>>, %arg3: memref<12800x125xi32, #tpu.memory_space<hbm>>, %arg4: memref<12800x125xi32, #tpu.memory_space<hbm>>, %arg5: memref<100000x128xf32, #tpu.memory_space<hbm>>, %arg6: memref<40x125xi32, #tpu.memory_space<vmem>>, %arg7: memref<40x125xi32, #tpu.memory_space<vmem>>, %arg8: memref<125x128xf32, #tpu.memory_space<vmem>>, %arg9: memref<125x128xf32, #tpu.memory_space<vmem>>, %arg10: memref<10000x128xf32, #tpu.memory_space<vmem_shared>>, %arg11: memref<!tpu.dma_semaphore, #tpu.memory_space<semaphore_mem>>, %arg12: memref<!tpu.dma_semaphore, #tpu.memory_space<semaphore_mem>>) attributes {dimension_semantics = [#tpu.dimension_semantics<core_parallel>, #tpu.dimension_semantics<subcore_parallel>], iteration_bounds = array<i64: 2, 16>, scalar_prefetch = 0 : i64, scratch_operands = 7 : i64, tpu.core_type = #tpu.core_type<sc_vector_subcore>, window_params = [{transform_indices = #map}, {transform_indices = #map}, {transform_indices = #map}, {transform_indices = #map}]} {
    %scan3A = arith.constant 0 : i32
    %scan3A_0 = arith.constant 0 : i32
    %scan3A_1 = arith.constant 5 : i32
    %scan3A_2 = arith.addi %scan3A_0, %scan3A_1 : i32
    %scan3A_3 = arith.constant 1 : i32
    %scan3A_4 = scf.for %scan3A_6 = %scan3A_0 to %scan3A_2 step %scan3A_3 iter_args(%scan3A_7 = %scan3A) -> (i32)  : i32 {
      %mul3A = arith.constant 2 : i32
      %mul3A_8 = arith.muli %scan3A_6, %mul3A : i32
      %add3A = arith.addi %mul3A_8, %arg0 : i32
      %mul3A_9 = arith.constant 10000 : i32
      %mul3A_10 = arith.muli %add3A, %mul3A_9 : i32
      %lt3A = arith.constant 15 : i32
      %lt3A_11 = arith.cmpi slt, %arg1, %lt3A : i32
      %convert_element_type3A = arith.extui %lt3A_11 : i1 to i32
      %cond3A = arith.constant 0 : i32
      %cond3A_12 = arith.cmpi ne, %convert_element_type3A, %cond3A : i32
      scf.if %cond3A_12 {
        %mul3A_41 = arith.constant 624 : i32
        %mul3A_42 = arith.muli %arg1, %mul3A_41 : i32
        %add3A_43 = arith.addi %mul3A_10, %mul3A_42 : i32
        %mul3A_44 = arith.constant 624 : i32
        %mul3A_45 = arith.muli %arg1, %mul3A_44 : i32
        "tpu.region"() ({
          %run_scoped3A = tpu.sem_alloc : memref<!tpu.dma_semaphore, #tpu.memory_space<semaphore_mem>>
          %dma_start3A = arith.constant 0 : i32
          %dma_start3A_46 = tpu.memref_slice %arg10[%mul3A_45, %dma_start3A] : memref<10000x128xf32, #tpu.memory_space<vmem_shared>> -> memref<624x128xf32, #tpu.memory_space<vmem_shared>>
          %dma_start3A_47 = arith.constant 0 : i32
          %dma_start3A_48 = tpu.memref_slice %arg2[%add3A_43, %dma_start3A_47] : memref<100000x128xf32, #tpu.memory_space<hbm>> -> memref<624x128xf32, #tpu.memory_space<hbm>>
          tpu.enqueue_dma source(%dma_start3A_48 : memref<624x128xf32, #tpu.memory_space<hbm>>) target(%dma_start3A_46 : memref<624x128xf32, #tpu.memory_space<vmem_shared>>) target_semaphore(%run_scoped3A : memref<!tpu.dma_semaphore, #tpu.memory_space<semaphore_mem>>)
          %dma_wait3A = arith.constant 0 : i32
          %dma_wait3A_49 = tpu.memref_slice %arg10[%mul3A_45, %dma_wait3A] : memref<10000x128xf32, #tpu.memory_space<vmem_shared>> -> memref<624x128xf32, #tpu.memory_space<vmem_shared>>
          %dma_wait3A_50 = arith.constant 0 : i32
          %dma_wait3A_51 = tpu.memref_slice %arg2[%add3A_43, %dma_wait3A_50] : memref<100000x128xf32, #tpu.memory_space<hbm>> -> memref<624x128xf32, #tpu.memory_space<hbm>>
          tpu.wait_dma2 semaphore(%run_scoped3A : memref<!tpu.dma_semaphore, #tpu.memory_space<semaphore_mem>>) src(%dma_wait3A_51 : memref<624x128xf32, #tpu.memory_space<hbm>>) dst(%dma_wait3A_49 : memref<624x128xf32, #tpu.memory_space<vmem_shared>>)
          tpu.yield
        }) : () -> ()
      } else {
      }
      %eq3A = arith.constant 15 : i32
      %eq3A_13 = arith.cmpi eq, %arg1, %eq3A : i32
      %convert_element_type3A_14 = arith.extui %eq3A_13 : i1 to i32
      %cond3A_15 = arith.constant 0 : i32
      %cond3A_16 = arith.cmpi ne, %convert_element_type3A_14, %cond3A_15 : i32
      scf.if %cond3A_16 {
        %add3A_41 = arith.constant 9360 : i32
        %add3A_42 = arith.addi %mul3A_10, %add3A_41 : i32
        "tpu.region"() ({
          %run_scoped3A = tpu.sem_alloc : memref<!tpu.dma_semaphore, #tpu.memory_space<semaphore_mem>>
          %dma_start3A = arith.constant 9360 : i32
          %dma_start3A_43 = arith.constant 0 : i32
          %dma_start3A_44 = tpu.memref_slice %arg10[%dma_start3A, %dma_start3A_43] : memref<10000x128xf32, #tpu.memory_space<vmem_shared>> -> memref<640x128xf32, #tpu.memory_space<vmem_shared>>
          %dma_start3A_45 = arith.constant 0 : i32
          %dma_start3A_46 = tpu.memref_slice %arg2[%add3A_42, %dma_start3A_45] : memref<100000x128xf32, #tpu.memory_space<hbm>> -> memref<640x128xf32, #tpu.memory_space<hbm>>
          tpu.enqueue_dma source(%dma_start3A_46 : memref<640x128xf32, #tpu.memory_space<hbm>>) target(%dma_start3A_44 : memref<640x128xf32, #tpu.memory_space<vmem_shared>>) target_semaphore(%run_scoped3A : memref<!tpu.dma_semaphore, #tpu.memory_space<semaphore_mem>>)
          %dma_wait3A = arith.constant 9360 : i32
          %dma_wait3A_47 = arith.constant 0 : i32
          %dma_wait3A_48 = tpu.memref_slice %arg10[%dma_wait3A, %dma_wait3A_47] : memref<10000x128xf32, #tpu.memory_space<vmem_shared>> -> memref<640x128xf32, #tpu.memory_space<vmem_shared>>
          %dma_wait3A_49 = arith.constant 0 : i32
          %dma_wait3A_50 = tpu.memref_slice %arg2[%add3A_42, %dma_wait3A_49] : memref<100000x128xf32, #tpu.memory_space<hbm>> -> memref<640x128xf32, #tpu.memory_space<hbm>>
          tpu.wait_dma2 semaphore(%run_scoped3A : memref<!tpu.dma_semaphore, #tpu.memory_space<semaphore_mem>>) src(%dma_wait3A_50 : memref<640x128xf32, #tpu.memory_space<hbm>>) dst(%dma_wait3A_48 : memref<640x128xf32, #tpu.memory_space<vmem_shared>>)
          tpu.yield
        }) : () -> ()
      } else {
      }
      %barrier3A = arith.constant 0 : index
      tpu.barrier barrier_id(%barrier3A)
      %mul3A_17 = arith.constant 1280 : i32
      %mul3A_18 = arith.muli %add3A, %mul3A_17 : i32
      %mul3A_19 = arith.constant 80 : i32
      %mul3A_20 = arith.muli %arg1, %mul3A_19 : i32
      %add3A_21 = arith.addi %mul3A_18, %mul3A_20 : i32
      %scan3A_22 = arith.constant 0 : i32
      %scan3A_23 = arith.constant 0 : i32
      %scan3A_24 = arith.constant 2 : i32
      %scan3A_25 = arith.addi %scan3A_23, %scan3A_24 : i32
      %scan3A_26 = arith.constant 1 : i32
      %scan3A_27 = scf.for %scan3A_41 = %scan3A_23 to %scan3A_25 step %scan3A_26 iter_args(%scan3A_42 = %scan3A_22) -> (i32)  : i32 {
        %mul3A_43 = arith.constant 40 : i32
        %mul3A_44 = arith.muli %scan3A_41, %mul3A_43 : i32
        %add3A_45 = arith.addi %add3A_21, %mul3A_44 : i32
        "tpu.region"() ({
          %run_scoped3A = tpu.sem_alloc : memref<!tpu.dma_semaphore, #tpu.memory_space<semaphore_mem>>
          %dma_start3A_63 = arith.constant 0 : i32
          %dma_start3A_64 = tpu.memref_slice %arg3[%add3A_45, %dma_start3A_63] : memref<12800x125xi32, #tpu.memory_space<hbm>> -> memref<40x125xi32, #tpu.memory_space<hbm>>
          %dma_start3A_65 = arith.constant 0 : i32
          %dma_start3A_66 = tpu.memref_slice %arg3[%add3A_45, %dma_start3A_65] : memref<12800x125xi32, #tpu.memory_space<hbm>> -> memref<40x125xi32, #tpu.memory_space<hbm>>
          tpu.enqueue_dma source(%dma_start3A_66 : memref<40x125xi32, #tpu.memory_space<hbm>>) target(%arg6 : memref<40x125xi32, #tpu.memory_space<vmem>>) target_semaphore(%run_scoped3A : memref<!tpu.dma_semaphore, #tpu.memory_space<semaphore_mem>>)
          %dma_wait3A = arith.constant 0 : i32
          %dma_wait3A_67 = tpu.memref_slice %arg3[%add3A_45, %dma_wait3A] : memref<12800x125xi32, #tpu.memory_space<hbm>> -> memref<40x125xi32, #tpu.memory_space<hbm>>
          %dma_wait3A_68 = arith.constant 0 : i32
          %dma_wait3A_69 = tpu.memref_slice %arg3[%add3A_45, %dma_wait3A_68] : memref<12800x125xi32, #tpu.memory_space<hbm>> -> memref<40x125xi32, #tpu.memory_space<hbm>>
          tpu.wait_dma2 semaphore(%run_scoped3A : memref<!tpu.dma_semaphore, #tpu.memory_space<semaphore_mem>>) src(%dma_wait3A_69 : memref<40x125xi32, #tpu.memory_space<hbm>>) dst(%arg6 : memref<40x125xi32, #tpu.memory_space<vmem>>)
          tpu.yield
        }) : () -> ()
        %mul3A_46 = arith.constant 40 : i32
        %mul3A_47 = arith.muli %scan3A_41, %mul3A_46 : i32
        %add3A_48 = arith.addi %add3A_21, %mul3A_47 : i32
        "tpu.region"() ({
          %run_scoped3A = tpu.sem_alloc : memref<!tpu.dma_semaphore, #tpu.memory_space<semaphore_mem>>
          %dma_start3A_63 = arith.constant 0 : i32
          %dma_start3A_64 = tpu.memref_slice %arg4[%add3A_48, %dma_start3A_63] : memref<12800x125xi32, #tpu.memory_space<hbm>> -> memref<40x125xi32, #tpu.memory_space<hbm>>
          %dma_start3A_65 = arith.constant 0 : i32
          %dma_start3A_66 = tpu.memref_slice %arg4[%add3A_48, %dma_start3A_65] : memref<12800x125xi32, #tpu.memory_space<hbm>> -> memref<40x125xi32, #tpu.memory_space<hbm>>
          tpu.enqueue_dma source(%dma_start3A_66 : memref<40x125xi32, #tpu.memory_space<hbm>>) target(%arg7 : memref<40x125xi32, #tpu.memory_space<vmem>>) target_semaphore(%run_scoped3A : memref<!tpu.dma_semaphore, #tpu.memory_space<semaphore_mem>>)
          %dma_wait3A = arith.constant 0 : i32
          %dma_wait3A_67 = tpu.memref_slice %arg4[%add3A_48, %dma_wait3A] : memref<12800x125xi32, #tpu.memory_space<hbm>> -> memref<40x125xi32, #tpu.memory_space<hbm>>
          %dma_wait3A_68 = arith.constant 0 : i32
          %dma_wait3A_69 = tpu.memref_slice %arg4[%add3A_48, %dma_wait3A_68] : memref<12800x125xi32, #tpu.memory_space<hbm>> -> memref<40x125xi32, #tpu.memory_space<hbm>>
          tpu.wait_dma2 semaphore(%run_scoped3A : memref<!tpu.dma_semaphore, #tpu.memory_space<semaphore_mem>>) src(%dma_wait3A_69 : memref<40x125xi32, #tpu.memory_space<hbm>>) dst(%arg7 : memref<40x125xi32, #tpu.memory_space<vmem>>)
          tpu.yield
        }) : () -> ()
        %dma_start3A = arith.constant 0 : i32
        %dma_start3A_49 = arith.constant 0 : i32
        %dma_start3A_50 = tpu.memref_slice %arg6[%dma_start3A, %dma_start3A_49] : memref<40x125xi32, #tpu.memory_space<vmem>> -> memref<1x125xi32, #tpu.memory_space<vmem>>
        %dma_start3A_51 = tpu.memref_squeeze %dma_start3A_50 : memref<1x125xi32, #tpu.memory_space<vmem>> -> memref<125xi32, #tpu.memory_space<vmem>>
        %dma_start3A_52 = arith.constant 0 : i32
        %dma_start3A_53 = arith.constant 0 : i32
        %dma_start3A_54 = tpu.memref_slice %arg2[%dma_start3A_52, %dma_start3A_53] : memref<100000x128xf32, #tpu.memory_space<hbm>> -> memref<100000x128xf32, #tpu.memory_space<hbm>>
        tpu.enqueue_indirect_dma source(%dma_start3A_54 : memref<100000x128xf32, #tpu.memory_space<hbm>>) target(%arg8 : memref<125x128xf32, #tpu.memory_space<vmem>>) offsets(%dma_start3A_51 : memref<125xi32, #tpu.memory_space<vmem>>) semaphore(%arg11 : memref<!tpu.dma_semaphore, #tpu.memory_space<semaphore_mem>>)
        %scan3A_55 = arith.constant 0 : i32
        %scan3A_56 = arith.constant 0 : i32
        %scan3A_57 = arith.constant 20 : i32
        %scan3A_58 = arith.addi %scan3A_56, %scan3A_57 : i32
        %scan3A_59 = arith.constant 1 : i32
        %scan3A_60 = scf.for %scan3A_63 = %scan3A_56 to %scan3A_58 step %scan3A_59 iter_args(%scan3A_64 = %scan3A_55) -> (i32)  : i32 {
          %mul3A_65 = arith.constant 2 : i32
          %mul3A_66 = arith.muli %mul3A_65, %scan3A_63 : i32
          %add3A_67 = arith.constant 1 : i32
          %add3A_68 = arith.addi %mul3A_66, %add3A_67 : i32
          %dma_start3A_69 = arith.constant 0 : i32
          %dma_start3A_70 = tpu.memref_slice %arg6[%add3A_68, %dma_start3A_69] : memref<40x125xi32, #tpu.memory_space<vmem>> -> memref<1x125xi32, #tpu.memory_space<vmem>>
          %dma_start3A_71 = tpu.memref_squeeze %dma_start3A_70 : memref<1x125xi32, #tpu.memory_space<vmem>> -> memref<125xi32, #tpu.memory_space<vmem>>
          %dma_start3A_72 = arith.constant 0 : i32
          %dma_start3A_73 = arith.constant 0 : i32
          %dma_start3A_74 = tpu.memref_slice %arg2[%dma_start3A_72, %dma_start3A_73] : memref<100000x128xf32, #tpu.memory_space<hbm>> -> memref<100000x128xf32, #tpu.memory_space<hbm>>
          tpu.enqueue_indirect_dma source(%dma_start3A_74 : memref<100000x128xf32, #tpu.memory_space<hbm>>) target(%arg9 : memref<125x128xf32, #tpu.memory_space<vmem>>) offsets(%dma_start3A_71 : memref<125xi32, #tpu.memory_space<vmem>>) semaphore(%arg12 : memref<!tpu.dma_semaphore, #tpu.memory_space<semaphore_mem>>)
          %dma_wait3A = arith.constant 0 : i32
          %dma_wait3A_75 = tpu.memref_slice %arg6[%mul3A_66, %dma_wait3A] : memref<40x125xi32, #tpu.memory_space<vmem>> -> memref<1x125xi32, #tpu.memory_space<vmem>>
          %dma_wait3A_76 = tpu.memref_squeeze %dma_wait3A_75 : memref<1x125xi32, #tpu.memory_space<vmem>> -> memref<125xi32, #tpu.memory_space<vmem>>
          %dma_wait3A_77 = arith.constant 0 : i32
          %dma_wait3A_78 = arith.constant 0 : i32
          %dma_wait3A_79 = tpu.memref_slice %arg2[%dma_wait3A_77, %dma_wait3A_78] : memref<100000x128xf32, #tpu.memory_space<hbm>> -> memref<100000x128xf32, #tpu.memory_space<hbm>>
          tpu.wait_indirect_dma semaphore(%arg11 : memref<!tpu.dma_semaphore, #tpu.memory_space<semaphore_mem>>) src(%dma_wait3A_79 : memref<100000x128xf32, #tpu.memory_space<hbm>>) dst(%arg8 : memref<125x128xf32, #tpu.memory_space<vmem>>)
          "tpu.region"() ({
            %run_scoped3A = tpu.sem_alloc : memref<!tpu.dma_semaphore, #tpu.memory_space<semaphore_mem>>
            %dma_start3A_98 = arith.constant 0 : i32
            %dma_start3A_99 = tpu.memref_slice %arg7[%mul3A_66, %dma_start3A_98] : memref<40x125xi32, #tpu.memory_space<vmem>> -> memref<1x125xi32, #tpu.memory_space<vmem>>
            %dma_start3A_100 = tpu.memref_squeeze %dma_start3A_99 : memref<1x125xi32, #tpu.memory_space<vmem>> -> memref<125xi32, #tpu.memory_space<vmem>>
            %dma_start3A_101 = arith.constant 0 : i32
            %dma_start3A_102 = arith.constant 0 : i32
            %dma_start3A_103 = tpu.memref_slice %arg10[%dma_start3A_101, %dma_start3A_102] : memref<10000x128xf32, #tpu.memory_space<vmem_shared>> -> memref<10000x128xf32, #tpu.memory_space<vmem_shared>>
            tpu.enqueue_indirect_dma source(%arg8 : memref<125x128xf32, #tpu.memory_space<vmem>>) target(%dma_start3A_103 : memref<10000x128xf32, #tpu.memory_space<vmem_shared>>) offsets(%dma_start3A_100 : memref<125xi32, #tpu.memory_space<vmem>>) semaphore(%run_scoped3A : memref<!tpu.dma_semaphore, #tpu.memory_space<semaphore_mem>>) {add = true}
            %dma_wait3A_104 = arith.constant 0 : i32
            %dma_wait3A_105 = tpu.memref_slice %arg7[%mul3A_66, %dma_wait3A_104] : memref<40x125xi32, #tpu.memory_space<vmem>> -> memref<1x125xi32, #tpu.memory_space<vmem>>
            %dma_wait3A_106 = tpu.memref_squeeze %dma_wait3A_105 : memref<1x125xi32, #tpu.memory_space<vmem>> -> memref<125xi32, #tpu.memory_space<vmem>>
            %dma_wait3A_107 = arith.constant 0 : i32
            %dma_wait3A_108 = arith.constant 0 : i32
            %dma_wait3A_109 = tpu.memref_slice %arg10[%dma_wait3A_107, %dma_wait3A_108] : memref<10000x128xf32, #tpu.memory_space<vmem_shared>> -> memref<10000x128xf32, #tpu.memory_space<vmem_shared>>
            tpu.wait_indirect_dma semaphore(%run_scoped3A : memref<!tpu.dma_semaphore, #tpu.memory_space<semaphore_mem>>) src(%arg8 : memref<125x128xf32, #tpu.memory_space<vmem>>) dst(%dma_wait3A_109 : memref<10000x128xf32, #tpu.memory_space<vmem_shared>>)
            tpu.yield
          }) : () -> ()
          %add3A_80 = arith.constant 2 : i32
          %add3A_81 = arith.addi %mul3A_66, %add3A_80 : i32
          %lt3A_82 = arith.constant 40 : i32
          %lt3A_83 = arith.cmpi slt, %add3A_81, %lt3A_82 : i32
          %convert_element_type3A_84 = arith.extui %lt3A_83 : i1 to i32
          %cond3A_85 = arith.constant 0 : i32
          %cond3A_86 = arith.cmpi ne, %convert_element_type3A_84, %cond3A_85 : i32
          scf.if %cond3A_86 {
            %add3A_98 = arith.constant 2 : i32
            %add3A_99 = arith.addi %mul3A_66, %add3A_98 : i32
            %dma_start3A_100 = arith.constant 0 : i32
            %dma_start3A_101 = tpu.memref_slice %arg6[%add3A_99, %dma_start3A_100] : memref<40x125xi32, #tpu.memory_space<vmem>> -> memref<1x125xi32, #tpu.memory_space<vmem>>
            %dma_start3A_102 = tpu.memref_squeeze %dma_start3A_101 : memref<1x125xi32, #tpu.memory_space<vmem>> -> memref<125xi32, #tpu.memory_space<vmem>>
            %dma_start3A_103 = arith.constant 0 : i32
            %dma_start3A_104 = arith.constant 0 : i32
            %dma_start3A_105 = tpu.memref_slice %arg2[%dma_start3A_103, %dma_start3A_104] : memref<100000x128xf32, #tpu.memory_space<hbm>> -> memref<100000x128xf32, #tpu.memory_space<hbm>>
            tpu.enqueue_indirect_dma source(%dma_start3A_105 : memref<100000x128xf32, #tpu.memory_space<hbm>>) target(%arg8 : memref<125x128xf32, #tpu.memory_space<vmem>>) offsets(%dma_start3A_102 : memref<125xi32, #tpu.memory_space<vmem>>) semaphore(%arg11 : memref<!tpu.dma_semaphore, #tpu.memory_space<semaphore_mem>>)
          } else {
          }
          %add3A_87 = arith.constant 1 : i32
          %add3A_88 = arith.addi %mul3A_66, %add3A_87 : i32
          %dma_wait3A_89 = arith.constant 0 : i32
          %dma_wait3A_90 = tpu.memref_slice %arg6[%add3A_88, %dma_wait3A_89] : memref<40x125xi32, #tpu.memory_space<vmem>> -> memref<1x125xi32, #tpu.memory_space<vmem>>
          %dma_wait3A_91 = tpu.memref_squeeze %dma_wait3A_90 : memref<1x125xi32, #tpu.memory_space<vmem>> -> memref<125xi32, #tpu.memory_space<vmem>>
          %dma_wait3A_92 = arith.constant 0 : i32
          %dma_wait3A_93 = arith.constant 0 : i32
          %dma_wait3A_94 = tpu.memref_slice %arg2[%dma_wait3A_92, %dma_wait3A_93] : memref<100000x128xf32, #tpu.memory_space<hbm>> -> memref<100000x128xf32, #tpu.memory_space<hbm>>
          tpu.wait_indirect_dma semaphore(%arg12 : memref<!tpu.dma_semaphore, #tpu.memory_space<semaphore_mem>>) src(%dma_wait3A_94 : memref<100000x128xf32, #tpu.memory_space<hbm>>) dst(%arg9 : memref<125x128xf32, #tpu.memory_space<vmem>>)
          %add3A_95 = arith.constant 1 : i32
          %add3A_96 = arith.addi %mul3A_66, %add3A_95 : i32
          "tpu.region"() ({
            %run_scoped3A = tpu.sem_alloc : memref<!tpu.dma_semaphore, #tpu.memory_space<semaphore_mem>>
            %dma_start3A_98 = arith.constant 0 : i32
            %dma_start3A_99 = tpu.memref_slice %arg7[%add3A_96, %dma_start3A_98] : memref<40x125xi32, #tpu.memory_space<vmem>> -> memref<1x125xi32, #tpu.memory_space<vmem>>
            %dma_start3A_100 = tpu.memref_squeeze %dma_start3A_99 : memref<1x125xi32, #tpu.memory_space<vmem>> -> memref<125xi32, #tpu.memory_space<vmem>>
            %dma_start3A_101 = arith.constant 0 : i32
            %dma_start3A_102 = arith.constant 0 : i32
            %dma_start3A_103 = tpu.memref_slice %arg10[%dma_start3A_101, %dma_start3A_102] : memref<10000x128xf32, #tpu.memory_space<vmem_shared>> -> memref<10000x128xf32, #tpu.memory_space<vmem_shared>>
            tpu.enqueue_indirect_dma source(%arg9 : memref<125x128xf32, #tpu.memory_space<vmem>>) target(%dma_start3A_103 : memref<10000x128xf32, #tpu.memory_space<vmem_shared>>) offsets(%dma_start3A_100 : memref<125xi32, #tpu.memory_space<vmem>>) semaphore(%run_scoped3A : memref<!tpu.dma_semaphore, #tpu.memory_space<semaphore_mem>>) {add = true}
            %dma_wait3A_104 = arith.constant 0 : i32
            %dma_wait3A_105 = tpu.memref_slice %arg7[%add3A_96, %dma_wait3A_104] : memref<40x125xi32, #tpu.memory_space<vmem>> -> memref<1x125xi32, #tpu.memory_space<vmem>>
            %dma_wait3A_106 = tpu.memref_squeeze %dma_wait3A_105 : memref<1x125xi32, #tpu.memory_space<vmem>> -> memref<125xi32, #tpu.memory_space<vmem>>
            %dma_wait3A_107 = arith.constant 0 : i32
            %dma_wait3A_108 = arith.constant 0 : i32
            %dma_wait3A_109 = tpu.memref_slice %arg10[%dma_wait3A_107, %dma_wait3A_108] : memref<10000x128xf32, #tpu.memory_space<vmem_shared>> -> memref<10000x128xf32, #tpu.memory_space<vmem_shared>>
            tpu.wait_indirect_dma semaphore(%run_scoped3A : memref<!tpu.dma_semaphore, #tpu.memory_space<semaphore_mem>>) src(%arg9 : memref<125x128xf32, #tpu.memory_space<vmem>>) dst(%dma_wait3A_109 : memref<10000x128xf32, #tpu.memory_space<vmem_shared>>)
            tpu.yield
          }) : () -> ()
          %scan3A_97 = arith.constant 0 : i32
          scf.yield %scan3A_97 : i32
        }
        %scan3A_61 = arith.constant 20 : i32
        %scan3A_62 = arith.constant 0 : i32
        scf.yield %scan3A_62 : i32
      }
      %scan3A_28 = arith.constant 2 : i32
      %barrier3A_29 = arith.constant 0 : index
      tpu.barrier barrier_id(%barrier3A_29)
      %lt3A_30 = arith.constant 15 : i32
      %lt3A_31 = arith.cmpi slt, %arg1, %lt3A_30 : i32
      %convert_element_type3A_32 = arith.extui %lt3A_31 : i1 to i32
      %cond3A_33 = arith.constant 0 : i32
      %cond3A_34 = arith.cmpi ne, %convert_element_type3A_32, %cond3A_33 : i32
      scf.if %cond3A_34 {
        %mul3A_41 = arith.constant 624 : i32
        %mul3A_42 = arith.muli %arg1, %mul3A_41 : i32
        %mul3A_43 = arith.constant 624 : i32
        %mul3A_44 = arith.muli %arg1, %mul3A_43 : i32
        %add3A_45 = arith.addi %mul3A_10, %mul3A_44 : i32
        "tpu.region"() ({
          %run_scoped3A = tpu.sem_alloc : memref<!tpu.dma_semaphore, #tpu.memory_space<semaphore_mem>>
          %dma_start3A = arith.constant 0 : i32
          %dma_start3A_46 = tpu.memref_slice %arg5[%add3A_45, %dma_start3A] : memref<100000x128xf32, #tpu.memory_space<hbm>> -> memref<624x128xf32, #tpu.memory_space<hbm>>
          %dma_start3A_47 = arith.constant 0 : i32
          %dma_start3A_48 = tpu.memref_slice %arg10[%mul3A_42, %dma_start3A_47] : memref<10000x128xf32, #tpu.memory_space<vmem_shared>> -> memref<624x128xf32, #tpu.memory_space<vmem_shared>>
          tpu.enqueue_dma source(%dma_start3A_48 : memref<624x128xf32, #tpu.memory_space<vmem_shared>>) target(%dma_start3A_46 : memref<624x128xf32, #tpu.memory_space<hbm>>) target_semaphore(%run_scoped3A : memref<!tpu.dma_semaphore, #tpu.memory_space<semaphore_mem>>)
          %dma_wait3A = arith.constant 0 : i32
          %dma_wait3A_49 = tpu.memref_slice %arg5[%add3A_45, %dma_wait3A] : memref<100000x128xf32, #tpu.memory_space<hbm>> -> memref<624x128xf32, #tpu.memory_space<hbm>>
          %dma_wait3A_50 = arith.constant 0 : i32
          %dma_wait3A_51 = tpu.memref_slice %arg10[%mul3A_42, %dma_wait3A_50] : memref<10000x128xf32, #tpu.memory_space<vmem_shared>> -> memref<624x128xf32, #tpu.memory_space<vmem_shared>>
          tpu.wait_dma2 semaphore(%run_scoped3A : memref<!tpu.dma_semaphore, #tpu.memory_space<semaphore_mem>>) src(%dma_wait3A_51 : memref<624x128xf32, #tpu.memory_space<vmem_shared>>) dst(%dma_wait3A_49 : memref<624x128xf32, #tpu.memory_space<hbm>>)
          tpu.yield
        }) : () -> ()
      } else {
      }
      %eq3A_35 = arith.constant 15 : i32
      %eq3A_36 = arith.cmpi eq, %arg1, %eq3A_35 : i32
      %convert_element_type3A_37 = arith.extui %eq3A_36 : i1 to i32
      %cond3A_38 = arith.constant 0 : i32
      %cond3A_39 = arith.cmpi ne, %convert_element_type3A_37, %cond3A_38 : i32
      scf.if %cond3A_39 {
        %add3A_41 = arith.constant 9360 : i32
        %add3A_42 = arith.addi %mul3A_10, %add3A_41 : i32
        "tpu.region"() ({
          %run_scoped3A = tpu.sem_alloc : memref<!tpu.dma_semaphore, #tpu.memory_space<semaphore_mem>>
          %dma_start3A = arith.constant 0 : i32
          %dma_start3A_43 = tpu.memref_slice %arg5[%add3A_42, %dma_start3A] : memref<100000x128xf32, #tpu.memory_space<hbm>> -> memref<640x128xf32, #tpu.memory_space<hbm>>
          %dma_start3A_44 = arith.constant 9360 : i32
          %dma_start3A_45 = arith.constant 0 : i32
          %dma_start3A_46 = tpu.memref_slice %arg10[%dma_start3A_44, %dma_start3A_45] : memref<10000x128xf32, #tpu.memory_space<vmem_shared>> -> memref<640x128xf32, #tpu.memory_space<vmem_shared>>
          tpu.enqueue_dma source(%dma_start3A_46 : memref<640x128xf32, #tpu.memory_space<vmem_shared>>) target(%dma_start3A_43 : memref<640x128xf32, #tpu.memory_space<hbm>>) target_semaphore(%run_scoped3A : memref<!tpu.dma_semaphore, #tpu.memory_space<semaphore_mem>>)
          %dma_wait3A = arith.constant 0 : i32
          %dma_wait3A_47 = tpu.memref_slice %arg5[%add3A_42, %dma_wait3A] : memref<100000x128xf32, #tpu.memory_space<hbm>> -> memref<640x128xf32, #tpu.memory_space<hbm>>
          %dma_wait3A_48 = arith.constant 9360 : i32
          %dma_wait3A_49 = arith.constant 0 : i32
          %dma_wait3A_50 = tpu.memref_slice %arg10[%dma_wait3A_48, %dma_wait3A_49] : memref<10000x128xf32, #tpu.memory_space<vmem_shared>> -> memref<640x128xf32, #tpu.memory_space<vmem_shared>>
          tpu.wait_dma2 semaphore(%run_scoped3A : memref<!tpu.dma_semaphore, #tpu.memory_space<semaphore_mem>>) src(%dma_wait3A_50 : memref<640x128xf32, #tpu.memory_space<vmem_shared>>) dst(%dma_wait3A_47 : memref<640x128xf32, #tpu.memory_space<hbm>>)
          tpu.yield
        }) : () -> ()
      } else {
      }
      %scan3A_40 = arith.constant 0 : i32
      scf.yield %scan3A_40 : i32
    }
    %scan3A_5 = arith.constant 5 : i32
    return
  }
}

#map = affine_map<(d0, d1) -> (0, 0)>
module attributes {stable_mosaic.version = 14 : i64} {
  func.func @_sc_fast_body(%arg0: i32, %arg1: i32, %arg2: memref<100000x128xf32, #tpu.memory_space<hbm>>, %arg3: memref<12800x125xi32, #tpu.memory_space<hbm>>, %arg4: memref<12800x125xi32, #tpu.memory_space<hbm>>, %arg5: memref<100000x128xf32, #tpu.memory_space<hbm>>, %arg6: memref<40x125xi32, #tpu.memory_space<vmem>>, %arg7: memref<40x125xi32, #tpu.memory_space<vmem>>, %arg8: memref<125x128xf32, #tpu.memory_space<vmem>>, %arg9: memref<125x128xf32, #tpu.memory_space<vmem>>, %arg10: memref<10000x128xf32, #tpu.memory_space<vmem_shared>>, %arg11: memref<!tpu.dma_semaphore, #tpu.memory_space<semaphore_mem>>, %arg12: memref<!tpu.dma_semaphore, #tpu.memory_space<semaphore_mem>>) attributes {dimension_semantics = [#tpu.dimension_semantics<core_parallel>, #tpu.dimension_semantics<subcore_parallel>], iteration_bounds = array<i64: 2, 16>, scalar_prefetch = 0 : i64, scratch_operands = 7 : i64, tpu.core_type = #tpu.core_type<sc_vector_subcore>, window_params = [{transform_indices = #map}, {transform_indices = #map}, {transform_indices = #map}, {transform_indices = #map}]} {
    %scan3A = arith.constant 0 : i32
    %scan3A_0 = arith.constant 0 : i32
    %scan3A_1 = arith.constant 5 : i32
    %scan3A_2 = arith.addi %scan3A_0, %scan3A_1 : i32
    %scan3A_3 = arith.constant 1 : i32
    %scan3A_4 = scf.for %scan3A_6 = %scan3A_0 to %scan3A_2 step %scan3A_3 iter_args(%scan3A_7 = %scan3A) -> (i32)  : i32 {
      %mul3A = arith.constant 2 : i32
      %mul3A_8 = arith.muli %scan3A_6, %mul3A : i32
      %add3A = arith.addi %mul3A_8, %arg0 : i32
      %mul3A_9 = arith.constant 10000 : i32
      %mul3A_10 = arith.muli %add3A, %mul3A_9 : i32
      %lt3A = arith.constant 15 : i32
      %lt3A_11 = arith.cmpi slt, %arg1, %lt3A : i32
      %convert_element_type3A = arith.extui %lt3A_11 : i1 to i32
      %cond3A = arith.constant 0 : i32
      %cond3A_12 = arith.cmpi ne, %convert_element_type3A, %cond3A : i32
      scf.if %cond3A_12 {
        %mul3A_41 = arith.constant 624 : i32
        %mul3A_42 = arith.muli %arg1, %mul3A_41 : i32
        %add3A_43 = arith.addi %mul3A_10, %mul3A_42 : i32
        %mul3A_44 = arith.constant 624 : i32
        %mul3A_45 = arith.muli %arg1, %mul3A_44 : i32
        "tpu.region"() ({
          %run_scoped3A = tpu.sem_alloc : memref<!tpu.dma_semaphore, #tpu.memory_space<semaphore_mem>>
          %dma_start3A = arith.constant 0 : i32
          %dma_start3A_46 = tpu.memref_slice %arg10[%mul3A_45, %dma_start3A] : memref<10000x128xf32, #tpu.memory_space<vmem_shared>> -> memref<624x128xf32, #tpu.memory_space<vmem_shared>>
          %dma_start3A_47 = arith.constant 0 : i32
          %dma_start3A_48 = tpu.memref_slice %arg2[%add3A_43, %dma_start3A_47] : memref<100000x128xf32, #tpu.memory_space<hbm>> -> memref<624x128xf32, #tpu.memory_space<hbm>>
          tpu.enqueue_dma source(%dma_start3A_48 : memref<624x128xf32, #tpu.memory_space<hbm>>) target(%dma_start3A_46 : memref<624x128xf32, #tpu.memory_space<vmem_shared>>) target_semaphore(%run_scoped3A : memref<!tpu.dma_semaphore, #tpu.memory_space<semaphore_mem>>)
          %dma_wait3A = arith.constant 0 : i32
          %dma_wait3A_49 = tpu.memref_slice %arg10[%mul3A_45, %dma_wait3A] : memref<10000x128xf32, #tpu.memory_space<vmem_shared>> -> memref<624x128xf32, #tpu.memory_space<vmem_shared>>
          %dma_wait3A_50 = arith.constant 0 : i32
          %dma_wait3A_51 = tpu.memref_slice %arg2[%add3A_43, %dma_wait3A_50] : memref<100000x128xf32, #tpu.memory_space<hbm>> -> memref<624x128xf32, #tpu.memory_space<hbm>>
          tpu.wait_dma2 semaphore(%run_scoped3A : memref<!tpu.dma_semaphore, #tpu.memory_space<semaphore_mem>>) src(%dma_wait3A_51 : memref<624x128xf32, #tpu.memory_space<hbm>>) dst(%dma_wait3A_49 : memref<624x128xf32, #tpu.memory_space<vmem_shared>>)
          tpu.yield
        }) : () -> ()
      } else {
      }
      %eq3A = arith.constant 15 : i32
      %eq3A_13 = arith.cmpi eq, %arg1, %eq3A : i32
      %convert_element_type3A_14 = arith.extui %eq3A_13 : i1 to i32
      %cond3A_15 = arith.constant 0 : i32
      %cond3A_16 = arith.cmpi ne, %convert_element_type3A_14, %cond3A_15 : i32
      scf.if %cond3A_16 {
        %add3A_41 = arith.constant 9360 : i32
        %add3A_42 = arith.addi %mul3A_10, %add3A_41 : i32
        "tpu.region"() ({
          %run_scoped3A = tpu.sem_alloc : memref<!tpu.dma_semaphore, #tpu.memory_space<semaphore_mem>>
          %dma_start3A = arith.constant 9360 : i32
          %dma_start3A_43 = arith.constant 0 : i32
          %dma_start3A_44 = tpu.memref_slice %arg10[%dma_start3A, %dma_start3A_43] : memref<10000x128xf32, #tpu.memory_space<vmem_shared>> -> memref<640x128xf32, #tpu.memory_space<vmem_shared>>
          %dma_start3A_45 = arith.constant 0 : i32
          %dma_start3A_46 = tpu.memref_slice %arg2[%add3A_42, %dma_start3A_45] : memref<100000x128xf32, #tpu.memory_space<hbm>> -> memref<640x128xf32, #tpu.memory_space<hbm>>
          tpu.enqueue_dma source(%dma_start3A_46 : memref<640x128xf32, #tpu.memory_space<hbm>>) target(%dma_start3A_44 : memref<640x128xf32, #tpu.memory_space<vmem_shared>>) target_semaphore(%run_scoped3A : memref<!tpu.dma_semaphore, #tpu.memory_space<semaphore_mem>>)
          %dma_wait3A = arith.constant 9360 : i32
          %dma_wait3A_47 = arith.constant 0 : i32
          %dma_wait3A_48 = tpu.memref_slice %arg10[%dma_wait3A, %dma_wait3A_47] : memref<10000x128xf32, #tpu.memory_space<vmem_shared>> -> memref<640x128xf32, #tpu.memory_space<vmem_shared>>
          %dma_wait3A_49 = arith.constant 0 : i32
          %dma_wait3A_50 = tpu.memref_slice %arg2[%add3A_42, %dma_wait3A_49] : memref<100000x128xf32, #tpu.memory_space<hbm>> -> memref<640x128xf32, #tpu.memory_space<hbm>>
          tpu.wait_dma2 semaphore(%run_scoped3A : memref<!tpu.dma_semaphore, #tpu.memory_space<semaphore_mem>>) src(%dma_wait3A_50 : memref<640x128xf32, #tpu.memory_space<hbm>>) dst(%dma_wait3A_48 : memref<640x128xf32, #tpu.memory_space<vmem_shared>>)
          tpu.yield
        }) : () -> ()
      } else {
      }
      %barrier3A = arith.constant 0 : index
      tpu.barrier barrier_id(%barrier3A)
      %mul3A_17 = arith.constant 1280 : i32
      %mul3A_18 = arith.muli %add3A, %mul3A_17 : i32
      %mul3A_19 = arith.constant 80 : i32
      %mul3A_20 = arith.muli %arg1, %mul3A_19 : i32
      %add3A_21 = arith.addi %mul3A_18, %mul3A_20 : i32
      %scan3A_22 = arith.constant 0 : i32
      %scan3A_23 = arith.constant 0 : i32
      %scan3A_24 = arith.constant 2 : i32
      %scan3A_25 = arith.addi %scan3A_23, %scan3A_24 : i32
      %scan3A_26 = arith.constant 1 : i32
      %scan3A_27 = scf.for %scan3A_41 = %scan3A_23 to %scan3A_25 step %scan3A_26 iter_args(%scan3A_42 = %scan3A_22) -> (i32)  : i32 {
        %mul3A_43 = arith.constant 40 : i32
        %mul3A_44 = arith.muli %scan3A_41, %mul3A_43 : i32
        %add3A_45 = arith.addi %add3A_21, %mul3A_44 : i32
        "tpu.region"() ({
          %run_scoped3A = tpu.sem_alloc : memref<!tpu.dma_semaphore, #tpu.memory_space<semaphore_mem>>
          %dma_start3A_63 = arith.constant 0 : i32
          %dma_start3A_64 = tpu.memref_slice %arg3[%add3A_45, %dma_start3A_63] : memref<12800x125xi32, #tpu.memory_space<hbm>> -> memref<40x125xi32, #tpu.memory_space<hbm>>
          %dma_start3A_65 = arith.constant 0 : i32
          %dma_start3A_66 = tpu.memref_slice %arg3[%add3A_45, %dma_start3A_65] : memref<12800x125xi32, #tpu.memory_space<hbm>> -> memref<40x125xi32, #tpu.memory_space<hbm>>
          tpu.enqueue_dma source(%dma_start3A_66 : memref<40x125xi32, #tpu.memory_space<hbm>>) target(%arg6 : memref<40x125xi32, #tpu.memory_space<vmem>>) target_semaphore(%run_scoped3A : memref<!tpu.dma_semaphore, #tpu.memory_space<semaphore_mem>>)
          %dma_wait3A = arith.constant 0 : i32
          %dma_wait3A_67 = tpu.memref_slice %arg3[%add3A_45, %dma_wait3A] : memref<12800x125xi32, #tpu.memory_space<hbm>> -> memref<40x125xi32, #tpu.memory_space<hbm>>
          %dma_wait3A_68 = arith.constant 0 : i32
          %dma_wait3A_69 = tpu.memref_slice %arg3[%add3A_45, %dma_wait3A_68] : memref<12800x125xi32, #tpu.memory_space<hbm>> -> memref<40x125xi32, #tpu.memory_space<hbm>>
          tpu.wait_dma2 semaphore(%run_scoped3A : memref<!tpu.dma_semaphore, #tpu.memory_space<semaphore_mem>>) src(%dma_wait3A_69 : memref<40x125xi32, #tpu.memory_space<hbm>>) dst(%arg6 : memref<40x125xi32, #tpu.memory_space<vmem>>)
          tpu.yield
        }) : () -> ()
        %mul3A_46 = arith.constant 40 : i32
        %mul3A_47 = arith.muli %scan3A_41, %mul3A_46 : i32
        %add3A_48 = arith.addi %add3A_21, %mul3A_47 : i32
        "tpu.region"() ({
          %run_scoped3A = tpu.sem_alloc : memref<!tpu.dma_semaphore, #tpu.memory_space<semaphore_mem>>
          %dma_start3A_63 = arith.constant 0 : i32
          %dma_start3A_64 = tpu.memref_slice %arg4[%add3A_48, %dma_start3A_63] : memref<12800x125xi32, #tpu.memory_space<hbm>> -> memref<40x125xi32, #tpu.memory_space<hbm>>
          %dma_start3A_65 = arith.constant 0 : i32
          %dma_start3A_66 = tpu.memref_slice %arg4[%add3A_48, %dma_start3A_65] : memref<12800x125xi32, #tpu.memory_space<hbm>> -> memref<40x125xi32, #tpu.memory_space<hbm>>
          tpu.enqueue_dma source(%dma_start3A_66 : memref<40x125xi32, #tpu.memory_space<hbm>>) target(%arg7 : memref<40x125xi32, #tpu.memory_space<vmem>>) target_semaphore(%run_scoped3A : memref<!tpu.dma_semaphore, #tpu.memory_space<semaphore_mem>>)
          %dma_wait3A = arith.constant 0 : i32
          %dma_wait3A_67 = tpu.memref_slice %arg4[%add3A_48, %dma_wait3A] : memref<12800x125xi32, #tpu.memory_space<hbm>> -> memref<40x125xi32, #tpu.memory_space<hbm>>
          %dma_wait3A_68 = arith.constant 0 : i32
          %dma_wait3A_69 = tpu.memref_slice %arg4[%add3A_48, %dma_wait3A_68] : memref<12800x125xi32, #tpu.memory_space<hbm>> -> memref<40x125xi32, #tpu.memory_space<hbm>>
          tpu.wait_dma2 semaphore(%run_scoped3A : memref<!tpu.dma_semaphore, #tpu.memory_space<semaphore_mem>>) src(%dma_wait3A_69 : memref<40x125xi32, #tpu.memory_space<hbm>>) dst(%arg7 : memref<40x125xi32, #tpu.memory_space<vmem>>)
          tpu.yield
        }) : () -> ()
        %dma_start3A = arith.constant 0 : i32
        %dma_start3A_49 = arith.constant 0 : i32
        %dma_start3A_50 = tpu.memref_slice %arg6[%dma_start3A, %dma_start3A_49] : memref<40x125xi32, #tpu.memory_space<vmem>> -> memref<1x125xi32, #tpu.memory_space<vmem>>
        %dma_start3A_51 = tpu.memref_squeeze %dma_start3A_50 : memref<1x125xi32, #tpu.memory_space<vmem>> -> memref<125xi32, #tpu.memory_space<vmem>>
        %dma_start3A_52 = arith.constant 0 : i32
        %dma_start3A_53 = arith.constant 0 : i32
        %dma_start3A_54 = tpu.memref_slice %arg2[%dma_start3A_52, %dma_start3A_53] : memref<100000x128xf32, #tpu.memory_space<hbm>> -> memref<100000x128xf32, #tpu.memory_space<hbm>>
        tpu.enqueue_indirect_dma source(%dma_start3A_54 : memref<100000x128xf32, #tpu.memory_space<hbm>>) target(%arg8 : memref<125x128xf32, #tpu.memory_space<vmem>>) offsets(%dma_start3A_51 : memref<125xi32, #tpu.memory_space<vmem>>) semaphore(%arg11 : memref<!tpu.dma_semaphore, #tpu.memory_space<semaphore_mem>>)
        %scan3A_55 = arith.constant 0 : i32
        %scan3A_56 = arith.constant 0 : i32
        %scan3A_57 = arith.constant 20 : i32
        %scan3A_58 = arith.addi %scan3A_56, %scan3A_57 : i32
        %scan3A_59 = arith.constant 1 : i32
        %scan3A_60 = scf.for %scan3A_63 = %scan3A_56 to %scan3A_58 step %scan3A_59 iter_args(%scan3A_64 = %scan3A_55) -> (i32)  : i32 {
          %mul3A_65 = arith.constant 2 : i32
          %mul3A_66 = arith.muli %mul3A_65, %scan3A_63 : i32
          %add3A_67 = arith.constant 1 : i32
          %add3A_68 = arith.addi %mul3A_66, %add3A_67 : i32
          %dma_start3A_69 = arith.constant 0 : i32
          %dma_start3A_70 = tpu.memref_slice %arg6[%add3A_68, %dma_start3A_69] : memref<40x125xi32, #tpu.memory_space<vmem>> -> memref<1x125xi32, #tpu.memory_space<vmem>>
          %dma_start3A_71 = tpu.memref_squeeze %dma_start3A_70 : memref<1x125xi32, #tpu.memory_space<vmem>> -> memref<125xi32, #tpu.memory_space<vmem>>
          %dma_start3A_72 = arith.constant 0 : i32
          %dma_start3A_73 = arith.constant 0 : i32
          %dma_start3A_74 = tpu.memref_slice %arg2[%dma_start3A_72, %dma_start3A_73] : memref<100000x128xf32, #tpu.memory_space<hbm>> -> memref<100000x128xf32, #tpu.memory_space<hbm>>
          tpu.enqueue_indirect_dma source(%dma_start3A_74 : memref<100000x128xf32, #tpu.memory_space<hbm>>) target(%arg9 : memref<125x128xf32, #tpu.memory_space<vmem>>) offsets(%dma_start3A_71 : memref<125xi32, #tpu.memory_space<vmem>>) semaphore(%arg12 : memref<!tpu.dma_semaphore, #tpu.memory_space<semaphore_mem>>)
          %dma_wait3A = arith.constant 0 : i32
          %dma_wait3A_75 = tpu.memref_slice %arg6[%mul3A_66, %dma_wait3A] : memref<40x125xi32, #tpu.memory_space<vmem>> -> memref<1x125xi32, #tpu.memory_space<vmem>>
          %dma_wait3A_76 = tpu.memref_squeeze %dma_wait3A_75 : memref<1x125xi32, #tpu.memory_space<vmem>> -> memref<125xi32, #tpu.memory_space<vmem>>
          %dma_wait3A_77 = arith.constant 0 : i32
          %dma_wait3A_78 = arith.constant 0 : i32
          %dma_wait3A_79 = tpu.memref_slice %arg2[%dma_wait3A_77, %dma_wait3A_78] : memref<100000x128xf32, #tpu.memory_space<hbm>> -> memref<100000x128xf32, #tpu.memory_space<hbm>>
          tpu.wait_indirect_dma semaphore(%arg11 : memref<!tpu.dma_semaphore, #tpu.memory_space<semaphore_mem>>) src(%dma_wait3A_79 : memref<100000x128xf32, #tpu.memory_space<hbm>>) dst(%arg8 : memref<125x128xf32, #tpu.memory_space<vmem>>)
          "tpu.region"() ({
            %run_scoped3A = tpu.sem_alloc : memref<!tpu.dma_semaphore, #tpu.memory_space<semaphore_mem>>
            %dma_start3A_98 = arith.constant 0 : i32
            %dma_start3A_99 = tpu.memref_slice %arg7[%mul3A_66, %dma_start3A_98] : memref<40x125xi32, #tpu.memory_space<vmem>> -> memref<1x125xi32, #tpu.memory_space<vmem>>
            %dma_start3A_100 = tpu.memref_squeeze %dma_start3A_99 : memref<1x125xi32, #tpu.memory_space<vmem>> -> memref<125xi32, #tpu.memory_space<vmem>>
            %dma_start3A_101 = arith.constant 0 : i32
            %dma_start3A_102 = arith.constant 0 : i32
            %dma_start3A_103 = tpu.memref_slice %arg10[%dma_start3A_101, %dma_start3A_102] : memref<10000x128xf32, #tpu.memory_space<vmem_shared>> -> memref<10000x128xf32, #tpu.memory_space<vmem_shared>>
            tpu.enqueue_indirect_dma source(%arg8 : memref<125x128xf32, #tpu.memory_space<vmem>>) target(%dma_start3A_103 : memref<10000x128xf32, #tpu.memory_space<vmem_shared>>) offsets(%dma_start3A_100 : memref<125xi32, #tpu.memory_space<vmem>>) semaphore(%run_scoped3A : memref<!tpu.dma_semaphore, #tpu.memory_space<semaphore_mem>>) {add = true}
            %dma_wait3A_104 = arith.constant 0 : i32
            %dma_wait3A_105 = tpu.memref_slice %arg7[%mul3A_66, %dma_wait3A_104] : memref<40x125xi32, #tpu.memory_space<vmem>> -> memref<1x125xi32, #tpu.memory_space<vmem>>
            %dma_wait3A_106 = tpu.memref_squeeze %dma_wait3A_105 : memref<1x125xi32, #tpu.memory_space<vmem>> -> memref<125xi32, #tpu.memory_space<vmem>>
            %dma_wait3A_107 = arith.constant 0 : i32
            %dma_wait3A_108 = arith.constant 0 : i32
            %dma_wait3A_109 = tpu.memref_slice %arg10[%dma_wait3A_107, %dma_wait3A_108] : memref<10000x128xf32, #tpu.memory_space<vmem_shared>> -> memref<10000x128xf32, #tpu.memory_space<vmem_shared>>
            tpu.wait_indirect_dma semaphore(%run_scoped3A : memref<!tpu.dma_semaphore, #tpu.memory_space<semaphore_mem>>) src(%arg8 : memref<125x128xf32, #tpu.memory_space<vmem>>) dst(%dma_wait3A_109 : memref<10000x128xf32, #tpu.memory_space<vmem_shared>>)
            tpu.yield
          }) : () -> ()
          %add3A_80 = arith.constant 2 : i32
          %add3A_81 = arith.addi %mul3A_66, %add3A_80 : i32
          %lt3A_82 = arith.constant 40 : i32
          %lt3A_83 = arith.cmpi slt, %add3A_81, %lt3A_82 : i32
          %convert_element_type3A_84 = arith.extui %lt3A_83 : i1 to i32
          %cond3A_85 = arith.constant 0 : i32
          %cond3A_86 = arith.cmpi ne, %convert_element_type3A_84, %cond3A_85 : i32
          scf.if %cond3A_86 {
            %add3A_98 = arith.constant 2 : i32
            %add3A_99 = arith.addi %mul3A_66, %add3A_98 : i32
            %dma_start3A_100 = arith.constant 0 : i32
            %dma_start3A_101 = tpu.memref_slice %arg6[%add3A_99, %dma_start3A_100] : memref<40x125xi32, #tpu.memory_space<vmem>> -> memref<1x125xi32, #tpu.memory_space<vmem>>
            %dma_start3A_102 = tpu.memref_squeeze %dma_start3A_101 : memref<1x125xi32, #tpu.memory_space<vmem>> -> memref<125xi32, #tpu.memory_space<vmem>>
            %dma_start3A_103 = arith.constant 0 : i32
            %dma_start3A_104 = arith.constant 0 : i32
            %dma_start3A_105 = tpu.memref_slice %arg2[%dma_start3A_103, %dma_start3A_104] : memref<100000x128xf32, #tpu.memory_space<hbm>> -> memref<100000x128xf32, #tpu.memory_space<hbm>>
            tpu.enqueue_indirect_dma source(%dma_start3A_105 : memref<100000x128xf32, #tpu.memory_space<hbm>>) target(%arg8 : memref<125x128xf32, #tpu.memory_space<vmem>>) offsets(%dma_start3A_102 : memref<125xi32, #tpu.memory_space<vmem>>) semaphore(%arg11 : memref<!tpu.dma_semaphore, #tpu.memory_space<semaphore_mem>>)
          } else {
          }
          %add3A_87 = arith.constant 1 : i32
          %add3A_88 = arith.addi %mul3A_66, %add3A_87 : i32
          %dma_wait3A_89 = arith.constant 0 : i32
          %dma_wait3A_90 = tpu.memref_slice %arg6[%add3A_88, %dma_wait3A_89] : memref<40x125xi32, #tpu.memory_space<vmem>> -> memref<1x125xi32, #tpu.memory_space<vmem>>
          %dma_wait3A_91 = tpu.memref_squeeze %dma_wait3A_90 : memref<1x125xi32, #tpu.memory_space<vmem>> -> memref<125xi32, #tpu.memory_space<vmem>>
          %dma_wait3A_92 = arith.constant 0 : i32
          %dma_wait3A_93 = arith.constant 0 : i32
          %dma_wait3A_94 = tpu.memref_slice %arg2[%dma_wait3A_92, %dma_wait3A_93] : memref<100000x128xf32, #tpu.memory_space<hbm>> -> memref<100000x128xf32, #tpu.memory_space<hbm>>
          tpu.wait_indirect_dma semaphore(%arg12 : memref<!tpu.dma_semaphore, #tpu.memory_space<semaphore_mem>>) src(%dma_wait3A_94 : memref<100000x128xf32, #tpu.memory_space<hbm>>) dst(%arg9 : memref<125x128xf32, #tpu.memory_space<vmem>>)
          %add3A_95 = arith.constant 1 : i32
          %add3A_96 = arith.addi %mul3A_66, %add3A_95 : i32
          "tpu.region"() ({
            %run_scoped3A = tpu.sem_alloc : memref<!tpu.dma_semaphore, #tpu.memory_space<semaphore_mem>>
            %dma_start3A_98 = arith.constant 0 : i32
            %dma_start3A_99 = tpu.memref_slice %arg7[%add3A_96, %dma_start3A_98] : memref<40x125xi32, #tpu.memory_space<vmem>> -> memref<1x125xi32, #tpu.memory_space<vmem>>
            %dma_start3A_100 = tpu.memref_squeeze %dma_start3A_99 : memref<1x125xi32, #tpu.memory_space<vmem>> -> memref<125xi32, #tpu.memory_space<vmem>>
            %dma_start3A_101 = arith.constant 0 : i32
            %dma_start3A_102 = arith.constant 0 : i32
            %dma_start3A_103 = tpu.memref_slice %arg10[%dma_start3A_101, %dma_start3A_102] : memref<10000x128xf32, #tpu.memory_space<vmem_shared>> -> memref<10000x128xf32, #tpu.memory_space<vmem_shared>>
            tpu.enqueue_indirect_dma source(%arg9 : memref<125x128xf32, #tpu.memory_space<vmem>>) target(%dma_start3A_103 : memref<10000x128xf32, #tpu.memory_space<vmem_shared>>) offsets(%dma_start3A_100 : memref<125xi32, #tpu.memory_space<vmem>>) semaphore(%run_scoped3A : memref<!tpu.dma_semaphore, #tpu.memory_space<semaphore_mem>>) {add = true}
            %dma_wait3A_104 = arith.constant 0 : i32
            %dma_wait3A_105 = tpu.memref_slice %arg7[%add3A_96, %dma_wait3A_104] : memref<40x125xi32, #tpu.memory_space<vmem>> -> memref<1x125xi32, #tpu.memory_space<vmem>>
            %dma_wait3A_106 = tpu.memref_squeeze %dma_wait3A_105 : memref<1x125xi32, #tpu.memory_space<vmem>> -> memref<125xi32, #tpu.memory_space<vmem>>
            %dma_wait3A_107 = arith.constant 0 : i32
            %dma_wait3A_108 = arith.constant 0 : i32
            %dma_wait3A_109 = tpu.memref_slice %arg10[%dma_wait3A_107, %dma_wait3A_108] : memref<10000x128xf32, #tpu.memory_space<vmem_shared>> -> memref<10000x128xf32, #tpu.memory_space<vmem_shared>>
            tpu.wait_indirect_dma semaphore(%run_scoped3A : memref<!tpu.dma_semaphore, #tpu.memory_space<semaphore_mem>>) src(%arg9 : memref<125x128xf32, #tpu.memory_space<vmem>>) dst(%dma_wait3A_109 : memref<10000x128xf32, #tpu.memory_space<vmem_shared>>)
            tpu.yield
          }) : () -> ()
          %scan3A_97 = arith.constant 0 : i32
          scf.yield %scan3A_97 : i32
        }
        %scan3A_61 = arith.constant 20 : i32
        %scan3A_62 = arith.constant 0 : i32
        scf.yield %scan3A_62 : i32
      }
      %scan3A_28 = arith.constant 2 : i32
      %barrier3A_29 = arith.constant 0 : index
      tpu.barrier barrier_id(%barrier3A_29)
      %lt3A_30 = arith.constant 15 : i32
      %lt3A_31 = arith.cmpi slt, %arg1, %lt3A_30 : i32
      %convert_element_type3A_32 = arith.extui %lt3A_31 : i1 to i32
      %cond3A_33 = arith.constant 0 : i32
      %cond3A_34 = arith.cmpi ne, %convert_element_type3A_32, %cond3A_33 : i32
      scf.if %cond3A_34 {
        %mul3A_41 = arith.constant 624 : i32
        %mul3A_42 = arith.muli %arg1, %mul3A_41 : i32
        %mul3A_43 = arith.constant 624 : i32
        %mul3A_44 = arith.muli %arg1, %mul3A_43 : i32
        %add3A_45 = arith.addi %mul3A_10, %mul3A_44 : i32
        "tpu.region"() ({
          %run_scoped3A = tpu.sem_alloc : memref<!tpu.dma_semaphore, #tpu.memory_space<semaphore_mem>>
          %dma_start3A = arith.constant 0 : i32
          %dma_start3A_46 = tpu.memref_slice %arg5[%add3A_45, %dma_start3A] : memref<100000x128xf32, #tpu.memory_space<hbm>> -> memref<624x128xf32, #tpu.memory_space<hbm>>
          %dma_start3A_47 = arith.constant 0 : i32
          %dma_start3A_48 = tpu.memref_slice %arg10[%mul3A_42, %dma_start3A_47] : memref<10000x128xf32, #tpu.memory_space<vmem_shared>> -> memref<624x128xf32, #tpu.memory_space<vmem_shared>>
          tpu.enqueue_dma source(%dma_start3A_48 : memref<624x128xf32, #tpu.memory_space<vmem_shared>>) target(%dma_start3A_46 : memref<624x128xf32, #tpu.memory_space<hbm>>) target_semaphore(%run_scoped3A : memref<!tpu.dma_semaphore, #tpu.memory_space<semaphore_mem>>)
          %dma_wait3A = arith.constant 0 : i32
          %dma_wait3A_49 = tpu.memref_slice %arg5[%add3A_45, %dma_wait3A] : memref<100000x128xf32, #tpu.memory_space<hbm>> -> memref<624x128xf32, #tpu.memory_space<hbm>>
          %dma_wait3A_50 = arith.constant 0 : i32
          %dma_wait3A_51 = tpu.memref_slice %arg10[%mul3A_42, %dma_wait3A_50] : memref<10000x128xf32, #tpu.memory_space<vmem_shared>> -> memref<624x128xf32, #tpu.memory_space<vmem_shared>>
          tpu.wait_dma2 semaphore(%run_scoped3A : memref<!tpu.dma_semaphore, #tpu.memory_space<semaphore_mem>>) src(%dma_wait3A_51 : memref<624x128xf32, #tpu.memory_space<vmem_shared>>) dst(%dma_wait3A_49 : memref<624x128xf32, #tpu.memory_space<hbm>>)
          tpu.yield
        }) : () -> ()
      } else {
      }
      %eq3A_35 = arith.constant 15 : i32
      %eq3A_36 = arith.cmpi eq, %arg1, %eq3A_35 : i32
      %convert_element_type3A_37 = arith.extui %eq3A_36 : i1 to i32
      %cond3A_38 = arith.constant 0 : i32
      %cond3A_39 = arith.cmpi ne, %convert_element_type3A_37, %cond3A_38 : i32
      scf.if %cond3A_39 {
        %add3A_41 = arith.constant 9360 : i32
        %add3A_42 = arith.addi %mul3A_10, %add3A_41 : i32
        "tpu.region"() ({
          %run_scoped3A = tpu.sem_alloc : memref<!tpu.dma_semaphore, #tpu.memory_space<semaphore_mem>>
          %dma_start3A = arith.constant 0 : i32
          %dma_start3A_43 = tpu.memref_slice %arg5[%add3A_42, %dma_start3A] : memref<100000x128xf32, #tpu.memory_space<hbm>> -> memref<640x128xf32, #tpu.memory_space<hbm>>
          %dma_start3A_44 = arith.constant 9360 : i32
          %dma_start3A_45 = arith.constant 0 : i32
          %dma_start3A_46 = tpu.memref_slice %arg10[%dma_start3A_44, %dma_start3A_45] : memref<10000x128xf32, #tpu.memory_space<vmem_shared>> -> memref<640x128xf32, #tpu.memory_space<vmem_shared>>
          tpu.enqueue_dma source(%dma_start3A_46 : memref<640x128xf32, #tpu.memory_space<vmem_shared>>) target(%dma_start3A_43 : memref<640x128xf32, #tpu.memory_space<hbm>>) target_semaphore(%run_scoped3A : memref<!tpu.dma_semaphore, #tpu.memory_space<semaphore_mem>>)
          %dma_wait3A = arith.constant 0 : i32
          %dma_wait3A_47 = tpu.memref_slice %arg5[%add3A_42, %dma_wait3A] : memref<100000x128xf32, #tpu.memory_space<hbm>> -> memref<640x128xf32, #tpu.memory_space<hbm>>
          %dma_wait3A_48 = arith.constant 9360 : i32
          %dma_wait3A_49 = arith.constant 0 : i32
          %dma_wait3A_50 = tpu.memref_slice %arg10[%dma_wait3A_48, %dma_wait3A_49] : memref<10000x128xf32, #tpu.memory_space<vmem_shared>> -> memref<640x128xf32, #tpu.memory_space<vmem_shared>>
          tpu.wait_dma2 semaphore(%run_scoped3A : memref<!tpu.dma_semaphore, #tpu.memory_space<semaphore_mem>>) src(%dma_wait3A_50 : memref<640x128xf32, #tpu.memory_space<vmem_shared>>) dst(%dma_wait3A_47 : memref<640x128xf32, #tpu.memory_space<hbm>>)
          tpu.yield
        }) : () -> ()
      } else {
      }
      %scan3A_40 = arith.constant 0 : i32
      scf.yield %scan3A_40 : i32
    }
    %scan3A_5 = arith.constant 5 : i32
    return
  }
}

#map = affine_map<(d0, d1) -> (0, 0)>
module attributes {stable_mosaic.version = 14 : i64} {
  func.func @_sc_gen_body(%arg0: i32, %arg1: i32, %arg2: memref<100000x128xf32, #tpu.memory_space<hbm>>, %arg3: memref<12544x128xi32, #tpu.memory_space<hbm>>, %arg4: memref<12544x128xi32, #tpu.memory_space<hbm>>, %arg5: memref<100000x128xf32, #tpu.memory_space<hbm>>, %arg6: memref<112x128xi32, #tpu.memory_space<vmem>>, %arg7: memref<112x128xi32, #tpu.memory_space<vmem>>, %arg8: memref<128x128xf32, #tpu.memory_space<vmem>>, %arg9: memref<3208x128xf32, #tpu.memory_space<vmem_shared>>, %arg10: memref<!tpu.dma_semaphore, #tpu.memory_space<semaphore_mem>>) attributes {dimension_semantics = [#tpu.dimension_semantics<core_parallel>, #tpu.dimension_semantics<subcore_parallel>], iteration_bounds = array<i64: 2, 16>, scalar_prefetch = 0 : i64, scratch_operands = 5 : i64, tpu.core_type = #tpu.core_type<sc_vector_subcore>, window_params = [{transform_indices = #map}, {transform_indices = #map}, {transform_indices = #map}, {transform_indices = #map}]} {
    %scan3A = arith.constant 0 : i32
    %scan3A_0 = arith.constant 0 : i32
    %scan3A_1 = arith.constant 16 : i32
    %scan3A_2 = arith.addi %scan3A_0, %scan3A_1 : i32
    %scan3A_3 = arith.constant 1 : i32
    %scan3A_4 = scf.for %scan3A_6 = %scan3A_0 to %scan3A_2 step %scan3A_3 iter_args(%scan3A_7 = %scan3A) -> (i32)  : i32 {
      %mul3A = arith.constant 2 : i32
      %mul3A_8 = arith.muli %scan3A_6, %mul3A : i32
      %add3A = arith.addi %mul3A_8, %arg0 : i32
      %mul3A_9 = arith.constant 3200 : i32
      %mul3A_10 = arith.muli %add3A, %mul3A_9 : i32
      %mul3A_11 = arith.constant 200 : i32
      %mul3A_12 = arith.muli %arg1, %mul3A_11 : i32
      %add3A_13 = arith.addi %mul3A_10, %mul3A_12 : i32
      %add3A_14 = arith.constant 200 : i32
      %add3A_15 = arith.addi %add3A_13, %add3A_14 : i32
      %le3A = arith.constant 100000 : i32
      %le3A_16 = arith.cmpi sle, %add3A_15, %le3A : i32
      %convert_element_type3A = arith.extui %le3A_16 : i1 to i32
      %cond3A = arith.constant 0 : i32
      %cond3A_17 = arith.cmpi ne, %convert_element_type3A, %cond3A : i32
      scf.if %cond3A_17 {
        %mul3A_35 = arith.constant 200 : i32
        %mul3A_36 = arith.muli %arg1, %mul3A_35 : i32
        "tpu.region"() ({
          %run_scoped3A = tpu.sem_alloc : memref<!tpu.dma_semaphore, #tpu.memory_space<semaphore_mem>>
          %dma_start3A = arith.constant 0 : i32
          %dma_start3A_37 = tpu.memref_slice %arg9[%mul3A_36, %dma_start3A] : memref<3208x128xf32, #tpu.memory_space<vmem_shared>> -> memref<200x128xf32, #tpu.memory_space<vmem_shared>>
          %dma_start3A_38 = arith.constant 0 : i32
          %dma_start3A_39 = tpu.memref_slice %arg2[%add3A_13, %dma_start3A_38] : memref<100000x128xf32, #tpu.memory_space<hbm>> -> memref<200x128xf32, #tpu.memory_space<hbm>>
          tpu.enqueue_dma source(%dma_start3A_39 : memref<200x128xf32, #tpu.memory_space<hbm>>) target(%dma_start3A_37 : memref<200x128xf32, #tpu.memory_space<vmem_shared>>) target_semaphore(%run_scoped3A : memref<!tpu.dma_semaphore, #tpu.memory_space<semaphore_mem>>)
          %dma_wait3A = arith.constant 0 : i32
          %dma_wait3A_40 = tpu.memref_slice %arg9[%mul3A_36, %dma_wait3A] : memref<3208x128xf32, #tpu.memory_space<vmem_shared>> -> memref<200x128xf32, #tpu.memory_space<vmem_shared>>
          %dma_wait3A_41 = arith.constant 0 : i32
          %dma_wait3A_42 = tpu.memref_slice %arg2[%add3A_13, %dma_wait3A_41] : memref<100000x128xf32, #tpu.memory_space<hbm>> -> memref<200x128xf32, #tpu.memory_space<hbm>>
          tpu.wait_dma2 semaphore(%run_scoped3A : memref<!tpu.dma_semaphore, #tpu.memory_space<semaphore_mem>>) src(%dma_wait3A_42 : memref<200x128xf32, #tpu.memory_space<hbm>>) dst(%dma_wait3A_40 : memref<200x128xf32, #tpu.memory_space<vmem_shared>>)
          tpu.yield
        }) : () -> ()
      } else {
      }
      %barrier3A = arith.constant 0 : index
      tpu.barrier barrier_id(%barrier3A)
      %scan3A_18 = arith.constant 0 : i32
      %scan3A_19 = arith.constant 0 : i32
      %scan3A_20 = arith.constant 7 : i32
      %scan3A_21 = arith.addi %scan3A_19, %scan3A_20 : i32
      %scan3A_22 = arith.constant 1 : i32
      %scan3A_23 = scf.for %scan3A_35 = %scan3A_19 to %scan3A_21 step %scan3A_22 iter_args(%scan3A_36 = %scan3A_18) -> (i32)  : i32 {
        %mul3A_37 = arith.constant 784 : i32
        %mul3A_38 = arith.muli %arg1, %mul3A_37 : i32
        %mul3A_39 = arith.constant 112 : i32
        %mul3A_40 = arith.muli %scan3A_35, %mul3A_39 : i32
        %add3A_41 = arith.addi %mul3A_38, %mul3A_40 : i32
        "tpu.region"() ({
          %run_scoped3A = tpu.sem_alloc : memref<!tpu.dma_semaphore, #tpu.memory_space<semaphore_mem>>
          %dma_start3A = arith.constant 0 : i32
          %dma_start3A_57 = tpu.memref_slice %arg3[%add3A_41, %dma_start3A] : memref<12544x128xi32, #tpu.memory_space<hbm>> -> memref<112x128xi32, #tpu.memory_space<hbm>>
          %dma_start3A_58 = arith.constant 0 : i32
          %dma_start3A_59 = tpu.memref_slice %arg3[%add3A_41, %dma_start3A_58] : memref<12544x128xi32, #tpu.memory_space<hbm>> -> memref<112x128xi32, #tpu.memory_space<hbm>>
          tpu.enqueue_dma source(%dma_start3A_59 : memref<112x128xi32, #tpu.memory_space<hbm>>) target(%arg6 : memref<112x128xi32, #tpu.memory_space<vmem>>) target_semaphore(%run_scoped3A : memref<!tpu.dma_semaphore, #tpu.memory_space<semaphore_mem>>)
          %dma_wait3A = arith.constant 0 : i32
          %dma_wait3A_60 = tpu.memref_slice %arg3[%add3A_41, %dma_wait3A] : memref<12544x128xi32, #tpu.memory_space<hbm>> -> memref<112x128xi32, #tpu.memory_space<hbm>>
          %dma_wait3A_61 = arith.constant 0 : i32
          %dma_wait3A_62 = tpu.memref_slice %arg3[%add3A_41, %dma_wait3A_61] : memref<12544x128xi32, #tpu.memory_space<hbm>> -> memref<112x128xi32, #tpu.memory_space<hbm>>
          tpu.wait_dma2 semaphore(%run_scoped3A : memref<!tpu.dma_semaphore, #tpu.memory_space<semaphore_mem>>) src(%dma_wait3A_62 : memref<112x128xi32, #tpu.memory_space<hbm>>) dst(%arg6 : memref<112x128xi32, #tpu.memory_space<vmem>>)
          tpu.yield
        }) : () -> ()
        "tpu.region"() ({
          %run_scoped3A = tpu.sem_alloc : memref<!tpu.dma_semaphore, #tpu.memory_space<semaphore_mem>>
          %dma_start3A = arith.constant 0 : i32
          %dma_start3A_57 = tpu.memref_slice %arg4[%add3A_41, %dma_start3A] : memref<12544x128xi32, #tpu.memory_space<hbm>> -> memref<112x128xi32, #tpu.memory_space<hbm>>
          %dma_start3A_58 = arith.constant 0 : i32
          %dma_start3A_59 = tpu.memref_slice %arg4[%add3A_41, %dma_start3A_58] : memref<12544x128xi32, #tpu.memory_space<hbm>> -> memref<112x128xi32, #tpu.memory_space<hbm>>
          tpu.enqueue_dma source(%dma_start3A_59 : memref<112x128xi32, #tpu.memory_space<hbm>>) target(%arg7 : memref<112x128xi32, #tpu.memory_space<vmem>>) target_semaphore(%run_scoped3A : memref<!tpu.dma_semaphore, #tpu.memory_space<semaphore_mem>>)
          %dma_wait3A = arith.constant 0 : i32
          %dma_wait3A_60 = tpu.memref_slice %arg4[%add3A_41, %dma_wait3A] : memref<12544x128xi32, #tpu.memory_space<hbm>> -> memref<112x128xi32, #tpu.memory_space<hbm>>
          %dma_wait3A_61 = arith.constant 0 : i32
          %dma_wait3A_62 = tpu.memref_slice %arg4[%add3A_41, %dma_wait3A_61] : memref<12544x128xi32, #tpu.memory_space<hbm>> -> memref<112x128xi32, #tpu.memory_space<hbm>>
          tpu.wait_dma2 semaphore(%run_scoped3A : memref<!tpu.dma_semaphore, #tpu.memory_space<semaphore_mem>>) src(%dma_wait3A_62 : memref<112x128xi32, #tpu.memory_space<hbm>>) dst(%arg7 : memref<112x128xi32, #tpu.memory_space<vmem>>)
          tpu.yield
        }) : () -> ()
        %scan3A_42 = arith.constant 0 : i32
        %scan3A_43 = arith.constant 0 : i32
        %scan3A_44 = arith.constant 112 : i32
        %scan3A_45 = arith.addi %scan3A_43, %scan3A_44 : i32
        %scan3A_46 = arith.constant 1 : i32
        %scan3A_47 = scf.for %scan3A_57 = %scan3A_43 to %scan3A_45 step %scan3A_46 iter_args(%scan3A_58 = %scan3A_42) -> (i32)  : i32 {
          %scan3A_59 = arith.constant 0 : i32
          %scan3A_60 = arith.constant 0 : i32
          %scan3A_61 = arith.constant 8 : i32
          %scan3A_62 = arith.addi %scan3A_60, %scan3A_61 : i32
          %scan3A_63 = arith.constant 1 : i32
          %scan3A_64 = scf.for %scan3A_67 = %scan3A_60 to %scan3A_62 step %scan3A_63 iter_args(%scan3A_68 = %scan3A_59) -> (i32)  : i32 {
            %mul3A_69 = arith.constant 16 : i32
            %mul3A_70 = arith.muli %scan3A_67, %mul3A_69 : i32
            %get3A = arith.index_cast %scan3A_57 : i32 to index
            %get3A_71 = arith.index_cast %mul3A_70 : i32 to index
            %get3A_72 = tpu.vector_load %arg7[%get3A, %get3A_71] {strides = array<i32>} : memref<112x128xi32, #tpu.memory_space<vmem>>, vector<1x16xi32>,
            %get3A_73 = vector.shape_cast %get3A_72 : vector<1x16xi32> to vector<16xi32>
            %get3A_74 = arith.index_cast %scan3A_57 : i32 to index
            %get3A_75 = arith.index_cast %mul3A_70 : i32 to index
            %get3A_76 = tpu.vector_load %arg6[%get3A_74, %get3A_75] {strides = array<i32>} : memref<112x128xi32, #tpu.memory_space<vmem>>, vector<1x16xi32>,
            %get3A_77 = vector.shape_cast %get3A_76 : vector<1x16xi32> to vector<16xi32>
            %ge3A = vector.broadcast %mul3A_10 : i32 to vector<16xi32>
            %ge3A_78 = arith.cmpi sge, %get3A_73, %ge3A : vector<16xi32>
            %add3A_79 = arith.constant 3200 : i32
            %add3A_80 = arith.addi %mul3A_10, %add3A_79 : i32
            %lt3A = vector.broadcast %add3A_80 : i32 to vector<16xi32>
            %lt3A_81 = arith.cmpi slt, %get3A_73, %lt3A : vector<16xi32>
            %and3A = arith.andi %ge3A_78, %lt3A_81 : vector<16xi1>
            %jit3A = arith.constant 0 : i32
            %broadcast_in_dim3A = vector.broadcast %jit3A : i32 to vector<16xi32>
            %select_n3A = arith.select %and3A, %get3A_77, %broadcast_in_dim3A : vector<16xi1>, vector<16xi32>
            %swap3A = arith.index_cast %scan3A_57 : i32 to index
            %swap3A_82 = arith.index_cast %mul3A_70 : i32 to index
            %swap3A_83 = tpu.vector_load %arg6[%swap3A, %swap3A_82] {strides = array<i32>} : memref<112x128xi32, #tpu.memory_space<vmem>>, vector<1x16xi32>,
            %swap3A_84 = vector.shape_cast %swap3A_83 : vector<1x16xi32> to vector<16xi32>
            %swap3A_85 = vector.shape_cast %select_n3A : vector<16xi32> to vector<1x16xi32>
            tpu.vector_store %arg6[%swap3A, %swap3A_82], %swap3A_85 {strides = array<i32>} : memref<112x128xi32, #tpu.memory_space<vmem>>, vector<1x16xi32>,
            %sub3A = vector.broadcast %mul3A_10 : i32 to vector<16xi32>
            %sub3A_86 = arith.subi %get3A_73, %sub3A : vector<16xi32>
            %jit3A_87 = arith.constant 3200 : i32
            %broadcast_in_dim3A_88 = vector.broadcast %jit3A_87 : i32 to vector<16xi32>
            %select_n3A_89 = arith.select %and3A, %sub3A_86, %broadcast_in_dim3A_88 : vector<16xi1>, vector<16xi32>
            %swap3A_90 = arith.index_cast %scan3A_57 : i32 to index
            %swap3A_91 = arith.index_cast %mul3A_70 : i32 to index
            %swap3A_92 = tpu.vector_load %arg7[%swap3A_90, %swap3A_91] {strides = array<i32>} : memref<112x128xi32, #tpu.memory_space<vmem>>, vector<1x16xi32>,
            %swap3A_93 = vector.shape_cast %swap3A_92 : vector<1x16xi32> to vector<16xi32>
            %swap3A_94 = vector.shape_cast %select_n3A_89 : vector<16xi32> to vector<1x16xi32>
            tpu.vector_store %arg7[%swap3A_90, %swap3A_91], %swap3A_94 {strides = array<i32>} : memref<112x128xi32, #tpu.memory_space<vmem>>, vector<1x16xi32>,
            %scan3A_95 = arith.constant 0 : i32
            scf.yield %scan3A_95 : i32
          }
          %scan3A_65 = arith.constant 8 : i32
          %scan3A_66 = arith.constant 0 : i32
          scf.yield %scan3A_66 : i32
        }
        %scan3A_48 = arith.constant 112 : i32
        %scan3A_49 = arith.constant 0 : i32
        %scan3A_50 = arith.constant 0 : i32
        %scan3A_51 = arith.constant 112 : i32
        %scan3A_52 = arith.addi %scan3A_50, %scan3A_51 : i32
        %scan3A_53 = arith.constant 1 : i32
        %scan3A_54 = scf.for %scan3A_57 = %scan3A_50 to %scan3A_52 step %scan3A_53 iter_args(%scan3A_58 = %scan3A_49) -> (i32)  : i32 {
          %dma_start3A = arith.constant 0 : i32
          %dma_start3A_59 = tpu.memref_slice %arg6[%scan3A_57, %dma_start3A] : memref<112x128xi32, #tpu.memory_space<vmem>> -> memref<1x128xi32, #tpu.memory_space<vmem>>
          %dma_start3A_60 = tpu.memref_squeeze %dma_start3A_59 : memref<1x128xi32, #tpu.memory_space<vmem>> -> memref<128xi32, #tpu.memory_space<vmem>>
          %dma_start3A_61 = arith.constant 0 : i32
          %dma_start3A_62 = arith.constant 0 : i32
          %dma_start3A_63 = tpu.memref_slice %arg2[%dma_start3A_61, %dma_start3A_62] : memref<100000x128xf32, #tpu.memory_space<hbm>> -> memref<100000x128xf32, #tpu.memory_space<hbm>>
          tpu.enqueue_indirect_dma source(%dma_start3A_63 : memref<100000x128xf32, #tpu.memory_space<hbm>>) target(%arg8 : memref<128x128xf32, #tpu.memory_space<vmem>>) offsets(%dma_start3A_60 : memref<128xi32, #tpu.memory_space<vmem>>) semaphore(%arg10 : memref<!tpu.dma_semaphore, #tpu.memory_space<semaphore_mem>>)
          %dma_wait3A = arith.constant 0 : i32
          %dma_wait3A_64 = tpu.memref_slice %arg6[%scan3A_57, %dma_wait3A] : memref<112x128xi32, #tpu.memory_space<vmem>> -> memref<1x128xi32, #tpu.memory_space<vmem>>
          %dma_wait3A_65 = tpu.memref_squeeze %dma_wait3A_64 : memref<1x128xi32, #tpu.memory_space<vmem>> -> memref<128xi32, #tpu.memory_space<vmem>>
          %dma_wait3A_66 = arith.constant 0 : i32
          %dma_wait3A_67 = arith.constant 0 : i32
          %dma_wait3A_68 = tpu.memref_slice %arg2[%dma_wait3A_66, %dma_wait3A_67] : memref<100000x128xf32, #tpu.memory_space<hbm>> -> memref<100000x128xf32, #tpu.memory_space<hbm>>
          tpu.wait_indirect_dma semaphore(%arg10 : memref<!tpu.dma_semaphore, #tpu.memory_space<semaphore_mem>>) src(%dma_wait3A_68 : memref<100000x128xf32, #tpu.memory_space<hbm>>) dst(%arg8 : memref<128x128xf32, #tpu.memory_space<vmem>>)
          "tpu.region"() ({
            %run_scoped3A = tpu.sem_alloc : memref<!tpu.dma_semaphore, #tpu.memory_space<semaphore_mem>>
            %dma_start3A_70 = arith.constant 0 : i32
            %dma_start3A_71 = tpu.memref_slice %arg7[%scan3A_57, %dma_start3A_70] : memref<112x128xi32, #tpu.memory_space<vmem>> -> memref<1x128xi32, #tpu.memory_space<vmem>>
            %dma_start3A_72 = tpu.memref_squeeze %dma_start3A_71 : memref<1x128xi32, #tpu.memory_space<vmem>> -> memref<128xi32, #tpu.memory_space<vmem>>
            %dma_start3A_73 = arith.constant 0 : i32
            %dma_start3A_74 = arith.constant 0 : i32
            %dma_start3A_75 = tpu.memref_slice %arg9[%dma_start3A_73, %dma_start3A_74] : memref<3208x128xf32, #tpu.memory_space<vmem_shared>> -> memref<3208x128xf32, #tpu.memory_space<vmem_shared>>
            tpu.enqueue_indirect_dma source(%arg8 : memref<128x128xf32, #tpu.memory_space<vmem>>) target(%dma_start3A_75 : memref<3208x128xf32, #tpu.memory_space<vmem_shared>>) offsets(%dma_start3A_72 : memref<128xi32, #tpu.memory_space<vmem>>) semaphore(%run_scoped3A : memref<!tpu.dma_semaphore, #tpu.memory_space<semaphore_mem>>) {add = true}
            %dma_wait3A_76 = arith.constant 0 : i32
            %dma_wait3A_77 = tpu.memref_slice %arg7[%scan3A_57, %dma_wait3A_76] : memref<112x128xi32, #tpu.memory_space<vmem>> -> memref<1x128xi32, #tpu.memory_space<vmem>>
            %dma_wait3A_78 = tpu.memref_squeeze %dma_wait3A_77 : memref<1x128xi32, #tpu.memory_space<vmem>> -> memref<128xi32, #tpu.memory_space<vmem>>
            %dma_wait3A_79 = arith.constant 0 : i32
            %dma_wait3A_80 = arith.constant 0 : i32
            %dma_wait3A_81 = tpu.memref_slice %arg9[%dma_wait3A_79, %dma_wait3A_80] : memref<3208x128xf32, #tpu.memory_space<vmem_shared>> -> memref<3208x128xf32, #tpu.memory_space<vmem_shared>>
            tpu.wait_indirect_dma semaphore(%run_scoped3A : memref<!tpu.dma_semaphore, #tpu.memory_space<semaphore_mem>>) src(%arg8 : memref<128x128xf32, #tpu.memory_space<vmem>>) dst(%dma_wait3A_81 : memref<3208x128xf32, #tpu.memory_space<vmem_shared>>)
            tpu.yield
          }) : () -> ()
          %scan3A_69 = arith.constant 0 : i32
          scf.yield %scan3A_69 : i32
        }
        %scan3A_55 = arith.constant 112 : i32
        %scan3A_56 = arith.constant 0 : i32
        scf.yield %scan3A_56 : i32
      }
      %scan3A_24 = arith.constant 7 : i32
      %barrier3A_25 = arith.constant 0 : index
      tpu.barrier barrier_id(%barrier3A_25)
      %add3A_26 = arith.constant 200 : i32
      %add3A_27 = arith.addi %add3A_13, %add3A_26 : i32
      %le3A_28 = arith.constant 100000 : i32
      %le3A_29 = arith.cmpi sle, %add3A_27, %le3A_28 : i32
      %convert_element_type3A_30 = arith.extui %le3A_29 : i1 to i32
      %cond3A_31 = arith.constant 0 : i32
      %cond3A_32 = arith.cmpi ne, %convert_element_type3A_30, %cond3A_31 : i32
      scf.if %cond3A_32 {
        %mul3A_35 = arith.constant 200 : i32
        %mul3A_36 = arith.muli %arg1, %mul3A_35 : i32
        "tpu.region"() ({
          %run_scoped3A = tpu.sem_alloc : memref<!tpu.dma_semaphore, #tpu.memory_space<semaphore_mem>>
          %dma_start3A = arith.constant 0 : i32
          %dma_start3A_37 = tpu.memref_slice %arg5[%add3A_13, %dma_start3A] : memref<100000x128xf32, #tpu.memory_space<hbm>> -> memref<200x128xf32, #tpu.memory_space<hbm>>
          %dma_start3A_38 = arith.constant 0 : i32
          %dma_start3A_39 = tpu.memref_slice %arg9[%mul3A_36, %dma_start3A_38] : memref<3208x128xf32, #tpu.memory_space<vmem_shared>> -> memref<200x128xf32, #tpu.memory_space<vmem_shared>>
          tpu.enqueue_dma source(%dma_start3A_39 : memref<200x128xf32, #tpu.memory_space<vmem_shared>>) target(%dma_start3A_37 : memref<200x128xf32, #tpu.memory_space<hbm>>) target_semaphore(%run_scoped3A : memref<!tpu.dma_semaphore, #tpu.memory_space<semaphore_mem>>)
          %dma_wait3A = arith.constant 0 : i32
          %dma_wait3A_40 = tpu.memref_slice %arg5[%add3A_13, %dma_wait3A] : memref<100000x128xf32, #tpu.memory_space<hbm>> -> memref<200x128xf32, #tpu.memory_space<hbm>>
          %dma_wait3A_41 = arith.constant 0 : i32
          %dma_wait3A_42 = tpu.memref_slice %arg9[%mul3A_36, %dma_wait3A_41] : memref<3208x128xf32, #tpu.memory_space<vmem_shared>> -> memref<200x128xf32, #tpu.memory_space<vmem_shared>>
          tpu.wait_dma2 semaphore(%run_scoped3A : memref<!tpu.dma_semaphore, #tpu.memory_space<semaphore_mem>>) src(%dma_wait3A_42 : memref<200x128xf32, #tpu.memory_space<vmem_shared>>) dst(%dma_wait3A_40 : memref<200x128xf32, #tpu.memory_space<hbm>>)
          tpu.yield
        }) : () -> ()
      } else {
      }
      %barrier3A_33 = arith.constant 0 : index
      tpu.barrier barrier_id(%barrier3A_33)
      %scan3A_34 = arith.constant 0 : i32
      scf.yield %scan3A_34 : i32
    }
    %scan3A_5 = arith.constant 16 : i32
    return
  }
}

#map = affine_map<(d0, d1) -> (0, 0)>
module attributes {stable_mosaic.version = 14 : i64} {
  func.func @_sc_gen_body(%arg0: i32, %arg1: i32, %arg2: memref<100000x128xf32, #tpu.memory_space<hbm>>, %arg3: memref<12544x128xi32, #tpu.memory_space<hbm>>, %arg4: memref<12544x128xi32, #tpu.memory_space<hbm>>, %arg5: memref<100000x128xf32, #tpu.memory_space<hbm>>, %arg6: memref<112x128xi32, #tpu.memory_space<vmem>>, %arg7: memref<112x128xi32, #tpu.memory_space<vmem>>, %arg8: memref<128x128xf32, #tpu.memory_space<vmem>>, %arg9: memref<3208x128xf32, #tpu.memory_space<vmem_shared>>, %arg10: memref<!tpu.dma_semaphore, #tpu.memory_space<semaphore_mem>>) attributes {dimension_semantics = [#tpu.dimension_semantics<core_parallel>, #tpu.dimension_semantics<subcore_parallel>], iteration_bounds = array<i64: 2, 16>, scalar_prefetch = 0 : i64, scratch_operands = 5 : i64, tpu.core_type = #tpu.core_type<sc_vector_subcore>, window_params = [{transform_indices = #map}, {transform_indices = #map}, {transform_indices = #map}, {transform_indices = #map}]} {
    %scan3A = arith.constant 0 : i32
    %scan3A_0 = arith.constant 0 : i32
    %scan3A_1 = arith.constant 16 : i32
    %scan3A_2 = arith.addi %scan3A_0, %scan3A_1 : i32
    %scan3A_3 = arith.constant 1 : i32
    %scan3A_4 = scf.for %scan3A_6 = %scan3A_0 to %scan3A_2 step %scan3A_3 iter_args(%scan3A_7 = %scan3A) -> (i32)  : i32 {
      %mul3A = arith.constant 2 : i32
      %mul3A_8 = arith.muli %scan3A_6, %mul3A : i32
      %add3A = arith.addi %mul3A_8, %arg0 : i32
      %mul3A_9 = arith.constant 3200 : i32
      %mul3A_10 = arith.muli %add3A, %mul3A_9 : i32
      %mul3A_11 = arith.constant 200 : i32
      %mul3A_12 = arith.muli %arg1, %mul3A_11 : i32
      %add3A_13 = arith.addi %mul3A_10, %mul3A_12 : i32
      %add3A_14 = arith.constant 200 : i32
      %add3A_15 = arith.addi %add3A_13, %add3A_14 : i32
      %le3A = arith.constant 100000 : i32
      %le3A_16 = arith.cmpi sle, %add3A_15, %le3A : i32
      %convert_element_type3A = arith.extui %le3A_16 : i1 to i32
      %cond3A = arith.constant 0 : i32
      %cond3A_17 = arith.cmpi ne, %convert_element_type3A, %cond3A : i32
      scf.if %cond3A_17 {
        %mul3A_35 = arith.constant 200 : i32
        %mul3A_36 = arith.muli %arg1, %mul3A_35 : i32
        "tpu.region"() ({
          %run_scoped3A = tpu.sem_alloc : memref<!tpu.dma_semaphore, #tpu.memory_space<semaphore_mem>>
          %dma_start3A = arith.constant 0 : i32
          %dma_start3A_37 = tpu.memref_slice %arg9[%mul3A_36, %dma_start3A] : memref<3208x128xf32, #tpu.memory_space<vmem_shared>> -> memref<200x128xf32, #tpu.memory_space<vmem_shared>>
          %dma_start3A_38 = arith.constant 0 : i32
          %dma_start3A_39 = tpu.memref_slice %arg2[%add3A_13, %dma_start3A_38] : memref<100000x128xf32, #tpu.memory_space<hbm>> -> memref<200x128xf32, #tpu.memory_space<hbm>>
          tpu.enqueue_dma source(%dma_start3A_39 : memref<200x128xf32, #tpu.memory_space<hbm>>) target(%dma_start3A_37 : memref<200x128xf32, #tpu.memory_space<vmem_shared>>) target_semaphore(%run_scoped3A : memref<!tpu.dma_semaphore, #tpu.memory_space<semaphore_mem>>)
          %dma_wait3A = arith.constant 0 : i32
          %dma_wait3A_40 = tpu.memref_slice %arg9[%mul3A_36, %dma_wait3A] : memref<3208x128xf32, #tpu.memory_space<vmem_shared>> -> memref<200x128xf32, #tpu.memory_space<vmem_shared>>
          %dma_wait3A_41 = arith.constant 0 : i32
          %dma_wait3A_42 = tpu.memref_slice %arg2[%add3A_13, %dma_wait3A_41] : memref<100000x128xf32, #tpu.memory_space<hbm>> -> memref<200x128xf32, #tpu.memory_space<hbm>>
          tpu.wait_dma2 semaphore(%run_scoped3A : memref<!tpu.dma_semaphore, #tpu.memory_space<semaphore_mem>>) src(%dma_wait3A_42 : memref<200x128xf32, #tpu.memory_space<hbm>>) dst(%dma_wait3A_40 : memref<200x128xf32, #tpu.memory_space<vmem_shared>>)
          tpu.yield
        }) : () -> ()
      } else {
      }
      %barrier3A = arith.constant 0 : index
      tpu.barrier barrier_id(%barrier3A)
      %scan3A_18 = arith.constant 0 : i32
      %scan3A_19 = arith.constant 0 : i32
      %scan3A_20 = arith.constant 7 : i32
      %scan3A_21 = arith.addi %scan3A_19, %scan3A_20 : i32
      %scan3A_22 = arith.constant 1 : i32
      %scan3A_23 = scf.for %scan3A_35 = %scan3A_19 to %scan3A_21 step %scan3A_22 iter_args(%scan3A_36 = %scan3A_18) -> (i32)  : i32 {
        %mul3A_37 = arith.constant 784 : i32
        %mul3A_38 = arith.muli %arg1, %mul3A_37 : i32
        %mul3A_39 = arith.constant 112 : i32
        %mul3A_40 = arith.muli %scan3A_35, %mul3A_39 : i32
        %add3A_41 = arith.addi %mul3A_38, %mul3A_40 : i32
        "tpu.region"() ({
          %run_scoped3A = tpu.sem_alloc : memref<!tpu.dma_semaphore, #tpu.memory_space<semaphore_mem>>
          %dma_start3A = arith.constant 0 : i32
          %dma_start3A_57 = tpu.memref_slice %arg3[%add3A_41, %dma_start3A] : memref<12544x128xi32, #tpu.memory_space<hbm>> -> memref<112x128xi32, #tpu.memory_space<hbm>>
          %dma_start3A_58 = arith.constant 0 : i32
          %dma_start3A_59 = tpu.memref_slice %arg3[%add3A_41, %dma_start3A_58] : memref<12544x128xi32, #tpu.memory_space<hbm>> -> memref<112x128xi32, #tpu.memory_space<hbm>>
          tpu.enqueue_dma source(%dma_start3A_59 : memref<112x128xi32, #tpu.memory_space<hbm>>) target(%arg6 : memref<112x128xi32, #tpu.memory_space<vmem>>) target_semaphore(%run_scoped3A : memref<!tpu.dma_semaphore, #tpu.memory_space<semaphore_mem>>)
          %dma_wait3A = arith.constant 0 : i32
          %dma_wait3A_60 = tpu.memref_slice %arg3[%add3A_41, %dma_wait3A] : memref<12544x128xi32, #tpu.memory_space<hbm>> -> memref<112x128xi32, #tpu.memory_space<hbm>>
          %dma_wait3A_61 = arith.constant 0 : i32
          %dma_wait3A_62 = tpu.memref_slice %arg3[%add3A_41, %dma_wait3A_61] : memref<12544x128xi32, #tpu.memory_space<hbm>> -> memref<112x128xi32, #tpu.memory_space<hbm>>
          tpu.wait_dma2 semaphore(%run_scoped3A : memref<!tpu.dma_semaphore, #tpu.memory_space<semaphore_mem>>) src(%dma_wait3A_62 : memref<112x128xi32, #tpu.memory_space<hbm>>) dst(%arg6 : memref<112x128xi32, #tpu.memory_space<vmem>>)
          tpu.yield
        }) : () -> ()
        "tpu.region"() ({
          %run_scoped3A = tpu.sem_alloc : memref<!tpu.dma_semaphore, #tpu.memory_space<semaphore_mem>>
          %dma_start3A = arith.constant 0 : i32
          %dma_start3A_57 = tpu.memref_slice %arg4[%add3A_41, %dma_start3A] : memref<12544x128xi32, #tpu.memory_space<hbm>> -> memref<112x128xi32, #tpu.memory_space<hbm>>
          %dma_start3A_58 = arith.constant 0 : i32
          %dma_start3A_59 = tpu.memref_slice %arg4[%add3A_41, %dma_start3A_58] : memref<12544x128xi32, #tpu.memory_space<hbm>> -> memref<112x128xi32, #tpu.memory_space<hbm>>
          tpu.enqueue_dma source(%dma_start3A_59 : memref<112x128xi32, #tpu.memory_space<hbm>>) target(%arg7 : memref<112x128xi32, #tpu.memory_space<vmem>>) target_semaphore(%run_scoped3A : memref<!tpu.dma_semaphore, #tpu.memory_space<semaphore_mem>>)
          %dma_wait3A = arith.constant 0 : i32
          %dma_wait3A_60 = tpu.memref_slice %arg4[%add3A_41, %dma_wait3A] : memref<12544x128xi32, #tpu.memory_space<hbm>> -> memref<112x128xi32, #tpu.memory_space<hbm>>
          %dma_wait3A_61 = arith.constant 0 : i32
          %dma_wait3A_62 = tpu.memref_slice %arg4[%add3A_41, %dma_wait3A_61] : memref<12544x128xi32, #tpu.memory_space<hbm>> -> memref<112x128xi32, #tpu.memory_space<hbm>>
          tpu.wait_dma2 semaphore(%run_scoped3A : memref<!tpu.dma_semaphore, #tpu.memory_space<semaphore_mem>>) src(%dma_wait3A_62 : memref<112x128xi32, #tpu.memory_space<hbm>>) dst(%arg7 : memref<112x128xi32, #tpu.memory_space<vmem>>)
          tpu.yield
        }) : () -> ()
        %scan3A_42 = arith.constant 0 : i32
        %scan3A_43 = arith.constant 0 : i32
        %scan3A_44 = arith.constant 112 : i32
        %scan3A_45 = arith.addi %scan3A_43, %scan3A_44 : i32
        %scan3A_46 = arith.constant 1 : i32
        %scan3A_47 = scf.for %scan3A_57 = %scan3A_43 to %scan3A_45 step %scan3A_46 iter_args(%scan3A_58 = %scan3A_42) -> (i32)  : i32 {
          %scan3A_59 = arith.constant 0 : i32
          %scan3A_60 = arith.constant 0 : i32
          %scan3A_61 = arith.constant 8 : i32
          %scan3A_62 = arith.addi %scan3A_60, %scan3A_61 : i32
          %scan3A_63 = arith.constant 1 : i32
          %scan3A_64 = scf.for %scan3A_67 = %scan3A_60 to %scan3A_62 step %scan3A_63 iter_args(%scan3A_68 = %scan3A_59) -> (i32)  : i32 {
            %mul3A_69 = arith.constant 16 : i32
            %mul3A_70 = arith.muli %scan3A_67, %mul3A_69 : i32
            %get3A = arith.index_cast %scan3A_57 : i32 to index
            %get3A_71 = arith.index_cast %mul3A_70 : i32 to index
            %get3A_72 = tpu.vector_load %arg7[%get3A, %get3A_71] {strides = array<i32>} : memref<112x128xi32, #tpu.memory_space<vmem>>, vector<1x16xi32>,
            %get3A_73 = vector.shape_cast %get3A_72 : vector<1x16xi32> to vector<16xi32>
            %get3A_74 = arith.index_cast %scan3A_57 : i32 to index
            %get3A_75 = arith.index_cast %mul3A_70 : i32 to index
            %get3A_76 = tpu.vector_load %arg6[%get3A_74, %get3A_75] {strides = array<i32>} : memref<112x128xi32, #tpu.memory_space<vmem>>, vector<1x16xi32>,
            %get3A_77 = vector.shape_cast %get3A_76 : vector<1x16xi32> to vector<16xi32>
            %ge3A = vector.broadcast %mul3A_10 : i32 to vector<16xi32>
            %ge3A_78 = arith.cmpi sge, %get3A_73, %ge3A : vector<16xi32>
            %add3A_79 = arith.constant 3200 : i32
            %add3A_80 = arith.addi %mul3A_10, %add3A_79 : i32
            %lt3A = vector.broadcast %add3A_80 : i32 to vector<16xi32>
            %lt3A_81 = arith.cmpi slt, %get3A_73, %lt3A : vector<16xi32>
            %and3A = arith.andi %ge3A_78, %lt3A_81 : vector<16xi1>
            %jit3A = arith.constant 0 : i32
            %broadcast_in_dim3A = vector.broadcast %jit3A : i32 to vector<16xi32>
            %select_n3A = arith.select %and3A, %get3A_77, %broadcast_in_dim3A : vector<16xi1>, vector<16xi32>
            %swap3A = arith.index_cast %scan3A_57 : i32 to index
            %swap3A_82 = arith.index_cast %mul3A_70 : i32 to index
            %swap3A_83 = tpu.vector_load %arg6[%swap3A, %swap3A_82] {strides = array<i32>} : memref<112x128xi32, #tpu.memory_space<vmem>>, vector<1x16xi32>,
            %swap3A_84 = vector.shape_cast %swap3A_83 : vector<1x16xi32> to vector<16xi32>
            %swap3A_85 = vector.shape_cast %select_n3A : vector<16xi32> to vector<1x16xi32>
            tpu.vector_store %arg6[%swap3A, %swap3A_82], %swap3A_85 {strides = array<i32>} : memref<112x128xi32, #tpu.memory_space<vmem>>, vector<1x16xi32>,
            %sub3A = vector.broadcast %mul3A_10 : i32 to vector<16xi32>
            %sub3A_86 = arith.subi %get3A_73, %sub3A : vector<16xi32>
            %jit3A_87 = arith.constant 3200 : i32
            %broadcast_in_dim3A_88 = vector.broadcast %jit3A_87 : i32 to vector<16xi32>
            %select_n3A_89 = arith.select %and3A, %sub3A_86, %broadcast_in_dim3A_88 : vector<16xi1>, vector<16xi32>
            %swap3A_90 = arith.index_cast %scan3A_57 : i32 to index
            %swap3A_91 = arith.index_cast %mul3A_70 : i32 to index
            %swap3A_92 = tpu.vector_load %arg7[%swap3A_90, %swap3A_91] {strides = array<i32>} : memref<112x128xi32, #tpu.memory_space<vmem>>, vector<1x16xi32>,
            %swap3A_93 = vector.shape_cast %swap3A_92 : vector<1x16xi32> to vector<16xi32>
            %swap3A_94 = vector.shape_cast %select_n3A_89 : vector<16xi32> to vector<1x16xi32>
            tpu.vector_store %arg7[%swap3A_90, %swap3A_91], %swap3A_94 {strides = array<i32>} : memref<112x128xi32, #tpu.memory_space<vmem>>, vector<1x16xi32>,
            %scan3A_95 = arith.constant 0 : i32
            scf.yield %scan3A_95 : i32
          }
          %scan3A_65 = arith.constant 8 : i32
          %scan3A_66 = arith.constant 0 : i32
          scf.yield %scan3A_66 : i32
        }
        %scan3A_48 = arith.constant 112 : i32
        %scan3A_49 = arith.constant 0 : i32
        %scan3A_50 = arith.constant 0 : i32
        %scan3A_51 = arith.constant 112 : i32
        %scan3A_52 = arith.addi %scan3A_50, %scan3A_51 : i32
        %scan3A_53 = arith.constant 1 : i32
        %scan3A_54 = scf.for %scan3A_57 = %scan3A_50 to %scan3A_52 step %scan3A_53 iter_args(%scan3A_58 = %scan3A_49) -> (i32)  : i32 {
          %dma_start3A = arith.constant 0 : i32
          %dma_start3A_59 = tpu.memref_slice %arg6[%scan3A_57, %dma_start3A] : memref<112x128xi32, #tpu.memory_space<vmem>> -> memref<1x128xi32, #tpu.memory_space<vmem>>
          %dma_start3A_60 = tpu.memref_squeeze %dma_start3A_59 : memref<1x128xi32, #tpu.memory_space<vmem>> -> memref<128xi32, #tpu.memory_space<vmem>>
          %dma_start3A_61 = arith.constant 0 : i32
          %dma_start3A_62 = arith.constant 0 : i32
          %dma_start3A_63 = tpu.memref_slice %arg2[%dma_start3A_61, %dma_start3A_62] : memref<100000x128xf32, #tpu.memory_space<hbm>> -> memref<100000x128xf32, #tpu.memory_space<hbm>>
          tpu.enqueue_indirect_dma source(%dma_start3A_63 : memref<100000x128xf32, #tpu.memory_space<hbm>>) target(%arg8 : memref<128x128xf32, #tpu.memory_space<vmem>>) offsets(%dma_start3A_60 : memref<128xi32, #tpu.memory_space<vmem>>) semaphore(%arg10 : memref<!tpu.dma_semaphore, #tpu.memory_space<semaphore_mem>>)
          %dma_wait3A = arith.constant 0 : i32
          %dma_wait3A_64 = tpu.memref_slice %arg6[%scan3A_57, %dma_wait3A] : memref<112x128xi32, #tpu.memory_space<vmem>> -> memref<1x128xi32, #tpu.memory_space<vmem>>
          %dma_wait3A_65 = tpu.memref_squeeze %dma_wait3A_64 : memref<1x128xi32, #tpu.memory_space<vmem>> -> memref<128xi32, #tpu.memory_space<vmem>>
          %dma_wait3A_66 = arith.constant 0 : i32
          %dma_wait3A_67 = arith.constant 0 : i32
          %dma_wait3A_68 = tpu.memref_slice %arg2[%dma_wait3A_66, %dma_wait3A_67] : memref<100000x128xf32, #tpu.memory_space<hbm>> -> memref<100000x128xf32, #tpu.memory_space<hbm>>
          tpu.wait_indirect_dma semaphore(%arg10 : memref<!tpu.dma_semaphore, #tpu.memory_space<semaphore_mem>>) src(%dma_wait3A_68 : memref<100000x128xf32, #tpu.memory_space<hbm>>) dst(%arg8 : memref<128x128xf32, #tpu.memory_space<vmem>>)
          "tpu.region"() ({
            %run_scoped3A = tpu.sem_alloc : memref<!tpu.dma_semaphore, #tpu.memory_space<semaphore_mem>>
            %dma_start3A_70 = arith.constant 0 : i32
            %dma_start3A_71 = tpu.memref_slice %arg7[%scan3A_57, %dma_start3A_70] : memref<112x128xi32, #tpu.memory_space<vmem>> -> memref<1x128xi32, #tpu.memory_space<vmem>>
            %dma_start3A_72 = tpu.memref_squeeze %dma_start3A_71 : memref<1x128xi32, #tpu.memory_space<vmem>> -> memref<128xi32, #tpu.memory_space<vmem>>
            %dma_start3A_73 = arith.constant 0 : i32
            %dma_start3A_74 = arith.constant 0 : i32
            %dma_start3A_75 = tpu.memref_slice %arg9[%dma_start3A_73, %dma_start3A_74] : memref<3208x128xf32, #tpu.memory_space<vmem_shared>> -> memref<3208x128xf32, #tpu.memory_space<vmem_shared>>
            tpu.enqueue_indirect_dma source(%arg8 : memref<128x128xf32, #tpu.memory_space<vmem>>) target(%dma_start3A_75 : memref<3208x128xf32, #tpu.memory_space<vmem_shared>>) offsets(%dma_start3A_72 : memref<128xi32, #tpu.memory_space<vmem>>) semaphore(%run_scoped3A : memref<!tpu.dma_semaphore, #tpu.memory_space<semaphore_mem>>) {add = true}
            %dma_wait3A_76 = arith.constant 0 : i32
            %dma_wait3A_77 = tpu.memref_slice %arg7[%scan3A_57, %dma_wait3A_76] : memref<112x128xi32, #tpu.memory_space<vmem>> -> memref<1x128xi32, #tpu.memory_space<vmem>>
            %dma_wait3A_78 = tpu.memref_squeeze %dma_wait3A_77 : memref<1x128xi32, #tpu.memory_space<vmem>> -> memref<128xi32, #tpu.memory_space<vmem>>
            %dma_wait3A_79 = arith.constant 0 : i32
            %dma_wait3A_80 = arith.constant 0 : i32
            %dma_wait3A_81 = tpu.memref_slice %arg9[%dma_wait3A_79, %dma_wait3A_80] : memref<3208x128xf32, #tpu.memory_space<vmem_shared>> -> memref<3208x128xf32, #tpu.memory_space<vmem_shared>>
            tpu.wait_indirect_dma semaphore(%run_scoped3A : memref<!tpu.dma_semaphore, #tpu.memory_space<semaphore_mem>>) src(%arg8 : memref<128x128xf32, #tpu.memory_space<vmem>>) dst(%dma_wait3A_81 : memref<3208x128xf32, #tpu.memory_space<vmem_shared>>)
            tpu.yield
          }) : () -> ()
          %scan3A_69 = arith.constant 0 : i32
          scf.yield %scan3A_69 : i32
        }
        %scan3A_55 = arith.constant 112 : i32
        %scan3A_56 = arith.constant 0 : i32
        scf.yield %scan3A_56 : i32
      }
      %scan3A_24 = arith.constant 7 : i32
      %barrier3A_25 = arith.constant 0 : index
      tpu.barrier barrier_id(%barrier3A_25)
      %add3A_26 = arith.constant 200 : i32
      %add3A_27 = arith.addi %add3A_13, %add3A_26 : i32
      %le3A_28 = arith.constant 100000 : i32
      %le3A_29 = arith.cmpi sle, %add3A_27, %le3A_28 : i32
      %convert_element_type3A_30 = arith.extui %le3A_29 : i1 to i32
      %cond3A_31 = arith.constant 0 : i32
      %cond3A_32 = arith.cmpi ne, %convert_element_type3A_30, %cond3A_31 : i32
      scf.if %cond3A_32 {
        %mul3A_35 = arith.constant 200 : i32
        %mul3A_36 = arith.muli %arg1, %mul3A_35 : i32
        "tpu.region"() ({
          %run_scoped3A = tpu.sem_alloc : memref<!tpu.dma_semaphore, #tpu.memory_space<semaphore_mem>>
          %dma_start3A = arith.constant 0 : i32
          %dma_start3A_37 = tpu.memref_slice %arg5[%add3A_13, %dma_start3A] : memref<100000x128xf32, #tpu.memory_space<hbm>> -> memref<200x128xf32, #tpu.memory_space<hbm>>
          %dma_start3A_38 = arith.constant 0 : i32
          %dma_start3A_39 = tpu.memref_slice %arg9[%mul3A_36, %dma_start3A_38] : memref<3208x128xf32, #tpu.memory_space<vmem_shared>> -> memref<200x128xf32, #tpu.memory_space<vmem_shared>>
          tpu.enqueue_dma source(%dma_start3A_39 : memref<200x128xf32, #tpu.memory_space<vmem_shared>>) target(%dma_start3A_37 : memref<200x128xf32, #tpu.memory_space<hbm>>) target_semaphore(%run_scoped3A : memref<!tpu.dma_semaphore, #tpu.memory_space<semaphore_mem>>)
          %dma_wait3A = arith.constant 0 : i32
          %dma_wait3A_40 = tpu.memref_slice %arg5[%add3A_13, %dma_wait3A] : memref<100000x128xf32, #tpu.memory_space<hbm>> -> memref<200x128xf32, #tpu.memory_space<hbm>>
          %dma_wait3A_41 = arith.constant 0 : i32
          %dma_wait3A_42 = tpu.memref_slice %arg9[%mul3A_36, %dma_wait3A_41] : memref<3208x128xf32, #tpu.memory_space<vmem_shared>> -> memref<200x128xf32, #tpu.memory_space<vmem_shared>>
          tpu.wait_dma2 semaphore(%run_scoped3A : memref<!tpu.dma_semaphore, #tpu.memory_space<semaphore_mem>>) src(%dma_wait3A_42 : memref<200x128xf32, #tpu.memory_space<vmem_shared>>) dst(%dma_wait3A_40 : memref<200x128xf32, #tpu.memory_space<hbm>>)
          tpu.yield
        }) : () -> ()
      } else {
      }
      %barrier3A_33 = arith.constant 0 : index
      tpu.barrier barrier_id(%barrier3A_33)
      %scan3A_34 = arith.constant 0 : i32
      scf.yield %scan3A_34 : i32
    }
    %scan3A_5 = arith.constant 16 : i32
    return
  }
}

#map = affine_map<(d0, d1) -> (0, 0)>
module attributes {stable_mosaic.version = 14 : i64} {
  func.func @_sc_fast_body(%arg0: i32, %arg1: i32, %arg2: memref<100000x128xf32, #tpu.memory_space<hbm>>, %arg3: memref<12800x125xi32, #tpu.memory_space<hbm>>, %arg4: memref<12800x125xi32, #tpu.memory_space<hbm>>, %arg5: memref<100000x128xf32, #tpu.memory_space<hbm>>, %arg6: memref<40x125xi32, #tpu.memory_space<vmem>>, %arg7: memref<40x125xi32, #tpu.memory_space<vmem>>, %arg8: memref<125x128xf32, #tpu.memory_space<vmem>>, %arg9: memref<125x128xf32, #tpu.memory_space<vmem>>, %arg10: memref<10000x128xf32, #tpu.memory_space<vmem_shared>>, %arg11: memref<!tpu.dma_semaphore, #tpu.memory_space<semaphore_mem>>, %arg12: memref<!tpu.dma_semaphore, #tpu.memory_space<semaphore_mem>>) attributes {dimension_semantics = [#tpu.dimension_semantics<core_parallel>, #tpu.dimension_semantics<subcore_parallel>], iteration_bounds = array<i64: 2, 16>, scalar_prefetch = 0 : i64, scratch_operands = 7 : i64, tpu.core_type = #tpu.core_type<sc_vector_subcore>, window_params = [{transform_indices = #map}, {transform_indices = #map}, {transform_indices = #map}, {transform_indices = #map}]} {
    %scan3A = arith.constant 0 : i32
    %scan3A_0 = arith.constant 0 : i32
    %scan3A_1 = arith.constant 5 : i32
    %scan3A_2 = arith.addi %scan3A_0, %scan3A_1 : i32
    %scan3A_3 = arith.constant 1 : i32
    %scan3A_4 = scf.for %scan3A_6 = %scan3A_0 to %scan3A_2 step %scan3A_3 iter_args(%scan3A_7 = %scan3A) -> (i32)  : i32 {
      %mul3A = arith.constant 2 : i32
      %mul3A_8 = arith.muli %scan3A_6, %mul3A : i32
      %add3A = arith.addi %mul3A_8, %arg0 : i32
      %mul3A_9 = arith.constant 10000 : i32
      %mul3A_10 = arith.muli %add3A, %mul3A_9 : i32
      %lt3A = arith.constant 15 : i32
      %lt3A_11 = arith.cmpi slt, %arg1, %lt3A : i32
      %convert_element_type3A = arith.extui %lt3A_11 : i1 to i32
      %cond3A = arith.constant 0 : i32
      %cond3A_12 = arith.cmpi ne, %convert_element_type3A, %cond3A : i32
      scf.if %cond3A_12 {
        %mul3A_41 = arith.constant 624 : i32
        %mul3A_42 = arith.muli %arg1, %mul3A_41 : i32
        %add3A_43 = arith.addi %mul3A_10, %mul3A_42 : i32
        %mul3A_44 = arith.constant 624 : i32
        %mul3A_45 = arith.muli %arg1, %mul3A_44 : i32
        "tpu.region"() ({
          %run_scoped3A = tpu.sem_alloc : memref<!tpu.dma_semaphore, #tpu.memory_space<semaphore_mem>>
          %dma_start3A = arith.constant 0 : i32
          %dma_start3A_46 = tpu.memref_slice %arg10[%mul3A_45, %dma_start3A] : memref<10000x128xf32, #tpu.memory_space<vmem_shared>> -> memref<624x128xf32, #tpu.memory_space<vmem_shared>>
          %dma_start3A_47 = arith.constant 0 : i32
          %dma_start3A_48 = tpu.memref_slice %arg2[%add3A_43, %dma_start3A_47] : memref<100000x128xf32, #tpu.memory_space<hbm>> -> memref<624x128xf32, #tpu.memory_space<hbm>>
          tpu.enqueue_dma source(%dma_start3A_48 : memref<624x128xf32, #tpu.memory_space<hbm>>) target(%dma_start3A_46 : memref<624x128xf32, #tpu.memory_space<vmem_shared>>) target_semaphore(%run_scoped3A : memref<!tpu.dma_semaphore, #tpu.memory_space<semaphore_mem>>)
          %dma_wait3A = arith.constant 0 : i32
          %dma_wait3A_49 = tpu.memref_slice %arg10[%mul3A_45, %dma_wait3A] : memref<10000x128xf32, #tpu.memory_space<vmem_shared>> -> memref<624x128xf32, #tpu.memory_space<vmem_shared>>
          %dma_wait3A_50 = arith.constant 0 : i32
          %dma_wait3A_51 = tpu.memref_slice %arg2[%add3A_43, %dma_wait3A_50] : memref<100000x128xf32, #tpu.memory_space<hbm>> -> memref<624x128xf32, #tpu.memory_space<hbm>>
          tpu.wait_dma2 semaphore(%run_scoped3A : memref<!tpu.dma_semaphore, #tpu.memory_space<semaphore_mem>>) src(%dma_wait3A_51 : memref<624x128xf32, #tpu.memory_space<hbm>>) dst(%dma_wait3A_49 : memref<624x128xf32, #tpu.memory_space<vmem_shared>>)
          tpu.yield
        }) : () -> ()
      } else {
      }
      %eq3A = arith.constant 15 : i32
      %eq3A_13 = arith.cmpi eq, %arg1, %eq3A : i32
      %convert_element_type3A_14 = arith.extui %eq3A_13 : i1 to i32
      %cond3A_15 = arith.constant 0 : i32
      %cond3A_16 = arith.cmpi ne, %convert_element_type3A_14, %cond3A_15 : i32
      scf.if %cond3A_16 {
        %add3A_41 = arith.constant 9360 : i32
        %add3A_42 = arith.addi %mul3A_10, %add3A_41 : i32
        "tpu.region"() ({
          %run_scoped3A = tpu.sem_alloc : memref<!tpu.dma_semaphore, #tpu.memory_space<semaphore_mem>>
          %dma_start3A = arith.constant 9360 : i32
          %dma_start3A_43 = arith.constant 0 : i32
          %dma_start3A_44 = tpu.memref_slice %arg10[%dma_start3A, %dma_start3A_43] : memref<10000x128xf32, #tpu.memory_space<vmem_shared>> -> memref<640x128xf32, #tpu.memory_space<vmem_shared>>
          %dma_start3A_45 = arith.constant 0 : i32
          %dma_start3A_46 = tpu.memref_slice %arg2[%add3A_42, %dma_start3A_45] : memref<100000x128xf32, #tpu.memory_space<hbm>> -> memref<640x128xf32, #tpu.memory_space<hbm>>
          tpu.enqueue_dma source(%dma_start3A_46 : memref<640x128xf32, #tpu.memory_space<hbm>>) target(%dma_start3A_44 : memref<640x128xf32, #tpu.memory_space<vmem_shared>>) target_semaphore(%run_scoped3A : memref<!tpu.dma_semaphore, #tpu.memory_space<semaphore_mem>>)
          %dma_wait3A = arith.constant 9360 : i32
          %dma_wait3A_47 = arith.constant 0 : i32
          %dma_wait3A_48 = tpu.memref_slice %arg10[%dma_wait3A, %dma_wait3A_47] : memref<10000x128xf32, #tpu.memory_space<vmem_shared>> -> memref<640x128xf32, #tpu.memory_space<vmem_shared>>
          %dma_wait3A_49 = arith.constant 0 : i32
          %dma_wait3A_50 = tpu.memref_slice %arg2[%add3A_42, %dma_wait3A_49] : memref<100000x128xf32, #tpu.memory_space<hbm>> -> memref<640x128xf32, #tpu.memory_space<hbm>>
          tpu.wait_dma2 semaphore(%run_scoped3A : memref<!tpu.dma_semaphore, #tpu.memory_space<semaphore_mem>>) src(%dma_wait3A_50 : memref<640x128xf32, #tpu.memory_space<hbm>>) dst(%dma_wait3A_48 : memref<640x128xf32, #tpu.memory_space<vmem_shared>>)
          tpu.yield
        }) : () -> ()
      } else {
      }
      %barrier3A = arith.constant 0 : index
      tpu.barrier barrier_id(%barrier3A)
      %mul3A_17 = arith.constant 1280 : i32
      %mul3A_18 = arith.muli %add3A, %mul3A_17 : i32
      %mul3A_19 = arith.constant 80 : i32
      %mul3A_20 = arith.muli %arg1, %mul3A_19 : i32
      %add3A_21 = arith.addi %mul3A_18, %mul3A_20 : i32
      %scan3A_22 = arith.constant 0 : i32
      %scan3A_23 = arith.constant 0 : i32
      %scan3A_24 = arith.constant 2 : i32
      %scan3A_25 = arith.addi %scan3A_23, %scan3A_24 : i32
      %scan3A_26 = arith.constant 1 : i32
      %scan3A_27 = scf.for %scan3A_41 = %scan3A_23 to %scan3A_25 step %scan3A_26 iter_args(%scan3A_42 = %scan3A_22) -> (i32)  : i32 {
        %mul3A_43 = arith.constant 40 : i32
        %mul3A_44 = arith.muli %scan3A_41, %mul3A_43 : i32
        %add3A_45 = arith.addi %add3A_21, %mul3A_44 : i32
        "tpu.region"() ({
          %run_scoped3A = tpu.sem_alloc : memref<!tpu.dma_semaphore, #tpu.memory_space<semaphore_mem>>
          %dma_start3A_63 = arith.constant 0 : i32
          %dma_start3A_64 = tpu.memref_slice %arg3[%add3A_45, %dma_start3A_63] : memref<12800x125xi32, #tpu.memory_space<hbm>> -> memref<40x125xi32, #tpu.memory_space<hbm>>
          %dma_start3A_65 = arith.constant 0 : i32
          %dma_start3A_66 = tpu.memref_slice %arg3[%add3A_45, %dma_start3A_65] : memref<12800x125xi32, #tpu.memory_space<hbm>> -> memref<40x125xi32, #tpu.memory_space<hbm>>
          tpu.enqueue_dma source(%dma_start3A_66 : memref<40x125xi32, #tpu.memory_space<hbm>>) target(%arg6 : memref<40x125xi32, #tpu.memory_space<vmem>>) target_semaphore(%run_scoped3A : memref<!tpu.dma_semaphore, #tpu.memory_space<semaphore_mem>>)
          %dma_wait3A = arith.constant 0 : i32
          %dma_wait3A_67 = tpu.memref_slice %arg3[%add3A_45, %dma_wait3A] : memref<12800x125xi32, #tpu.memory_space<hbm>> -> memref<40x125xi32, #tpu.memory_space<hbm>>
          %dma_wait3A_68 = arith.constant 0 : i32
          %dma_wait3A_69 = tpu.memref_slice %arg3[%add3A_45, %dma_wait3A_68] : memref<12800x125xi32, #tpu.memory_space<hbm>> -> memref<40x125xi32, #tpu.memory_space<hbm>>
          tpu.wait_dma2 semaphore(%run_scoped3A : memref<!tpu.dma_semaphore, #tpu.memory_space<semaphore_mem>>) src(%dma_wait3A_69 : memref<40x125xi32, #tpu.memory_space<hbm>>) dst(%arg6 : memref<40x125xi32, #tpu.memory_space<vmem>>)
          tpu.yield
        }) : () -> ()
        %mul3A_46 = arith.constant 40 : i32
        %mul3A_47 = arith.muli %scan3A_41, %mul3A_46 : i32
        %add3A_48 = arith.addi %add3A_21, %mul3A_47 : i32
        "tpu.region"() ({
          %run_scoped3A = tpu.sem_alloc : memref<!tpu.dma_semaphore, #tpu.memory_space<semaphore_mem>>
          %dma_start3A_63 = arith.constant 0 : i32
          %dma_start3A_64 = tpu.memref_slice %arg4[%add3A_48, %dma_start3A_63] : memref<12800x125xi32, #tpu.memory_space<hbm>> -> memref<40x125xi32, #tpu.memory_space<hbm>>
          %dma_start3A_65 = arith.constant 0 : i32
          %dma_start3A_66 = tpu.memref_slice %arg4[%add3A_48, %dma_start3A_65] : memref<12800x125xi32, #tpu.memory_space<hbm>> -> memref<40x125xi32, #tpu.memory_space<hbm>>
          tpu.enqueue_dma source(%dma_start3A_66 : memref<40x125xi32, #tpu.memory_space<hbm>>) target(%arg7 : memref<40x125xi32, #tpu.memory_space<vmem>>) target_semaphore(%run_scoped3A : memref<!tpu.dma_semaphore, #tpu.memory_space<semaphore_mem>>)
          %dma_wait3A = arith.constant 0 : i32
          %dma_wait3A_67 = tpu.memref_slice %arg4[%add3A_48, %dma_wait3A] : memref<12800x125xi32, #tpu.memory_space<hbm>> -> memref<40x125xi32, #tpu.memory_space<hbm>>
          %dma_wait3A_68 = arith.constant 0 : i32
          %dma_wait3A_69 = tpu.memref_slice %arg4[%add3A_48, %dma_wait3A_68] : memref<12800x125xi32, #tpu.memory_space<hbm>> -> memref<40x125xi32, #tpu.memory_space<hbm>>
          tpu.wait_dma2 semaphore(%run_scoped3A : memref<!tpu.dma_semaphore, #tpu.memory_space<semaphore_mem>>) src(%dma_wait3A_69 : memref<40x125xi32, #tpu.memory_space<hbm>>) dst(%arg7 : memref<40x125xi32, #tpu.memory_space<vmem>>)
          tpu.yield
        }) : () -> ()
        %dma_start3A = arith.constant 0 : i32
        %dma_start3A_49 = arith.constant 0 : i32
        %dma_start3A_50 = tpu.memref_slice %arg6[%dma_start3A, %dma_start3A_49] : memref<40x125xi32, #tpu.memory_space<vmem>> -> memref<1x125xi32, #tpu.memory_space<vmem>>
        %dma_start3A_51 = tpu.memref_squeeze %dma_start3A_50 : memref<1x125xi32, #tpu.memory_space<vmem>> -> memref<125xi32, #tpu.memory_space<vmem>>
        %dma_start3A_52 = arith.constant 0 : i32
        %dma_start3A_53 = arith.constant 0 : i32
        %dma_start3A_54 = tpu.memref_slice %arg2[%dma_start3A_52, %dma_start3A_53] : memref<100000x128xf32, #tpu.memory_space<hbm>> -> memref<100000x128xf32, #tpu.memory_space<hbm>>
        tpu.enqueue_indirect_dma source(%dma_start3A_54 : memref<100000x128xf32, #tpu.memory_space<hbm>>) target(%arg8 : memref<125x128xf32, #tpu.memory_space<vmem>>) offsets(%dma_start3A_51 : memref<125xi32, #tpu.memory_space<vmem>>) semaphore(%arg11 : memref<!tpu.dma_semaphore, #tpu.memory_space<semaphore_mem>>)
        %scan3A_55 = arith.constant 0 : i32
        %scan3A_56 = arith.constant 0 : i32
        %scan3A_57 = arith.constant 20 : i32
        %scan3A_58 = arith.addi %scan3A_56, %scan3A_57 : i32
        %scan3A_59 = arith.constant 1 : i32
        %scan3A_60 = scf.for %scan3A_63 = %scan3A_56 to %scan3A_58 step %scan3A_59 iter_args(%scan3A_64 = %scan3A_55) -> (i32)  : i32 {
          %mul3A_65 = arith.constant 2 : i32
          %mul3A_66 = arith.muli %mul3A_65, %scan3A_63 : i32
          %add3A_67 = arith.constant 1 : i32
          %add3A_68 = arith.addi %mul3A_66, %add3A_67 : i32
          %dma_start3A_69 = arith.constant 0 : i32
          %dma_start3A_70 = tpu.memref_slice %arg6[%add3A_68, %dma_start3A_69] : memref<40x125xi32, #tpu.memory_space<vmem>> -> memref<1x125xi32, #tpu.memory_space<vmem>>
          %dma_start3A_71 = tpu.memref_squeeze %dma_start3A_70 : memref<1x125xi32, #tpu.memory_space<vmem>> -> memref<125xi32, #tpu.memory_space<vmem>>
          %dma_start3A_72 = arith.constant 0 : i32
          %dma_start3A_73 = arith.constant 0 : i32
          %dma_start3A_74 = tpu.memref_slice %arg2[%dma_start3A_72, %dma_start3A_73] : memref<100000x128xf32, #tpu.memory_space<hbm>> -> memref<100000x128xf32, #tpu.memory_space<hbm>>
          tpu.enqueue_indirect_dma source(%dma_start3A_74 : memref<100000x128xf32, #tpu.memory_space<hbm>>) target(%arg9 : memref<125x128xf32, #tpu.memory_space<vmem>>) offsets(%dma_start3A_71 : memref<125xi32, #tpu.memory_space<vmem>>) semaphore(%arg12 : memref<!tpu.dma_semaphore, #tpu.memory_space<semaphore_mem>>)
          %dma_wait3A = arith.constant 0 : i32
          %dma_wait3A_75 = tpu.memref_slice %arg6[%mul3A_66, %dma_wait3A] : memref<40x125xi32, #tpu.memory_space<vmem>> -> memref<1x125xi32, #tpu.memory_space<vmem>>
          %dma_wait3A_76 = tpu.memref_squeeze %dma_wait3A_75 : memref<1x125xi32, #tpu.memory_space<vmem>> -> memref<125xi32, #tpu.memory_space<vmem>>
          %dma_wait3A_77 = arith.constant 0 : i32
          %dma_wait3A_78 = arith.constant 0 : i32
          %dma_wait3A_79 = tpu.memref_slice %arg2[%dma_wait3A_77, %dma_wait3A_78] : memref<100000x128xf32, #tpu.memory_space<hbm>> -> memref<100000x128xf32, #tpu.memory_space<hbm>>
          tpu.wait_indirect_dma semaphore(%arg11 : memref<!tpu.dma_semaphore, #tpu.memory_space<semaphore_mem>>) src(%dma_wait3A_79 : memref<100000x128xf32, #tpu.memory_space<hbm>>) dst(%arg8 : memref<125x128xf32, #tpu.memory_space<vmem>>)
          "tpu.region"() ({
            %run_scoped3A = tpu.sem_alloc : memref<!tpu.dma_semaphore, #tpu.memory_space<semaphore_mem>>
            %dma_start3A_98 = arith.constant 0 : i32
            %dma_start3A_99 = tpu.memref_slice %arg7[%mul3A_66, %dma_start3A_98] : memref<40x125xi32, #tpu.memory_space<vmem>> -> memref<1x125xi32, #tpu.memory_space<vmem>>
            %dma_start3A_100 = tpu.memref_squeeze %dma_start3A_99 : memref<1x125xi32, #tpu.memory_space<vmem>> -> memref<125xi32, #tpu.memory_space<vmem>>
            %dma_start3A_101 = arith.constant 0 : i32
            %dma_start3A_102 = arith.constant 0 : i32
            %dma_start3A_103 = tpu.memref_slice %arg10[%dma_start3A_101, %dma_start3A_102] : memref<10000x128xf32, #tpu.memory_space<vmem_shared>> -> memref<10000x128xf32, #tpu.memory_space<vmem_shared>>
            tpu.enqueue_indirect_dma source(%arg8 : memref<125x128xf32, #tpu.memory_space<vmem>>) target(%dma_start3A_103 : memref<10000x128xf32, #tpu.memory_space<vmem_shared>>) offsets(%dma_start3A_100 : memref<125xi32, #tpu.memory_space<vmem>>) semaphore(%run_scoped3A : memref<!tpu.dma_semaphore, #tpu.memory_space<semaphore_mem>>) {add = true}
            %dma_wait3A_104 = arith.constant 0 : i32
            %dma_wait3A_105 = tpu.memref_slice %arg7[%mul3A_66, %dma_wait3A_104] : memref<40x125xi32, #tpu.memory_space<vmem>> -> memref<1x125xi32, #tpu.memory_space<vmem>>
            %dma_wait3A_106 = tpu.memref_squeeze %dma_wait3A_105 : memref<1x125xi32, #tpu.memory_space<vmem>> -> memref<125xi32, #tpu.memory_space<vmem>>
            %dma_wait3A_107 = arith.constant 0 : i32
            %dma_wait3A_108 = arith.constant 0 : i32
            %dma_wait3A_109 = tpu.memref_slice %arg10[%dma_wait3A_107, %dma_wait3A_108] : memref<10000x128xf32, #tpu.memory_space<vmem_shared>> -> memref<10000x128xf32, #tpu.memory_space<vmem_shared>>
            tpu.wait_indirect_dma semaphore(%run_scoped3A : memref<!tpu.dma_semaphore, #tpu.memory_space<semaphore_mem>>) src(%arg8 : memref<125x128xf32, #tpu.memory_space<vmem>>) dst(%dma_wait3A_109 : memref<10000x128xf32, #tpu.memory_space<vmem_shared>>)
            tpu.yield
          }) : () -> ()
          %add3A_80 = arith.constant 2 : i32
          %add3A_81 = arith.addi %mul3A_66, %add3A_80 : i32
          %lt3A_82 = arith.constant 40 : i32
          %lt3A_83 = arith.cmpi slt, %add3A_81, %lt3A_82 : i32
          %convert_element_type3A_84 = arith.extui %lt3A_83 : i1 to i32
          %cond3A_85 = arith.constant 0 : i32
          %cond3A_86 = arith.cmpi ne, %convert_element_type3A_84, %cond3A_85 : i32
          scf.if %cond3A_86 {
            %add3A_98 = arith.constant 2 : i32
            %add3A_99 = arith.addi %mul3A_66, %add3A_98 : i32
            %dma_start3A_100 = arith.constant 0 : i32
            %dma_start3A_101 = tpu.memref_slice %arg6[%add3A_99, %dma_start3A_100] : memref<40x125xi32, #tpu.memory_space<vmem>> -> memref<1x125xi32, #tpu.memory_space<vmem>>
            %dma_start3A_102 = tpu.memref_squeeze %dma_start3A_101 : memref<1x125xi32, #tpu.memory_space<vmem>> -> memref<125xi32, #tpu.memory_space<vmem>>
            %dma_start3A_103 = arith.constant 0 : i32
            %dma_start3A_104 = arith.constant 0 : i32
            %dma_start3A_105 = tpu.memref_slice %arg2[%dma_start3A_103, %dma_start3A_104] : memref<100000x128xf32, #tpu.memory_space<hbm>> -> memref<100000x128xf32, #tpu.memory_space<hbm>>
            tpu.enqueue_indirect_dma source(%dma_start3A_105 : memref<100000x128xf32, #tpu.memory_space<hbm>>) target(%arg8 : memref<125x128xf32, #tpu.memory_space<vmem>>) offsets(%dma_start3A_102 : memref<125xi32, #tpu.memory_space<vmem>>) semaphore(%arg11 : memref<!tpu.dma_semaphore, #tpu.memory_space<semaphore_mem>>)
          } else {
          }
          %add3A_87 = arith.constant 1 : i32
          %add3A_88 = arith.addi %mul3A_66, %add3A_87 : i32
          %dma_wait3A_89 = arith.constant 0 : i32
          %dma_wait3A_90 = tpu.memref_slice %arg6[%add3A_88, %dma_wait3A_89] : memref<40x125xi32, #tpu.memory_space<vmem>> -> memref<1x125xi32, #tpu.memory_space<vmem>>
          %dma_wait3A_91 = tpu.memref_squeeze %dma_wait3A_90 : memref<1x125xi32, #tpu.memory_space<vmem>> -> memref<125xi32, #tpu.memory_space<vmem>>
          %dma_wait3A_92 = arith.constant 0 : i32
          %dma_wait3A_93 = arith.constant 0 : i32
          %dma_wait3A_94 = tpu.memref_slice %arg2[%dma_wait3A_92, %dma_wait3A_93] : memref<100000x128xf32, #tpu.memory_space<hbm>> -> memref<100000x128xf32, #tpu.memory_space<hbm>>
          tpu.wait_indirect_dma semaphore(%arg12 : memref<!tpu.dma_semaphore, #tpu.memory_space<semaphore_mem>>) src(%dma_wait3A_94 : memref<100000x128xf32, #tpu.memory_space<hbm>>) dst(%arg9 : memref<125x128xf32, #tpu.memory_space<vmem>>)
          %add3A_95 = arith.constant 1 : i32
          %add3A_96 = arith.addi %mul3A_66, %add3A_95 : i32
          "tpu.region"() ({
            %run_scoped3A = tpu.sem_alloc : memref<!tpu.dma_semaphore, #tpu.memory_space<semaphore_mem>>
            %dma_start3A_98 = arith.constant 0 : i32
            %dma_start3A_99 = tpu.memref_slice %arg7[%add3A_96, %dma_start3A_98] : memref<40x125xi32, #tpu.memory_space<vmem>> -> memref<1x125xi32, #tpu.memory_space<vmem>>
            %dma_start3A_100 = tpu.memref_squeeze %dma_start3A_99 : memref<1x125xi32, #tpu.memory_space<vmem>> -> memref<125xi32, #tpu.memory_space<vmem>>
            %dma_start3A_101 = arith.constant 0 : i32
            %dma_start3A_102 = arith.constant 0 : i32
            %dma_start3A_103 = tpu.memref_slice %arg10[%dma_start3A_101, %dma_start3A_102] : memref<10000x128xf32, #tpu.memory_space<vmem_shared>> -> memref<10000x128xf32, #tpu.memory_space<vmem_shared>>
            tpu.enqueue_indirect_dma source(%arg9 : memref<125x128xf32, #tpu.memory_space<vmem>>) target(%dma_start3A_103 : memref<10000x128xf32, #tpu.memory_space<vmem_shared>>) offsets(%dma_start3A_100 : memref<125xi32, #tpu.memory_space<vmem>>) semaphore(%run_scoped3A : memref<!tpu.dma_semaphore, #tpu.memory_space<semaphore_mem>>) {add = true}
            %dma_wait3A_104 = arith.constant 0 : i32
            %dma_wait3A_105 = tpu.memref_slice %arg7[%add3A_96, %dma_wait3A_104] : memref<40x125xi32, #tpu.memory_space<vmem>> -> memref<1x125xi32, #tpu.memory_space<vmem>>
            %dma_wait3A_106 = tpu.memref_squeeze %dma_wait3A_105 : memref<1x125xi32, #tpu.memory_space<vmem>> -> memref<125xi32, #tpu.memory_space<vmem>>
            %dma_wait3A_107 = arith.constant 0 : i32
            %dma_wait3A_108 = arith.constant 0 : i32
            %dma_wait3A_109 = tpu.memref_slice %arg10[%dma_wait3A_107, %dma_wait3A_108] : memref<10000x128xf32, #tpu.memory_space<vmem_shared>> -> memref<10000x128xf32, #tpu.memory_space<vmem_shared>>
            tpu.wait_indirect_dma semaphore(%run_scoped3A : memref<!tpu.dma_semaphore, #tpu.memory_space<semaphore_mem>>) src(%arg9 : memref<125x128xf32, #tpu.memory_space<vmem>>) dst(%dma_wait3A_109 : memref<10000x128xf32, #tpu.memory_space<vmem_shared>>)
            tpu.yield
          }) : () -> ()
          %scan3A_97 = arith.constant 0 : i32
          scf.yield %scan3A_97 : i32
        }
        %scan3A_61 = arith.constant 20 : i32
        %scan3A_62 = arith.constant 0 : i32
        scf.yield %scan3A_62 : i32
      }
      %scan3A_28 = arith.constant 2 : i32
      %barrier3A_29 = arith.constant 0 : index
      tpu.barrier barrier_id(%barrier3A_29)
      %lt3A_30 = arith.constant 15 : i32
      %lt3A_31 = arith.cmpi slt, %arg1, %lt3A_30 : i32
      %convert_element_type3A_32 = arith.extui %lt3A_31 : i1 to i32
      %cond3A_33 = arith.constant 0 : i32
      %cond3A_34 = arith.cmpi ne, %convert_element_type3A_32, %cond3A_33 : i32
      scf.if %cond3A_34 {
        %mul3A_41 = arith.constant 624 : i32
        %mul3A_42 = arith.muli %arg1, %mul3A_41 : i32
        %mul3A_43 = arith.constant 624 : i32
        %mul3A_44 = arith.muli %arg1, %mul3A_43 : i32
        %add3A_45 = arith.addi %mul3A_10, %mul3A_44 : i32
        "tpu.region"() ({
          %run_scoped3A = tpu.sem_alloc : memref<!tpu.dma_semaphore, #tpu.memory_space<semaphore_mem>>
          %dma_start3A = arith.constant 0 : i32
          %dma_start3A_46 = tpu.memref_slice %arg5[%add3A_45, %dma_start3A] : memref<100000x128xf32, #tpu.memory_space<hbm>> -> memref<624x128xf32, #tpu.memory_space<hbm>>
          %dma_start3A_47 = arith.constant 0 : i32
          %dma_start3A_48 = tpu.memref_slice %arg10[%mul3A_42, %dma_start3A_47] : memref<10000x128xf32, #tpu.memory_space<vmem_shared>> -> memref<624x128xf32, #tpu.memory_space<vmem_shared>>
          tpu.enqueue_dma source(%dma_start3A_48 : memref<624x128xf32, #tpu.memory_space<vmem_shared>>) target(%dma_start3A_46 : memref<624x128xf32, #tpu.memory_space<hbm>>) target_semaphore(%run_scoped3A : memref<!tpu.dma_semaphore, #tpu.memory_space<semaphore_mem>>)
          %dma_wait3A = arith.constant 0 : i32
          %dma_wait3A_49 = tpu.memref_slice %arg5[%add3A_45, %dma_wait3A] : memref<100000x128xf32, #tpu.memory_space<hbm>> -> memref<624x128xf32, #tpu.memory_space<hbm>>
          %dma_wait3A_50 = arith.constant 0 : i32
          %dma_wait3A_51 = tpu.memref_slice %arg10[%mul3A_42, %dma_wait3A_50] : memref<10000x128xf32, #tpu.memory_space<vmem_shared>> -> memref<624x128xf32, #tpu.memory_space<vmem_shared>>
          tpu.wait_dma2 semaphore(%run_scoped3A : memref<!tpu.dma_semaphore, #tpu.memory_space<semaphore_mem>>) src(%dma_wait3A_51 : memref<624x128xf32, #tpu.memory_space<vmem_shared>>) dst(%dma_wait3A_49 : memref<624x128xf32, #tpu.memory_space<hbm>>)
          tpu.yield
        }) : () -> ()
      } else {
      }
      %eq3A_35 = arith.constant 15 : i32
      %eq3A_36 = arith.cmpi eq, %arg1, %eq3A_35 : i32
      %convert_element_type3A_37 = arith.extui %eq3A_36 : i1 to i32
      %cond3A_38 = arith.constant 0 : i32
      %cond3A_39 = arith.cmpi ne, %convert_element_type3A_37, %cond3A_38 : i32
      scf.if %cond3A_39 {
        %add3A_41 = arith.constant 9360 : i32
        %add3A_42 = arith.addi %mul3A_10, %add3A_41 : i32
        "tpu.region"() ({
          %run_scoped3A = tpu.sem_alloc : memref<!tpu.dma_semaphore, #tpu.memory_space<semaphore_mem>>
          %dma_start3A = arith.constant 0 : i32
          %dma_start3A_43 = tpu.memref_slice %arg5[%add3A_42, %dma_start3A] : memref<100000x128xf32, #tpu.memory_space<hbm>> -> memref<640x128xf32, #tpu.memory_space<hbm>>
          %dma_start3A_44 = arith.constant 9360 : i32
          %dma_start3A_45 = arith.constant 0 : i32
          %dma_start3A_46 = tpu.memref_slice %arg10[%dma_start3A_44, %dma_start3A_45] : memref<10000x128xf32, #tpu.memory_space<vmem_shared>> -> memref<640x128xf32, #tpu.memory_space<vmem_shared>>
          tpu.enqueue_dma source(%dma_start3A_46 : memref<640x128xf32, #tpu.memory_space<vmem_shared>>) target(%dma_start3A_43 : memref<640x128xf32, #tpu.memory_space<hbm>>) target_semaphore(%run_scoped3A : memref<!tpu.dma_semaphore, #tpu.memory_space<semaphore_mem>>)
          %dma_wait3A = arith.constant 0 : i32
          %dma_wait3A_47 = tpu.memref_slice %arg5[%add3A_42, %dma_wait3A] : memref<100000x128xf32, #tpu.memory_space<hbm>> -> memref<640x128xf32, #tpu.memory_space<hbm>>
          %dma_wait3A_48 = arith.constant 9360 : i32
          %dma_wait3A_49 = arith.constant 0 : i32
          %dma_wait3A_50 = tpu.memref_slice %arg10[%dma_wait3A_48, %dma_wait3A_49] : memref<10000x128xf32, #tpu.memory_space<vmem_shared>> -> memref<640x128xf32, #tpu.memory_space<vmem_shared>>
          tpu.wait_dma2 semaphore(%run_scoped3A : memref<!tpu.dma_semaphore, #tpu.memory_space<semaphore_mem>>) src(%dma_wait3A_50 : memref<640x128xf32, #tpu.memory_space<vmem_shared>>) dst(%dma_wait3A_47 : memref<640x128xf32, #tpu.memory_space<hbm>>)
          tpu.yield
        }) : () -> ()
      } else {
      }
      %scan3A_40 = arith.constant 0 : i32
      scf.yield %scan3A_40 : i32
    }
    %scan3A_5 = arith.constant 5 : i32
    return
  }
}

#map = affine_map<(d0, d1) -> (0, 0)>
module attributes {stable_mosaic.version = 14 : i64} {
  func.func @_sc_gen_body(%arg0: i32, %arg1: i32, %arg2: memref<100000x128xf32, #tpu.memory_space<hbm>>, %arg3: memref<12544x128xi32, #tpu.memory_space<hbm>>, %arg4: memref<12544x128xi32, #tpu.memory_space<hbm>>, %arg5: memref<100000x128xf32, #tpu.memory_space<hbm>>, %arg6: memref<112x128xi32, #tpu.memory_space<vmem>>, %arg7: memref<112x128xi32, #tpu.memory_space<vmem>>, %arg8: memref<128x128xf32, #tpu.memory_space<vmem>>, %arg9: memref<3208x128xf32, #tpu.memory_space<vmem_shared>>, %arg10: memref<!tpu.dma_semaphore, #tpu.memory_space<semaphore_mem>>) attributes {dimension_semantics = [#tpu.dimension_semantics<core_parallel>, #tpu.dimension_semantics<subcore_parallel>], iteration_bounds = array<i64: 2, 16>, scalar_prefetch = 0 : i64, scratch_operands = 5 : i64, tpu.core_type = #tpu.core_type<sc_vector_subcore>, window_params = [{transform_indices = #map}, {transform_indices = #map}, {transform_indices = #map}, {transform_indices = #map}]} {
    %scan3A = arith.constant 0 : i32
    %scan3A_0 = arith.constant 0 : i32
    %scan3A_1 = arith.constant 16 : i32
    %scan3A_2 = arith.addi %scan3A_0, %scan3A_1 : i32
    %scan3A_3 = arith.constant 1 : i32
    %scan3A_4 = scf.for %scan3A_6 = %scan3A_0 to %scan3A_2 step %scan3A_3 iter_args(%scan3A_7 = %scan3A) -> (i32)  : i32 {
      %mul3A = arith.constant 2 : i32
      %mul3A_8 = arith.muli %scan3A_6, %mul3A : i32
      %add3A = arith.addi %mul3A_8, %arg0 : i32
      %mul3A_9 = arith.constant 3200 : i32
      %mul3A_10 = arith.muli %add3A, %mul3A_9 : i32
      %mul3A_11 = arith.constant 200 : i32
      %mul3A_12 = arith.muli %arg1, %mul3A_11 : i32
      %add3A_13 = arith.addi %mul3A_10, %mul3A_12 : i32
      %add3A_14 = arith.constant 200 : i32
      %add3A_15 = arith.addi %add3A_13, %add3A_14 : i32
      %le3A = arith.constant 100000 : i32
      %le3A_16 = arith.cmpi sle, %add3A_15, %le3A : i32
      %convert_element_type3A = arith.extui %le3A_16 : i1 to i32
      %cond3A = arith.constant 0 : i32
      %cond3A_17 = arith.cmpi ne, %convert_element_type3A, %cond3A : i32
      scf.if %cond3A_17 {
        %mul3A_35 = arith.constant 200 : i32
        %mul3A_36 = arith.muli %arg1, %mul3A_35 : i32
        "tpu.region"() ({
          %run_scoped3A = tpu.sem_alloc : memref<!tpu.dma_semaphore, #tpu.memory_space<semaphore_mem>>
          %dma_start3A = arith.constant 0 : i32
          %dma_start3A_37 = tpu.memref_slice %arg9[%mul3A_36, %dma_start3A] : memref<3208x128xf32, #tpu.memory_space<vmem_shared>> -> memref<200x128xf32, #tpu.memory_space<vmem_shared>>
          %dma_start3A_38 = arith.constant 0 : i32
          %dma_start3A_39 = tpu.memref_slice %arg2[%add3A_13, %dma_start3A_38] : memref<100000x128xf32, #tpu.memory_space<hbm>> -> memref<200x128xf32, #tpu.memory_space<hbm>>
          tpu.enqueue_dma source(%dma_start3A_39 : memref<200x128xf32, #tpu.memory_space<hbm>>) target(%dma_start3A_37 : memref<200x128xf32, #tpu.memory_space<vmem_shared>>) target_semaphore(%run_scoped3A : memref<!tpu.dma_semaphore, #tpu.memory_space<semaphore_mem>>)
          %dma_wait3A = arith.constant 0 : i32
          %dma_wait3A_40 = tpu.memref_slice %arg9[%mul3A_36, %dma_wait3A] : memref<3208x128xf32, #tpu.memory_space<vmem_shared>> -> memref<200x128xf32, #tpu.memory_space<vmem_shared>>
          %dma_wait3A_41 = arith.constant 0 : i32
          %dma_wait3A_42 = tpu.memref_slice %arg2[%add3A_13, %dma_wait3A_41] : memref<100000x128xf32, #tpu.memory_space<hbm>> -> memref<200x128xf32, #tpu.memory_space<hbm>>
          tpu.wait_dma2 semaphore(%run_scoped3A : memref<!tpu.dma_semaphore, #tpu.memory_space<semaphore_mem>>) src(%dma_wait3A_42 : memref<200x128xf32, #tpu.memory_space<hbm>>) dst(%dma_wait3A_40 : memref<200x128xf32, #tpu.memory_space<vmem_shared>>)
          tpu.yield
        }) : () -> ()
      } else {
      }
      %barrier3A = arith.constant 0 : index
      tpu.barrier barrier_id(%barrier3A)
      %scan3A_18 = arith.constant 0 : i32
      %scan3A_19 = arith.constant 0 : i32
      %scan3A_20 = arith.constant 7 : i32
      %scan3A_21 = arith.addi %scan3A_19, %scan3A_20 : i32
      %scan3A_22 = arith.constant 1 : i32
      %scan3A_23 = scf.for %scan3A_35 = %scan3A_19 to %scan3A_21 step %scan3A_22 iter_args(%scan3A_36 = %scan3A_18) -> (i32)  : i32 {
        %mul3A_37 = arith.constant 784 : i32
        %mul3A_38 = arith.muli %arg1, %mul3A_37 : i32
        %mul3A_39 = arith.constant 112 : i32
        %mul3A_40 = arith.muli %scan3A_35, %mul3A_39 : i32
        %add3A_41 = arith.addi %mul3A_38, %mul3A_40 : i32
        "tpu.region"() ({
          %run_scoped3A = tpu.sem_alloc : memref<!tpu.dma_semaphore, #tpu.memory_space<semaphore_mem>>
          %dma_start3A = arith.constant 0 : i32
          %dma_start3A_57 = tpu.memref_slice %arg3[%add3A_41, %dma_start3A] : memref<12544x128xi32, #tpu.memory_space<hbm>> -> memref<112x128xi32, #tpu.memory_space<hbm>>
          %dma_start3A_58 = arith.constant 0 : i32
          %dma_start3A_59 = tpu.memref_slice %arg3[%add3A_41, %dma_start3A_58] : memref<12544x128xi32, #tpu.memory_space<hbm>> -> memref<112x128xi32, #tpu.memory_space<hbm>>
          tpu.enqueue_dma source(%dma_start3A_59 : memref<112x128xi32, #tpu.memory_space<hbm>>) target(%arg6 : memref<112x128xi32, #tpu.memory_space<vmem>>) target_semaphore(%run_scoped3A : memref<!tpu.dma_semaphore, #tpu.memory_space<semaphore_mem>>)
          %dma_wait3A = arith.constant 0 : i32
          %dma_wait3A_60 = tpu.memref_slice %arg3[%add3A_41, %dma_wait3A] : memref<12544x128xi32, #tpu.memory_space<hbm>> -> memref<112x128xi32, #tpu.memory_space<hbm>>
          %dma_wait3A_61 = arith.constant 0 : i32
          %dma_wait3A_62 = tpu.memref_slice %arg3[%add3A_41, %dma_wait3A_61] : memref<12544x128xi32, #tpu.memory_space<hbm>> -> memref<112x128xi32, #tpu.memory_space<hbm>>
          tpu.wait_dma2 semaphore(%run_scoped3A : memref<!tpu.dma_semaphore, #tpu.memory_space<semaphore_mem>>) src(%dma_wait3A_62 : memref<112x128xi32, #tpu.memory_space<hbm>>) dst(%arg6 : memref<112x128xi32, #tpu.memory_space<vmem>>)
          tpu.yield
        }) : () -> ()
        "tpu.region"() ({
          %run_scoped3A = tpu.sem_alloc : memref<!tpu.dma_semaphore, #tpu.memory_space<semaphore_mem>>
          %dma_start3A = arith.constant 0 : i32
          %dma_start3A_57 = tpu.memref_slice %arg4[%add3A_41, %dma_start3A] : memref<12544x128xi32, #tpu.memory_space<hbm>> -> memref<112x128xi32, #tpu.memory_space<hbm>>
          %dma_start3A_58 = arith.constant 0 : i32
          %dma_start3A_59 = tpu.memref_slice %arg4[%add3A_41, %dma_start3A_58] : memref<12544x128xi32, #tpu.memory_space<hbm>> -> memref<112x128xi32, #tpu.memory_space<hbm>>
          tpu.enqueue_dma source(%dma_start3A_59 : memref<112x128xi32, #tpu.memory_space<hbm>>) target(%arg7 : memref<112x128xi32, #tpu.memory_space<vmem>>) target_semaphore(%run_scoped3A : memref<!tpu.dma_semaphore, #tpu.memory_space<semaphore_mem>>)
          %dma_wait3A = arith.constant 0 : i32
          %dma_wait3A_60 = tpu.memref_slice %arg4[%add3A_41, %dma_wait3A] : memref<12544x128xi32, #tpu.memory_space<hbm>> -> memref<112x128xi32, #tpu.memory_space<hbm>>
          %dma_wait3A_61 = arith.constant 0 : i32
          %dma_wait3A_62 = tpu.memref_slice %arg4[%add3A_41, %dma_wait3A_61] : memref<12544x128xi32, #tpu.memory_space<hbm>> -> memref<112x128xi32, #tpu.memory_space<hbm>>
          tpu.wait_dma2 semaphore(%run_scoped3A : memref<!tpu.dma_semaphore, #tpu.memory_space<semaphore_mem>>) src(%dma_wait3A_62 : memref<112x128xi32, #tpu.memory_space<hbm>>) dst(%arg7 : memref<112x128xi32, #tpu.memory_space<vmem>>)
          tpu.yield
        }) : () -> ()
        %scan3A_42 = arith.constant 0 : i32
        %scan3A_43 = arith.constant 0 : i32
        %scan3A_44 = arith.constant 112 : i32
        %scan3A_45 = arith.addi %scan3A_43, %scan3A_44 : i32
        %scan3A_46 = arith.constant 1 : i32
        %scan3A_47 = scf.for %scan3A_57 = %scan3A_43 to %scan3A_45 step %scan3A_46 iter_args(%scan3A_58 = %scan3A_42) -> (i32)  : i32 {
          %scan3A_59 = arith.constant 0 : i32
          %scan3A_60 = arith.constant 0 : i32
          %scan3A_61 = arith.constant 8 : i32
          %scan3A_62 = arith.addi %scan3A_60, %scan3A_61 : i32
          %scan3A_63 = arith.constant 1 : i32
          %scan3A_64 = scf.for %scan3A_67 = %scan3A_60 to %scan3A_62 step %scan3A_63 iter_args(%scan3A_68 = %scan3A_59) -> (i32)  : i32 {
            %mul3A_69 = arith.constant 16 : i32
            %mul3A_70 = arith.muli %scan3A_67, %mul3A_69 : i32
            %get3A = arith.index_cast %scan3A_57 : i32 to index
            %get3A_71 = arith.index_cast %mul3A_70 : i32 to index
            %get3A_72 = tpu.vector_load %arg7[%get3A, %get3A_71] {strides = array<i32>} : memref<112x128xi32, #tpu.memory_space<vmem>>, vector<1x16xi32>,
            %get3A_73 = vector.shape_cast %get3A_72 : vector<1x16xi32> to vector<16xi32>
            %get3A_74 = arith.index_cast %scan3A_57 : i32 to index
            %get3A_75 = arith.index_cast %mul3A_70 : i32 to index
            %get3A_76 = tpu.vector_load %arg6[%get3A_74, %get3A_75] {strides = array<i32>} : memref<112x128xi32, #tpu.memory_space<vmem>>, vector<1x16xi32>,
            %get3A_77 = vector.shape_cast %get3A_76 : vector<1x16xi32> to vector<16xi32>
            %ge3A = vector.broadcast %mul3A_10 : i32 to vector<16xi32>
            %ge3A_78 = arith.cmpi sge, %get3A_73, %ge3A : vector<16xi32>
            %add3A_79 = arith.constant 3200 : i32
            %add3A_80 = arith.addi %mul3A_10, %add3A_79 : i32
            %lt3A = vector.broadcast %add3A_80 : i32 to vector<16xi32>
            %lt3A_81 = arith.cmpi slt, %get3A_73, %lt3A : vector<16xi32>
            %and3A = arith.andi %ge3A_78, %lt3A_81 : vector<16xi1>
            %jit3A = arith.constant 0 : i32
            %broadcast_in_dim3A = vector.broadcast %jit3A : i32 to vector<16xi32>
            %select_n3A = arith.select %and3A, %get3A_77, %broadcast_in_dim3A : vector<16xi1>, vector<16xi32>
            %swap3A = arith.index_cast %scan3A_57 : i32 to index
            %swap3A_82 = arith.index_cast %mul3A_70 : i32 to index
            %swap3A_83 = tpu.vector_load %arg6[%swap3A, %swap3A_82] {strides = array<i32>} : memref<112x128xi32, #tpu.memory_space<vmem>>, vector<1x16xi32>,
            %swap3A_84 = vector.shape_cast %swap3A_83 : vector<1x16xi32> to vector<16xi32>
            %swap3A_85 = vector.shape_cast %select_n3A : vector<16xi32> to vector<1x16xi32>
            tpu.vector_store %arg6[%swap3A, %swap3A_82], %swap3A_85 {strides = array<i32>} : memref<112x128xi32, #tpu.memory_space<vmem>>, vector<1x16xi32>,
            %sub3A = vector.broadcast %mul3A_10 : i32 to vector<16xi32>
            %sub3A_86 = arith.subi %get3A_73, %sub3A : vector<16xi32>
            %jit3A_87 = arith.constant 3200 : i32
            %broadcast_in_dim3A_88 = vector.broadcast %jit3A_87 : i32 to vector<16xi32>
            %select_n3A_89 = arith.select %and3A, %sub3A_86, %broadcast_in_dim3A_88 : vector<16xi1>, vector<16xi32>
            %swap3A_90 = arith.index_cast %scan3A_57 : i32 to index
            %swap3A_91 = arith.index_cast %mul3A_70 : i32 to index
            %swap3A_92 = tpu.vector_load %arg7[%swap3A_90, %swap3A_91] {strides = array<i32>} : memref<112x128xi32, #tpu.memory_space<vmem>>, vector<1x16xi32>,
            %swap3A_93 = vector.shape_cast %swap3A_92 : vector<1x16xi32> to vector<16xi32>
            %swap3A_94 = vector.shape_cast %select_n3A_89 : vector<16xi32> to vector<1x16xi32>
            tpu.vector_store %arg7[%swap3A_90, %swap3A_91], %swap3A_94 {strides = array<i32>} : memref<112x128xi32, #tpu.memory_space<vmem>>, vector<1x16xi32>,
            %scan3A_95 = arith.constant 0 : i32
            scf.yield %scan3A_95 : i32
          }
          %scan3A_65 = arith.constant 8 : i32
          %scan3A_66 = arith.constant 0 : i32
          scf.yield %scan3A_66 : i32
        }
        %scan3A_48 = arith.constant 112 : i32
        %scan3A_49 = arith.constant 0 : i32
        %scan3A_50 = arith.constant 0 : i32
        %scan3A_51 = arith.constant 112 : i32
        %scan3A_52 = arith.addi %scan3A_50, %scan3A_51 : i32
        %scan3A_53 = arith.constant 1 : i32
        %scan3A_54 = scf.for %scan3A_57 = %scan3A_50 to %scan3A_52 step %scan3A_53 iter_args(%scan3A_58 = %scan3A_49) -> (i32)  : i32 {
          %dma_start3A = arith.constant 0 : i32
          %dma_start3A_59 = tpu.memref_slice %arg6[%scan3A_57, %dma_start3A] : memref<112x128xi32, #tpu.memory_space<vmem>> -> memref<1x128xi32, #tpu.memory_space<vmem>>
          %dma_start3A_60 = tpu.memref_squeeze %dma_start3A_59 : memref<1x128xi32, #tpu.memory_space<vmem>> -> memref<128xi32, #tpu.memory_space<vmem>>
          %dma_start3A_61 = arith.constant 0 : i32
          %dma_start3A_62 = arith.constant 0 : i32
          %dma_start3A_63 = tpu.memref_slice %arg2[%dma_start3A_61, %dma_start3A_62] : memref<100000x128xf32, #tpu.memory_space<hbm>> -> memref<100000x128xf32, #tpu.memory_space<hbm>>
          tpu.enqueue_indirect_dma source(%dma_start3A_63 : memref<100000x128xf32, #tpu.memory_space<hbm>>) target(%arg8 : memref<128x128xf32, #tpu.memory_space<vmem>>) offsets(%dma_start3A_60 : memref<128xi32, #tpu.memory_space<vmem>>) semaphore(%arg10 : memref<!tpu.dma_semaphore, #tpu.memory_space<semaphore_mem>>)
          %dma_wait3A = arith.constant 0 : i32
          %dma_wait3A_64 = tpu.memref_slice %arg6[%scan3A_57, %dma_wait3A] : memref<112x128xi32, #tpu.memory_space<vmem>> -> memref<1x128xi32, #tpu.memory_space<vmem>>
          %dma_wait3A_65 = tpu.memref_squeeze %dma_wait3A_64 : memref<1x128xi32, #tpu.memory_space<vmem>> -> memref<128xi32, #tpu.memory_space<vmem>>
          %dma_wait3A_66 = arith.constant 0 : i32
          %dma_wait3A_67 = arith.constant 0 : i32
          %dma_wait3A_68 = tpu.memref_slice %arg2[%dma_wait3A_66, %dma_wait3A_67] : memref<100000x128xf32, #tpu.memory_space<hbm>> -> memref<100000x128xf32, #tpu.memory_space<hbm>>
          tpu.wait_indirect_dma semaphore(%arg10 : memref<!tpu.dma_semaphore, #tpu.memory_space<semaphore_mem>>) src(%dma_wait3A_68 : memref<100000x128xf32, #tpu.memory_space<hbm>>) dst(%arg8 : memref<128x128xf32, #tpu.memory_space<vmem>>)
          "tpu.region"() ({
            %run_scoped3A = tpu.sem_alloc : memref<!tpu.dma_semaphore, #tpu.memory_space<semaphore_mem>>
            %dma_start3A_70 = arith.constant 0 : i32
            %dma_start3A_71 = tpu.memref_slice %arg7[%scan3A_57, %dma_start3A_70] : memref<112x128xi32, #tpu.memory_space<vmem>> -> memref<1x128xi32, #tpu.memory_space<vmem>>
            %dma_start3A_72 = tpu.memref_squeeze %dma_start3A_71 : memref<1x128xi32, #tpu.memory_space<vmem>> -> memref<128xi32, #tpu.memory_space<vmem>>
            %dma_start3A_73 = arith.constant 0 : i32
            %dma_start3A_74 = arith.constant 0 : i32
            %dma_start3A_75 = tpu.memref_slice %arg9[%dma_start3A_73, %dma_start3A_74] : memref<3208x128xf32, #tpu.memory_space<vmem_shared>> -> memref<3208x128xf32, #tpu.memory_space<vmem_shared>>
            tpu.enqueue_indirect_dma source(%arg8 : memref<128x128xf32, #tpu.memory_space<vmem>>) target(%dma_start3A_75 : memref<3208x128xf32, #tpu.memory_space<vmem_shared>>) offsets(%dma_start3A_72 : memref<128xi32, #tpu.memory_space<vmem>>) semaphore(%run_scoped3A : memref<!tpu.dma_semaphore, #tpu.memory_space<semaphore_mem>>) {add = true}
            %dma_wait3A_76 = arith.constant 0 : i32
            %dma_wait3A_77 = tpu.memref_slice %arg7[%scan3A_57, %dma_wait3A_76] : memref<112x128xi32, #tpu.memory_space<vmem>> -> memref<1x128xi32, #tpu.memory_space<vmem>>
            %dma_wait3A_78 = tpu.memref_squeeze %dma_wait3A_77 : memref<1x128xi32, #tpu.memory_space<vmem>> -> memref<128xi32, #tpu.memory_space<vmem>>
            %dma_wait3A_79 = arith.constant 0 : i32
            %dma_wait3A_80 = arith.constant 0 : i32
            %dma_wait3A_81 = tpu.memref_slice %arg9[%dma_wait3A_79, %dma_wait3A_80] : memref<3208x128xf32, #tpu.memory_space<vmem_shared>> -> memref<3208x128xf32, #tpu.memory_space<vmem_shared>>
            tpu.wait_indirect_dma semaphore(%run_scoped3A : memref<!tpu.dma_semaphore, #tpu.memory_space<semaphore_mem>>) src(%arg8 : memref<128x128xf32, #tpu.memory_space<vmem>>) dst(%dma_wait3A_81 : memref<3208x128xf32, #tpu.memory_space<vmem_shared>>)
            tpu.yield
          }) : () -> ()
          %scan3A_69 = arith.constant 0 : i32
          scf.yield %scan3A_69 : i32
        }
        %scan3A_55 = arith.constant 112 : i32
        %scan3A_56 = arith.constant 0 : i32
        scf.yield %scan3A_56 : i32
      }
      %scan3A_24 = arith.constant 7 : i32
      %barrier3A_25 = arith.constant 0 : index
      tpu.barrier barrier_id(%barrier3A_25)
      %add3A_26 = arith.constant 200 : i32
      %add3A_27 = arith.addi %add3A_13, %add3A_26 : i32
      %le3A_28 = arith.constant 100000 : i32
      %le3A_29 = arith.cmpi sle, %add3A_27, %le3A_28 : i32
      %convert_element_type3A_30 = arith.extui %le3A_29 : i1 to i32
      %cond3A_31 = arith.constant 0 : i32
      %cond3A_32 = arith.cmpi ne, %convert_element_type3A_30, %cond3A_31 : i32
      scf.if %cond3A_32 {
        %mul3A_35 = arith.constant 200 : i32
        %mul3A_36 = arith.muli %arg1, %mul3A_35 : i32
        "tpu.region"() ({
          %run_scoped3A = tpu.sem_alloc : memref<!tpu.dma_semaphore, #tpu.memory_space<semaphore_mem>>
          %dma_start3A = arith.constant 0 : i32
          %dma_start3A_37 = tpu.memref_slice %arg5[%add3A_13, %dma_start3A] : memref<100000x128xf32, #tpu.memory_space<hbm>> -> memref<200x128xf32, #tpu.memory_space<hbm>>
          %dma_start3A_38 = arith.constant 0 : i32
          %dma_start3A_39 = tpu.memref_slice %arg9[%mul3A_36, %dma_start3A_38] : memref<3208x128xf32, #tpu.memory_space<vmem_shared>> -> memref<200x128xf32, #tpu.memory_space<vmem_shared>>
          tpu.enqueue_dma source(%dma_start3A_39 : memref<200x128xf32, #tpu.memory_space<vmem_shared>>) target(%dma_start3A_37 : memref<200x128xf32, #tpu.memory_space<hbm>>) target_semaphore(%run_scoped3A : memref<!tpu.dma_semaphore, #tpu.memory_space<semaphore_mem>>)
          %dma_wait3A = arith.constant 0 : i32
          %dma_wait3A_40 = tpu.memref_slice %arg5[%add3A_13, %dma_wait3A] : memref<100000x128xf32, #tpu.memory_space<hbm>> -> memref<200x128xf32, #tpu.memory_space<hbm>>
          %dma_wait3A_41 = arith.constant 0 : i32
          %dma_wait3A_42 = tpu.memref_slice %arg9[%mul3A_36, %dma_wait3A_41] : memref<3208x128xf32, #tpu.memory_space<vmem_shared>> -> memref<200x128xf32, #tpu.memory_space<vmem_shared>>
          tpu.wait_dma2 semaphore(%run_scoped3A : memref<!tpu.dma_semaphore, #tpu.memory_space<semaphore_mem>>) src(%dma_wait3A_42 : memref<200x128xf32, #tpu.memory_space<vmem_shared>>) dst(%dma_wait3A_40 : memref<200x128xf32, #tpu.memory_space<hbm>>)
          tpu.yield
        }) : () -> ()
      } else {
      }
      %barrier3A_33 = arith.constant 0 : index
      tpu.barrier barrier_id(%barrier3A_33)
      %scan3A_34 = arith.constant 0 : i32
      scf.yield %scan3A_34 : i32
    }
    %scan3A_5 = arith.constant 16 : i32
    return
  }
}

#map = affine_map<(d0, d1) -> (0, 0)>
module attributes {stable_mosaic.version = 14 : i64} {
  func.func @_sc_gen_body(%arg0: i32, %arg1: i32, %arg2: memref<100000x128xf32, #tpu.memory_space<hbm>>, %arg3: memref<12544x128xi32, #tpu.memory_space<hbm>>, %arg4: memref<12544x128xi32, #tpu.memory_space<hbm>>, %arg5: memref<100000x128xf32, #tpu.memory_space<hbm>>, %arg6: memref<112x128xi32, #tpu.memory_space<vmem>>, %arg7: memref<112x128xi32, #tpu.memory_space<vmem>>, %arg8: memref<128x128xf32, #tpu.memory_space<vmem>>, %arg9: memref<3208x128xf32, #tpu.memory_space<vmem_shared>>, %arg10: memref<!tpu.dma_semaphore, #tpu.memory_space<semaphore_mem>>) attributes {dimension_semantics = [#tpu.dimension_semantics<core_parallel>, #tpu.dimension_semantics<subcore_parallel>], iteration_bounds = array<i64: 2, 16>, scalar_prefetch = 0 : i64, scratch_operands = 5 : i64, tpu.core_type = #tpu.core_type<sc_vector_subcore>, window_params = [{transform_indices = #map}, {transform_indices = #map}, {transform_indices = #map}, {transform_indices = #map}]} {
    %scan3A = arith.constant 0 : i32
    %scan3A_0 = arith.constant 0 : i32
    %scan3A_1 = arith.constant 16 : i32
    %scan3A_2 = arith.addi %scan3A_0, %scan3A_1 : i32
    %scan3A_3 = arith.constant 1 : i32
    %scan3A_4 = scf.for %scan3A_6 = %scan3A_0 to %scan3A_2 step %scan3A_3 iter_args(%scan3A_7 = %scan3A) -> (i32)  : i32 {
      %mul3A = arith.constant 2 : i32
      %mul3A_8 = arith.muli %scan3A_6, %mul3A : i32
      %add3A = arith.addi %mul3A_8, %arg0 : i32
      %mul3A_9 = arith.constant 3200 : i32
      %mul3A_10 = arith.muli %add3A, %mul3A_9 : i32
      %mul3A_11 = arith.constant 200 : i32
      %mul3A_12 = arith.muli %arg1, %mul3A_11 : i32
      %add3A_13 = arith.addi %mul3A_10, %mul3A_12 : i32
      %add3A_14 = arith.constant 200 : i32
      %add3A_15 = arith.addi %add3A_13, %add3A_14 : i32
      %le3A = arith.constant 100000 : i32
      %le3A_16 = arith.cmpi sle, %add3A_15, %le3A : i32
      %convert_element_type3A = arith.extui %le3A_16 : i1 to i32
      %cond3A = arith.constant 0 : i32
      %cond3A_17 = arith.cmpi ne, %convert_element_type3A, %cond3A : i32
      scf.if %cond3A_17 {
        %mul3A_35 = arith.constant 200 : i32
        %mul3A_36 = arith.muli %arg1, %mul3A_35 : i32
        "tpu.region"() ({
          %run_scoped3A = tpu.sem_alloc : memref<!tpu.dma_semaphore, #tpu.memory_space<semaphore_mem>>
          %dma_start3A = arith.constant 0 : i32
          %dma_start3A_37 = tpu.memref_slice %arg9[%mul3A_36, %dma_start3A] : memref<3208x128xf32, #tpu.memory_space<vmem_shared>> -> memref<200x128xf32, #tpu.memory_space<vmem_shared>>
          %dma_start3A_38 = arith.constant 0 : i32
          %dma_start3A_39 = tpu.memref_slice %arg2[%add3A_13, %dma_start3A_38] : memref<100000x128xf32, #tpu.memory_space<hbm>> -> memref<200x128xf32, #tpu.memory_space<hbm>>
          tpu.enqueue_dma source(%dma_start3A_39 : memref<200x128xf32, #tpu.memory_space<hbm>>) target(%dma_start3A_37 : memref<200x128xf32, #tpu.memory_space<vmem_shared>>) target_semaphore(%run_scoped3A : memref<!tpu.dma_semaphore, #tpu.memory_space<semaphore_mem>>)
          %dma_wait3A = arith.constant 0 : i32
          %dma_wait3A_40 = tpu.memref_slice %arg9[%mul3A_36, %dma_wait3A] : memref<3208x128xf32, #tpu.memory_space<vmem_shared>> -> memref<200x128xf32, #tpu.memory_space<vmem_shared>>
          %dma_wait3A_41 = arith.constant 0 : i32
          %dma_wait3A_42 = tpu.memref_slice %arg2[%add3A_13, %dma_wait3A_41] : memref<100000x128xf32, #tpu.memory_space<hbm>> -> memref<200x128xf32, #tpu.memory_space<hbm>>
          tpu.wait_dma2 semaphore(%run_scoped3A : memref<!tpu.dma_semaphore, #tpu.memory_space<semaphore_mem>>) src(%dma_wait3A_42 : memref<200x128xf32, #tpu.memory_space<hbm>>) dst(%dma_wait3A_40 : memref<200x128xf32, #tpu.memory_space<vmem_shared>>)
          tpu.yield
        }) : () -> ()
      } else {
      }
      %barrier3A = arith.constant 0 : index
      tpu.barrier barrier_id(%barrier3A)
      %scan3A_18 = arith.constant 0 : i32
      %scan3A_19 = arith.constant 0 : i32
      %scan3A_20 = arith.constant 7 : i32
      %scan3A_21 = arith.addi %scan3A_19, %scan3A_20 : i32
      %scan3A_22 = arith.constant 1 : i32
      %scan3A_23 = scf.for %scan3A_35 = %scan3A_19 to %scan3A_21 step %scan3A_22 iter_args(%scan3A_36 = %scan3A_18) -> (i32)  : i32 {
        %mul3A_37 = arith.constant 784 : i32
        %mul3A_38 = arith.muli %arg1, %mul3A_37 : i32
        %mul3A_39 = arith.constant 112 : i32
        %mul3A_40 = arith.muli %scan3A_35, %mul3A_39 : i32
        %add3A_41 = arith.addi %mul3A_38, %mul3A_40 : i32
        "tpu.region"() ({
          %run_scoped3A = tpu.sem_alloc : memref<!tpu.dma_semaphore, #tpu.memory_space<semaphore_mem>>
          %dma_start3A = arith.constant 0 : i32
          %dma_start3A_57 = tpu.memref_slice %arg3[%add3A_41, %dma_start3A] : memref<12544x128xi32, #tpu.memory_space<hbm>> -> memref<112x128xi32, #tpu.memory_space<hbm>>
          %dma_start3A_58 = arith.constant 0 : i32
          %dma_start3A_59 = tpu.memref_slice %arg3[%add3A_41, %dma_start3A_58] : memref<12544x128xi32, #tpu.memory_space<hbm>> -> memref<112x128xi32, #tpu.memory_space<hbm>>
          tpu.enqueue_dma source(%dma_start3A_59 : memref<112x128xi32, #tpu.memory_space<hbm>>) target(%arg6 : memref<112x128xi32, #tpu.memory_space<vmem>>) target_semaphore(%run_scoped3A : memref<!tpu.dma_semaphore, #tpu.memory_space<semaphore_mem>>)
          %dma_wait3A = arith.constant 0 : i32
          %dma_wait3A_60 = tpu.memref_slice %arg3[%add3A_41, %dma_wait3A] : memref<12544x128xi32, #tpu.memory_space<hbm>> -> memref<112x128xi32, #tpu.memory_space<hbm>>
          %dma_wait3A_61 = arith.constant 0 : i32
          %dma_wait3A_62 = tpu.memref_slice %arg3[%add3A_41, %dma_wait3A_61] : memref<12544x128xi32, #tpu.memory_space<hbm>> -> memref<112x128xi32, #tpu.memory_space<hbm>>
          tpu.wait_dma2 semaphore(%run_scoped3A : memref<!tpu.dma_semaphore, #tpu.memory_space<semaphore_mem>>) src(%dma_wait3A_62 : memref<112x128xi32, #tpu.memory_space<hbm>>) dst(%arg6 : memref<112x128xi32, #tpu.memory_space<vmem>>)
          tpu.yield
        }) : () -> ()
        "tpu.region"() ({
          %run_scoped3A = tpu.sem_alloc : memref<!tpu.dma_semaphore, #tpu.memory_space<semaphore_mem>>
          %dma_start3A = arith.constant 0 : i32
          %dma_start3A_57 = tpu.memref_slice %arg4[%add3A_41, %dma_start3A] : memref<12544x128xi32, #tpu.memory_space<hbm>> -> memref<112x128xi32, #tpu.memory_space<hbm>>
          %dma_start3A_58 = arith.constant 0 : i32
          %dma_start3A_59 = tpu.memref_slice %arg4[%add3A_41, %dma_start3A_58] : memref<12544x128xi32, #tpu.memory_space<hbm>> -> memref<112x128xi32, #tpu.memory_space<hbm>>
          tpu.enqueue_dma source(%dma_start3A_59 : memref<112x128xi32, #tpu.memory_space<hbm>>) target(%arg7 : memref<112x128xi32, #tpu.memory_space<vmem>>) target_semaphore(%run_scoped3A : memref<!tpu.dma_semaphore, #tpu.memory_space<semaphore_mem>>)
          %dma_wait3A = arith.constant 0 : i32
          %dma_wait3A_60 = tpu.memref_slice %arg4[%add3A_41, %dma_wait3A] : memref<12544x128xi32, #tpu.memory_space<hbm>> -> memref<112x128xi32, #tpu.memory_space<hbm>>
          %dma_wait3A_61 = arith.constant 0 : i32
          %dma_wait3A_62 = tpu.memref_slice %arg4[%add3A_41, %dma_wait3A_61] : memref<12544x128xi32, #tpu.memory_space<hbm>> -> memref<112x128xi32, #tpu.memory_space<hbm>>
          tpu.wait_dma2 semaphore(%run_scoped3A : memref<!tpu.dma_semaphore, #tpu.memory_space<semaphore_mem>>) src(%dma_wait3A_62 : memref<112x128xi32, #tpu.memory_space<hbm>>) dst(%arg7 : memref<112x128xi32, #tpu.memory_space<vmem>>)
          tpu.yield
        }) : () -> ()
        %scan3A_42 = arith.constant 0 : i32
        %scan3A_43 = arith.constant 0 : i32
        %scan3A_44 = arith.constant 112 : i32
        %scan3A_45 = arith.addi %scan3A_43, %scan3A_44 : i32
        %scan3A_46 = arith.constant 1 : i32
        %scan3A_47 = scf.for %scan3A_57 = %scan3A_43 to %scan3A_45 step %scan3A_46 iter_args(%scan3A_58 = %scan3A_42) -> (i32)  : i32 {
          %scan3A_59 = arith.constant 0 : i32
          %scan3A_60 = arith.constant 0 : i32
          %scan3A_61 = arith.constant 8 : i32
          %scan3A_62 = arith.addi %scan3A_60, %scan3A_61 : i32
          %scan3A_63 = arith.constant 1 : i32
          %scan3A_64 = scf.for %scan3A_67 = %scan3A_60 to %scan3A_62 step %scan3A_63 iter_args(%scan3A_68 = %scan3A_59) -> (i32)  : i32 {
            %mul3A_69 = arith.constant 16 : i32
            %mul3A_70 = arith.muli %scan3A_67, %mul3A_69 : i32
            %get3A = arith.index_cast %scan3A_57 : i32 to index
            %get3A_71 = arith.index_cast %mul3A_70 : i32 to index
            %get3A_72 = tpu.vector_load %arg7[%get3A, %get3A_71] {strides = array<i32>} : memref<112x128xi32, #tpu.memory_space<vmem>>, vector<1x16xi32>,
            %get3A_73 = vector.shape_cast %get3A_72 : vector<1x16xi32> to vector<16xi32>
            %get3A_74 = arith.index_cast %scan3A_57 : i32 to index
            %get3A_75 = arith.index_cast %mul3A_70 : i32 to index
            %get3A_76 = tpu.vector_load %arg6[%get3A_74, %get3A_75] {strides = array<i32>} : memref<112x128xi32, #tpu.memory_space<vmem>>, vector<1x16xi32>,
            %get3A_77 = vector.shape_cast %get3A_76 : vector<1x16xi32> to vector<16xi32>
            %ge3A = vector.broadcast %mul3A_10 : i32 to vector<16xi32>
            %ge3A_78 = arith.cmpi sge, %get3A_73, %ge3A : vector<16xi32>
            %add3A_79 = arith.constant 3200 : i32
            %add3A_80 = arith.addi %mul3A_10, %add3A_79 : i32
            %lt3A = vector.broadcast %add3A_80 : i32 to vector<16xi32>
            %lt3A_81 = arith.cmpi slt, %get3A_73, %lt3A : vector<16xi32>
            %and3A = arith.andi %ge3A_78, %lt3A_81 : vector<16xi1>
            %jit3A = arith.constant 0 : i32
            %broadcast_in_dim3A = vector.broadcast %jit3A : i32 to vector<16xi32>
            %select_n3A = arith.select %and3A, %get3A_77, %broadcast_in_dim3A : vector<16xi1>, vector<16xi32>
            %swap3A = arith.index_cast %scan3A_57 : i32 to index
            %swap3A_82 = arith.index_cast %mul3A_70 : i32 to index
            %swap3A_83 = tpu.vector_load %arg6[%swap3A, %swap3A_82] {strides = array<i32>} : memref<112x128xi32, #tpu.memory_space<vmem>>, vector<1x16xi32>,
            %swap3A_84 = vector.shape_cast %swap3A_83 : vector<1x16xi32> to vector<16xi32>
            %swap3A_85 = vector.shape_cast %select_n3A : vector<16xi32> to vector<1x16xi32>
            tpu.vector_store %arg6[%swap3A, %swap3A_82], %swap3A_85 {strides = array<i32>} : memref<112x128xi32, #tpu.memory_space<vmem>>, vector<1x16xi32>,
            %sub3A = vector.broadcast %mul3A_10 : i32 to vector<16xi32>
            %sub3A_86 = arith.subi %get3A_73, %sub3A : vector<16xi32>
            %jit3A_87 = arith.constant 3200 : i32
            %broadcast_in_dim3A_88 = vector.broadcast %jit3A_87 : i32 to vector<16xi32>
            %select_n3A_89 = arith.select %and3A, %sub3A_86, %broadcast_in_dim3A_88 : vector<16xi1>, vector<16xi32>
            %swap3A_90 = arith.index_cast %scan3A_57 : i32 to index
            %swap3A_91 = arith.index_cast %mul3A_70 : i32 to index
            %swap3A_92 = tpu.vector_load %arg7[%swap3A_90, %swap3A_91] {strides = array<i32>} : memref<112x128xi32, #tpu.memory_space<vmem>>, vector<1x16xi32>,
            %swap3A_93 = vector.shape_cast %swap3A_92 : vector<1x16xi32> to vector<16xi32>
            %swap3A_94 = vector.shape_cast %select_n3A_89 : vector<16xi32> to vector<1x16xi32>
            tpu.vector_store %arg7[%swap3A_90, %swap3A_91], %swap3A_94 {strides = array<i32>} : memref<112x128xi32, #tpu.memory_space<vmem>>, vector<1x16xi32>,
            %scan3A_95 = arith.constant 0 : i32
            scf.yield %scan3A_95 : i32
          }
          %scan3A_65 = arith.constant 8 : i32
          %scan3A_66 = arith.constant 0 : i32
          scf.yield %scan3A_66 : i32
        }
        %scan3A_48 = arith.constant 112 : i32
        %scan3A_49 = arith.constant 0 : i32
        %scan3A_50 = arith.constant 0 : i32
        %scan3A_51 = arith.constant 112 : i32
        %scan3A_52 = arith.addi %scan3A_50, %scan3A_51 : i32
        %scan3A_53 = arith.constant 1 : i32
        %scan3A_54 = scf.for %scan3A_57 = %scan3A_50 to %scan3A_52 step %scan3A_53 iter_args(%scan3A_58 = %scan3A_49) -> (i32)  : i32 {
          %dma_start3A = arith.constant 0 : i32
          %dma_start3A_59 = tpu.memref_slice %arg6[%scan3A_57, %dma_start3A] : memref<112x128xi32, #tpu.memory_space<vmem>> -> memref<1x128xi32, #tpu.memory_space<vmem>>
          %dma_start3A_60 = tpu.memref_squeeze %dma_start3A_59 : memref<1x128xi32, #tpu.memory_space<vmem>> -> memref<128xi32, #tpu.memory_space<vmem>>
          %dma_start3A_61 = arith.constant 0 : i32
          %dma_start3A_62 = arith.constant 0 : i32
          %dma_start3A_63 = tpu.memref_slice %arg2[%dma_start3A_61, %dma_start3A_62] : memref<100000x128xf32, #tpu.memory_space<hbm>> -> memref<100000x128xf32, #tpu.memory_space<hbm>>
          tpu.enqueue_indirect_dma source(%dma_start3A_63 : memref<100000x128xf32, #tpu.memory_space<hbm>>) target(%arg8 : memref<128x128xf32, #tpu.memory_space<vmem>>) offsets(%dma_start3A_60 : memref<128xi32, #tpu.memory_space<vmem>>) semaphore(%arg10 : memref<!tpu.dma_semaphore, #tpu.memory_space<semaphore_mem>>)
          %dma_wait3A = arith.constant 0 : i32
          %dma_wait3A_64 = tpu.memref_slice %arg6[%scan3A_57, %dma_wait3A] : memref<112x128xi32, #tpu.memory_space<vmem>> -> memref<1x128xi32, #tpu.memory_space<vmem>>
          %dma_wait3A_65 = tpu.memref_squeeze %dma_wait3A_64 : memref<1x128xi32, #tpu.memory_space<vmem>> -> memref<128xi32, #tpu.memory_space<vmem>>
          %dma_wait3A_66 = arith.constant 0 : i32
          %dma_wait3A_67 = arith.constant 0 : i32
          %dma_wait3A_68 = tpu.memref_slice %arg2[%dma_wait3A_66, %dma_wait3A_67] : memref<100000x128xf32, #tpu.memory_space<hbm>> -> memref<100000x128xf32, #tpu.memory_space<hbm>>
          tpu.wait_indirect_dma semaphore(%arg10 : memref<!tpu.dma_semaphore, #tpu.memory_space<semaphore_mem>>) src(%dma_wait3A_68 : memref<100000x128xf32, #tpu.memory_space<hbm>>) dst(%arg8 : memref<128x128xf32, #tpu.memory_space<vmem>>)
          "tpu.region"() ({
            %run_scoped3A = tpu.sem_alloc : memref<!tpu.dma_semaphore, #tpu.memory_space<semaphore_mem>>
            %dma_start3A_70 = arith.constant 0 : i32
            %dma_start3A_71 = tpu.memref_slice %arg7[%scan3A_57, %dma_start3A_70] : memref<112x128xi32, #tpu.memory_space<vmem>> -> memref<1x128xi32, #tpu.memory_space<vmem>>
            %dma_start3A_72 = tpu.memref_squeeze %dma_start3A_71 : memref<1x128xi32, #tpu.memory_space<vmem>> -> memref<128xi32, #tpu.memory_space<vmem>>
            %dma_start3A_73 = arith.constant 0 : i32
            %dma_start3A_74 = arith.constant 0 : i32
            %dma_start3A_75 = tpu.memref_slice %arg9[%dma_start3A_73, %dma_start3A_74] : memref<3208x128xf32, #tpu.memory_space<vmem_shared>> -> memref<3208x128xf32, #tpu.memory_space<vmem_shared>>
            tpu.enqueue_indirect_dma source(%arg8 : memref<128x128xf32, #tpu.memory_space<vmem>>) target(%dma_start3A_75 : memref<3208x128xf32, #tpu.memory_space<vmem_shared>>) offsets(%dma_start3A_72 : memref<128xi32, #tpu.memory_space<vmem>>) semaphore(%run_scoped3A : memref<!tpu.dma_semaphore, #tpu.memory_space<semaphore_mem>>) {add = true}
            %dma_wait3A_76 = arith.constant 0 : i32
            %dma_wait3A_77 = tpu.memref_slice %arg7[%scan3A_57, %dma_wait3A_76] : memref<112x128xi32, #tpu.memory_space<vmem>> -> memref<1x128xi32, #tpu.memory_space<vmem>>
            %dma_wait3A_78 = tpu.memref_squeeze %dma_wait3A_77 : memref<1x128xi32, #tpu.memory_space<vmem>> -> memref<128xi32, #tpu.memory_space<vmem>>
            %dma_wait3A_79 = arith.constant 0 : i32
            %dma_wait3A_80 = arith.constant 0 : i32
            %dma_wait3A_81 = tpu.memref_slice %arg9[%dma_wait3A_79, %dma_wait3A_80] : memref<3208x128xf32, #tpu.memory_space<vmem_shared>> -> memref<3208x128xf32, #tpu.memory_space<vmem_shared>>
            tpu.wait_indirect_dma semaphore(%run_scoped3A : memref<!tpu.dma_semaphore, #tpu.memory_space<semaphore_mem>>) src(%arg8 : memref<128x128xf32, #tpu.memory_space<vmem>>) dst(%dma_wait3A_81 : memref<3208x128xf32, #tpu.memory_space<vmem_shared>>)
            tpu.yield
          }) : () -> ()
          %scan3A_69 = arith.constant 0 : i32
          scf.yield %scan3A_69 : i32
        }
        %scan3A_55 = arith.constant 112 : i32
        %scan3A_56 = arith.constant 0 : i32
        scf.yield %scan3A_56 : i32
      }
      %scan3A_24 = arith.constant 7 : i32
      %barrier3A_25 = arith.constant 0 : index
      tpu.barrier barrier_id(%barrier3A_25)
      %add3A_26 = arith.constant 200 : i32
      %add3A_27 = arith.addi %add3A_13, %add3A_26 : i32
      %le3A_28 = arith.constant 100000 : i32
      %le3A_29 = arith.cmpi sle, %add3A_27, %le3A_28 : i32
      %convert_element_type3A_30 = arith.extui %le3A_29 : i1 to i32
      %cond3A_31 = arith.constant 0 : i32
      %cond3A_32 = arith.cmpi ne, %convert_element_type3A_30, %cond3A_31 : i32
      scf.if %cond3A_32 {
        %mul3A_35 = arith.constant 200 : i32
        %mul3A_36 = arith.muli %arg1, %mul3A_35 : i32
        "tpu.region"() ({
          %run_scoped3A = tpu.sem_alloc : memref<!tpu.dma_semaphore, #tpu.memory_space<semaphore_mem>>
          %dma_start3A = arith.constant 0 : i32
          %dma_start3A_37 = tpu.memref_slice %arg5[%add3A_13, %dma_start3A] : memref<100000x128xf32, #tpu.memory_space<hbm>> -> memref<200x128xf32, #tpu.memory_space<hbm>>
          %dma_start3A_38 = arith.constant 0 : i32
          %dma_start3A_39 = tpu.memref_slice %arg9[%mul3A_36, %dma_start3A_38] : memref<3208x128xf32, #tpu.memory_space<vmem_shared>> -> memref<200x128xf32, #tpu.memory_space<vmem_shared>>
          tpu.enqueue_dma source(%dma_start3A_39 : memref<200x128xf32, #tpu.memory_space<vmem_shared>>) target(%dma_start3A_37 : memref<200x128xf32, #tpu.memory_space<hbm>>) target_semaphore(%run_scoped3A : memref<!tpu.dma_semaphore, #tpu.memory_space<semaphore_mem>>)
          %dma_wait3A = arith.constant 0 : i32
          %dma_wait3A_40 = tpu.memref_slice %arg5[%add3A_13, %dma_wait3A] : memref<100000x128xf32, #tpu.memory_space<hbm>> -> memref<200x128xf32, #tpu.memory_space<hbm>>
          %dma_wait3A_41 = arith.constant 0 : i32
          %dma_wait3A_42 = tpu.memref_slice %arg9[%mul3A_36, %dma_wait3A_41] : memref<3208x128xf32, #tpu.memory_space<vmem_shared>> -> memref<200x128xf32, #tpu.memory_space<vmem_shared>>
          tpu.wait_dma2 semaphore(%run_scoped3A : memref<!tpu.dma_semaphore, #tpu.memory_space<semaphore_mem>>) src(%dma_wait3A_42 : memref<200x128xf32, #tpu.memory_space<vmem_shared>>) dst(%dma_wait3A_40 : memref<200x128xf32, #tpu.memory_space<hbm>>)
          tpu.yield
        }) : () -> ()
      } else {
      }
      %barrier3A_33 = arith.constant 0 : index
      tpu.barrier barrier_id(%barrier3A_33)
      %scan3A_34 = arith.constant 0 : i32
      scf.yield %scan3A_34 : i32
    }
    %scan3A_5 = arith.constant 16 : i32
    return
  }
}

#map = affine_map<(d0, d1) -> (0, 0)>
module attributes {stable_mosaic.version = 14 : i64} {
  func.func @_sc_fast_body(%arg0: i32, %arg1: i32, %arg2: memref<100000x128xf32, #tpu.memory_space<hbm>>, %arg3: memref<12800x125xi32, #tpu.memory_space<hbm>>, %arg4: memref<12800x125xi32, #tpu.memory_space<hbm>>, %arg5: memref<100000x128xf32, #tpu.memory_space<hbm>>, %arg6: memref<40x125xi32, #tpu.memory_space<vmem>>, %arg7: memref<40x125xi32, #tpu.memory_space<vmem>>, %arg8: memref<125x128xf32, #tpu.memory_space<vmem>>, %arg9: memref<125x128xf32, #tpu.memory_space<vmem>>, %arg10: memref<10000x128xf32, #tpu.memory_space<vmem_shared>>, %arg11: memref<!tpu.dma_semaphore, #tpu.memory_space<semaphore_mem>>, %arg12: memref<!tpu.dma_semaphore, #tpu.memory_space<semaphore_mem>>) attributes {dimension_semantics = [#tpu.dimension_semantics<core_parallel>, #tpu.dimension_semantics<subcore_parallel>], iteration_bounds = array<i64: 2, 16>, scalar_prefetch = 0 : i64, scratch_operands = 7 : i64, tpu.core_type = #tpu.core_type<sc_vector_subcore>, window_params = [{transform_indices = #map}, {transform_indices = #map}, {transform_indices = #map}, {transform_indices = #map}]} {
    %scan3A = arith.constant 0 : i32
    %scan3A_0 = arith.constant 0 : i32
    %scan3A_1 = arith.constant 5 : i32
    %scan3A_2 = arith.addi %scan3A_0, %scan3A_1 : i32
    %scan3A_3 = arith.constant 1 : i32
    %scan3A_4 = scf.for %scan3A_6 = %scan3A_0 to %scan3A_2 step %scan3A_3 iter_args(%scan3A_7 = %scan3A) -> (i32)  : i32 {
      %mul3A = arith.constant 2 : i32
      %mul3A_8 = arith.muli %scan3A_6, %mul3A : i32
      %add3A = arith.addi %mul3A_8, %arg0 : i32
      %mul3A_9 = arith.constant 10000 : i32
      %mul3A_10 = arith.muli %add3A, %mul3A_9 : i32
      %lt3A = arith.constant 15 : i32
      %lt3A_11 = arith.cmpi slt, %arg1, %lt3A : i32
      %convert_element_type3A = arith.extui %lt3A_11 : i1 to i32
      %cond3A = arith.constant 0 : i32
      %cond3A_12 = arith.cmpi ne, %convert_element_type3A, %cond3A : i32
      scf.if %cond3A_12 {
        %mul3A_41 = arith.constant 624 : i32
        %mul3A_42 = arith.muli %arg1, %mul3A_41 : i32
        %add3A_43 = arith.addi %mul3A_10, %mul3A_42 : i32
        %mul3A_44 = arith.constant 624 : i32
        %mul3A_45 = arith.muli %arg1, %mul3A_44 : i32
        "tpu.region"() ({
          %run_scoped3A = tpu.sem_alloc : memref<!tpu.dma_semaphore, #tpu.memory_space<semaphore_mem>>
          %dma_start3A = arith.constant 0 : i32
          %dma_start3A_46 = tpu.memref_slice %arg10[%mul3A_45, %dma_start3A] : memref<10000x128xf32, #tpu.memory_space<vmem_shared>> -> memref<624x128xf32, #tpu.memory_space<vmem_shared>>
          %dma_start3A_47 = arith.constant 0 : i32
          %dma_start3A_48 = tpu.memref_slice %arg2[%add3A_43, %dma_start3A_47] : memref<100000x128xf32, #tpu.memory_space<hbm>> -> memref<624x128xf32, #tpu.memory_space<hbm>>
          tpu.enqueue_dma source(%dma_start3A_48 : memref<624x128xf32, #tpu.memory_space<hbm>>) target(%dma_start3A_46 : memref<624x128xf32, #tpu.memory_space<vmem_shared>>) target_semaphore(%run_scoped3A : memref<!tpu.dma_semaphore, #tpu.memory_space<semaphore_mem>>)
          %dma_wait3A = arith.constant 0 : i32
          %dma_wait3A_49 = tpu.memref_slice %arg10[%mul3A_45, %dma_wait3A] : memref<10000x128xf32, #tpu.memory_space<vmem_shared>> -> memref<624x128xf32, #tpu.memory_space<vmem_shared>>
          %dma_wait3A_50 = arith.constant 0 : i32
          %dma_wait3A_51 = tpu.memref_slice %arg2[%add3A_43, %dma_wait3A_50] : memref<100000x128xf32, #tpu.memory_space<hbm>> -> memref<624x128xf32, #tpu.memory_space<hbm>>
          tpu.wait_dma2 semaphore(%run_scoped3A : memref<!tpu.dma_semaphore, #tpu.memory_space<semaphore_mem>>) src(%dma_wait3A_51 : memref<624x128xf32, #tpu.memory_space<hbm>>) dst(%dma_wait3A_49 : memref<624x128xf32, #tpu.memory_space<vmem_shared>>)
          tpu.yield
        }) : () -> ()
      } else {
      }
      %eq3A = arith.constant 15 : i32
      %eq3A_13 = arith.cmpi eq, %arg1, %eq3A : i32
      %convert_element_type3A_14 = arith.extui %eq3A_13 : i1 to i32
      %cond3A_15 = arith.constant 0 : i32
      %cond3A_16 = arith.cmpi ne, %convert_element_type3A_14, %cond3A_15 : i32
      scf.if %cond3A_16 {
        %add3A_41 = arith.constant 9360 : i32
        %add3A_42 = arith.addi %mul3A_10, %add3A_41 : i32
        "tpu.region"() ({
          %run_scoped3A = tpu.sem_alloc : memref<!tpu.dma_semaphore, #tpu.memory_space<semaphore_mem>>
          %dma_start3A = arith.constant 9360 : i32
          %dma_start3A_43 = arith.constant 0 : i32
          %dma_start3A_44 = tpu.memref_slice %arg10[%dma_start3A, %dma_start3A_43] : memref<10000x128xf32, #tpu.memory_space<vmem_shared>> -> memref<640x128xf32, #tpu.memory_space<vmem_shared>>
          %dma_start3A_45 = arith.constant 0 : i32
          %dma_start3A_46 = tpu.memref_slice %arg2[%add3A_42, %dma_start3A_45] : memref<100000x128xf32, #tpu.memory_space<hbm>> -> memref<640x128xf32, #tpu.memory_space<hbm>>
          tpu.enqueue_dma source(%dma_start3A_46 : memref<640x128xf32, #tpu.memory_space<hbm>>) target(%dma_start3A_44 : memref<640x128xf32, #tpu.memory_space<vmem_shared>>) target_semaphore(%run_scoped3A : memref<!tpu.dma_semaphore, #tpu.memory_space<semaphore_mem>>)
          %dma_wait3A = arith.constant 9360 : i32
          %dma_wait3A_47 = arith.constant 0 : i32
          %dma_wait3A_48 = tpu.memref_slice %arg10[%dma_wait3A, %dma_wait3A_47] : memref<10000x128xf32, #tpu.memory_space<vmem_shared>> -> memref<640x128xf32, #tpu.memory_space<vmem_shared>>
          %dma_wait3A_49 = arith.constant 0 : i32
          %dma_wait3A_50 = tpu.memref_slice %arg2[%add3A_42, %dma_wait3A_49] : memref<100000x128xf32, #tpu.memory_space<hbm>> -> memref<640x128xf32, #tpu.memory_space<hbm>>
          tpu.wait_dma2 semaphore(%run_scoped3A : memref<!tpu.dma_semaphore, #tpu.memory_space<semaphore_mem>>) src(%dma_wait3A_50 : memref<640x128xf32, #tpu.memory_space<hbm>>) dst(%dma_wait3A_48 : memref<640x128xf32, #tpu.memory_space<vmem_shared>>)
          tpu.yield
        }) : () -> ()
      } else {
      }
      %barrier3A = arith.constant 0 : index
      tpu.barrier barrier_id(%barrier3A)
      %mul3A_17 = arith.constant 1280 : i32
      %mul3A_18 = arith.muli %add3A, %mul3A_17 : i32
      %mul3A_19 = arith.constant 80 : i32
      %mul3A_20 = arith.muli %arg1, %mul3A_19 : i32
      %add3A_21 = arith.addi %mul3A_18, %mul3A_20 : i32
      %scan3A_22 = arith.constant 0 : i32
      %scan3A_23 = arith.constant 0 : i32
      %scan3A_24 = arith.constant 2 : i32
      %scan3A_25 = arith.addi %scan3A_23, %scan3A_24 : i32
      %scan3A_26 = arith.constant 1 : i32
      %scan3A_27 = scf.for %scan3A_41 = %scan3A_23 to %scan3A_25 step %scan3A_26 iter_args(%scan3A_42 = %scan3A_22) -> (i32)  : i32 {
        %mul3A_43 = arith.constant 40 : i32
        %mul3A_44 = arith.muli %scan3A_41, %mul3A_43 : i32
        %add3A_45 = arith.addi %add3A_21, %mul3A_44 : i32
        "tpu.region"() ({
          %run_scoped3A = tpu.sem_alloc : memref<!tpu.dma_semaphore, #tpu.memory_space<semaphore_mem>>
          %dma_start3A_63 = arith.constant 0 : i32
          %dma_start3A_64 = tpu.memref_slice %arg3[%add3A_45, %dma_start3A_63] : memref<12800x125xi32, #tpu.memory_space<hbm>> -> memref<40x125xi32, #tpu.memory_space<hbm>>
          %dma_start3A_65 = arith.constant 0 : i32
          %dma_start3A_66 = tpu.memref_slice %arg3[%add3A_45, %dma_start3A_65] : memref<12800x125xi32, #tpu.memory_space<hbm>> -> memref<40x125xi32, #tpu.memory_space<hbm>>
          tpu.enqueue_dma source(%dma_start3A_66 : memref<40x125xi32, #tpu.memory_space<hbm>>) target(%arg6 : memref<40x125xi32, #tpu.memory_space<vmem>>) target_semaphore(%run_scoped3A : memref<!tpu.dma_semaphore, #tpu.memory_space<semaphore_mem>>)
          %dma_wait3A = arith.constant 0 : i32
          %dma_wait3A_67 = tpu.memref_slice %arg3[%add3A_45, %dma_wait3A] : memref<12800x125xi32, #tpu.memory_space<hbm>> -> memref<40x125xi32, #tpu.memory_space<hbm>>
          %dma_wait3A_68 = arith.constant 0 : i32
          %dma_wait3A_69 = tpu.memref_slice %arg3[%add3A_45, %dma_wait3A_68] : memref<12800x125xi32, #tpu.memory_space<hbm>> -> memref<40x125xi32, #tpu.memory_space<hbm>>
          tpu.wait_dma2 semaphore(%run_scoped3A : memref<!tpu.dma_semaphore, #tpu.memory_space<semaphore_mem>>) src(%dma_wait3A_69 : memref<40x125xi32, #tpu.memory_space<hbm>>) dst(%arg6 : memref<40x125xi32, #tpu.memory_space<vmem>>)
          tpu.yield
        }) : () -> ()
        %mul3A_46 = arith.constant 40 : i32
        %mul3A_47 = arith.muli %scan3A_41, %mul3A_46 : i32
        %add3A_48 = arith.addi %add3A_21, %mul3A_47 : i32
        "tpu.region"() ({
          %run_scoped3A = tpu.sem_alloc : memref<!tpu.dma_semaphore, #tpu.memory_space<semaphore_mem>>
          %dma_start3A_63 = arith.constant 0 : i32
          %dma_start3A_64 = tpu.memref_slice %arg4[%add3A_48, %dma_start3A_63] : memref<12800x125xi32, #tpu.memory_space<hbm>> -> memref<40x125xi32, #tpu.memory_space<hbm>>
          %dma_start3A_65 = arith.constant 0 : i32
          %dma_start3A_66 = tpu.memref_slice %arg4[%add3A_48, %dma_start3A_65] : memref<12800x125xi32, #tpu.memory_space<hbm>> -> memref<40x125xi32, #tpu.memory_space<hbm>>
          tpu.enqueue_dma source(%dma_start3A_66 : memref<40x125xi32, #tpu.memory_space<hbm>>) target(%arg7 : memref<40x125xi32, #tpu.memory_space<vmem>>) target_semaphore(%run_scoped3A : memref<!tpu.dma_semaphore, #tpu.memory_space<semaphore_mem>>)
          %dma_wait3A = arith.constant 0 : i32
          %dma_wait3A_67 = tpu.memref_slice %arg4[%add3A_48, %dma_wait3A] : memref<12800x125xi32, #tpu.memory_space<hbm>> -> memref<40x125xi32, #tpu.memory_space<hbm>>
          %dma_wait3A_68 = arith.constant 0 : i32
          %dma_wait3A_69 = tpu.memref_slice %arg4[%add3A_48, %dma_wait3A_68] : memref<12800x125xi32, #tpu.memory_space<hbm>> -> memref<40x125xi32, #tpu.memory_space<hbm>>
          tpu.wait_dma2 semaphore(%run_scoped3A : memref<!tpu.dma_semaphore, #tpu.memory_space<semaphore_mem>>) src(%dma_wait3A_69 : memref<40x125xi32, #tpu.memory_space<hbm>>) dst(%arg7 : memref<40x125xi32, #tpu.memory_space<vmem>>)
          tpu.yield
        }) : () -> ()
        %dma_start3A = arith.constant 0 : i32
        %dma_start3A_49 = arith.constant 0 : i32
        %dma_start3A_50 = tpu.memref_slice %arg6[%dma_start3A, %dma_start3A_49] : memref<40x125xi32, #tpu.memory_space<vmem>> -> memref<1x125xi32, #tpu.memory_space<vmem>>
        %dma_start3A_51 = tpu.memref_squeeze %dma_start3A_50 : memref<1x125xi32, #tpu.memory_space<vmem>> -> memref<125xi32, #tpu.memory_space<vmem>>
        %dma_start3A_52 = arith.constant 0 : i32
        %dma_start3A_53 = arith.constant 0 : i32
        %dma_start3A_54 = tpu.memref_slice %arg2[%dma_start3A_52, %dma_start3A_53] : memref<100000x128xf32, #tpu.memory_space<hbm>> -> memref<100000x128xf32, #tpu.memory_space<hbm>>
        tpu.enqueue_indirect_dma source(%dma_start3A_54 : memref<100000x128xf32, #tpu.memory_space<hbm>>) target(%arg8 : memref<125x128xf32, #tpu.memory_space<vmem>>) offsets(%dma_start3A_51 : memref<125xi32, #tpu.memory_space<vmem>>) semaphore(%arg11 : memref<!tpu.dma_semaphore, #tpu.memory_space<semaphore_mem>>)
        %scan3A_55 = arith.constant 0 : i32
        %scan3A_56 = arith.constant 0 : i32
        %scan3A_57 = arith.constant 20 : i32
        %scan3A_58 = arith.addi %scan3A_56, %scan3A_57 : i32
        %scan3A_59 = arith.constant 1 : i32
        %scan3A_60 = scf.for %scan3A_63 = %scan3A_56 to %scan3A_58 step %scan3A_59 iter_args(%scan3A_64 = %scan3A_55) -> (i32)  : i32 {
          %mul3A_65 = arith.constant 2 : i32
          %mul3A_66 = arith.muli %mul3A_65, %scan3A_63 : i32
          %add3A_67 = arith.constant 1 : i32
          %add3A_68 = arith.addi %mul3A_66, %add3A_67 : i32
          %dma_start3A_69 = arith.constant 0 : i32
          %dma_start3A_70 = tpu.memref_slice %arg6[%add3A_68, %dma_start3A_69] : memref<40x125xi32, #tpu.memory_space<vmem>> -> memref<1x125xi32, #tpu.memory_space<vmem>>
          %dma_start3A_71 = tpu.memref_squeeze %dma_start3A_70 : memref<1x125xi32, #tpu.memory_space<vmem>> -> memref<125xi32, #tpu.memory_space<vmem>>
          %dma_start3A_72 = arith.constant 0 : i32
          %dma_start3A_73 = arith.constant 0 : i32
          %dma_start3A_74 = tpu.memref_slice %arg2[%dma_start3A_72, %dma_start3A_73] : memref<100000x128xf32, #tpu.memory_space<hbm>> -> memref<100000x128xf32, #tpu.memory_space<hbm>>
          tpu.enqueue_indirect_dma source(%dma_start3A_74 : memref<100000x128xf32, #tpu.memory_space<hbm>>) target(%arg9 : memref<125x128xf32, #tpu.memory_space<vmem>>) offsets(%dma_start3A_71 : memref<125xi32, #tpu.memory_space<vmem>>) semaphore(%arg12 : memref<!tpu.dma_semaphore, #tpu.memory_space<semaphore_mem>>)
          %dma_wait3A = arith.constant 0 : i32
          %dma_wait3A_75 = tpu.memref_slice %arg6[%mul3A_66, %dma_wait3A] : memref<40x125xi32, #tpu.memory_space<vmem>> -> memref<1x125xi32, #tpu.memory_space<vmem>>
          %dma_wait3A_76 = tpu.memref_squeeze %dma_wait3A_75 : memref<1x125xi32, #tpu.memory_space<vmem>> -> memref<125xi32, #tpu.memory_space<vmem>>
          %dma_wait3A_77 = arith.constant 0 : i32
          %dma_wait3A_78 = arith.constant 0 : i32
          %dma_wait3A_79 = tpu.memref_slice %arg2[%dma_wait3A_77, %dma_wait3A_78] : memref<100000x128xf32, #tpu.memory_space<hbm>> -> memref<100000x128xf32, #tpu.memory_space<hbm>>
          tpu.wait_indirect_dma semaphore(%arg11 : memref<!tpu.dma_semaphore, #tpu.memory_space<semaphore_mem>>) src(%dma_wait3A_79 : memref<100000x128xf32, #tpu.memory_space<hbm>>) dst(%arg8 : memref<125x128xf32, #tpu.memory_space<vmem>>)
          "tpu.region"() ({
            %run_scoped3A = tpu.sem_alloc : memref<!tpu.dma_semaphore, #tpu.memory_space<semaphore_mem>>
            %dma_start3A_98 = arith.constant 0 : i32
            %dma_start3A_99 = tpu.memref_slice %arg7[%mul3A_66, %dma_start3A_98] : memref<40x125xi32, #tpu.memory_space<vmem>> -> memref<1x125xi32, #tpu.memory_space<vmem>>
            %dma_start3A_100 = tpu.memref_squeeze %dma_start3A_99 : memref<1x125xi32, #tpu.memory_space<vmem>> -> memref<125xi32, #tpu.memory_space<vmem>>
            %dma_start3A_101 = arith.constant 0 : i32
            %dma_start3A_102 = arith.constant 0 : i32
            %dma_start3A_103 = tpu.memref_slice %arg10[%dma_start3A_101, %dma_start3A_102] : memref<10000x128xf32, #tpu.memory_space<vmem_shared>> -> memref<10000x128xf32, #tpu.memory_space<vmem_shared>>
            tpu.enqueue_indirect_dma source(%arg8 : memref<125x128xf32, #tpu.memory_space<vmem>>) target(%dma_start3A_103 : memref<10000x128xf32, #tpu.memory_space<vmem_shared>>) offsets(%dma_start3A_100 : memref<125xi32, #tpu.memory_space<vmem>>) semaphore(%run_scoped3A : memref<!tpu.dma_semaphore, #tpu.memory_space<semaphore_mem>>) {add = true}
            %dma_wait3A_104 = arith.constant 0 : i32
            %dma_wait3A_105 = tpu.memref_slice %arg7[%mul3A_66, %dma_wait3A_104] : memref<40x125xi32, #tpu.memory_space<vmem>> -> memref<1x125xi32, #tpu.memory_space<vmem>>
            %dma_wait3A_106 = tpu.memref_squeeze %dma_wait3A_105 : memref<1x125xi32, #tpu.memory_space<vmem>> -> memref<125xi32, #tpu.memory_space<vmem>>
            %dma_wait3A_107 = arith.constant 0 : i32
            %dma_wait3A_108 = arith.constant 0 : i32
            %dma_wait3A_109 = tpu.memref_slice %arg10[%dma_wait3A_107, %dma_wait3A_108] : memref<10000x128xf32, #tpu.memory_space<vmem_shared>> -> memref<10000x128xf32, #tpu.memory_space<vmem_shared>>
            tpu.wait_indirect_dma semaphore(%run_scoped3A : memref<!tpu.dma_semaphore, #tpu.memory_space<semaphore_mem>>) src(%arg8 : memref<125x128xf32, #tpu.memory_space<vmem>>) dst(%dma_wait3A_109 : memref<10000x128xf32, #tpu.memory_space<vmem_shared>>)
            tpu.yield
          }) : () -> ()
          %add3A_80 = arith.constant 2 : i32
          %add3A_81 = arith.addi %mul3A_66, %add3A_80 : i32
          %lt3A_82 = arith.constant 40 : i32
          %lt3A_83 = arith.cmpi slt, %add3A_81, %lt3A_82 : i32
          %convert_element_type3A_84 = arith.extui %lt3A_83 : i1 to i32
          %cond3A_85 = arith.constant 0 : i32
          %cond3A_86 = arith.cmpi ne, %convert_element_type3A_84, %cond3A_85 : i32
          scf.if %cond3A_86 {
            %add3A_98 = arith.constant 2 : i32
            %add3A_99 = arith.addi %mul3A_66, %add3A_98 : i32
            %dma_start3A_100 = arith.constant 0 : i32
            %dma_start3A_101 = tpu.memref_slice %arg6[%add3A_99, %dma_start3A_100] : memref<40x125xi32, #tpu.memory_space<vmem>> -> memref<1x125xi32, #tpu.memory_space<vmem>>
            %dma_start3A_102 = tpu.memref_squeeze %dma_start3A_101 : memref<1x125xi32, #tpu.memory_space<vmem>> -> memref<125xi32, #tpu.memory_space<vmem>>
            %dma_start3A_103 = arith.constant 0 : i32
            %dma_start3A_104 = arith.constant 0 : i32
            %dma_start3A_105 = tpu.memref_slice %arg2[%dma_start3A_103, %dma_start3A_104] : memref<100000x128xf32, #tpu.memory_space<hbm>> -> memref<100000x128xf32, #tpu.memory_space<hbm>>
            tpu.enqueue_indirect_dma source(%dma_start3A_105 : memref<100000x128xf32, #tpu.memory_space<hbm>>) target(%arg8 : memref<125x128xf32, #tpu.memory_space<vmem>>) offsets(%dma_start3A_102 : memref<125xi32, #tpu.memory_space<vmem>>) semaphore(%arg11 : memref<!tpu.dma_semaphore, #tpu.memory_space<semaphore_mem>>)
          } else {
          }
          %add3A_87 = arith.constant 1 : i32
          %add3A_88 = arith.addi %mul3A_66, %add3A_87 : i32
          %dma_wait3A_89 = arith.constant 0 : i32
          %dma_wait3A_90 = tpu.memref_slice %arg6[%add3A_88, %dma_wait3A_89] : memref<40x125xi32, #tpu.memory_space<vmem>> -> memref<1x125xi32, #tpu.memory_space<vmem>>
          %dma_wait3A_91 = tpu.memref_squeeze %dma_wait3A_90 : memref<1x125xi32, #tpu.memory_space<vmem>> -> memref<125xi32, #tpu.memory_space<vmem>>
          %dma_wait3A_92 = arith.constant 0 : i32
          %dma_wait3A_93 = arith.constant 0 : i32
          %dma_wait3A_94 = tpu.memref_slice %arg2[%dma_wait3A_92, %dma_wait3A_93] : memref<100000x128xf32, #tpu.memory_space<hbm>> -> memref<100000x128xf32, #tpu.memory_space<hbm>>
          tpu.wait_indirect_dma semaphore(%arg12 : memref<!tpu.dma_semaphore, #tpu.memory_space<semaphore_mem>>) src(%dma_wait3A_94 : memref<100000x128xf32, #tpu.memory_space<hbm>>) dst(%arg9 : memref<125x128xf32, #tpu.memory_space<vmem>>)
          %add3A_95 = arith.constant 1 : i32
          %add3A_96 = arith.addi %mul3A_66, %add3A_95 : i32
          "tpu.region"() ({
            %run_scoped3A = tpu.sem_alloc : memref<!tpu.dma_semaphore, #tpu.memory_space<semaphore_mem>>
            %dma_start3A_98 = arith.constant 0 : i32
            %dma_start3A_99 = tpu.memref_slice %arg7[%add3A_96, %dma_start3A_98] : memref<40x125xi32, #tpu.memory_space<vmem>> -> memref<1x125xi32, #tpu.memory_space<vmem>>
            %dma_start3A_100 = tpu.memref_squeeze %dma_start3A_99 : memref<1x125xi32, #tpu.memory_space<vmem>> -> memref<125xi32, #tpu.memory_space<vmem>>
            %dma_start3A_101 = arith.constant 0 : i32
            %dma_start3A_102 = arith.constant 0 : i32
            %dma_start3A_103 = tpu.memref_slice %arg10[%dma_start3A_101, %dma_start3A_102] : memref<10000x128xf32, #tpu.memory_space<vmem_shared>> -> memref<10000x128xf32, #tpu.memory_space<vmem_shared>>
            tpu.enqueue_indirect_dma source(%arg9 : memref<125x128xf32, #tpu.memory_space<vmem>>) target(%dma_start3A_103 : memref<10000x128xf32, #tpu.memory_space<vmem_shared>>) offsets(%dma_start3A_100 : memref<125xi32, #tpu.memory_space<vmem>>) semaphore(%run_scoped3A : memref<!tpu.dma_semaphore, #tpu.memory_space<semaphore_mem>>) {add = true}
            %dma_wait3A_104 = arith.constant 0 : i32
            %dma_wait3A_105 = tpu.memref_slice %arg7[%add3A_96, %dma_wait3A_104] : memref<40x125xi32, #tpu.memory_space<vmem>> -> memref<1x125xi32, #tpu.memory_space<vmem>>
            %dma_wait3A_106 = tpu.memref_squeeze %dma_wait3A_105 : memref<1x125xi32, #tpu.memory_space<vmem>> -> memref<125xi32, #tpu.memory_space<vmem>>
            %dma_wait3A_107 = arith.constant 0 : i32
            %dma_wait3A_108 = arith.constant 0 : i32
            %dma_wait3A_109 = tpu.memref_slice %arg10[%dma_wait3A_107, %dma_wait3A_108] : memref<10000x128xf32, #tpu.memory_space<vmem_shared>> -> memref<10000x128xf32, #tpu.memory_space<vmem_shared>>
            tpu.wait_indirect_dma semaphore(%run_scoped3A : memref<!tpu.dma_semaphore, #tpu.memory_space<semaphore_mem>>) src(%arg9 : memref<125x128xf32, #tpu.memory_space<vmem>>) dst(%dma_wait3A_109 : memref<10000x128xf32, #tpu.memory_space<vmem_shared>>)
            tpu.yield
          }) : () -> ()
          %scan3A_97 = arith.constant 0 : i32
          scf.yield %scan3A_97 : i32
        }
        %scan3A_61 = arith.constant 20 : i32
        %scan3A_62 = arith.constant 0 : i32
        scf.yield %scan3A_62 : i32
      }
      %scan3A_28 = arith.constant 2 : i32
      %barrier3A_29 = arith.constant 0 : index
      tpu.barrier barrier_id(%barrier3A_29)
      %lt3A_30 = arith.constant 15 : i32
      %lt3A_31 = arith.cmpi slt, %arg1, %lt3A_30 : i32
      %convert_element_type3A_32 = arith.extui %lt3A_31 : i1 to i32
      %cond3A_33 = arith.constant 0 : i32
      %cond3A_34 = arith.cmpi ne, %convert_element_type3A_32, %cond3A_33 : i32
      scf.if %cond3A_34 {
        %mul3A_41 = arith.constant 624 : i32
        %mul3A_42 = arith.muli %arg1, %mul3A_41 : i32
        %mul3A_43 = arith.constant 624 : i32
        %mul3A_44 = arith.muli %arg1, %mul3A_43 : i32
        %add3A_45 = arith.addi %mul3A_10, %mul3A_44 : i32
        "tpu.region"() ({
          %run_scoped3A = tpu.sem_alloc : memref<!tpu.dma_semaphore, #tpu.memory_space<semaphore_mem>>
          %dma_start3A = arith.constant 0 : i32
          %dma_start3A_46 = tpu.memref_slice %arg5[%add3A_45, %dma_start3A] : memref<100000x128xf32, #tpu.memory_space<hbm>> -> memref<624x128xf32, #tpu.memory_space<hbm>>
          %dma_start3A_47 = arith.constant 0 : i32
          %dma_start3A_48 = tpu.memref_slice %arg10[%mul3A_42, %dma_start3A_47] : memref<10000x128xf32, #tpu.memory_space<vmem_shared>> -> memref<624x128xf32, #tpu.memory_space<vmem_shared>>
          tpu.enqueue_dma source(%dma_start3A_48 : memref<624x128xf32, #tpu.memory_space<vmem_shared>>) target(%dma_start3A_46 : memref<624x128xf32, #tpu.memory_space<hbm>>) target_semaphore(%run_scoped3A : memref<!tpu.dma_semaphore, #tpu.memory_space<semaphore_mem>>)
          %dma_wait3A = arith.constant 0 : i32
          %dma_wait3A_49 = tpu.memref_slice %arg5[%add3A_45, %dma_wait3A] : memref<100000x128xf32, #tpu.memory_space<hbm>> -> memref<624x128xf32, #tpu.memory_space<hbm>>
          %dma_wait3A_50 = arith.constant 0 : i32
          %dma_wait3A_51 = tpu.memref_slice %arg10[%mul3A_42, %dma_wait3A_50] : memref<10000x128xf32, #tpu.memory_space<vmem_shared>> -> memref<624x128xf32, #tpu.memory_space<vmem_shared>>
          tpu.wait_dma2 semaphore(%run_scoped3A : memref<!tpu.dma_semaphore, #tpu.memory_space<semaphore_mem>>) src(%dma_wait3A_51 : memref<624x128xf32, #tpu.memory_space<vmem_shared>>) dst(%dma_wait3A_49 : memref<624x128xf32, #tpu.memory_space<hbm>>)
          tpu.yield
        }) : () -> ()
      } else {
      }
      %eq3A_35 = arith.constant 15 : i32
      %eq3A_36 = arith.cmpi eq, %arg1, %eq3A_35 : i32
      %convert_element_type3A_37 = arith.extui %eq3A_36 : i1 to i32
      %cond3A_38 = arith.constant 0 : i32
      %cond3A_39 = arith.cmpi ne, %convert_element_type3A_37, %cond3A_38 : i32
      scf.if %cond3A_39 {
        %add3A_41 = arith.constant 9360 : i32
        %add3A_42 = arith.addi %mul3A_10, %add3A_41 : i32
        "tpu.region"() ({
          %run_scoped3A = tpu.sem_alloc : memref<!tpu.dma_semaphore, #tpu.memory_space<semaphore_mem>>
          %dma_start3A = arith.constant 0 : i32
          %dma_start3A_43 = tpu.memref_slice %arg5[%add3A_42, %dma_start3A] : memref<100000x128xf32, #tpu.memory_space<hbm>> -> memref<640x128xf32, #tpu.memory_space<hbm>>
          %dma_start3A_44 = arith.constant 9360 : i32
          %dma_start3A_45 = arith.constant 0 : i32
          %dma_start3A_46 = tpu.memref_slice %arg10[%dma_start3A_44, %dma_start3A_45] : memref<10000x128xf32, #tpu.memory_space<vmem_shared>> -> memref<640x128xf32, #tpu.memory_space<vmem_shared>>
          tpu.enqueue_dma source(%dma_start3A_46 : memref<640x128xf32, #tpu.memory_space<vmem_shared>>) target(%dma_start3A_43 : memref<640x128xf32, #tpu.memory_space<hbm>>) target_semaphore(%run_scoped3A : memref<!tpu.dma_semaphore, #tpu.memory_space<semaphore_mem>>)
          %dma_wait3A = arith.constant 0 : i32
          %dma_wait3A_47 = tpu.memref_slice %arg5[%add3A_42, %dma_wait3A] : memref<100000x128xf32, #tpu.memory_space<hbm>> -> memref<640x128xf32, #tpu.memory_space<hbm>>
          %dma_wait3A_48 = arith.constant 9360 : i32
          %dma_wait3A_49 = arith.constant 0 : i32
          %dma_wait3A_50 = tpu.memref_slice %arg10[%dma_wait3A_48, %dma_wait3A_49] : memref<10000x128xf32, #tpu.memory_space<vmem_shared>> -> memref<640x128xf32, #tpu.memory_space<vmem_shared>>
          tpu.wait_dma2 semaphore(%run_scoped3A : memref<!tpu.dma_semaphore, #tpu.memory_space<semaphore_mem>>) src(%dma_wait3A_50 : memref<640x128xf32, #tpu.memory_space<vmem_shared>>) dst(%dma_wait3A_47 : memref<640x128xf32, #tpu.memory_space<hbm>>)
          tpu.yield
        }) : () -> ()
      } else {
      }
      %scan3A_40 = arith.constant 0 : i32
      scf.yield %scan3A_40 : i32
    }
    %scan3A_5 = arith.constant 5 : i32
    return
  }
}

module attributes {stable_mosaic.version = 14 : i64} {
  func.func @_k0_body(%arg0: i32, %arg1: memref<10000x128xf32, #tpu.memory_space<vmem>>, %arg2: memref<10000x1xf32, #tpu.memory_space<vmem>>, %arg3: memref<128x10xf32, #tpu.memory_space<vmem>>, %arg4: memref<10000x128xf32, #tpu.memory_space<vmem>>, %arg5: memref<10000x10xf32, #tpu.memory_space<vmem>>) attributes {dimension_semantics = [#tpu.dimension_semantics<arbitrary>], iteration_bounds = array<i64: 10>, scalar_prefetch = 0 : i64, scratch_operands = 0 : i64, tpu.core_type = #tpu.core_type<tc>, window_params = [{pipeline_mode = #tpu.pipeline_mode<synchronous>, transform_indices = @transform_0, window_bounds = array<i64: 10000, 128>}, {transform_indices = @transform_1, window_bounds = array<i64: 10000, 1>}, {pipeline_mode = #tpu.pipeline_mode<synchronous>, transform_indices = @transform_2, window_bounds = array<i64: 128, 10>}, {transform_indices = @transform_3, window_bounds = array<i64: 10000, 128>}, {pipeline_mode = #tpu.pipeline_mode<synchronous>, transform_indices = @transform_4, window_bounds = array<i64: 10000, 10>}]} {
    %get3A = arith.constant 0 : index
    %get3A_0 = arith.constant 0 : index
    %get3A_1 = vector.load %arg1[%get3A, %get3A_0] : memref<10000x128xf32, #tpu.memory_space<vmem>>, vector<10000x128xf32>
    %get3A_2 = arith.constant 0 : index
    %get3A_3 = arith.constant 0 : index
    %get3A_4 = vector.load %arg2[%get3A_2, %get3A_3] : memref<10000x1xf32, #tpu.memory_space<vmem>>, vector<10000x1xf32>
    %mul3A = vector.broadcast %get3A_4 : vector<10000x1xf32> to vector<10000x128xf32>
    %mul3A_5 = arith.mulf %get3A_1, %mul3A : vector<10000x128xf32>
    %swap3A = arith.constant 0 : index
    %swap3A_6 = arith.constant 0 : index
    %swap3A_7 = vector.load %arg4[%swap3A, %swap3A_6] : memref<10000x128xf32, #tpu.memory_space<vmem>>, vector<10000x128xf32>
    tpu.vector_store %arg4[%swap3A, %swap3A_6], %mul3A_5 {strides = array<i32>} : memref<10000x128xf32, #tpu.memory_space<vmem>>, vector<10000x128xf32>,
    %get3A_8 = arith.constant 0 : index
    %get3A_9 = arith.constant 0 : index
    %get3A_10 = vector.load %arg3[%get3A_8, %get3A_9] : memref<128x10xf32, #tpu.memory_space<vmem>>, vector<128x10xf32>
    %dot_general3A = arith.constant dense<0.000000e+00> : vector<10000x10xf32>
    %dot_general3A_11 = tpu.matmul %mul3A_5, %get3A_10, %dot_general3A {dimension_numbers = #tpu.dot_dimension_numbers<[1], [0], [0], [1], [0, 0, 1, 1], [], []>, transpose_lhs_hint = false} : vector<10000x128xf32>, vector<128x10xf32>, vector<10000x10xf32> -> vector<10000x10xf32>
    %eq3A = arith.constant 0 : i32
    %eq3A_12 = arith.cmpi eq, %arg0, %eq3A : i32
    %convert_element_type3A = arith.extui %eq3A_12 : i1 to i32
    %cond3A = arith.constant 0 : i32
    %cond3A_13 = arith.cmpi ne, %convert_element_type3A, %cond3A : i32
    scf.if %cond3A_13 {
      %swap3A_18 = arith.constant 0 : index
      %swap3A_19 = arith.constant 0 : index
      %swap3A_20 = vector.load %arg5[%swap3A_18, %swap3A_19] : memref<10000x10xf32, #tpu.memory_space<vmem>>, vector<10000x10xf32>
      tpu.vector_store %arg5[%swap3A_18, %swap3A_19], %dot_general3A_11 {strides = array<i32>} : memref<10000x10xf32, #tpu.memory_space<vmem>>, vector<10000x10xf32>,
    } else {
    }
    %gt3A = arith.constant 0 : i32
    %gt3A_14 = arith.cmpi sgt, %arg0, %gt3A : i32
    %convert_element_type3A_15 = arith.extui %gt3A_14 : i1 to i32
    %cond3A_16 = arith.constant 0 : i32
    %cond3A_17 = arith.cmpi ne, %convert_element_type3A_15, %cond3A_16 : i32
    scf.if %cond3A_17 {
      %get3A_18 = arith.constant 0 : index
      %get3A_19 = arith.constant 0 : index
      %get3A_20 = vector.load %arg5[%get3A_18, %get3A_19] : memref<10000x10xf32, #tpu.memory_space<vmem>>, vector<10000x10xf32>
      %add3A = arith.addf %get3A_20, %dot_general3A_11 : vector<10000x10xf32>
      %swap3A_21 = arith.constant 0 : index
      %swap3A_22 = arith.constant 0 : index
      %swap3A_23 = vector.load %arg5[%swap3A_21, %swap3A_22] : memref<10000x10xf32, #tpu.memory_space<vmem>>, vector<10000x10xf32>
      tpu.vector_store %arg5[%swap3A_21, %swap3A_22], %add3A {strides = array<i32>} : memref<10000x10xf32, #tpu.memory_space<vmem>>, vector<10000x10xf32>,
    } else {
    }
    return
  }
  func.func @transform_0(%arg0: i32) -> (i32, i32) {
    %c0_i32 = arith.constant 0 : i32
    %c0_i32_0 = arith.constant 0 : i32
    %c0_i32_1 = arith.constant 0 : i32
    return %c0_i32, %c0_i32_0 : i32, i32
  }
  func.func @transform_1(%arg0: i32) -> (i32, i32) {
    %c0_i32 = arith.constant 0 : i32
    %c0_i32_0 = arith.constant 0 : i32
    return %arg0, %c0_i32 : i32, i32
  }
  func.func @transform_2(%arg0: i32) -> (i32, i32) {
    %c0_i32 = arith.constant 0 : i32
    %c0_i32_0 = arith.constant 0 : i32
    %c0_i32_1 = arith.constant 0 : i32
    return %c0_i32, %c0_i32_0 : i32, i32
  }
  func.func @transform_3(%arg0: i32) -> (i32, i32) {
    %c0_i32 = arith.constant 0 : i32
    %c0_i32_0 = arith.constant 0 : i32
    return %arg0, %c0_i32 : i32, i32
  }
  func.func @transform_4(%arg0: i32) -> (i32, i32) {
    %c0_i32 = arith.constant 0 : i32
    %c0_i32_0 = arith.constant 0 : i32
    %c0_i32_1 = arith.constant 0 : i32
    return %c0_i32, %c0_i32_0 : i32, i32
  }
}

module attributes {stable_mosaic.version = 14 : i64} {
  func.func @_ka_body(%arg0: i32, %arg1: memref<10000x128xf32, #tpu.memory_space<vmem>>, %arg2: memref<128x128xf32, #tpu.memory_space<vmem>>, %arg3: memref<1x128xf32, #tpu.memory_space<vmem>>, %arg4: memref<10000x128xbf16, #tpu.memory_space<vmem>>, %arg5: memref<2x128xf32, #tpu.memory_space<vmem>>, %arg6: memref<2x128xf32, #tpu.memory_space<vmem>>) attributes {dimension_semantics = [#tpu.dimension_semantics<arbitrary>], iteration_bounds = array<i64: 10>, scalar_prefetch = 0 : i64, scratch_operands = 1 : i64, tpu.core_type = #tpu.core_type<tc>, window_params = [{transform_indices = @transform_0, window_bounds = array<i64: 10000, 128>}, {pipeline_mode = #tpu.pipeline_mode<synchronous>, transform_indices = @transform_1, window_bounds = array<i64: 128, 128>}, {pipeline_mode = #tpu.pipeline_mode<synchronous>, transform_indices = @transform_2, window_bounds = array<i64: 1, 128>}, {transform_indices = @transform_3, window_bounds = array<i64: 10000, 128>}, {pipeline_mode = #tpu.pipeline_mode<synchronous>, transform_indices = @transform_4, window_bounds = array<i64: 2, 128>}]} {
    %get3A = arith.constant 0 : index
    %get3A_0 = arith.constant 0 : index
    %get3A_1 = vector.load %arg1[%get3A, %get3A_0] : memref<10000x128xf32, #tpu.memory_space<vmem>>, vector<10000x128xf32>
    %get3A_2 = arith.constant 0 : index
    %get3A_3 = arith.constant 0 : index
    %get3A_4 = vector.load %arg2[%get3A_2, %get3A_3] : memref<128x128xf32, #tpu.memory_space<vmem>>, vector<128x128xf32>
    %dot_general3A = arith.constant dense<0.000000e+00> : vector<10000x128xf32>
    %dot_general3A_5 = tpu.matmul %get3A_1, %get3A_4, %dot_general3A {dimension_numbers = #tpu.dot_dimension_numbers<[1], [0], [0], [1], [0, 0, 1, 1], [], []>, transpose_lhs_hint = false} : vector<10000x128xf32>, vector<128x128xf32>, vector<10000x128xf32> -> vector<10000x128xf32>
    %get3A_6 = arith.constant 0 : index
    %get3A_7 = arith.constant 0 : index
    %get3A_8 = vector.load %arg3[%get3A_6, %get3A_7] : memref<1x128xf32, #tpu.memory_space<vmem>>, vector<1x128xf32>
    %add3A = vector.broadcast %get3A_8 : vector<1x128xf32> to vector<10000x128xf32>
    %add3A_9 = arith.addf %dot_general3A_5, %add3A : vector<10000x128xf32>
    %convert_element_type3A = arith.truncf %add3A_9 : vector<10000x128xf32> to vector<10000x128xbf16>
    %swap3A = arith.constant 0 : index
    %swap3A_10 = arith.constant 0 : index
    %swap3A_11 = vector.load %arg4[%swap3A, %swap3A_10] : memref<10000x128xbf16, #tpu.memory_space<vmem>>, vector<10000x128xbf16>
    tpu.vector_store %arg4[%swap3A, %swap3A_10], %convert_element_type3A {strides = array<i32>} : memref<10000x128xbf16, #tpu.memory_space<vmem>>, vector<10000x128xbf16>,
    %reduce_sum3A = arith.constant dense<0.000000e+00> : vector<128xf32>
    %reduce_sum3A_12 = vector.multi_reduction <add>, %add3A_9, %reduce_sum3A [0] : vector<10000x128xf32> to vector<128xf32>
    %broadcast_in_dim3A = vector.shape_cast %reduce_sum3A_12 : vector<128xf32> to vector<1x128xf32>
    %mul3A = arith.mulf %add3A_9, %add3A_9 : vector<10000x128xf32>
    %reduce_sum3A_13 = arith.constant dense<0.000000e+00> : vector<128xf32>
    %reduce_sum3A_14 = vector.multi_reduction <add>, %mul3A, %reduce_sum3A_13 [0] : vector<10000x128xf32> to vector<128xf32>
    %broadcast_in_dim3A_15 = vector.shape_cast %reduce_sum3A_14 : vector<128xf32> to vector<1x128xf32>
    %eq3A = arith.constant 0 : i32
    %eq3A_16 = arith.cmpi eq, %arg0, %eq3A : i32
    %convert_element_type3A_17 = arith.extui %eq3A_16 : i1 to i32
    %cond3A = arith.constant 0 : i32
    %cond3A_18 = arith.cmpi ne, %convert_element_type3A_17, %cond3A : i32
    scf.if %cond3A_18 {
      %swap3A_28 = arith.constant 0 : index
      %swap3A_29 = arith.constant 0 : index
      %swap3A_30 = vector.load %arg6[%swap3A_28, %swap3A_29] : memref<2x128xf32, #tpu.memory_space<vmem>>, vector<1x128xf32>
      tpu.vector_store %arg6[%swap3A_28, %swap3A_29], %broadcast_in_dim3A {strides = array<i32>} : memref<2x128xf32, #tpu.memory_space<vmem>>, vector<1x128xf32>,
      %swap3A_31 = arith.constant 1 : index
      %swap3A_32 = arith.constant 0 : index
      %swap3A_33 = vector.load %arg6[%swap3A_31, %swap3A_32] : memref<2x128xf32, #tpu.memory_space<vmem>>, vector<1x128xf32>
      tpu.vector_store %arg6[%swap3A_31, %swap3A_32], %broadcast_in_dim3A_15 {strides = array<i32>} : memref<2x128xf32, #tpu.memory_space<vmem>>, vector<1x128xf32>,
    } else {
    }
    %gt3A = arith.constant 0 : i32
    %gt3A_19 = arith.cmpi sgt, %arg0, %gt3A : i32
    %convert_element_type3A_20 = arith.extui %gt3A_19 : i1 to i32
    %cond3A_21 = arith.constant 0 : i32
    %cond3A_22 = arith.cmpi ne, %convert_element_type3A_20, %cond3A_21 : i32
    scf.if %cond3A_22 {
      %get3A_28 = arith.constant 0 : index
      %get3A_29 = arith.constant 0 : index
      %get3A_30 = vector.load %arg6[%get3A_28, %get3A_29] : memref<2x128xf32, #tpu.memory_space<vmem>>, vector<1x128xf32>
      %add3A_31 = arith.addf %get3A_30, %broadcast_in_dim3A : vector<1x128xf32>
      %swap3A_32 = arith.constant 0 : index
      %swap3A_33 = arith.constant 0 : index
      %swap3A_34 = vector.load %arg6[%swap3A_32, %swap3A_33] : memref<2x128xf32, #tpu.memory_space<vmem>>, vector<1x128xf32>
      tpu.vector_store %arg6[%swap3A_32, %swap3A_33], %add3A_31 {strides = array<i32>} : memref<2x128xf32, #tpu.memory_space<vmem>>, vector<1x128xf32>,
      %get3A_35 = arith.constant 1 : index
      %get3A_36 = arith.constant 0 : index
      %get3A_37 = vector.load %arg6[%get3A_35, %get3A_36] : memref<2x128xf32, #tpu.memory_space<vmem>>, vector<1x128xf32>
      %add3A_38 = arith.addf %get3A_37, %broadcast_in_dim3A_15 : vector<1x128xf32>
      %swap3A_39 = arith.constant 1 : index
      %swap3A_40 = arith.constant 0 : index
      %swap3A_41 = vector.load %arg6[%swap3A_39, %swap3A_40] : memref<2x128xf32, #tpu.memory_space<vmem>>, vector<1x128xf32>
      tpu.vector_store %arg6[%swap3A_39, %swap3A_40], %add3A_38 {strides = array<i32>} : memref<2x128xf32, #tpu.memory_space<vmem>>, vector<1x128xf32>,
    } else {
    }
    %eq3A_23 = arith.constant 9 : i32
    %eq3A_24 = arith.cmpi eq, %arg0, %eq3A_23 : i32
    %convert_element_type3A_25 = arith.extui %eq3A_24 : i1 to i32
    %cond3A_26 = arith.constant 0 : i32
    %cond3A_27 = arith.cmpi ne, %convert_element_type3A_25, %cond3A_26 : i32
    scf.if %cond3A_27 {
      %get3A_28 = arith.constant 0 : index
      %get3A_29 = arith.constant 0 : index
      %get3A_30 = vector.load %arg6[%get3A_28, %get3A_29] : memref<2x128xf32, #tpu.memory_space<vmem>>, vector<2x128xf32>
      %swap3A_31 = arith.constant 0 : index
      %swap3A_32 = arith.constant 0 : index
      %swap3A_33 = vector.load %arg5[%swap3A_31, %swap3A_32] : memref<2x128xf32, #tpu.memory_space<vmem>>, vector<2x128xf32>
      tpu.vector_store %arg5[%swap3A_31, %swap3A_32], %get3A_30 {strides = array<i32>} : memref<2x128xf32, #tpu.memory_space<vmem>>, vector<2x128xf32>,
    } else {
    }
    return
  }
  func.func @transform_0(%arg0: i32) -> (i32, i32) {
    %c0_i32 = arith.constant 0 : i32
    %c0_i32_0 = arith.constant 0 : i32
    return %arg0, %c0_i32 : i32, i32
  }
  func.func @transform_1(%arg0: i32) -> (i32, i32) {
    %c0_i32 = arith.constant 0 : i32
    %c0_i32_0 = arith.constant 0 : i32
    %c0_i32_1 = arith.constant 0 : i32
    return %c0_i32, %c0_i32_0 : i32, i32
  }
  func.func @transform_2(%arg0: i32) -> (i32, i32) {
    %c0_i32 = arith.constant 0 : i32
    %c0_i32_0 = arith.constant 0 : i32
    %c0_i32_1 = arith.constant 0 : i32
    return %c0_i32, %c0_i32_0 : i32, i32
  }
  func.func @transform_3(%arg0: i32) -> (i32, i32) {
    %c0_i32 = arith.constant 0 : i32
    %c0_i32_0 = arith.constant 0 : i32
    return %arg0, %c0_i32 : i32, i32
  }
  func.func @transform_4(%arg0: i32) -> (i32, i32) {
    %c0_i32 = arith.constant 0 : i32
    %c0_i32_0 = arith.constant 0 : i32
    %c0_i32_1 = arith.constant 0 : i32
    return %c0_i32, %c0_i32_0 : i32, i32
  }
}

module attributes {stable_mosaic.version = 14 : i64} {
  func.func @_kb_body(%arg0: i32, %arg1: memref<10000x128xbf16, #tpu.memory_space<vmem>>, %arg2: memref<2x128xf32, #tpu.memory_space<vmem>>, %arg3: memref<1x128xf32, #tpu.memory_space<vmem>>, %arg4: memref<1x128xf32, #tpu.memory_space<vmem>>, %arg5: memref<128x128xf32, #tpu.memory_space<vmem>>, %arg6: memref<1x128xf32, #tpu.memory_space<vmem>>, %arg7: memref<10000x128xbf16, #tpu.memory_space<vmem>>, %arg8: memref<2x128xf32, #tpu.memory_space<vmem>>, %arg9: memref<2x128xf32, #tpu.memory_space<vmem>>) attributes {dimension_semantics = [#tpu.dimension_semantics<arbitrary>], iteration_bounds = array<i64: 10>, scalar_prefetch = 0 : i64, scratch_operands = 1 : i64, tpu.core_type = #tpu.core_type<tc>, window_params = [{transform_indices = @transform_0, window_bounds = array<i64: 10000, 128>}, {pipeline_mode = #tpu.pipeline_mode<synchronous>, transform_indices = @transform_1, window_bounds = array<i64: 2, 128>}, {pipeline_mode = #tpu.pipeline_mode<synchronous>, transform_indices = @transform_2, window_bounds = array<i64: 1, 128>}, {pipeline_mode = #tpu.pipeline_mode<synchronous>, transform_indices = @transform_3, window_bounds = array<i64: 1, 128>}, {pipeline_mode = #tpu.pipeline_mode<synchronous>, transform_indices = @transform_4, window_bounds = array<i64: 128, 128>}, {pipeline_mode = #tpu.pipeline_mode<synchronous>, transform_indices = @transform_5, window_bounds = array<i64: 1, 128>}, {transform_indices = @transform_6, window_bounds = array<i64: 10000, 128>}, {pipeline_mode = #tpu.pipeline_mode<synchronous>, transform_indices = @transform_7, window_bounds = array<i64: 2, 128>}]} {
    %get3A = arith.constant 0 : index
    %get3A_0 = arith.constant 0 : index
    %get3A_1 = vector.load %arg1[%get3A, %get3A_0] : memref<10000x128xbf16, #tpu.memory_space<vmem>>, vector<10000x128xbf16>
    %convert_element_type3A = arith.extf %get3A_1 : vector<10000x128xbf16> to vector<10000x128xf32>
    %get3A_2 = arith.constant 0 : index
    %get3A_3 = arith.constant 0 : index
    %get3A_4 = vector.load %arg2[%get3A_2, %get3A_3] : memref<2x128xf32, #tpu.memory_space<vmem>>, vector<2x128xf32>
    %get3A_5 = arith.constant 0 : index
    %get3A_6 = arith.constant 0 : index
    %get3A_7 = vector.load %arg3[%get3A_5, %get3A_6] : memref<1x128xf32, #tpu.memory_space<vmem>>, vector<1x128xf32>
    %get3A_8 = arith.constant 0 : index
    %get3A_9 = arith.constant 0 : index
    %get3A_10 = vector.load %arg4[%get3A_8, %get3A_9] : memref<1x128xf32, #tpu.memory_space<vmem>>, vector<1x128xf32>
    %slice3A = vector.extract_strided_slice %get3A_4 {offsets = [0, 0], sizes = [1, 128], strides = [1, 1]} : vector<2x128xf32> to vector<1x128xf32>
    %mul3A = arith.constant 9.99999974E-6 : f32
    %mul3A_11 = vector.broadcast %mul3A : f32 to vector<1x128xf32>
    %mul3A_12 = arith.mulf %slice3A, %mul3A_11 : vector<1x128xf32>
    %slice3A_13 = vector.extract_strided_slice %get3A_4 {offsets = [1, 0], sizes = [1, 128], strides = [1, 1]} : vector<2x128xf32> to vector<1x128xf32>
    %mul3A_14 = arith.constant 9.99999974E-6 : f32
    %mul3A_15 = vector.broadcast %mul3A_14 : f32 to vector<1x128xf32>
    %mul3A_16 = arith.mulf %slice3A_13, %mul3A_15 : vector<1x128xf32>
    %mul3A_17 = arith.mulf %mul3A_12, %mul3A_12 : vector<1x128xf32>
    %sub3A = arith.subf %mul3A_16, %mul3A_17 : vector<1x128xf32>
    %add3A = arith.constant 9.99999974E-6 : f32
    %add3A_18 = vector.broadcast %add3A : f32 to vector<1x128xf32>
    %add3A_19 = arith.addf %sub3A, %add3A_18 : vector<1x128xf32>
    %rsqrt3A = math.rsqrt %add3A_19 : vector<1x128xf32>
    %mul3A_20 = arith.mulf %rsqrt3A, %get3A_7 : vector<1x128xf32>
    %mul3A_21 = arith.mulf %mul3A_12, %mul3A_20 : vector<1x128xf32>
    %sub3A_22 = arith.subf %get3A_10, %mul3A_21 : vector<1x128xf32>
    %mul3A_23 = vector.broadcast %mul3A_20 : vector<1x128xf32> to vector<10000x128xf32>
    %mul3A_24 = arith.mulf %convert_element_type3A, %mul3A_23 : vector<10000x128xf32>
    %add3A_25 = vector.broadcast %sub3A_22 : vector<1x128xf32> to vector<10000x128xf32>
    %add3A_26 = arith.addf %mul3A_24, %add3A_25 : vector<10000x128xf32>
    %max3A = arith.constant 0.000000e+00 : f32
    %max3A_27 = vector.broadcast %max3A : f32 to vector<10000x128xf32>
    %max3A_28 = arith.maximumf %add3A_26, %max3A_27 : vector<10000x128xf32>
    %get3A_29 = arith.constant 0 : index
    %get3A_30 = arith.constant 0 : index
    %get3A_31 = vector.load %arg5[%get3A_29, %get3A_30] : memref<128x128xf32, #tpu.memory_space<vmem>>, vector<128x128xf32>
    %dot_general3A = arith.constant dense<0.000000e+00> : vector<10000x128xf32>
    %dot_general3A_32 = tpu.matmul %max3A_28, %get3A_31, %dot_general3A {dimension_numbers = #tpu.dot_dimension_numbers<[1], [0], [0], [1], [0, 0, 1, 1], [], []>, transpose_lhs_hint = false} : vector<10000x128xf32>, vector<128x128xf32>, vector<10000x128xf32> -> vector<10000x128xf32>
    %get3A_33 = arith.constant 0 : index
    %get3A_34 = arith.constant 0 : index
    %get3A_35 = vector.load %arg6[%get3A_33, %get3A_34] : memref<1x128xf32, #tpu.memory_space<vmem>>, vector<1x128xf32>
    %add3A_36 = vector.broadcast %get3A_35 : vector<1x128xf32> to vector<10000x128xf32>
    %add3A_37 = arith.addf %dot_general3A_32, %add3A_36 : vector<10000x128xf32>
    %convert_element_type3A_38 = arith.truncf %add3A_37 : vector<10000x128xf32> to vector<10000x128xbf16>
    %swap3A = arith.constant 0 : index
    %swap3A_39 = arith.constant 0 : index
    %swap3A_40 = vector.load %arg7[%swap3A, %swap3A_39] : memref<10000x128xbf16, #tpu.memory_space<vmem>>, vector<10000x128xbf16>
    tpu.vector_store %arg7[%swap3A, %swap3A_39], %convert_element_type3A_38 {strides = array<i32>} : memref<10000x128xbf16, #tpu.memory_space<vmem>>, vector<10000x128xbf16>,
    %reduce_sum3A = arith.constant dense<0.000000e+00> : vector<128xf32>
    %reduce_sum3A_41 = vector.multi_reduction <add>, %add3A_37, %reduce_sum3A [0] : vector<10000x128xf32> to vector<128xf32>
    %broadcast_in_dim3A = vector.shape_cast %reduce_sum3A_41 : vector<128xf32> to vector<1x128xf32>
    %mul3A_42 = arith.mulf %add3A_37, %add3A_37 : vector<10000x128xf32>
    %reduce_sum3A_43 = arith.constant dense<0.000000e+00> : vector<128xf32>
    %reduce_sum3A_44 = vector.multi_reduction <add>, %mul3A_42, %reduce_sum3A_43 [0] : vector<10000x128xf32> to vector<128xf32>
    %broadcast_in_dim3A_45 = vector.shape_cast %reduce_sum3A_44 : vector<128xf32> to vector<1x128xf32>
    %eq3A = arith.constant 0 : i32
    %eq3A_46 = arith.cmpi eq, %arg0, %eq3A : i32
    %convert_element_type3A_47 = arith.extui %eq3A_46 : i1 to i32
    %cond3A = arith.constant 0 : i32
    %cond3A_48 = arith.cmpi ne, %convert_element_type3A_47, %cond3A : i32
    scf.if %cond3A_48 {
      %swap3A_58 = arith.constant 0 : index
      %swap3A_59 = arith.constant 0 : index
      %swap3A_60 = vector.load %arg9[%swap3A_58, %swap3A_59] : memref<2x128xf32, #tpu.memory_space<vmem>>, vector<1x128xf32>
      tpu.vector_store %arg9[%swap3A_58, %swap3A_59], %broadcast_in_dim3A {strides = array<i32>} : memref<2x128xf32, #tpu.memory_space<vmem>>, vector<1x128xf32>,
      %swap3A_61 = arith.constant 1 : index
      %swap3A_62 = arith.constant 0 : index
      %swap3A_63 = vector.load %arg9[%swap3A_61, %swap3A_62] : memref<2x128xf32, #tpu.memory_space<vmem>>, vector<1x128xf32>
      tpu.vector_store %arg9[%swap3A_61, %swap3A_62], %broadcast_in_dim3A_45 {strides = array<i32>} : memref<2x128xf32, #tpu.memory_space<vmem>>, vector<1x128xf32>,
    } else {
    }
    %gt3A = arith.constant 0 : i32
    %gt3A_49 = arith.cmpi sgt, %arg0, %gt3A : i32
    %convert_element_type3A_50 = arith.extui %gt3A_49 : i1 to i32
    %cond3A_51 = arith.constant 0 : i32
    %cond3A_52 = arith.cmpi ne, %convert_element_type3A_50, %cond3A_51 : i32
    scf.if %cond3A_52 {
      %get3A_58 = arith.constant 0 : index
      %get3A_59 = arith.constant 0 : index
      %get3A_60 = vector.load %arg9[%get3A_58, %get3A_59] : memref<2x128xf32, #tpu.memory_space<vmem>>, vector<1x128xf32>
      %add3A_61 = arith.addf %get3A_60, %broadcast_in_dim3A : vector<1x128xf32>
      %swap3A_62 = arith.constant 0 : index
      %swap3A_63 = arith.constant 0 : index
      %swap3A_64 = vector.load %arg9[%swap3A_62, %swap3A_63] : memref<2x128xf32, #tpu.memory_space<vmem>>, vector<1x128xf32>
      tpu.vector_store %arg9[%swap3A_62, %swap3A_63], %add3A_61 {strides = array<i32>} : memref<2x128xf32, #tpu.memory_space<vmem>>, vector<1x128xf32>,
      %get3A_65 = arith.constant 1 : index
      %get3A_66 = arith.constant 0 : index
      %get3A_67 = vector.load %arg9[%get3A_65, %get3A_66] : memref<2x128xf32, #tpu.memory_space<vmem>>, vector<1x128xf32>
      %add3A_68 = arith.addf %get3A_67, %broadcast_in_dim3A_45 : vector<1x128xf32>
      %swap3A_69 = arith.constant 1 : index
      %swap3A_70 = arith.constant 0 : index
      %swap3A_71 = vector.load %arg9[%swap3A_69, %swap3A_70] : memref<2x128xf32, #tpu.memory_space<vmem>>, vector<1x128xf32>
      tpu.vector_store %arg9[%swap3A_69, %swap3A_70], %add3A_68 {strides = array<i32>} : memref<2x128xf32, #tpu.memory_space<vmem>>, vector<1x128xf32>,
    } else {
    }
    %eq3A_53 = arith.constant 9 : i32
    %eq3A_54 = arith.cmpi eq, %arg0, %eq3A_53 : i32
    %convert_element_type3A_55 = arith.extui %eq3A_54 : i1 to i32
    %cond3A_56 = arith.constant 0 : i32
    %cond3A_57 = arith.cmpi ne, %convert_element_type3A_55, %cond3A_56 : i32
    scf.if %cond3A_57 {
      %get3A_58 = arith.constant 0 : index
      %get3A_59 = arith.constant 0 : index
      %get3A_60 = vector.load %arg9[%get3A_58, %get3A_59] : memref<2x128xf32, #tpu.memory_space<vmem>>, vector<2x128xf32>
      %swap3A_61 = arith.constant 0 : index
      %swap3A_62 = arith.constant 0 : index
      %swap3A_63 = vector.load %arg8[%swap3A_61, %swap3A_62] : memref<2x128xf32, #tpu.memory_space<vmem>>, vector<2x128xf32>
      tpu.vector_store %arg8[%swap3A_61, %swap3A_62], %get3A_60 {strides = array<i32>} : memref<2x128xf32, #tpu.memory_space<vmem>>, vector<2x128xf32>,
    } else {
    }
    return
  }
  func.func @transform_0(%arg0: i32) -> (i32, i32) {
    %c0_i32 = arith.constant 0 : i32
    %c0_i32_0 = arith.constant 0 : i32
    return %arg0, %c0_i32 : i32, i32
  }
  func.func @transform_1(%arg0: i32) -> (i32, i32) {
    %c0_i32 = arith.constant 0 : i32
    %c0_i32_0 = arith.constant 0 : i32
    %c0_i32_1 = arith.constant 0 : i32
    return %c0_i32, %c0_i32_0 : i32, i32
  }
  func.func @transform_2(%arg0: i32) -> (i32, i32) {
    %c0_i32 = arith.constant 0 : i32
    %c0_i32_0 = arith.constant 0 : i32
    %c0_i32_1 = arith.constant 0 : i32
    return %c0_i32, %c0_i32_0 : i32, i32
  }
  func.func @transform_3(%arg0: i32) -> (i32, i32) {
    %c0_i32 = arith.constant 0 : i32
    %c0_i32_0 = arith.constant 0 : i32
    %c0_i32_1 = arith.constant 0 : i32
    return %c0_i32, %c0_i32_0 : i32, i32
  }
  func.func @transform_4(%arg0: i32) -> (i32, i32) {
    %c0_i32 = arith.constant 0 : i32
    %c0_i32_0 = arith.constant 0 : i32
    %c0_i32_1 = arith.constant 0 : i32
    return %c0_i32, %c0_i32_0 : i32, i32
  }
  func.func @transform_5(%arg0: i32) -> (i32, i32) {
    %c0_i32 = arith.constant 0 : i32
    %c0_i32_0 = arith.constant 0 : i32
    %c0_i32_1 = arith.constant 0 : i32
    return %c0_i32, %c0_i32_0 : i32, i32
  }
  func.func @transform_6(%arg0: i32) -> (i32, i32) {
    %c0_i32 = arith.constant 0 : i32
    %c0_i32_0 = arith.constant 0 : i32
    return %arg0, %c0_i32 : i32, i32
  }
  func.func @transform_7(%arg0: i32) -> (i32, i32) {
    %c0_i32 = arith.constant 0 : i32
    %c0_i32_0 = arith.constant 0 : i32
    %c0_i32_1 = arith.constant 0 : i32
    return %c0_i32, %c0_i32_0 : i32, i32
  }
}

module attributes {stable_mosaic.version = 14 : i64} {
  func.func @_kc_body(%arg0: i32, %arg1: memref<10000x128xbf16, #tpu.memory_space<vmem>>, %arg2: memref<2x128xf32, #tpu.memory_space<vmem>>, %arg3: memref<1x128xf32, #tpu.memory_space<vmem>>, %arg4: memref<1x128xf32, #tpu.memory_space<vmem>>, %arg5: memref<128x10xf32, #tpu.memory_space<vmem>>, %arg6: memref<10000x128xf32, #tpu.memory_space<vmem>>, %arg7: memref<10000x10xf32, #tpu.memory_space<vmem>>) attributes {dimension_semantics = [#tpu.dimension_semantics<arbitrary>], iteration_bounds = array<i64: 10>, scalar_prefetch = 0 : i64, scratch_operands = 0 : i64, tpu.core_type = #tpu.core_type<tc>, window_params = [{transform_indices = @transform_0, window_bounds = array<i64: 10000, 128>}, {pipeline_mode = #tpu.pipeline_mode<synchronous>, transform_indices = @transform_1, window_bounds = array<i64: 2, 128>}, {pipeline_mode = #tpu.pipeline_mode<synchronous>, transform_indices = @transform_2, window_bounds = array<i64: 1, 128>}, {pipeline_mode = #tpu.pipeline_mode<synchronous>, transform_indices = @transform_3, window_bounds = array<i64: 1, 128>}, {pipeline_mode = #tpu.pipeline_mode<synchronous>, transform_indices = @transform_4, window_bounds = array<i64: 128, 10>}, {transform_indices = @transform_5, window_bounds = array<i64: 10000, 128>}, {pipeline_mode = #tpu.pipeline_mode<synchronous>, transform_indices = @transform_6, window_bounds = array<i64: 10000, 10>}]} {
    %get3A = arith.constant 0 : index
    %get3A_0 = arith.constant 0 : index
    %get3A_1 = vector.load %arg1[%get3A, %get3A_0] : memref<10000x128xbf16, #tpu.memory_space<vmem>>, vector<10000x128xbf16>
    %convert_element_type3A = arith.extf %get3A_1 : vector<10000x128xbf16> to vector<10000x128xf32>
    %get3A_2 = arith.constant 0 : index
    %get3A_3 = arith.constant 0 : index
    %get3A_4 = vector.load %arg2[%get3A_2, %get3A_3] : memref<2x128xf32, #tpu.memory_space<vmem>>, vector<2x128xf32>
    %get3A_5 = arith.constant 0 : index
    %get3A_6 = arith.constant 0 : index
    %get3A_7 = vector.load %arg3[%get3A_5, %get3A_6] : memref<1x128xf32, #tpu.memory_space<vmem>>, vector<1x128xf32>
    %get3A_8 = arith.constant 0 : index
    %get3A_9 = arith.constant 0 : index
    %get3A_10 = vector.load %arg4[%get3A_8, %get3A_9] : memref<1x128xf32, #tpu.memory_space<vmem>>, vector<1x128xf32>
    %slice3A = vector.extract_strided_slice %get3A_4 {offsets = [0, 0], sizes = [1, 128], strides = [1, 1]} : vector<2x128xf32> to vector<1x128xf32>
    %mul3A = arith.constant 9.99999974E-6 : f32
    %mul3A_11 = vector.broadcast %mul3A : f32 to vector<1x128xf32>
    %mul3A_12 = arith.mulf %slice3A, %mul3A_11 : vector<1x128xf32>
    %slice3A_13 = vector.extract_strided_slice %get3A_4 {offsets = [1, 0], sizes = [1, 128], strides = [1, 1]} : vector<2x128xf32> to vector<1x128xf32>
    %mul3A_14 = arith.constant 9.99999974E-6 : f32
    %mul3A_15 = vector.broadcast %mul3A_14 : f32 to vector<1x128xf32>
    %mul3A_16 = arith.mulf %slice3A_13, %mul3A_15 : vector<1x128xf32>
    %mul3A_17 = arith.mulf %mul3A_12, %mul3A_12 : vector<1x128xf32>
    %sub3A = arith.subf %mul3A_16, %mul3A_17 : vector<1x128xf32>
    %add3A = arith.constant 9.99999974E-6 : f32
    %add3A_18 = vector.broadcast %add3A : f32 to vector<1x128xf32>
    %add3A_19 = arith.addf %sub3A, %add3A_18 : vector<1x128xf32>
    %rsqrt3A = math.rsqrt %add3A_19 : vector<1x128xf32>
    %mul3A_20 = arith.mulf %rsqrt3A, %get3A_7 : vector<1x128xf32>
    %mul3A_21 = arith.mulf %mul3A_12, %mul3A_20 : vector<1x128xf32>
    %sub3A_22 = arith.subf %get3A_10, %mul3A_21 : vector<1x128xf32>
    %mul3A_23 = vector.broadcast %mul3A_20 : vector<1x128xf32> to vector<10000x128xf32>
    %mul3A_24 = arith.mulf %convert_element_type3A, %mul3A_23 : vector<10000x128xf32>
    %add3A_25 = vector.broadcast %sub3A_22 : vector<1x128xf32> to vector<10000x128xf32>
    %add3A_26 = arith.addf %mul3A_24, %add3A_25 : vector<10000x128xf32>
    %max3A = arith.constant 0.000000e+00 : f32
    %max3A_27 = vector.broadcast %max3A : f32 to vector<10000x128xf32>
    %max3A_28 = arith.maximumf %add3A_26, %max3A_27 : vector<10000x128xf32>
    %swap3A = arith.constant 0 : index
    %swap3A_29 = arith.constant 0 : index
    %swap3A_30 = vector.load %arg6[%swap3A, %swap3A_29] : memref<10000x128xf32, #tpu.memory_space<vmem>>, vector<10000x128xf32>
    tpu.vector_store %arg6[%swap3A, %swap3A_29], %max3A_28 {strides = array<i32>} : memref<10000x128xf32, #tpu.memory_space<vmem>>, vector<10000x128xf32>,
    %get3A_31 = arith.constant 0 : index
    %get3A_32 = arith.constant 0 : index
    %get3A_33 = vector.load %arg5[%get3A_31, %get3A_32] : memref<128x10xf32, #tpu.memory_space<vmem>>, vector<128x10xf32>
    %dot_general3A = arith.constant dense<0.000000e+00> : vector<10000x10xf32>
    %dot_general3A_34 = tpu.matmul %max3A_28, %get3A_33, %dot_general3A {dimension_numbers = #tpu.dot_dimension_numbers<[1], [0], [0], [1], [0, 0, 1, 1], [], []>, transpose_lhs_hint = false} : vector<10000x128xf32>, vector<128x10xf32>, vector<10000x10xf32> -> vector<10000x10xf32>
    %eq3A = arith.constant 0 : i32
    %eq3A_35 = arith.cmpi eq, %arg0, %eq3A : i32
    %convert_element_type3A_36 = arith.extui %eq3A_35 : i1 to i32
    %cond3A = arith.constant 0 : i32
    %cond3A_37 = arith.cmpi ne, %convert_element_type3A_36, %cond3A : i32
    scf.if %cond3A_37 {
      %swap3A_42 = arith.constant 0 : index
      %swap3A_43 = arith.constant 0 : index
      %swap3A_44 = vector.load %arg7[%swap3A_42, %swap3A_43] : memref<10000x10xf32, #tpu.memory_space<vmem>>, vector<10000x10xf32>
      tpu.vector_store %arg7[%swap3A_42, %swap3A_43], %dot_general3A_34 {strides = array<i32>} : memref<10000x10xf32, #tpu.memory_space<vmem>>, vector<10000x10xf32>,
    } else {
    }
    %gt3A = arith.constant 0 : i32
    %gt3A_38 = arith.cmpi sgt, %arg0, %gt3A : i32
    %convert_element_type3A_39 = arith.extui %gt3A_38 : i1 to i32
    %cond3A_40 = arith.constant 0 : i32
    %cond3A_41 = arith.cmpi ne, %convert_element_type3A_39, %cond3A_40 : i32
    scf.if %cond3A_41 {
      %get3A_42 = arith.constant 0 : index
      %get3A_43 = arith.constant 0 : index
      %get3A_44 = vector.load %arg7[%get3A_42, %get3A_43] : memref<10000x10xf32, #tpu.memory_space<vmem>>, vector<10000x10xf32>
      %add3A_45 = arith.addf %get3A_44, %dot_general3A_34 : vector<10000x10xf32>
      %swap3A_46 = arith.constant 0 : index
      %swap3A_47 = arith.constant 0 : index
      %swap3A_48 = vector.load %arg7[%swap3A_46, %swap3A_47] : memref<10000x10xf32, #tpu.memory_space<vmem>>, vector<10000x10xf32>
      tpu.vector_store %arg7[%swap3A_46, %swap3A_47], %add3A_45 {strides = array<i32>} : memref<10000x10xf32, #tpu.memory_space<vmem>>, vector<10000x10xf32>,
    } else {
    }
    return
  }
  func.func @transform_0(%arg0: i32) -> (i32, i32) {
    %c0_i32 = arith.constant 0 : i32
    %c0_i32_0 = arith.constant 0 : i32
    return %arg0, %c0_i32 : i32, i32
  }
  func.func @transform_1(%arg0: i32) -> (i32, i32) {
    %c0_i32 = arith.constant 0 : i32
    %c0_i32_0 = arith.constant 0 : i32
    %c0_i32_1 = arith.constant 0 : i32
    return %c0_i32, %c0_i32_0 : i32, i32
  }
  func.func @transform_2(%arg0: i32) -> (i32, i32) {
    %c0_i32 = arith.constant 0 : i32
    %c0_i32_0 = arith.constant 0 : i32
    %c0_i32_1 = arith.constant 0 : i32
    return %c0_i32, %c0_i32_0 : i32, i32
  }
  func.func @transform_3(%arg0: i32) -> (i32, i32) {
    %c0_i32 = arith.constant 0 : i32
    %c0_i32_0 = arith.constant 0 : i32
    %c0_i32_1 = arith.constant 0 : i32
    return %c0_i32, %c0_i32_0 : i32, i32
  }
  func.func @transform_4(%arg0: i32) -> (i32, i32) {
    %c0_i32 = arith.constant 0 : i32
    %c0_i32_0 = arith.constant 0 : i32
    %c0_i32_1 = arith.constant 0 : i32
    return %c0_i32, %c0_i32_0 : i32, i32
  }
  func.func @transform_5(%arg0: i32) -> (i32, i32) {
    %c0_i32 = arith.constant 0 : i32
    %c0_i32_0 = arith.constant 0 : i32
    return %arg0, %c0_i32 : i32, i32
  }
  func.func @transform_6(%arg0: i32) -> (i32, i32) {
    %c0_i32 = arith.constant 0 : i32
    %c0_i32_0 = arith.constant 0 : i32
    %c0_i32_1 = arith.constant 0 : i32
    return %c0_i32, %c0_i32_0 : i32, i32
  }
}

module attributes {stable_mosaic.version = 14 : i64} {
  func.func @_kc_body(%arg0: i32, %arg1: memref<10000x128xbf16, #tpu.memory_space<vmem>>, %arg2: memref<2x128xf32, #tpu.memory_space<vmem>>, %arg3: memref<1x128xf32, #tpu.memory_space<vmem>>, %arg4: memref<1x128xf32, #tpu.memory_space<vmem>>, %arg5: memref<128x10xf32, #tpu.memory_space<vmem>>, %arg6: memref<10000x128xf32, #tpu.memory_space<vmem>>, %arg7: memref<10000x10xf32, #tpu.memory_space<vmem>>) attributes {dimension_semantics = [#tpu.dimension_semantics<arbitrary>], iteration_bounds = array<i64: 10>, scalar_prefetch = 0 : i64, scratch_operands = 0 : i64, tpu.core_type = #tpu.core_type<tc>, window_params = [{transform_indices = @transform_0, window_bounds = array<i64: 10000, 128>}, {pipeline_mode = #tpu.pipeline_mode<synchronous>, transform_indices = @transform_1, window_bounds = array<i64: 2, 128>}, {pipeline_mode = #tpu.pipeline_mode<synchronous>, transform_indices = @transform_2, window_bounds = array<i64: 1, 128>}, {pipeline_mode = #tpu.pipeline_mode<synchronous>, transform_indices = @transform_3, window_bounds = array<i64: 1, 128>}, {pipeline_mode = #tpu.pipeline_mode<synchronous>, transform_indices = @transform_4, window_bounds = array<i64: 128, 10>}, {transform_indices = @transform_5, window_bounds = array<i64: 10000, 128>}, {pipeline_mode = #tpu.pipeline_mode<synchronous>, transform_indices = @transform_6, window_bounds = array<i64: 10000, 10>}]} {
    %get3A = arith.constant 0 : index
    %get3A_0 = arith.constant 0 : index
    %get3A_1 = vector.load %arg1[%get3A, %get3A_0] : memref<10000x128xbf16, #tpu.memory_space<vmem>>, vector<10000x128xbf16>
    %convert_element_type3A = arith.extf %get3A_1 : vector<10000x128xbf16> to vector<10000x128xf32>
    %get3A_2 = arith.constant 0 : index
    %get3A_3 = arith.constant 0 : index
    %get3A_4 = vector.load %arg2[%get3A_2, %get3A_3] : memref<2x128xf32, #tpu.memory_space<vmem>>, vector<2x128xf32>
    %get3A_5 = arith.constant 0 : index
    %get3A_6 = arith.constant 0 : index
    %get3A_7 = vector.load %arg3[%get3A_5, %get3A_6] : memref<1x128xf32, #tpu.memory_space<vmem>>, vector<1x128xf32>
    %get3A_8 = arith.constant 0 : index
    %get3A_9 = arith.constant 0 : index
    %get3A_10 = vector.load %arg4[%get3A_8, %get3A_9] : memref<1x128xf32, #tpu.memory_space<vmem>>, vector<1x128xf32>
    %slice3A = vector.extract_strided_slice %get3A_4 {offsets = [0, 0], sizes = [1, 128], strides = [1, 1]} : vector<2x128xf32> to vector<1x128xf32>
    %mul3A = arith.constant 9.99999974E-6 : f32
    %mul3A_11 = vector.broadcast %mul3A : f32 to vector<1x128xf32>
    %mul3A_12 = arith.mulf %slice3A, %mul3A_11 : vector<1x128xf32>
    %slice3A_13 = vector.extract_strided_slice %get3A_4 {offsets = [1, 0], sizes = [1, 128], strides = [1, 1]} : vector<2x128xf32> to vector<1x128xf32>
    %mul3A_14 = arith.constant 9.99999974E-6 : f32
    %mul3A_15 = vector.broadcast %mul3A_14 : f32 to vector<1x128xf32>
    %mul3A_16 = arith.mulf %slice3A_13, %mul3A_15 : vector<1x128xf32>
    %mul3A_17 = arith.mulf %mul3A_12, %mul3A_12 : vector<1x128xf32>
    %sub3A = arith.subf %mul3A_16, %mul3A_17 : vector<1x128xf32>
    %add3A = arith.constant 9.99999974E-6 : f32
    %add3A_18 = vector.broadcast %add3A : f32 to vector<1x128xf32>
    %add3A_19 = arith.addf %sub3A, %add3A_18 : vector<1x128xf32>
    %rsqrt3A = math.rsqrt %add3A_19 : vector<1x128xf32>
    %mul3A_20 = arith.mulf %rsqrt3A, %get3A_7 : vector<1x128xf32>
    %mul3A_21 = arith.mulf %mul3A_12, %mul3A_20 : vector<1x128xf32>
    %sub3A_22 = arith.subf %get3A_10, %mul3A_21 : vector<1x128xf32>
    %mul3A_23 = vector.broadcast %mul3A_20 : vector<1x128xf32> to vector<10000x128xf32>
    %mul3A_24 = arith.mulf %convert_element_type3A, %mul3A_23 : vector<10000x128xf32>
    %add3A_25 = vector.broadcast %sub3A_22 : vector<1x128xf32> to vector<10000x128xf32>
    %add3A_26 = arith.addf %mul3A_24, %add3A_25 : vector<10000x128xf32>
    %max3A = arith.constant 0.000000e+00 : f32
    %max3A_27 = vector.broadcast %max3A : f32 to vector<10000x128xf32>
    %max3A_28 = arith.maximumf %add3A_26, %max3A_27 : vector<10000x128xf32>
    %swap3A = arith.constant 0 : index
    %swap3A_29 = arith.constant 0 : index
    %swap3A_30 = vector.load %arg6[%swap3A, %swap3A_29] : memref<10000x128xf32, #tpu.memory_space<vmem>>, vector<10000x128xf32>
    tpu.vector_store %arg6[%swap3A, %swap3A_29], %max3A_28 {strides = array<i32>} : memref<10000x128xf32, #tpu.memory_space<vmem>>, vector<10000x128xf32>,
    %get3A_31 = arith.constant 0 : index
    %get3A_32 = arith.constant 0 : index
    %get3A_33 = vector.load %arg5[%get3A_31, %get3A_32] : memref<128x10xf32, #tpu.memory_space<vmem>>, vector<128x10xf32>
    %dot_general3A = arith.constant dense<0.000000e+00> : vector<10000x10xf32>
    %dot_general3A_34 = tpu.matmul %max3A_28, %get3A_33, %dot_general3A {dimension_numbers = #tpu.dot_dimension_numbers<[1], [0], [0], [1], [0, 0, 1, 1], [], []>, transpose_lhs_hint = false} : vector<10000x128xf32>, vector<128x10xf32>, vector<10000x10xf32> -> vector<10000x10xf32>
    %eq3A = arith.constant 0 : i32
    %eq3A_35 = arith.cmpi eq, %arg0, %eq3A : i32
    %convert_element_type3A_36 = arith.extui %eq3A_35 : i1 to i32
    %cond3A = arith.constant 0 : i32
    %cond3A_37 = arith.cmpi ne, %convert_element_type3A_36, %cond3A : i32
    scf.if %cond3A_37 {
      %swap3A_42 = arith.constant 0 : index
      %swap3A_43 = arith.constant 0 : index
      %swap3A_44 = vector.load %arg7[%swap3A_42, %swap3A_43] : memref<10000x10xf32, #tpu.memory_space<vmem>>, vector<10000x10xf32>
      tpu.vector_store %arg7[%swap3A_42, %swap3A_43], %dot_general3A_34 {strides = array<i32>} : memref<10000x10xf32, #tpu.memory_space<vmem>>, vector<10000x10xf32>,
    } else {
    }
    %gt3A = arith.constant 0 : i32
    %gt3A_38 = arith.cmpi sgt, %arg0, %gt3A : i32
    %convert_element_type3A_39 = arith.extui %gt3A_38 : i1 to i32
    %cond3A_40 = arith.constant 0 : i32
    %cond3A_41 = arith.cmpi ne, %convert_element_type3A_39, %cond3A_40 : i32
    scf.if %cond3A_41 {
      %get3A_42 = arith.constant 0 : index
      %get3A_43 = arith.constant 0 : index
      %get3A_44 = vector.load %arg7[%get3A_42, %get3A_43] : memref<10000x10xf32, #tpu.memory_space<vmem>>, vector<10000x10xf32>
      %add3A_45 = arith.addf %get3A_44, %dot_general3A_34 : vector<10000x10xf32>
      %swap3A_46 = arith.constant 0 : index
      %swap3A_47 = arith.constant 0 : index
      %swap3A_48 = vector.load %arg7[%swap3A_46, %swap3A_47] : memref<10000x10xf32, #tpu.memory_space<vmem>>, vector<10000x10xf32>
      tpu.vector_store %arg7[%swap3A_46, %swap3A_47], %add3A_45 {strides = array<i32>} : memref<10000x10xf32, #tpu.memory_space<vmem>>, vector<10000x10xf32>,
    } else {
    }
    return
  }
  func.func @transform_0(%arg0: i32) -> (i32, i32) {
    %c0_i32 = arith.constant 0 : i32
    %c0_i32_0 = arith.constant 0 : i32
    return %arg0, %c0_i32 : i32, i32
  }
  func.func @transform_1(%arg0: i32) -> (i32, i32) {
    %c0_i32 = arith.constant 0 : i32
    %c0_i32_0 = arith.constant 0 : i32
    %c0_i32_1 = arith.constant 0 : i32
    return %c0_i32, %c0_i32_0 : i32, i32
  }
  func.func @transform_2(%arg0: i32) -> (i32, i32) {
    %c0_i32 = arith.constant 0 : i32
    %c0_i32_0 = arith.constant 0 : i32
    %c0_i32_1 = arith.constant 0 : i32
    return %c0_i32, %c0_i32_0 : i32, i32
  }
  func.func @transform_3(%arg0: i32) -> (i32, i32) {
    %c0_i32 = arith.constant 0 : i32
    %c0_i32_0 = arith.constant 0 : i32
    %c0_i32_1 = arith.constant 0 : i32
    return %c0_i32, %c0_i32_0 : i32, i32
  }
  func.func @transform_4(%arg0: i32) -> (i32, i32) {
    %c0_i32 = arith.constant 0 : i32
    %c0_i32_0 = arith.constant 0 : i32
    %c0_i32_1 = arith.constant 0 : i32
    return %c0_i32, %c0_i32_0 : i32, i32
  }
  func.func @transform_5(%arg0: i32) -> (i32, i32) {
    %c0_i32 = arith.constant 0 : i32
    %c0_i32_0 = arith.constant 0 : i32
    return %arg0, %c0_i32 : i32, i32
  }
  func.func @transform_6(%arg0: i32) -> (i32, i32) {
    %c0_i32 = arith.constant 0 : i32
    %c0_i32_0 = arith.constant 0 : i32
    %c0_i32_1 = arith.constant 0 : i32
    return %c0_i32, %c0_i32_0 : i32, i32
  }
}

module attributes {stable_mosaic.version = 14 : i64} {
  func.func @_kf_body(%arg0: i32, %arg1: memref<5000x10xf32, #tpu.memory_space<vmem>>, %arg2: memref<5000x10xf32, #tpu.memory_space<vmem>>, %arg3: memref<5000x10xf32, #tpu.memory_space<vmem>>, %arg4: memref<5000x10xf32, #tpu.memory_space<vmem>>, %arg5: memref<5000x10xf32, #tpu.memory_space<vmem>>, %arg6: memref<1x1x5000xi32, #tpu.memory_space<vmem>>, %arg7: memref<5x10xf32, #tpu.memory_space<vmem>>, %arg8: memref<1000x10xf32, #tpu.memory_space<vmem>>, %arg9: memref<1000x10xf32, #tpu.memory_space<vmem>>) attributes {dimension_semantics = [#tpu.dimension_semantics<arbitrary>], iteration_bounds = array<i64: 2>, scalar_prefetch = 0 : i64, scratch_operands = 1 : i64, tpu.core_type = #tpu.core_type<tc>, window_params = [{transform_indices = @transform_0, window_bounds = array<i64: 5000, 10>}, {transform_indices = @transform_1, window_bounds = array<i64: 5000, 10>}, {transform_indices = @transform_2, window_bounds = array<i64: 5000, 10>}, {transform_indices = @transform_3, window_bounds = array<i64: 5000, 10>}, {transform_indices = @transform_4, window_bounds = array<i64: 5000, 10>}, {transform_indices = @transform_5, window_bounds = array<i64: 1, 1, 5000>}, {pipeline_mode = #tpu.pipeline_mode<synchronous>, transform_indices = @transform_6, window_bounds = array<i64: 5, 10>}, {pipeline_mode = #tpu.pipeline_mode<synchronous>, transform_indices = @transform_7, window_bounds = array<i64: 1000, 10>}]} {
    %get3A = arith.constant 0 : index
    %get3A_0 = arith.constant 0 : index
    %get3A_1 = vector.load %arg1[%get3A, %get3A_0] : memref<5000x10xf32, #tpu.memory_space<vmem>>, vector<5000x10xf32>
    %get3A_2 = arith.constant 0 : index
    %get3A_3 = arith.constant 0 : index
    %get3A_4 = vector.load %arg2[%get3A_2, %get3A_3] : memref<5000x10xf32, #tpu.memory_space<vmem>>, vector<5000x10xf32>
    %add3A = arith.addf %get3A_1, %get3A_4 : vector<5000x10xf32>
    %get3A_5 = arith.constant 0 : index
    %get3A_6 = arith.constant 0 : index
    %get3A_7 = vector.load %arg3[%get3A_5, %get3A_6] : memref<5000x10xf32, #tpu.memory_space<vmem>>, vector<5000x10xf32>
    %add3A_8 = arith.addf %add3A, %get3A_7 : vector<5000x10xf32>
    %get3A_9 = arith.constant 0 : index
    %get3A_10 = arith.constant 0 : index
    %get3A_11 = vector.load %arg4[%get3A_9, %get3A_10] : memref<5000x10xf32, #tpu.memory_space<vmem>>, vector<5000x10xf32>
    %add3A_12 = arith.addf %add3A_8, %get3A_11 : vector<5000x10xf32>
    %get3A_13 = arith.constant 0 : index
    %get3A_14 = arith.constant 0 : index
    %get3A_15 = vector.load %arg5[%get3A_13, %get3A_14] : memref<5000x10xf32, #tpu.memory_space<vmem>>, vector<5000x10xf32>
    %add3A_16 = arith.addf %add3A_12, %get3A_15 : vector<5000x10xf32>
    %get3A_17 = arith.constant 0 : index
    %get3A_18 = arith.constant 0 : index
    %get3A_19 = arith.constant 0 : index
    %get3A_20 = vector.load %arg6[%get3A_17, %get3A_18, %get3A_19] : memref<1x1x5000xi32, #tpu.memory_space<vmem>>, vector<1x1x5000xi32>
    %get3A_21 = vector.shape_cast %get3A_20 : vector<1x1x5000xi32> to vector<1x5000xi32>
    %iota3A = tpu.iota {dimensions = array<i32: 0>} : vector<1000x5000xi32>
    %eq3A = vector.broadcast %get3A_21 : vector<1x5000xi32> to vector<1000x5000xi32>
    %eq3A_22 = arith.cmpi eq, %eq3A, %iota3A : vector<1000x5000xi32>
    %jit3A = arith.constant 1.000000e+00 : f32
    %jit3A_23 = arith.constant 0.000000e+00 : f32
    %broadcast_in_dim3A = vector.broadcast %jit3A : f32 to vector<1000x5000xf32>
    %broadcast_in_dim3A_24 = vector.broadcast %jit3A_23 : f32 to vector<1000x5000xf32>
    %select_n3A = arith.select %eq3A_22, %broadcast_in_dim3A, %broadcast_in_dim3A_24 : vector<1000x5000xi1>, vector<1000x5000xf32>
    %dot_general3A = arith.constant dense<0.000000e+00> : vector<1000x10xf32>
    %dot_general3A_25 = tpu.matmul %select_n3A, %add3A_16, %dot_general3A {dimension_numbers = #tpu.dot_dimension_numbers<[1], [0], [0], [1], [0, 0, 1, 1], [], []>, transpose_lhs_hint = false} : vector<1000x5000xf32>, vector<5000x10xf32>, vector<1000x10xf32> -> vector<1000x10xf32>
    %eq3A_26 = arith.constant 0 : i32
    %eq3A_27 = arith.cmpi eq, %arg0, %eq3A_26 : i32
    %convert_element_type3A = arith.extui %eq3A_27 : i1 to i32
    %cond3A = arith.constant 0 : i32
    %cond3A_28 = arith.cmpi ne, %convert_element_type3A, %cond3A : i32
    scf.if %cond3A_28 {
      %swap3A = arith.constant 0 : index
      %swap3A_34 = arith.constant 0 : index
      %swap3A_35 = vector.load %arg9[%swap3A, %swap3A_34] : memref<1000x10xf32, #tpu.memory_space<vmem>>, vector<1000x10xf32>
      tpu.vector_store %arg9[%swap3A, %swap3A_34], %dot_general3A_25 {strides = array<i32>} : memref<1000x10xf32, #tpu.memory_space<vmem>>, vector<1000x10xf32>,
    } else {
    }
    %eq3A_29 = arith.constant 1 : i32
    %eq3A_30 = arith.cmpi eq, %arg0, %eq3A_29 : i32
    %convert_element_type3A_31 = arith.extui %eq3A_30 : i1 to i32
    %cond3A_32 = arith.constant 0 : i32
    %cond3A_33 = arith.cmpi ne, %convert_element_type3A_31, %cond3A_32 : i32
    scf.if %cond3A_33 {
      %get3A_34 = arith.constant 0 : index
      %get3A_35 = arith.constant 0 : index
      %get3A_36 = vector.load %arg9[%get3A_34, %get3A_35] : memref<1000x10xf32, #tpu.memory_space<vmem>>, vector<1000x10xf32>
      %add3A_37 = arith.addf %get3A_36, %dot_general3A_25 : vector<1000x10xf32>
      %mul3A = arith.constant 1.000000e-01 : f32
      %mul3A_38 = vector.broadcast %mul3A : f32 to vector<1000x10xf32>
      %mul3A_39 = arith.mulf %add3A_37, %mul3A_38 : vector<1000x10xf32>
      %get3A_40 = arith.constant 0 : index
      %get3A_41 = arith.constant 0 : index
      %get3A_42 = vector.load %arg7[%get3A_40, %get3A_41] : memref<5x10xf32, #tpu.memory_space<vmem>>, vector<5x10xf32>
      %reduce_sum3A = arith.constant dense<0.000000e+00> : vector<10xf32>
      %reduce_sum3A_43 = vector.multi_reduction <add>, %get3A_42, %reduce_sum3A [0] : vector<5x10xf32> to vector<10xf32>
      %broadcast_in_dim3A_44 = vector.shape_cast %reduce_sum3A_43 : vector<10xf32> to vector<1x10xf32>
      %add3A_45 = vector.broadcast %broadcast_in_dim3A_44 : vector<1x10xf32> to vector<1000x10xf32>
      %add3A_46 = arith.addf %mul3A_39, %add3A_45 : vector<1000x10xf32>
      %reduce_max3A = arith.constant dense<0xFF800000> : vector<1000xf32>
      %reduce_max3A_47 = vector.multi_reduction <maximumf>, %add3A_46, %reduce_max3A [1] : vector<1000x10xf32> to vector<1000xf32>
      %broadcast_in_dim3A_48 = vector.shape_cast %reduce_max3A_47 : vector<1000xf32> to vector<1000x1xf32>
      %sub3A = vector.broadcast %broadcast_in_dim3A_48 : vector<1000x1xf32> to vector<1000x10xf32>
      %sub3A_49 = arith.subf %add3A_46, %sub3A : vector<1000x10xf32>
      %exp3A = math.exp %sub3A_49 : vector<1000x10xf32>
      %reduce_sum3A_50 = arith.constant dense<0.000000e+00> : vector<1000xf32>
      %reduce_sum3A_51 = vector.multi_reduction <add>, %exp3A, %reduce_sum3A_50 [1] : vector<1000x10xf32> to vector<1000xf32>
      %broadcast_in_dim3A_52 = vector.shape_cast %reduce_sum3A_51 : vector<1000xf32> to vector<1000x1xf32>
      %log3A = math.log %broadcast_in_dim3A_52 : vector<1000x1xf32>
      %sub3A_53 = vector.broadcast %log3A : vector<1000x1xf32> to vector<1000x10xf32>
      %sub3A_54 = arith.subf %sub3A_49, %sub3A_53 : vector<1000x10xf32>
      %swap3A = arith.constant 0 : index
      %swap3A_55 = arith.constant 0 : index
      %swap3A_56 = vector.load %arg8[%swap3A, %swap3A_55] : memref<1000x10xf32, #tpu.memory_space<vmem>>, vector<1000x10xf32>
      tpu.vector_store %arg8[%swap3A, %swap3A_55], %sub3A_54 {strides = array<i32>} : memref<1000x10xf32, #tpu.memory_space<vmem>>, vector<1000x10xf32>,
    } else {
    }
    return
  }
  func.func @transform_0(%arg0: i32) -> (i32, i32) {
    %c0_i32 = arith.constant 0 : i32
    %c0_i32_0 = arith.constant 0 : i32
    return %arg0, %c0_i32 : i32, i32
  }
  func.func @transform_1(%arg0: i32) -> (i32, i32) {
    %c0_i32 = arith.constant 0 : i32
    %c0_i32_0 = arith.constant 0 : i32
    return %arg0, %c0_i32 : i32, i32
  }
  func.func @transform_2(%arg0: i32) -> (i32, i32) {
    %c0_i32 = arith.constant 0 : i32
    %c0_i32_0 = arith.constant 0 : i32
    return %arg0, %c0_i32 : i32, i32
  }
  func.func @transform_3(%arg0: i32) -> (i32, i32) {
    %c0_i32 = arith.constant 0 : i32
    %c0_i32_0 = arith.constant 0 : i32
    return %arg0, %c0_i32 : i32, i32
  }
  func.func @transform_4(%arg0: i32) -> (i32, i32) {
    %c0_i32 = arith.constant 0 : i32
    %c0_i32_0 = arith.constant 0 : i32
    return %arg0, %c0_i32 : i32, i32
  }
  func.func @transform_5(%arg0: i32) -> (i32, i32, i32) {
    %c0_i32 = arith.constant 0 : i32
    %c0_i32_0 = arith.constant 0 : i32
    %c0_i32_1 = arith.constant 0 : i32
    return %arg0, %c0_i32, %c0_i32_0 : i32, i32, i32
  }
  func.func @transform_6(%arg0: i32) -> (i32, i32) {
    %c0_i32 = arith.constant 0 : i32
    %c0_i32_0 = arith.constant 0 : i32
    %c0_i32_1 = arith.constant 0 : i32
    return %c0_i32, %c0_i32_0 : i32, i32
  }
  func.func @transform_7(%arg0: i32) -> (i32, i32) {
    %c0_i32 = arith.constant 0 : i32
    %c0_i32_0 = arith.constant 0 : i32
    %c0_i32_1 = arith.constant 0 : i32
    return %c0_i32, %c0_i32_0 : i32, i32
  }
}

</mosaic_0001>

<sc_bundles>
// kernel: branch_0_fun.12.cloned.1.call-start
scs
__scs_entry_jumppad:
0x0: {  	(pc) =	sbr.rel $0x88, $3  }
0x1: {  	(tag) =	ssettag $0x0;
	lr =	simm.s32 $0x1  }
0x2: {  	[smem:$0x3F94] =	sst lr;
	_ =	strace $0xD0000000  }
0x3: {  	_ = 	snop  }
0x4: {  	_ = 	snop  }
0x5: {  	_ = 	snop  }
0x6: {  	_ = 	snop  }
0x7: {  	_ = 	snop  }
__scs_overlays_trampoline_lowered:
0x8: {  	[smem:$0x3FA3] =	sst s0  }
0x9: {  	[smem:$0x3FA4] =	sst s1  }
0xa: {  	[smem:$0x3FA5] =	sst s2  }
0xb: {  	[smem:$0x3FA6] =	sst s3  }
0xc: {  	[smem:$0x3FA7] =	sst s4  }
0xd: {  	[smem:$0x3FA8] =	sst s5  }
0xe: {  	[smem:$0x3FA9] =	sst s6  }
0xf: {  	[smem:$0x3FAA] =	sst s7  }
0x10: {  	[smem:$0x3FAB] =	sst s8  }
0x11: {  	[smem:$0x3FAC] =	sst s9;
	s0 =	simm.s32 @!p0 $0x0  }
0x12: {  	s1 =	sld [smem:$0x3F92];
	s0 =	simm.s32 @p0 $0x1  }
0x13: {  	[smem:$0x3FAD] =	sst s0;
	s0 =	simm.s32 @!p1 $0x0  }
0x14: {  	s2 =	sld [smem:$0x3F91];
	s0 =	simm.s32 @p1 $0x1  }
0x15: {  	[smem:$0x3FAE] =	sst s0;
	s0 =	simm.s32 @!p2 $0x0  }
0x16: {  	s3 =	sld [smem:$0x3FDB];
	s0 =	simm.s32 @p2 $0x1  }
0x17: {  	s4 =	simm.s32 $0x1BF5;
	[smem:$0x3FB0] =	sst s0  }
0x18: {  	s0 =	sld [smem:$0x3F93];
	_ =	swait.ge [sflag:s4], $0x0  }
0x19: {  	s7 =	sld [smem:$0x3F94]  }
0x1a: {  	s8 =	sadd.s32 $0xFFFFE003, lr  }
0x1b: {  	s9 =	sadd.s32 $0xFFFFFEF7, lr;
	s5 =	simm.s32 $0xFFFFFFFF;
	p2 =	slt.u32 s8, $0xFFFFF086  }
0x1c: {  	p1 =	slt.u32 s9, $0xF7A;
	s5 =	simm.s32 @!p2 $0x0  }
0x1d: {  	s5 =	simm.s32 @p1 $0x1;
	p0 =	seq.s32 s7, s2  }
0x1e: {  	s7 =	smul.u32 @!p0 $0xF7A, s2;
	p2 =	seq.s32 @!p0 s5, $0x0  }
0x1f: {  	s9 =	smul.u32 $0xF7A, s1;
	s8 =	simm.s32 @!p0 $0x1BF5;
	p2 =	por !p2, p0  }
0x20: {  	[sflag:s8] =	ssyncset.s32 @!p0 $0xFFFFF086;
	s6 =	sadd.s32 @!p0 s3, s7;
	s7 =	simm.s32 @!p0 $0x108  }
0x21: {  	s3 =	sadd.s32 s3, s9;
	s6 =	sadd.s32 @!p0 $0x88, s6;
	s7 =	simm.s32 @p2 $0x1082  }
0x22: {  	[simem:s7], [sflag:s8] =	dma.local @!p0 [hbm:s6], $0xF7A  }
0x23: {  	s9 =	sor.u32 $0xD0000000, s2;
	s6 =	simm.s32 $0x108;
	_ =	swait.ge @!p0 [sflag:s8], $0x0  }
0x24: {  	s3 =	sadd.s32 $0x88, s3;
	s6 =	simm.s32 @!p1 $0x1082;
	[sflag:s4] =	ssyncset.s32 $0xFFFFF086  }
0x25: {  	[simem:s6], [sflag:s4] =	dma.local [hbm:s3], $0xF7A  }
0x26: {  	[smem:$0x3F94] =	sst s1;
	(tag) =	ssettag s2;
	_ =	strace s9  }
0x27: {  	s1 =	sld [smem:$0x3FA4]  }
0x28: {  	s2 =	sld [smem:$0x3FA5]  }
0x29: {  	s4 =	sld [smem:$0x3FA7]  }
0x2a: {  	p0 =	seq.s32 s5, $0x0;
	s5 =	sld [smem:$0x3FA8]  }
0x2b: {  	s6 =	sld [smem:$0x3FA9]  }
0x2c: {  	s7 =	sld [smem:$0x3FAA]  }
0x2d: {  	s3 =	simm.s32 $0x108;
	s8 =	sld [smem:$0x3FAB]  }
0x2e: {  	s3 =	simm.s32 @!p0 $0x1082;
	s9 =	sld [smem:$0x3FAC]  }
0x2f: {  	lr =	sadd.s32 s0, s3;
	s0 =	sld [smem:$0x3FA3]  }
0x30: {  	s3 =	sld [smem:$0x3FA6]  }
0x31: {  	[smem:$0x3FAF] =	sst s10  }
0x32: {  	s10 =	sld [smem:$0x3FAD];
	_ =	sdelay $0x3  }
0x33: {  	p0 =	seq.s32 s10, $0x1;
	s10 =	sld [smem:$0x3FAF];
	_ =	sdelay $0x3  }
0x34: {  	[smem:$0x3FAF] =	sst s10  }
0x35: {  	s10 =	sld [smem:$0x3FAE];
	_ =	sdelay $0x3  }
0x36: {  	p1 =	seq.s32 s10, $0x1;
	s10 =	sld [smem:$0x3FAF];
	_ =	sdelay $0x3  }
0x37: {  	[smem:$0x3FAF] =	sst s10  }
0x38: {  	s10 =	sld [smem:$0x3FB0]  }
0x39: {  	_ = 	snop;
	(pc) =	sbr.ind lr, $3  }
0x3a: {  	_ = 	snop  }
0x3b: {  	_ = 	snop  }
0x3c: {  	p2 =	seq.s32 s10, $0x1;
	s10 =	sld [smem:$0x3FAF]  }
0x3d: {  	_ =	shalt  }
0x3e: {  	_ =	shalt  }
0x3f: {  	_ =	shalt  }
0x40: {  	_ =	shalt  }
0x41: {  	_ =	shalt  }
0x42: {  	_ =	shalt  }
0x43: {  	_ =	shalt  }
0x44: {  	_ =	shalt  }
0x45: {  	_ =	shalt  }
0x46: {  	_ =	shalt  }
0x47: {  	_ =	shalt  }
0x48: {  	_ =	shalt  }
0x49: {  	_ =	shalt  }
0x4a: {  	_ =	shalt  }
0x4b: {  	_ =	shalt  }
0x4c: {  	_ =	shalt  }
0x4d: {  	_ =	shalt  }
0x4e: {  	_ =	shalt  }
0x4f: {  	_ =	shalt  }
0x50: {  	_ =	shalt  }
0x51: {  	_ =	shalt  }
0x52: {  	_ =	shalt  }
0x53: {  	_ =	shalt  }
0x54: {  	_ =	shalt  }
0x55: {  	_ =	shalt  }
0x56: {  	_ =	shalt  }
0x57: {  	_ =	shalt  }
0x58: {  	_ =	shalt  }
0x59: {  	_ =	shalt  }
0x5a: {  	_ =	shalt  }
0x5b: {  	_ =	shalt  }
0x5c: {  	_ =	shalt  }
0x5d: {  	_ =	shalt  }
0x5e: {  	_ =	shalt  }
0x5f: {  	_ =	shalt  }
0x60: {  	_ =	shalt  }
0x61: {  	_ =	shalt  }
0x62: {  	_ =	shalt  }
0x63: {  	_ =	shalt  }
0x64: {  	_ =	shalt  }
0x65: {  	_ =	shalt  }
0x66: {  	_ =	shalt  }
0x67: {  	_ =	shalt  }
0x68: {  	_ =	shalt  }
0x69: {  	_ =	shalt  }
0x6a: {  	_ =	shalt  }
0x6b: {  	_ =	shalt  }
0x6c: {  	_ =	shalt  }
0x6d: {  	_ =	shalt  }
0x6e: {  	_ =	shalt  }
0x6f: {  	_ =	shalt  }
0x70: {  	_ =	shalt  }
0x71: {  	_ =	shalt  }
0x72: {  	_ =	shalt  }
0x73: {  	_ =	shalt  }
0x74: {  	_ =	shalt  }
0x75: {  	_ =	shalt  }
0x76: {  	_ =	shalt  }
0x77: {  	_ =	shalt  }
0x78: {  	_ =	shalt  }
0x79: {  	_ =	shalt  }
0x7a: {  	_ =	shalt  }
0x7b: {  	_ =	shalt  }
0x7c: {  	_ =	shalt  }
0x7d: {  	_ =	shalt  }
0x7e: {  	_ =	shalt  }
0x7f: {  	_ =	shalt  }
0x80: {  	_ =	shalt  }
0x81: {  	_ =	shalt  }
0x82: {  	_ =	shalt  }
0x83: {  	_ =	shalt  }
0x84: {  	_ =	shalt  }
0x85: {  	_ =	shalt  }
0x86: {  	_ =	shalt  }
0x87: {  	_ =	shalt  }
.Lfunc_end0:
.L_simem_size_0:
called_computation.4_lowered:
.L_overlay_start_0:
0x88: {  	s2 =	sld [smem:$0x3FD9]  }
0x89: {  	s3 =	sld [smem:$0x3FFE];
	_ =	sdelay $0x1  }
0x8a: {  	s1 =	srdreg.scid  }
0x8b: {  	s0 =	sand.u32 $0x1, s1  }
0x8c: {  	s16 =	sshll.u32 s0, $0xA;
	s2 =	sadd.s32 s3, s2  }
0x8d: {  	s2 =	sadd.s32 s2, s16  }
0x8e: {  	[smem:$0x3FBB] =	sst s2  }
0x8f: {  	_ = 	snop  }
0x90: {  	(tm) =	ssettm $0x1  }
0x91: {  	s17 =	sld [smem:$0x3FFB];
	_ =	sdelay $0x3  }
0x92: {  	_ =	strace s17  }
0x93: {  	s2 =	sld [smem:$0x3FFC];
	_ =	sdelay $0x3  }
0x94: {  	_ =	strace s2  }
0x95: {  	s2 =	sld [smem:$0x3FFD];
	_ =	sdelay $0x3  }
0x96: {  	_ =	strace s2  }
0x97: {  	_ =	strace $0x8FFFFFFF  }
0x98: {  	s18 =	sld [smem:$0x3FDB];
	_ =	sdelay $0x1  }
0x99: {  	s19 =	simm.s32 $_scs_section_size  }
0x9a: {  	s4 =	simm.s32 $_size__tile_overlayer_lowered;
	s5 =	simm.s32 $_tile_overlayer_lowered  }
0x9b: {  	s22 =	simm.s32 $0x1BFF;
	s21 =	sshll.u32 s5, $0x1;
	s2 =	sadd.s32 s19, s18  }
0x9c: {  	s6 =	simm.s32 $0x0;
	s20 =	sshll.u32 s4, $0x1;
	s4 =	sadd.s32 s21, s2  }
0x9d: {  	[timem:s6], [sflag:s22] =	dma.local [hbm:s4], s20  }
0x9e: {  	_ =	swait.ge [sflag:s22], s20  }
0x9f: {  	s3 =	ssub.s32 $0x0, s20;
	[sflag:s22] =	ssyncset.done $0x0  }
0xa0: {  	[sflag:s22] =	ssyncadd.s32 s3;
	_ =	sdelay $0x1  }
0xa1: {  	s23 =	simm.s32 $0x1B8B  }
0xa2: {  	_ =	swait.ge [sflag:s23], $0x1  }
0xa3: {  	[sflag:s23] =	ssyncset.done $0x0  }
0xa4: {  	s25 =	simm.s32 $0x1B8E;
	s24 =	sld [smem:$0x3FFE];
	[sflag:s23] =	ssyncadd.s32 $0xFFFFFFFF  }
0xa5: {  	s26 =	simm.s32 $execute0_lowered;
	[smem:$0x3FD2] =	sst s25  }
0xa6: {  	s4 =	sshll.u32 s26, $0x1;
	_ =	strace $0x80000052;
	[dreg:$0x1] =	wrdreg $0xFFFFFFFF  }
0xa7: {  	s28 =	simm.s32 $_size_execute0_lowered;
	s2 =	sadd.s32 s2, s4;
	[dreg:$0x0] =	wrdreg $0x0  }
0xa8: {  	s4 =	sshll.u32 s28, $0x1;
	[dreg:$0x2] =	wrdreg s2  }
0xa9: {  	[dreg:$0x3] =	wrdreg s4  }
0xaa: {  	[dreg:$0x4] =	wrdreg $0xC0  }
0xab: {  	_ =	task [dreg:s6], $0x5FFFF  }
0xac: {  	[dreg:$0x1] =	wrdreg $0xFFFFFFFF  }
0xad: {  	[dreg:$0x0] =	wrdreg $0x60  }
0xae: {  	[dreg:$0x2] =	wrdreg s24  }
0xaf: {  	[dreg:$0x3] =	wrdreg $0xB0000  }
0xb0: {  	[dreg:$0x4] =	wrdreg $0x9  }
0xb1: {  	_ =	task.clear_ibuf [dreg:s6], $0x5FFFF;
	_ =	strace $0x90000052  }
0xb2: {  	s29 =	simm.s32 $0x9;
	_ =	strace $0x80000054  }
0xb3: {  	_ =	swait.ge [sflag:s29], $0x1  }
0xb4: {  	[sflag:s29] =	ssyncadd.s32 $0xFFFFFFFF  }
0xb5: {  	_ =	strace $0x90000054  }
0xb6: {  	_ =	sfence  }
0xb7: {  	s30 =	sld [smem:$0x0];
	_ =	sdelay $0x2  }
0xb8: {  	s31 =	sshll.u32 s1, $0xD;
	s1 =	sshrl.u32 s1, $0x2  }
0xb9: {  	s3 =	sand.u32 $0x4000, s31;
	s1 =	sadd.s32 s1, s30  }
0xba: {  	s0 =	sor.u32 s3, s0;
	s1 =	sshll.u32 s1, $0x11  }
0xbb: {  	s0 =	sor.u32 s1, s0  }
0xbc: {  	s0 =	sadd.s32 $0x8F2B, s0  }
0xbd: {  	[sflag:s0] =	ssyncadd.remote.s32 $0x1  }
0xbe: {  	_ =	sfence.sel $0xFFFF  }
0xbf: {  	[dreg:$0x0] =	wrdreg $0xFFFFFFFF;
	(pc) =	sbr.abs _section_cstart, $3  }
0xc0: {  	[dreg:$0x1] =	wrdreg $0xFFFFFFFF  }
0xc1: {  	_ =	task.clear_ibuf [dreg:s6], $0x2FFFF;
	_ =	strace $0x9FFFFFFF  }
0xc2: {  	(tm) =	ssettm $0x7FFFFFFF  }
0xc3: {  	_ =	shalt  }
tec
execute0_lowered:
.L_overlay_start_1:
0x0: {  	(tag) =	ssettag $0x1  }
0x1: {  	s8 =	rddreg [dreg:$0x0]  }
0x2: {  	s1 =	rddreg [dreg:$0x1]  }
0x3: {  	s0 =	rddreg [dreg:$0x2]  }
0x4: {  	s2 =	simm.s32 $0x0;
	s6 =	srdreg.scid;
	s3 =	stileid.u32  }
0x5: {  	s13 =	simm.s32 $0x2;
	s14 =	simm.s32 $0x3800;
	s15 =	simm.s32 $0x80  }
0x6: {  	s16 =	simm.s32 $0x7000;
	s17 =	simm.s32 $0x1;
	[smem:$0x7FF] =	sst s2  }
0x7: {  	s4 =	sadd.s32 $0x258800, s8;
	s5 =	sadd.s32 $0x66400, s8;
	s6 =	sand.u32 $0x1, s6  }
0x8: {  	s10 =	smul.u32 $0x19000, s3;
	s7 =	sadd.s32 $0x35400, s8;
	s11 =	ssub.s32 $0x2, s6  }
0x9: {  	s8 =	sadd.s32 $0x3DF200, s8;
	s9 =	smul.u32 $0xC8, s3;
	s12 =	sshrl.u32 s11, $0x1  }
0xa: {  	_ =	strace $0x80000053;
	s10 =	sshrl.u32 s10, $0x2;
	s12 =	ssub.s32 s11, s12  }
0xb: {  	s10 =	sadd.s32 s10, s1;
	s11 =	smul.u32 $0x310, s3;
	s12 =	smax.u32 s12, $0x1  }
.LBB2_1:
0xc: {  	s18 =	simm.s32 $0x0  }
.LBB2_2:
0xd: {  	s19 =	sshll.u32 s18, $0x1  }
0xe: {  	s19 =	sor.u32 s6, s19  }
0xf: {  	s22 =	smul.u32 $0xC80, s19;
	_ =	sdelay $0x1  }
0x10: {  	s19 =	sadd.s32 s9, s22  }
0x11: {  	p0 =	sgt.u32 s19, $0x185D8  }
0x12: {  	s19 =	sshll.u32 @!p0 s19, $0x4;
	s20 =	sshll.u32 @!p0 s3, $0x6  }
0x13: {  	s21 =	sshrl.u32 @!p0 s10, $0x3;
	s23 =	sadd.s32 @!p0 s4, s19;
	s20 =	sor.u32 @!p0 $0x1C02, s20  }
0x14: {  	[spmem:s21], [sflag:s20] =	dma.local @!p0 [hbm:s23], $0xC80  }
0x15: {  	s23 =	simm.s32 @!p0 $0x2  }
0x16: {  	_ =	swait.ge @!p0 [sflag:s23], $0xC80  }
0x17: {  	[sflag:s23] =	ssyncset.done @!p0 $0x0  }
0x18: {  	s31 =	sadd.s32 $0xC80, s22;
	[sflag:s23] =	ssyncadd.s32 @!p0 $0xFFFFF380  }
0x19: {  	v0 =	vmov s22;
	s22 =	simm.s32 $0x0;
	v1 =	vmov s31;
	s23 =	simm.s32 $0x0;
	[bflag:$0x0] =	sbarrier.arrive $0xFFFF  }
.LBB2_3:
0x1a: {  	s24 =	smul.u32 $0x70, s23;
	_ =	sdelay $0x1  }
0x1b: {  	s24 =	sadd.s32 s11, s24  }
0x1c: {  	s24 =	sshll.u32 s24, $0x4  }
0x1d: {  	s25 =	sadd.s32 s5, s24  }
0x1e: {  	[tilespmem:s22], [sflag:$0x2] =	stream.linear.gather [hbm4b:s25+s22], $0x3800, $0x38;
	[tilespmem:$0x11440] =	vst v63  }
0x1f: {  	_ =	swait.ge [sflag:s13], $0x3800  }
0x20: {  	[sflag:s13] =	ssyncset.done $0x0  }
0x21: {  	s24 =	sadd.s32 s7, s24;
	[sflag:s13] =	ssyncadd.s32 $0xFFFFC800  }
0x22: {  	[tilespmem:s14], [sflag:$0x2] =	stream.linear.gather [hbm4b:s24+s22], $0x3800, $0x38;
	[tilespmem:$0x11440] =	vst v63  }
0x23: {  	_ =	swait.ge [sflag:s13], $0x3800  }
0x24: {  	[sflag:s13] =	ssyncset.done $0x0  }
0x25: {  	s24 =	simm.s32 $0x0;
	[sflag:s13] =	ssyncadd.s32 $0xFFFFC800  }
0x26: {  	v2 =	vld [tilespmem:s24+$0x3820]  }
0x27: {  	v17 =	vld [tilespmem:s24+$0x3850]  }
0x28: {  	v7 =	vld [tilespmem:s24+$0x3800]  }
0x29: {  	v10 =	vld [tilespmem:s24+$0x3860]  }
0x2a: {  	v12 =	vld [tilespmem:s24+$0x3840]  }
0x2b: {  	v5 =	vld [tilespmem:s24+$0x3810]  }
0x2c: {  	v4 =	vld [tilespmem:s24+$0x50]  }
0x2d: {  	v3 =	vld [tilespmem:s24+$0x60];
	vm0 =	vge.s32 v2, v0  }
0x2e: {  	v11 =	vld [tilespmem:s24+$0x20];
	vm1 =	vlt.s32 v2, v1;
	v16 =	vsub.s32 v2, v0;
	vm2 =	vge.s32 v17, v0  }
0x2f: {  	v6 =	vld [tilespmem:s24+$0x0];
	vm3 =	vlt.s32 v17, v1;
	v14 =	vsub.s32 v7, v0;
	vm4 =	vge.s32 v10, v0  }
0x30: {  	v8 =	vld [tilespmem:s24+$0x3830];
	v9 =	vsub.s32 v12, v0;
	vm5 =	vlt.s32 v10, v1;
	v13 =	vsub.s32 v5, v0  }
0x31: {  	v2 =	vld [tilespmem:s24+$0x30];
	v17 =	vsub.s32 v17, v0;
	vm0 =	vmand vm0, vm1;
	vm2 =	vmand vm2, vm3  }
0x32: {  	vm1 =	vlt.s32 v7, v1;
	vm3 =	vge.s32 v7, v0;
	v7 =	vld [tilespmem:s24+$0x10];
	v15 =	vnsel vm2, $0x0, v4  }
0x33: {  	s25 =	simm.s32 $0x200;
	v16 =	vnsel vm0, $0xC80, v16;
	vm1 =	vmand vm3, vm1;
	vm3 =	vge.s32 v12, v0;
	v4 =	vld [tilespmem:s24+$0x70]  }
.LBB2_4:
0x34: {  	s26 =	sshra.s32 s25, $0x2;
	p1 =	sne.s32 s25, $0xDE00;
	s25 =	sadd.s32 $0x200, s25;
	vm6 =	vlt.s32 v12, v1;
	[tilespmem:s24+$0x50] =	vst v15;
	vm4 =	vmand vm4, vm5;
	v10 =	vsub.s32 v10, v0;
	v15 =	vld [tilespmem:s24+$0x3870]  }
0x35: {  	v12 =	vnsel vm2, $0xC80, v17;
	[tilespmem:s24+$0x3820] =	vst v16;
	v16 =	vld [tilespmem:s24+$0x40];
	v3 =	vnsel vm4, $0x0, v3;
	v10 =	vnsel vm4, $0xC80, v10  }
0x36: {  	vm2 =	vlt.s32 v5, v1;
	v11 =	vnsel vm0, $0x0, v11;
	v17 =	vld [tilespmem:s26+$0x50];
	v18 =	vsub.s32 v8, v0;
	[tilespmem:s24+$0x3860] =	vst v10  }
0x37: {  	vm0 =	vge.s32 v5, v0;
	vm3 =	vmand vm3, vm6;
	v10 =	vnsel vm1, $0xC80, v14;
	v19 =	vld [tilespmem:s26+$0x3820];
	[tilespmem:s24+$0x3850] =	vst v12  }
0x38: {  	v6 =	vnsel vm1, $0x0, v6;
	vm1 =	vge.s32 v8, v0;
	vm4 =	vlt.s32 v8, v1;
	v20 =	vld [tilespmem:s26+$0x3850];
	[tilespmem:s24+$0x3800] =	vst v10  }
0x39: {  	vm0 =	vmand vm0, vm2;
	v21 =	vld [tilespmem:s26+$0x3800];
	[tilespmem:s24+$0x60] =	vst v3;
	vm2 =	vge.s32 v15, v0;
	vm5 =	vlt.s32 v15, v1  }
0x3a: {  	v5 =	vnsel vm0, $0xC80, v13;
	v8 =	vnsel vm3, $0xC80, v9;
	vm1 =	vmand vm1, vm4;
	v3 =	vld [tilespmem:s26+$0x60];
	[tilespmem:s24+$0x20] =	vst v11  }
0x3b: {  	v7 =	vnsel vm0, $0x0, v7;
	v2 =	vnsel vm1, $0x0, v2;
	v9 =	vnsel vm1, $0xC80, v18;
	v10 =	vld [tilespmem:s26+$0x3860];
	[tilespmem:s24+$0x3840] =	vst v8  }
0x3c: {  	vm1 =	vmand vm2, vm5;
	v11 =	vsub.s32 v15, v0;
	v8 =	vnsel vm3, $0x0, v16;
	v12 =	vld [tilespmem:s26+$0x3840];
	[tilespmem:s24+$0x3810] =	vst v5  }
0x3d: {  	v18 =	vnsel vm1, $0xC80, v11;
	vm0 =	vge.s32 v19, v0;
	vm2 =	vlt.s32 v19, v1;
	v5 =	vld [tilespmem:s26+$0x3810];
	[tilespmem:s24+$0x40] =	vst v8  }
0x3e: {  	v4 =	vnsel vm1, $0x0, v4;
	v16 =	vsub.s32 v19, v0;
	vm0 =	vmand vm0, vm2;
	v11 =	vld [tilespmem:s26+$0x20];
	[tilespmem:s24+$0x0] =	vst v6  }
.Ltmp0:
0x3f: {  	vm2 =	vge.s32 v20, v0;
	vm3 =	vlt.s32 v20, v1;
	vm1 =	vlt.s32 v21, v1;
	v6 =	vld [tilespmem:s26+$0x0];
	[tilespmem:s24+$0x30] =	vst v2;
	(pc) =	sbr.rel @p1 .LBB2_4-.Ltmp0, $4  }
0x40: {  	v14 =	vsub.s32 v21, v0;
	vm2 =	vmand vm2, vm3;
	v2 =	vld [tilespmem:s26+$0x30];
	vm4 =	vge.s32 v10, v0;
	[tilespmem:s24+$0x3830] =	vst v9  }
0x41: {  	v15 =	vnsel vm2, $0x0, v17;
	vm5 =	vlt.s32 v10, v1;
	v8 =	vld [tilespmem:s26+$0x3830];
	v9 =	vsub.s32 v12, v0;
	[tilespmem:s24+$0x10] =	vst v7  }
0x42: {  	vm3 =	vge.s32 v21, v0;
	v16 =	vnsel vm0, $0xC80, v16;
	v7 =	vld [tilespmem:s26+$0x10];
	v13 =	vsub.s32 v5, v0;
	[tilespmem:s24+$0x70] =	vst v4  }
0x43: {  	vm1 =	vmand vm3, vm1;
	v17 =	vsub.s32 v20, v0;
	vm3 =	vge.s32 v12, v0;
	v4 =	vld [tilespmem:s26+$0x70];
	[tilespmem:s24+$0x3870] =	vst v18;
	s24 =	smov.u32 s26  }
0x44: {  	[tilespmem:s24+$0x50] =	vst v15  }
0x45: {  	[tilespmem:s24+$0x3820] =	vst v16;
	v17 =	vnsel vm2, $0xC80, v17  }
0x46: {  	v60 =	vnsel vm1, $0xC80, v14;
	[tilespmem:s24+$0x3850] =	vst v17  }
0x47: {  	vm4 =	vmand vm4, vm5;
	v61 =	vnsel vm0, $0x0, v11;
	[tilespmem:s24+$0x3800] =	vst v60  }
0x48: {  	v58 =	vld [tilespmem:s24+$0x3870];
	v10 =	vsub.s32 v10, v0;
	vm15 =	vlt.s32 v12, v1;
	v63 =	vnsel vm1, $0x0, v6;
	[tilespmem:s24+$0x20] =	vst v61  }
0x49: {  	v59 =	vld [tilespmem:s24+$0x40];
	vm8 =	vlt.s32 v5, v1;
	vm9 =	vge.s32 v5, v0;
	v10 =	vnsel vm4, $0xC80, v10;
	[tilespmem:s24+$0x0] =	vst v63  }
0x4a: {  	v3 =	vnsel vm4, $0x0, v3;
	vm2 =	vmand vm3, vm15;
	vm0 =	vmand vm9, vm8;
	[tilespmem:s24+$0x3860] =	vst v10  }
0x4b: {  	[tilespmem:s24+$0x60] =	vst v3;
	v3 =	vnsel vm2, $0xC80, v9;
	vm10 =	vge.s32 v8, v0;
	vm11 =	vlt.s32 v8, v1  }
0x4c: {  	v62 =	vnsel vm0, $0xC80, v13;
	[tilespmem:s24+$0x3840] =	vst v3;
	vm12 =	vmand vm10, vm11  }
0x4d: {  	[tilespmem:s24+$0x3810] =	vst v62;
	v2 =	vnsel vm12, $0x0, v2  }
0x4e: {  	v3 =	vnsel vm2, $0x0, v59;
	vm13 =	vge.s32 v58, v0;
	[tilespmem:s24+$0x30] =	vst v2  }
0x4f: {  	vm14 =	vlt.s32 v58, v1;
	v2 =	vnsel vm0, $0x0, v7;
	[tilespmem:s24+$0x40] =	vst v3;
	v3 =	vsub.s32 v8, v0  }
0x50: {  	vm15 =	vmand vm13, vm14;
	[tilespmem:s24+$0x10] =	vst v2;
	v3 =	vnsel vm12, $0xC80, v3  }
0x51: {  	v4 =	vnsel vm15, $0x0, v4;
	[tilespmem:s24+$0x3830] =	vst v3;
	v3 =	vsub.s32 v58, v0  }
0x52: {  	[tilespmem:s24+$0x70] =	vst v4;
	v2 =	vnsel vm15, $0xC80, v3  }
0x53: {  	s30 =	simm.s32 $0x0;
	[tilespmem:s24+$0x3870] =	vst v2  }
0x54: {  	[tilespmem:s16], [sflag:$0x1] =	stream.indirect.gather [hbm4b:s4+s15], $0x80, s30, s15, $0xb8;
	[tilespmem:$0x11440] =	vst v63  }
0x55: {  	_ =	swait.ge [sflag:s17], $0x4000  }
0x56: {  	[sflag:s17] =	ssyncset.done $0x0  }
0x57: {  	s31 =	simm.s32 $0x3800;
	[sflag:s17] =	ssyncadd.s32 $0xFFFFC000  }
0x58: {  	[spmem:s1] =	stream.indirect.scatter.add.f32 [tilespmem:s16], [sflag:$0x2], $0x80, s31, s15, $0xb8;
	[tilespmem:$0x11440] =	vst v63  }
0x59: {  	_ =	swait.ge [sflag:s13], $0x4000  }
0x5a: {  	s25 =	simm.s32 $0x400;
	s24 =	simm.s32 $0x200;
	[sflag:s13] =	ssyncset.done $0x0  }
.LBB2_6:
0x5b: {  	s26 =	sshra.s32 s24, $0x2  }
0x5c: {  	[sflag:s13] =	ssyncadd.s32 $0xFFFFC000;
	s24 =	smov.u32 s25;
	s28 =	sadd.s32 $0x200, s25  }
0x5d: {  	[tilespmem:s16], [sflag:$0x1] =	stream.indirect.gather [hbm4b:s4+s15], $0x80, s26, s15, $0xb8;
	[tilespmem:$0x11440] =	vst v63  }
0x5e: {  	p1 =	sne.s32 s25, $0xDE00;
	_ =	swait.ge [sflag:s17], $0x4000  }
.Ltmp1:
0x5f: {  	[sflag:s17] =	ssyncset.done $0x0;
	(pc) =	sbr.rel @p1 .LBB2_6-.Ltmp1, $4  }
0x60: {  	s25 =	sadd.s32 $0x3800, s26;
	[sflag:s17] =	ssyncadd.s32 $0xFFFFC000  }
0x61: {  	[spmem:s1] =	stream.indirect.scatter.add.f32 [tilespmem:s16], [sflag:$0x2], $0x80, s25, s15, $0xb8;
	[tilespmem:$0x11440] =	vst v63  }
0x62: {  	_ =	swait.ge [sflag:s13], $0x4000  }
0x63: {  	s25 =	smov.u32 s28;
	[sflag:s13] =	ssyncset.done $0x0  }
0x64: {  	s24 =	sshra.s32 s24, $0x2;
	[sflag:s13] =	ssyncadd.s32 $0xFFFFC000  }
0x65: {  	[tilespmem:s16], [sflag:$0x1] =	stream.indirect.gather [hbm4b:s4+s15], $0x80, s24, s15, $0xb8;
	[tilespmem:$0x11440] =	vst v63  }
0x66: {  	s23 =	sadd.s32 $0x1, s23;
	_ =	swait.ge [sflag:s17], $0x4000  }
0x67: {  	p1 =	sne.s32 s23, $0x7;
	[sflag:s17] =	ssyncset.done $0x0  }
.Ltmp2:
0x68: {  	s24 =	sadd.s32 $0x3800, s24;
	[sflag:s17] =	ssyncadd.s32 $0xFFFFC000;
	(pc) =	sbr.rel @p1 .LBB2_3-.Ltmp2, $4  }
0x69: {  	[spmem:s1] =	stream.indirect.scatter.add.f32 [tilespmem:s16], [sflag:$0x2], $0x80, s24, s15, $0xb8;
	[tilespmem:$0x11440] =	vst v63  }
0x6a: {  	_ =	swait.ge [sflag:s13], $0x4000  }
0x6b: {  	[sflag:s13] =	ssyncset.done $0x0  }
0x6c: {  	[sflag:s13] =	ssyncadd.s32 $0xFFFFC000  }
0x6d: {  	[bflag:$0x0] =	sbarrier.arrive $0xFFFF;
	s19 =	sadd.s32 @!p0 s8, s19  }
0x6e: {  	[hbm:s19], [sflag:s20] =	dma.local @!p0 [spmem:s21], $0xC80  }
0x6f: {  	s19 =	simm.s32 @!p0 $0x2  }
0x70: {  	_ =	swait.ge @!p0 [sflag:s19], $0xC80  }
0x71: {  	s18 =	sadd.s32 $0x1, s18;
	[sflag:s19] =	ssyncset.done @!p0 $0x0  }
0x72: {  	[sflag:s19] =	ssyncadd.s32 @!p0 $0xFFFFF380;
	p0 =	sne.s32 s18, $0x10  }
.Ltmp3:
0x73: {  	_ = 	snop;
	(pc) =	sbr.rel @p0 .LBB2_2-.Ltmp3, $2  }
0x74: {  	_ =	sdelay $0x1  }
0x75: {  	[bflag:$0x0] =	sbarrier.arrive $0xFFFF;
	_ =	sdelay $0x1  }
0x76: {  	s2 =	sadd.s32 $0x1, s2  }
0x77: {  	p0 =	sne.s32 s2, s12  }
.Ltmp4:
0x78: {  	_ = 	snop;
	(pc) =	sbr.rel @p0 .LBB2_1-.Ltmp4, $1  }
0x79: {  	_ =	sdelay $0x3  }
0x7a: {  	_ =	sfence.sel $0x180000  }
0x7b: {  	[bflag:$0x0] =	sbarrier.arrive $0xFFFF  }
0x7c: {  	p0 =	sne.s32 s3, $0x0;
	_ =	strace $0x90000053  }
0x7d: {  	s0 =	sadd.s32 @!p0 $0x100000, s0;
	[bflag:$0x2] =	sbarrier.arrive $0xFFFF  }
0x7e: {  	[sflag:s0] =	ssyncadd.tile.s32 @!p0 $0x1;
	_ =	shalt  }
.Lfunc_end2:
_tile_overlayer_lowered:
.L_overlay_start_2:
0x7f: {  	(tag) =	ssettag $0x2  }
0x80: {  	s0 =	rddreg [dreg:$0x0];
	s2 =	stileid.u32  }
0x81: {  	s1 =	rddreg [dreg:$0x1];
	p0 =	sne.s32 s2, $0x0  }
0x82: {  	s3 =	rddreg [dreg:$0x2];
	[bflag:$0x3] =	sbarrier.arrive $0xFFFF;
	s2 =	simm.s32 @!p0 $0x1C02  }
0x83: {  	[timem:s3], [sflag:s2] =	dma.local @!p0 [hbm:s0], s1  }
0x84: {  	s0 =	simm.s32 @!p0 $0x2  }
0x85: {  	_ =	swait.ge @!p0 [sflag:s0], s1  }
0x86: {  	s1 =	ssub.s32 @!p0 $0x0, s1;
	[sflag:s0] =	ssyncset.done @!p0 $0x0  }
0x87: {  	[sflag:s0] =	ssyncadd.s32 @!p0 s1  }
0x88: {  	[bflag:$0x3] =	sbarrier.arrive $0xFFFF  }
0x89: {  	_ =	shalt  }

// kernel: branch_0_fun.15.cloned.1.call-start
scs
__scs_entry_jumppad:
0x0: {  	(pc) =	sbr.rel $0x88, $3  }
0x1: {  	(tag) =	ssettag $0x0;
	lr =	simm.s32 $0x1  }
0x2: {  	[smem:$0x3F94] =	sst lr;
	_ =	strace $0xD0000000  }
0x3: {  	_ = 	snop  }
0x4: {  	_ = 	snop  }
0x5: {  	_ = 	snop  }
0x6: {  	_ = 	snop  }
0x7: {  	_ = 	snop  }
__scs_overlays_trampoline_lowered:
0x8: {  	[smem:$0x3FA3] =	sst s0  }
0x9: {  	[smem:$0x3FA4] =	sst s1  }
0xa: {  	[smem:$0x3FA5] =	sst s2  }
0xb: {  	[smem:$0x3FA6] =	sst s3  }
0xc: {  	[smem:$0x3FA7] =	sst s4  }
0xd: {  	[smem:$0x3FA8] =	sst s5  }
0xe: {  	[smem:$0x3FA9] =	sst s6  }
0xf: {  	[smem:$0x3FAA] =	sst s7  }
0x10: {  	[smem:$0x3FAB] =	sst s8  }
0x11: {  	[smem:$0x3FAC] =	sst s9;
	s0 =	simm.s32 @!p0 $0x0  }
0x12: {  	s1 =	sld [smem:$0x3F92];
	s0 =	simm.s32 @p0 $0x1  }
0x13: {  	[smem:$0x3FAD] =	sst s0;
	s0 =	simm.s32 @!p1 $0x0  }
0x14: {  	s2 =	sld [smem:$0x3F91];
	s0 =	simm.s32 @p1 $0x1  }
0x15: {  	[smem:$0x3FAE] =	sst s0;
	s0 =	simm.s32 @!p2 $0x0  }
0x16: {  	s3 =	sld [smem:$0x3FDB];
	s0 =	simm.s32 @p2 $0x1  }
0x17: {  	s4 =	simm.s32 $0x1BF5;
	[smem:$0x3FB0] =	sst s0  }
0x18: {  	s0 =	sld [smem:$0x3F93];
	_ =	swait.ge [sflag:s4], $0x0  }
0x19: {  	s7 =	sld [smem:$0x3F94]  }
0x1a: {  	s8 =	sadd.s32 $0xFFFFE003, lr  }
0x1b: {  	s9 =	sadd.s32 $0xFFFFFEF7, lr;
	s5 =	simm.s32 $0xFFFFFFFF;
	p2 =	slt.u32 s8, $0xFFFFF086  }
0x1c: {  	p1 =	slt.u32 s9, $0xF7A;
	s5 =	simm.s32 @!p2 $0x0  }
0x1d: {  	s5 =	simm.s32 @p1 $0x1;
	p0 =	seq.s32 s7, s2  }
0x1e: {  	s7 =	smul.u32 @!p0 $0xF7A, s2;
	p2 =	seq.s32 @!p0 s5, $0x0  }
0x1f: {  	s9 =	smul.u32 $0xF7A, s1;
	s8 =	simm.s32 @!p0 $0x1BF5;
	p2 =	por !p2, p0  }
0x20: {  	[sflag:s8] =	ssyncset.s32 @!p0 $0xFFFFF086;
	s6 =	sadd.s32 @!p0 s3, s7;
	s7 =	simm.s32 @!p0 $0x108  }
0x21: {  	s3 =	sadd.s32 s3, s9;
	s6 =	sadd.s32 @!p0 $0x88, s6;
	s7 =	simm.s32 @p2 $0x1082  }
0x22: {  	[simem:s7], [sflag:s8] =	dma.local @!p0 [hbm:s6], $0xF7A  }
0x23: {  	s9 =	sor.u32 $0xD0000000, s2;
	s6 =	simm.s32 $0x108;
	_ =	swait.ge @!p0 [sflag:s8], $0x0  }
0x24: {  	s3 =	sadd.s32 $0x88, s3;
	s6 =	simm.s32 @!p1 $0x1082;
	[sflag:s4] =	ssyncset.s32 $0xFFFFF086  }
0x25: {  	[simem:s6], [sflag:s4] =	dma.local [hbm:s3], $0xF7A  }
0x26: {  	[smem:$0x3F94] =	sst s1;
	(tag) =	ssettag s2;
	_ =	strace s9  }
0x27: {  	s1 =	sld [smem:$0x3FA4]  }
0x28: {  	s2 =	sld [smem:$0x3FA5]  }
0x29: {  	s4 =	sld [smem:$0x3FA7]  }
0x2a: {  	p0 =	seq.s32 s5, $0x0;
	s5 =	sld [smem:$0x3FA8]  }
0x2b: {  	s6 =	sld [smem:$0x3FA9]  }
0x2c: {  	s7 =	sld [smem:$0x3FAA]  }
0x2d: {  	s3 =	simm.s32 $0x108;
	s8 =	sld [smem:$0x3FAB]  }
0x2e: {  	s3 =	simm.s32 @!p0 $0x1082;
	s9 =	sld [smem:$0x3FAC]  }
0x2f: {  	lr =	sadd.s32 s0, s3;
	s0 =	sld [smem:$0x3FA3]  }
0x30: {  	s3 =	sld [smem:$0x3FA6]  }
0x31: {  	[smem:$0x3FAF] =	sst s10  }
0x32: {  	s10 =	sld [smem:$0x3FAD];
	_ =	sdelay $0x3  }
0x33: {  	p0 =	seq.s32 s10, $0x1;
	s10 =	sld [smem:$0x3FAF];
	_ =	sdelay $0x3  }
0x34: {  	[smem:$0x3FAF] =	sst s10  }
0x35: {  	s10 =	sld [smem:$0x3FAE];
	_ =	sdelay $0x3  }
0x36: {  	p1 =	seq.s32 s10, $0x1;
	s10 =	sld [smem:$0x3FAF];
	_ =	sdelay $0x3  }
0x37: {  	[smem:$0x3FAF] =	sst s10  }
0x38: {  	s10 =	sld [smem:$0x3FB0]  }
0x39: {  	_ = 	snop;
	(pc) =	sbr.ind lr, $3  }
0x3a: {  	_ = 	snop  }
0x3b: {  	_ = 	snop  }
0x3c: {  	p2 =	seq.s32 s10, $0x1;
	s10 =	sld [smem:$0x3FAF]  }
0x3d: {  	_ =	shalt  }
0x3e: {  	_ =	shalt  }
0x3f: {  	_ =	shalt  }
0x40: {  	_ =	shalt  }
0x41: {  	_ =	shalt  }
0x42: {  	_ =	shalt  }
0x43: {  	_ =	shalt  }
0x44: {  	_ =	shalt  }
0x45: {  	_ =	shalt  }
0x46: {  	_ =	shalt  }
0x47: {  	_ =	shalt  }
0x48: {  	_ =	shalt  }
0x49: {  	_ =	shalt  }
0x4a: {  	_ =	shalt  }
0x4b: {  	_ =	shalt  }
0x4c: {  	_ =	shalt  }
0x4d: {  	_ =	shalt  }
0x4e: {  	_ =	shalt  }
0x4f: {  	_ =	shalt  }
0x50: {  	_ =	shalt  }
0x51: {  	_ =	shalt  }
0x52: {  	_ =	shalt  }
0x53: {  	_ =	shalt  }
0x54: {  	_ =	shalt  }
0x55: {  	_ =	shalt  }
0x56: {  	_ =	shalt  }
0x57: {  	_ =	shalt  }
0x58: {  	_ =	shalt  }
0x59: {  	_ =	shalt  }
0x5a: {  	_ =	shalt  }
0x5b: {  	_ =	shalt  }
0x5c: {  	_ =	shalt  }
0x5d: {  	_ =	shalt  }
0x5e: {  	_ =	shalt  }
0x5f: {  	_ =	shalt  }
0x60: {  	_ =	shalt  }
0x61: {  	_ =	shalt  }
0x62: {  	_ =	shalt  }
0x63: {  	_ =	shalt  }
0x64: {  	_ =	shalt  }
0x65: {  	_ =	shalt  }
0x66: {  	_ =	shalt  }
0x67: {  	_ =	shalt  }
0x68: {  	_ =	shalt  }
0x69: {  	_ =	shalt  }
0x6a: {  	_ =	shalt  }
0x6b: {  	_ =	shalt  }
0x6c: {  	_ =	shalt  }
0x6d: {  	_ =	shalt  }
0x6e: {  	_ =	shalt  }
0x6f: {  	_ =	shalt  }
0x70: {  	_ =	shalt  }
0x71: {  	_ =	shalt  }
0x72: {  	_ =	shalt  }
0x73: {  	_ =	shalt  }
0x74: {  	_ =	shalt  }
0x75: {  	_ =	shalt  }
0x76: {  	_ =	shalt  }
0x77: {  	_ =	shalt  }
0x78: {  	_ =	shalt  }
0x79: {  	_ =	shalt  }
0x7a: {  	_ =	shalt  }
0x7b: {  	_ =	shalt  }
0x7c: {  	_ =	shalt  }
0x7d: {  	_ =	shalt  }
0x7e: {  	_ =	shalt  }
0x7f: {  	_ =	shalt  }
0x80: {  	_ =	shalt  }
0x81: {  	_ =	shalt  }
0x82: {  	_ =	shalt  }
0x83: {  	_ =	shalt  }
0x84: {  	_ =	shalt  }
0x85: {  	_ =	shalt  }
0x86: {  	_ =	shalt  }
0x87: {  	_ =	shalt  }
.Lfunc_end0:
.L_simem_size_0:
called_computation.6_lowered:
.L_overlay_start_0:
0x88: {  	s2 =	sld [smem:$0x3FD9]  }
0x89: {  	s3 =	sld [smem:$0x3FFE];
	_ =	sdelay $0x1  }
0x8a: {  	s1 =	srdreg.scid  }
0x8b: {  	s0 =	sand.u32 $0x1, s1  }
0x8c: {  	s16 =	sshll.u32 s0, $0xA;
	s2 =	sadd.s32 s3, s2  }
0x8d: {  	s2 =	sadd.s32 s2, s16  }
0x8e: {  	[smem:$0x3FBB] =	sst s2  }
0x8f: {  	_ = 	snop  }
0x90: {  	(tm) =	ssettm $0x1  }
0x91: {  	s17 =	sld [smem:$0x3FFB];
	_ =	sdelay $0x3  }
0x92: {  	_ =	strace s17  }
0x93: {  	s2 =	sld [smem:$0x3FFC];
	_ =	sdelay $0x3  }
0x94: {  	_ =	strace s2  }
0x95: {  	s2 =	sld [smem:$0x3FFD];
	_ =	sdelay $0x3  }
0x96: {  	_ =	strace s2  }
0x97: {  	_ =	strace $0x8FFFFFFF  }
0x98: {  	s18 =	sld [smem:$0x3FDB];
	_ =	sdelay $0x1  }
0x99: {  	s19 =	simm.s32 $_scs_section_size  }
0x9a: {  	s4 =	simm.s32 $_size__tile_overlayer_lowered;
	s5 =	simm.s32 $_tile_overlayer_lowered  }
0x9b: {  	s22 =	simm.s32 $0x1BFF;
	s21 =	sshll.u32 s5, $0x1;
	s2 =	sadd.s32 s19, s18  }
0x9c: {  	s6 =	simm.s32 $0x0;
	s20 =	sshll.u32 s4, $0x1;
	s4 =	sadd.s32 s21, s2  }
0x9d: {  	[timem:s6], [sflag:s22] =	dma.local [hbm:s4], s20  }
0x9e: {  	_ =	swait.ge [sflag:s22], s20  }
0x9f: {  	s3 =	ssub.s32 $0x0, s20;
	[sflag:s22] =	ssyncset.done $0x0  }
0xa0: {  	[sflag:s22] =	ssyncadd.s32 s3;
	_ =	sdelay $0x1  }
0xa1: {  	s23 =	simm.s32 $0x1B8B  }
0xa2: {  	_ =	swait.ge [sflag:s23], $0x1  }
0xa3: {  	[sflag:s23] =	ssyncset.done $0x0  }
0xa4: {  	s25 =	simm.s32 $0x1B8E;
	s24 =	sld [smem:$0x3FFE];
	[sflag:s23] =	ssyncadd.s32 $0xFFFFFFFF  }
0xa5: {  	s26 =	simm.s32 $execute0_lowered;
	[smem:$0x3FD2] =	sst s25  }
0xa6: {  	s4 =	sshll.u32 s26, $0x1;
	_ =	strace $0x80000058;
	[dreg:$0x1] =	wrdreg $0xFFFFFFFF  }
0xa7: {  	s28 =	simm.s32 $_size_execute0_lowered;
	s2 =	sadd.s32 s2, s4;
	[dreg:$0x0] =	wrdreg $0x0  }
0xa8: {  	s4 =	sshll.u32 s28, $0x1;
	[dreg:$0x2] =	wrdreg s2  }
0xa9: {  	[dreg:$0x3] =	wrdreg s4  }
0xaa: {  	[dreg:$0x4] =	wrdreg $0xC0  }
0xab: {  	_ =	task [dreg:s6], $0x5FFFF  }
0xac: {  	[dreg:$0x1] =	wrdreg $0xFFFFFFFF  }
0xad: {  	[dreg:$0x0] =	wrdreg $0x60  }
0xae: {  	[dreg:$0x2] =	wrdreg s24  }
0xaf: {  	[dreg:$0x3] =	wrdreg $0xB0000  }
0xb0: {  	[dreg:$0x4] =	wrdreg $0x9  }
0xb1: {  	_ =	task.clear_ibuf [dreg:s6], $0x5FFFF;
	_ =	strace $0x90000058  }
0xb2: {  	s29 =	simm.s32 $0x9;
	_ =	strace $0x8000005A  }
0xb3: {  	_ =	swait.ge [sflag:s29], $0x1  }
0xb4: {  	[sflag:s29] =	ssyncadd.s32 $0xFFFFFFFF  }
0xb5: {  	_ =	strace $0x9000005A  }
0xb6: {  	_ =	sfence  }
0xb7: {  	s30 =	sld [smem:$0x0];
	_ =	sdelay $0x2  }
0xb8: {  	s31 =	sshll.u32 s1, $0xD;
	s1 =	sshrl.u32 s1, $0x2  }
0xb9: {  	s3 =	sand.u32 $0x4000, s31;
	s1 =	sadd.s32 s1, s30  }
0xba: {  	s0 =	sor.u32 s3, s0;
	s1 =	sshll.u32 s1, $0x11  }
0xbb: {  	s0 =	sor.u32 s1, s0  }
0xbc: {  	s0 =	sadd.s32 $0x8F2B, s0  }
0xbd: {  	[sflag:s0] =	ssyncadd.remote.s32 $0x1  }
0xbe: {  	_ =	sfence.sel $0xFFFF  }
0xbf: {  	[dreg:$0x0] =	wrdreg $0xFFFFFFFF;
	(pc) =	sbr.abs _section_cstart, $3  }
0xc0: {  	[dreg:$0x1] =	wrdreg $0xFFFFFFFF  }
0xc1: {  	_ =	task.clear_ibuf [dreg:s6], $0x2FFFF;
	_ =	strace $0x9FFFFFFF  }
0xc2: {  	(tm) =	ssettm $0x7FFFFFFF  }
0xc3: {  	_ =	shalt  }
tec
execute0_lowered:
.L_overlay_start_1:
0x0: {  	(tag) =	ssettag $0x1  }
0x1: {  	s8 =	rddreg [dreg:$0x0]  }
0x2: {  	s1 =	rddreg [dreg:$0x1]  }
0x3: {  	s0 =	rddreg [dreg:$0x2]  }
0x4: {  	s2 =	simm.s32 $0x0;
	s6 =	srdreg.scid;
	s3 =	stileid.u32  }
0x5: {  	s13 =	simm.s32 $0x2;
	s14 =	simm.s32 $0x3800;
	s15 =	simm.s32 $0x80  }
0x6: {  	s16 =	simm.s32 $0x7000;
	s17 =	simm.s32 $0x1;
	[smem:$0x7FF] =	sst s2  }
0x7: {  	s4 =	sadd.s32 $0x31BE00, s8;
	s5 =	sadd.s32 $0x66400, s8;
	s6 =	sand.u32 $0x1, s6  }
0x8: {  	s10 =	smul.u32 $0x19000, s3;
	s7 =	sadd.s32 $0x35400, s8;
	s11 =	ssub.s32 $0x2, s6  }
0x9: {  	s8 =	sadd.s32 $0x195200, s8;
	s9 =	smul.u32 $0xC8, s3;
	s12 =	sshrl.u32 s11, $0x1  }
0xa: {  	_ =	strace $0x80000059;
	s10 =	sshrl.u32 s10, $0x2;
	s12 =	ssub.s32 s11, s12  }
0xb: {  	s10 =	sadd.s32 s10, s1;
	s11 =	smul.u32 $0x310, s3;
	s12 =	smax.u32 s12, $0x1  }
.LBB2_1:
0xc: {  	s18 =	simm.s32 $0x0  }
.LBB2_2:
0xd: {  	s19 =	sshll.u32 s18, $0x1  }
0xe: {  	s19 =	sor.u32 s6, s19  }
0xf: {  	s22 =	smul.u32 $0xC80, s19;
	_ =	sdelay $0x1  }
0x10: {  	s19 =	sadd.s32 s9, s22  }
0x11: {  	p0 =	sgt.u32 s19, $0x185D8  }
0x12: {  	s19 =	sshll.u32 @!p0 s19, $0x4;
	s20 =	sshll.u32 @!p0 s3, $0x6  }
0x13: {  	s21 =	sshrl.u32 @!p0 s10, $0x3;
	s23 =	sadd.s32 @!p0 s4, s19;
	s20 =	sor.u32 @!p0 $0x1C02, s20  }
0x14: {  	[spmem:s21], [sflag:s20] =	dma.local @!p0 [hbm:s23], $0xC80  }
0x15: {  	s23 =	simm.s32 @!p0 $0x2  }
0x16: {  	_ =	swait.ge @!p0 [sflag:s23], $0xC80  }
0x17: {  	[sflag:s23] =	ssyncset.done @!p0 $0x0  }
0x18: {  	s31 =	sadd.s32 $0xC80, s22;
	[sflag:s23] =	ssyncadd.s32 @!p0 $0xFFFFF380  }
0x19: {  	v0 =	vmov s22;
	s22 =	simm.s32 $0x0;
	v1 =	vmov s31;
	s23 =	simm.s32 $0x0;
	[bflag:$0x0] =	sbarrier.arrive $0xFFFF  }
.LBB2_3:
0x1a: {  	s24 =	smul.u32 $0x70, s23;
	_ =	sdelay $0x1  }
0x1b: {  	s24 =	sadd.s32 s11, s24  }
0x1c: {  	s24 =	sshll.u32 s24, $0x4  }
0x1d: {  	s25 =	sadd.s32 s5, s24  }
0x1e: {  	[tilespmem:s22], [sflag:$0x2] =	stream.linear.gather [hbm4b:s25+s22], $0x3800, $0x38;
	[tilespmem:$0x11440] =	vst v63  }
0x1f: {  	_ =	swait.ge [sflag:s13], $0x3800  }
0x20: {  	[sflag:s13] =	ssyncset.done $0x0  }
0x21: {  	s24 =	sadd.s32 s7, s24;
	[sflag:s13] =	ssyncadd.s32 $0xFFFFC800  }
0x22: {  	[tilespmem:s14], [sflag:$0x2] =	stream.linear.gather [hbm4b:s24+s22], $0x3800, $0x38;
	[tilespmem:$0x11440] =	vst v63  }
0x23: {  	_ =	swait.ge [sflag:s13], $0x3800  }
0x24: {  	[sflag:s13] =	ssyncset.done $0x0  }
0x25: {  	s24 =	simm.s32 $0x0;
	[sflag:s13] =	ssyncadd.s32 $0xFFFFC800  }
0x26: {  	v2 =	vld [tilespmem:s24+$0x3820]  }
0x27: {  	v17 =	vld [tilespmem:s24+$0x3850]  }
0x28: {  	v7 =	vld [tilespmem:s24+$0x3800]  }
0x29: {  	v10 =	vld [tilespmem:s24+$0x3860]  }
0x2a: {  	v12 =	vld [tilespmem:s24+$0x3840]  }
0x2b: {  	v5 =	vld [tilespmem:s24+$0x3810]  }
0x2c: {  	v4 =	vld [tilespmem:s24+$0x50]  }
0x2d: {  	v3 =	vld [tilespmem:s24+$0x60];
	vm0 =	vge.s32 v2, v0  }
0x2e: {  	v11 =	vld [tilespmem:s24+$0x20];
	vm1 =	vlt.s32 v2, v1;
	v16 =	vsub.s32 v2, v0;
	vm2 =	vge.s32 v17, v0  }
0x2f: {  	v6 =	vld [tilespmem:s24+$0x0];
	vm3 =	vlt.s32 v17, v1;
	v14 =	vsub.s32 v7, v0;
	vm4 =	vge.s32 v10, v0  }
0x30: {  	v8 =	vld [tilespmem:s24+$0x3830];
	v9 =	vsub.s32 v12, v0;
	vm5 =	vlt.s32 v10, v1;
	v13 =	vsub.s32 v5, v0  }
0x31: {  	v2 =	vld [tilespmem:s24+$0x30];
	v17 =	vsub.s32 v17, v0;
	vm0 =	vmand vm0, vm1;
	vm2 =	vmand vm2, vm3  }
0x32: {  	vm1 =	vlt.s32 v7, v1;
	vm3 =	vge.s32 v7, v0;
	v7 =	vld [tilespmem:s24+$0x10];
	v15 =	vnsel vm2, $0x0, v4  }
0x33: {  	s25 =	simm.s32 $0x200;
	v16 =	vnsel vm0, $0xC80, v16;
	vm1 =	vmand vm3, vm1;
	vm3 =	vge.s32 v12, v0;
	v4 =	vld [tilespmem:s24+$0x70]  }
.LBB2_4:
0x34: {  	s26 =	sshra.s32 s25, $0x2;
	p1 =	sne.s32 s25, $0xDE00;
	s25 =	sadd.s32 $0x200, s25;
	vm6 =	vlt.s32 v12, v1;
	[tilespmem:s24+$0x50] =	vst v15;
	vm4 =	vmand vm4, vm5;
	v10 =	vsub.s32 v10, v0;
	v15 =	vld [tilespmem:s24+$0x3870]  }
0x35: {  	v12 =	vnsel vm2, $0xC80, v17;
	[tilespmem:s24+$0x3820] =	vst v16;
	v16 =	vld [tilespmem:s24+$0x40];
	v3 =	vnsel vm4, $0x0, v3;
	v10 =	vnsel vm4, $0xC80, v10  }
0x36: {  	vm2 =	vlt.s32 v5, v1;
	v11 =	vnsel vm0, $0x0, v11;
	v17 =	vld [tilespmem:s26+$0x50];
	v18 =	vsub.s32 v8, v0;
	[tilespmem:s24+$0x3860] =	vst v10  }
0x37: {  	vm0 =	vge.s32 v5, v0;
	vm3 =	vmand vm3, vm6;
	v10 =	vnsel vm1, $0xC80, v14;
	v19 =	vld [tilespmem:s26+$0x3820];
	[tilespmem:s24+$0x3850] =	vst v12  }
0x38: {  	v6 =	vnsel vm1, $0x0, v6;
	vm1 =	vge.s32 v8, v0;
	vm4 =	vlt.s32 v8, v1;
	v20 =	vld [tilespmem:s26+$0x3850];
	[tilespmem:s24+$0x3800] =	vst v10  }
0x39: {  	vm0 =	vmand vm0, vm2;
	v21 =	vld [tilespmem:s26+$0x3800];
	[tilespmem:s24+$0x60] =	vst v3;
	vm2 =	vge.s32 v15, v0;
	vm5 =	vlt.s32 v15, v1  }
0x3a: {  	v5 =	vnsel vm0, $0xC80, v13;
	v8 =	vnsel vm3, $0xC80, v9;
	vm1 =	vmand vm1, vm4;
	v3 =	vld [tilespmem:s26+$0x60];
	[tilespmem:s24+$0x20] =	vst v11  }
0x3b: {  	v7 =	vnsel vm0, $0x0, v7;
	v2 =	vnsel vm1, $0x0, v2;
	v9 =	vnsel vm1, $0xC80, v18;
	v10 =	vld [tilespmem:s26+$0x3860];
	[tilespmem:s24+$0x3840] =	vst v8  }
0x3c: {  	vm1 =	vmand vm2, vm5;
	v11 =	vsub.s32 v15, v0;
	v8 =	vnsel vm3, $0x0, v16;
	v12 =	vld [tilespmem:s26+$0x3840];
	[tilespmem:s24+$0x3810] =	vst v5  }
0x3d: {  	v18 =	vnsel vm1, $0xC80, v11;
	vm0 =	vge.s32 v19, v0;
	vm2 =	vlt.s32 v19, v1;
	v5 =	vld [tilespmem:s26+$0x3810];
	[tilespmem:s24+$0x40] =	vst v8  }
0x3e: {  	v4 =	vnsel vm1, $0x0, v4;
	v16 =	vsub.s32 v19, v0;
	vm0 =	vmand vm0, vm2;
	v11 =	vld [tilespmem:s26+$0x20];
	[tilespmem:s24+$0x0] =	vst v6  }
.Ltmp0:
0x3f: {  	vm2 =	vge.s32 v20, v0;
	vm3 =	vlt.s32 v20, v1;
	vm1 =	vlt.s32 v21, v1;
	v6 =	vld [tilespmem:s26+$0x0];
	[tilespmem:s24+$0x30] =	vst v2;
	(pc) =	sbr.rel @p1 .LBB2_4-.Ltmp0, $4  }
0x40: {  	v14 =	vsub.s32 v21, v0;
	vm2 =	vmand vm2, vm3;
	v2 =	vld [tilespmem:s26+$0x30];
	vm4 =	vge.s32 v10, v0;
	[tilespmem:s24+$0x3830] =	vst v9  }
0x41: {  	v15 =	vnsel vm2, $0x0, v17;
	vm5 =	vlt.s32 v10, v1;
	v8 =	vld [tilespmem:s26+$0x3830];
	v9 =	vsub.s32 v12, v0;
	[tilespmem:s24+$0x10] =	vst v7  }
0x42: {  	vm3 =	vge.s32 v21, v0;
	v16 =	vnsel vm0, $0xC80, v16;
	v7 =	vld [tilespmem:s26+$0x10];
	v13 =	vsub.s32 v5, v0;
	[tilespmem:s24+$0x70] =	vst v4  }
0x43: {  	vm1 =	vmand vm3, vm1;
	v17 =	vsub.s32 v20, v0;
	vm3 =	vge.s32 v12, v0;
	v4 =	vld [tilespmem:s26+$0x70];
	[tilespmem:s24+$0x3870] =	vst v18;
	s24 =	smov.u32 s26  }
0x44: {  	[tilespmem:s24+$0x50] =	vst v15  }
0x45: {  	[tilespmem:s24+$0x3820] =	vst v16;
	v17 =	vnsel vm2, $0xC80, v17  }
0x46: {  	v60 =	vnsel vm1, $0xC80, v14;
	[tilespmem:s24+$0x3850] =	vst v17  }
0x47: {  	vm4 =	vmand vm4, vm5;
	v61 =	vnsel vm0, $0x0, v11;
	[tilespmem:s24+$0x3800] =	vst v60  }
0x48: {  	v58 =	vld [tilespmem:s24+$0x3870];
	v10 =	vsub.s32 v10, v0;
	vm15 =	vlt.s32 v12, v1;
	v63 =	vnsel vm1, $0x0, v6;
	[tilespmem:s24+$0x20] =	vst v61  }
0x49: {  	v59 =	vld [tilespmem:s24+$0x40];
	vm8 =	vlt.s32 v5, v1;
	vm9 =	vge.s32 v5, v0;
	v10 =	vnsel vm4, $0xC80, v10;
	[tilespmem:s24+$0x0] =	vst v63  }
0x4a: {  	v3 =	vnsel vm4, $0x0, v3;
	vm2 =	vmand vm3, vm15;
	vm0 =	vmand vm9, vm8;
	[tilespmem:s24+$0x3860] =	vst v10  }
0x4b: {  	[tilespmem:s24+$0x60] =	vst v3;
	v3 =	vnsel vm2, $0xC80, v9;
	vm10 =	vge.s32 v8, v0;
	vm11 =	vlt.s32 v8, v1  }
0x4c: {  	v62 =	vnsel vm0, $0xC80, v13;
	[tilespmem:s24+$0x3840] =	vst v3;
	vm12 =	vmand vm10, vm11  }
0x4d: {  	[tilespmem:s24+$0x3810] =	vst v62;
	v2 =	vnsel vm12, $0x0, v2  }
0x4e: {  	v3 =	vnsel vm2, $0x0, v59;
	vm13 =	vge.s32 v58, v0;
	[tilespmem:s24+$0x30] =	vst v2  }
0x4f: {  	vm14 =	vlt.s32 v58, v1;
	v2 =	vnsel vm0, $0x0, v7;
	[tilespmem:s24+$0x40] =	vst v3;
	v3 =	vsub.s32 v8, v0  }
0x50: {  	vm15 =	vmand vm13, vm14;
	[tilespmem:s24+$0x10] =	vst v2;
	v3 =	vnsel vm12, $0xC80, v3  }
0x51: {  	v4 =	vnsel vm15, $0x0, v4;
	[tilespmem:s24+$0x3830] =	vst v3;
	v3 =	vsub.s32 v58, v0  }
0x52: {  	[tilespmem:s24+$0x70] =	vst v4;
	v2 =	vnsel vm15, $0xC80, v3  }
0x53: {  	s30 =	simm.s32 $0x0;
	[tilespmem:s24+$0x3870] =	vst v2  }
0x54: {  	[tilespmem:s16], [sflag:$0x1] =	stream.indirect.gather [hbm4b:s4+s15], $0x80, s30, s15, $0xb8;
	[tilespmem:$0x11440] =	vst v63  }
0x55: {  	_ =	swait.ge [sflag:s17], $0x4000  }
0x56: {  	[sflag:s17] =	ssyncset.done $0x0  }
0x57: {  	s31 =	simm.s32 $0x3800;
	[sflag:s17] =	ssyncadd.s32 $0xFFFFC000  }
0x58: {  	[spmem:s1] =	stream.indirect.scatter.add.f32 [tilespmem:s16], [sflag:$0x2], $0x80, s31, s15, $0xb8;
	[tilespmem:$0x11440] =	vst v63  }
0x59: {  	_ =	swait.ge [sflag:s13], $0x4000  }
0x5a: {  	s25 =	simm.s32 $0x400;
	s24 =	simm.s32 $0x200;
	[sflag:s13] =	ssyncset.done $0x0  }
.LBB2_6:
0x5b: {  	s26 =	sshra.s32 s24, $0x2  }
0x5c: {  	[sflag:s13] =	ssyncadd.s32 $0xFFFFC000;
	s24 =	smov.u32 s25;
	s28 =	sadd.s32 $0x200, s25  }
0x5d: {  	[tilespmem:s16], [sflag:$0x1] =	stream.indirect.gather [hbm4b:s4+s15], $0x80, s26, s15, $0xb8;
	[tilespmem:$0x11440] =	vst v63  }
0x5e: {  	p1 =	sne.s32 s25, $0xDE00;
	_ =	swait.ge [sflag:s17], $0x4000  }
.Ltmp1:
0x5f: {  	[sflag:s17] =	ssyncset.done $0x0;
	(pc) =	sbr.rel @p1 .LBB2_6-.Ltmp1, $4  }
0x60: {  	s25 =	sadd.s32 $0x3800, s26;
	[sflag:s17] =	ssyncadd.s32 $0xFFFFC000  }
0x61: {  	[spmem:s1] =	stream.indirect.scatter.add.f32 [tilespmem:s16], [sflag:$0x2], $0x80, s25, s15, $0xb8;
	[tilespmem:$0x11440] =	vst v63  }
0x62: {  	_ =	swait.ge [sflag:s13], $0x4000  }
0x63: {  	s25 =	smov.u32 s28;
	[sflag:s13] =	ssyncset.done $0x0  }
0x64: {  	s24 =	sshra.s32 s24, $0x2;
	[sflag:s13] =	ssyncadd.s32 $0xFFFFC000  }
0x65: {  	[tilespmem:s16], [sflag:$0x1] =	stream.indirect.gather [hbm4b:s4+s15], $0x80, s24, s15, $0xb8;
	[tilespmem:$0x11440] =	vst v63  }
0x66: {  	s23 =	sadd.s32 $0x1, s23;
	_ =	swait.ge [sflag:s17], $0x4000  }
0x67: {  	p1 =	sne.s32 s23, $0x7;
	[sflag:s17] =	ssyncset.done $0x0  }
.Ltmp2:
0x68: {  	s24 =	sadd.s32 $0x3800, s24;
	[sflag:s17] =	ssyncadd.s32 $0xFFFFC000;
	(pc) =	sbr.rel @p1 .LBB2_3-.Ltmp2, $4  }
0x69: {  	[spmem:s1] =	stream.indirect.scatter.add.f32 [tilespmem:s16], [sflag:$0x2], $0x80, s24, s15, $0xb8;
	[tilespmem:$0x11440] =	vst v63  }
0x6a: {  	_ =	swait.ge [sflag:s13], $0x4000  }
0x6b: {  	[sflag:s13] =	ssyncset.done $0x0  }
0x6c: {  	[sflag:s13] =	ssyncadd.s32 $0xFFFFC000  }
0x6d: {  	[bflag:$0x0] =	sbarrier.arrive $0xFFFF;
	s19 =	sadd.s32 @!p0 s8, s19  }
0x6e: {  	[hbm:s19], [sflag:s20] =	dma.local @!p0 [spmem:s21], $0xC80  }
0x6f: {  	s19 =	simm.s32 @!p0 $0x2  }
0x70: {  	_ =	swait.ge @!p0 [sflag:s19], $0xC80  }
0x71: {  	s18 =	sadd.s32 $0x1, s18;
	[sflag:s19] =	ssyncset.done @!p0 $0x0  }
0x72: {  	[sflag:s19] =	ssyncadd.s32 @!p0 $0xFFFFF380;
	p0 =	sne.s32 s18, $0x10  }
.Ltmp3:
0x73: {  	_ = 	snop;
	(pc) =	sbr.rel @p0 .LBB2_2-.Ltmp3, $2  }
0x74: {  	_ =	sdelay $0x1  }
0x75: {  	[bflag:$0x0] =	sbarrier.arrive $0xFFFF;
	_ =	sdelay $0x1  }
0x76: {  	s2 =	sadd.s32 $0x1, s2  }
0x77: {  	p0 =	sne.s32 s2, s12  }
.Ltmp4:
0x78: {  	_ = 	snop;
	(pc) =	sbr.rel @p0 .LBB2_1-.Ltmp4, $1  }
0x79: {  	_ =	sdelay $0x3  }
0x7a: {  	_ =	sfence.sel $0x180000  }
0x7b: {  	[bflag:$0x0] =	sbarrier.arrive $0xFFFF  }
0x7c: {  	p0 =	sne.s32 s3, $0x0;
	_ =	strace $0x90000059  }
0x7d: {  	s0 =	sadd.s32 @!p0 $0x100000, s0;
	[bflag:$0x2] =	sbarrier.arrive $0xFFFF  }
0x7e: {  	[sflag:s0] =	ssyncadd.tile.s32 @!p0 $0x1;
	_ =	shalt  }
.Lfunc_end2:
_tile_overlayer_lowered:
.L_overlay_start_2:
0x7f: {  	(tag) =	ssettag $0x2  }
0x80: {  	s0 =	rddreg [dreg:$0x0];
	s2 =	stileid.u32  }
0x81: {  	s1 =	rddreg [dreg:$0x1];
	p0 =	sne.s32 s2, $0x0  }
0x82: {  	s3 =	rddreg [dreg:$0x2];
	[bflag:$0x3] =	sbarrier.arrive $0xFFFF;
	s2 =	simm.s32 @!p0 $0x1C02  }
0x83: {  	[timem:s3], [sflag:s2] =	dma.local @!p0 [hbm:s0], s1  }
0x84: {  	s0 =	simm.s32 @!p0 $0x2  }
0x85: {  	_ =	swait.ge @!p0 [sflag:s0], s1  }
0x86: {  	s1 =	ssub.s32 @!p0 $0x0, s1;
	[sflag:s0] =	ssyncset.done @!p0 $0x0  }
0x87: {  	[sflag:s0] =	ssyncadd.s32 @!p0 s1  }
0x88: {  	[bflag:$0x3] =	sbarrier.arrive $0xFFFF  }
0x89: {  	_ =	shalt  }

// kernel: branch_0_fun.6.cloned.1.call-start
scs
__scs_entry_jumppad:
0x0: {  	(pc) =	sbr.rel $0x88, $3  }
0x1: {  	(tag) =	ssettag $0x0;
	lr =	simm.s32 $0x1  }
0x2: {  	[smem:$0x3F94] =	sst lr;
	_ =	strace $0xD0000000  }
0x3: {  	_ = 	snop  }
0x4: {  	_ = 	snop  }
0x5: {  	_ = 	snop  }
0x6: {  	_ = 	snop  }
0x7: {  	_ = 	snop  }
__scs_overlays_trampoline_lowered:
0x8: {  	[smem:$0x3FA3] =	sst s0  }
0x9: {  	[smem:$0x3FA4] =	sst s1  }
0xa: {  	[smem:$0x3FA5] =	sst s2  }
0xb: {  	[smem:$0x3FA6] =	sst s3  }
0xc: {  	[smem:$0x3FA7] =	sst s4  }
0xd: {  	[smem:$0x3FA8] =	sst s5  }
0xe: {  	[smem:$0x3FA9] =	sst s6  }
0xf: {  	[smem:$0x3FAA] =	sst s7  }
0x10: {  	[smem:$0x3FAB] =	sst s8  }
0x11: {  	[smem:$0x3FAC] =	sst s9;
	s0 =	simm.s32 @!p0 $0x0  }
0x12: {  	s1 =	sld [smem:$0x3F92];
	s0 =	simm.s32 @p0 $0x1  }
0x13: {  	[smem:$0x3FAD] =	sst s0;
	s0 =	simm.s32 @!p1 $0x0  }
0x14: {  	s2 =	sld [smem:$0x3F91];
	s0 =	simm.s32 @p1 $0x1  }
0x15: {  	[smem:$0x3FAE] =	sst s0;
	s0 =	simm.s32 @!p2 $0x0  }
0x16: {  	s3 =	sld [smem:$0x3FDB];
	s0 =	simm.s32 @p2 $0x1  }
0x17: {  	s4 =	simm.s32 $0x1BF5;
	[smem:$0x3FB0] =	sst s0  }
0x18: {  	s0 =	sld [smem:$0x3F93];
	_ =	swait.ge [sflag:s4], $0x0  }
0x19: {  	s7 =	sld [smem:$0x3F94]  }
0x1a: {  	s8 =	sadd.s32 $0xFFFFE003, lr  }
0x1b: {  	s9 =	sadd.s32 $0xFFFFFEF7, lr;
	s5 =	simm.s32 $0xFFFFFFFF;
	p2 =	slt.u32 s8, $0xFFFFF086  }
0x1c: {  	p1 =	slt.u32 s9, $0xF7A;
	s5 =	simm.s32 @!p2 $0x0  }
0x1d: {  	s5 =	simm.s32 @p1 $0x1;
	p0 =	seq.s32 s7, s2  }
0x1e: {  	s7 =	smul.u32 @!p0 $0xF7A, s2;
	p2 =	seq.s32 @!p0 s5, $0x0  }
0x1f: {  	s9 =	smul.u32 $0xF7A, s1;
	s8 =	simm.s32 @!p0 $0x1BF5;
	p2 =	por !p2, p0  }
0x20: {  	[sflag:s8] =	ssyncset.s32 @!p0 $0xFFFFF086;
	s6 =	sadd.s32 @!p0 s3, s7;
	s7 =	simm.s32 @!p0 $0x108  }
0x21: {  	s3 =	sadd.s32 s3, s9;
	s6 =	sadd.s32 @!p0 $0x88, s6;
	s7 =	simm.s32 @p2 $0x1082  }
0x22: {  	[simem:s7], [sflag:s8] =	dma.local @!p0 [hbm:s6], $0xF7A  }
0x23: {  	s9 =	sor.u32 $0xD0000000, s2;
	s6 =	simm.s32 $0x108;
	_ =	swait.ge @!p0 [sflag:s8], $0x0  }
0x24: {  	s3 =	sadd.s32 $0x88, s3;
	s6 =	simm.s32 @!p1 $0x1082;
	[sflag:s4] =	ssyncset.s32 $0xFFFFF086  }
0x25: {  	[simem:s6], [sflag:s4] =	dma.local [hbm:s3], $0xF7A  }
0x26: {  	[smem:$0x3F94] =	sst s1;
	(tag) =	ssettag s2;
	_ =	strace s9  }
0x27: {  	s1 =	sld [smem:$0x3FA4]  }
0x28: {  	s2 =	sld [smem:$0x3FA5]  }
0x29: {  	s4 =	sld [smem:$0x3FA7]  }
0x2a: {  	p0 =	seq.s32 s5, $0x0;
	s5 =	sld [smem:$0x3FA8]  }
0x2b: {  	s6 =	sld [smem:$0x3FA9]  }
0x2c: {  	s7 =	sld [smem:$0x3FAA]  }
0x2d: {  	s3 =	simm.s32 $0x108;
	s8 =	sld [smem:$0x3FAB]  }
0x2e: {  	s3 =	simm.s32 @!p0 $0x1082;
	s9 =	sld [smem:$0x3FAC]  }
0x2f: {  	lr =	sadd.s32 s0, s3;
	s0 =	sld [smem:$0x3FA3]  }
0x30: {  	s3 =	sld [smem:$0x3FA6]  }
0x31: {  	[smem:$0x3FAF] =	sst s10  }
0x32: {  	s10 =	sld [smem:$0x3FAD];
	_ =	sdelay $0x3  }
0x33: {  	p0 =	seq.s32 s10, $0x1;
	s10 =	sld [smem:$0x3FAF];
	_ =	sdelay $0x3  }
0x34: {  	[smem:$0x3FAF] =	sst s10  }
0x35: {  	s10 =	sld [smem:$0x3FAE];
	_ =	sdelay $0x3  }
0x36: {  	p1 =	seq.s32 s10, $0x1;
	s10 =	sld [smem:$0x3FAF];
	_ =	sdelay $0x3  }
0x37: {  	[smem:$0x3FAF] =	sst s10  }
0x38: {  	s10 =	sld [smem:$0x3FB0]  }
0x39: {  	_ = 	snop;
	(pc) =	sbr.ind lr, $3  }
0x3a: {  	_ = 	snop  }
0x3b: {  	_ = 	snop  }
0x3c: {  	p2 =	seq.s32 s10, $0x1;
	s10 =	sld [smem:$0x3FAF]  }
0x3d: {  	_ =	shalt  }
0x3e: {  	_ =	shalt  }
0x3f: {  	_ =	shalt  }
0x40: {  	_ =	shalt  }
0x41: {  	_ =	shalt  }
0x42: {  	_ =	shalt  }
0x43: {  	_ =	shalt  }
0x44: {  	_ =	shalt  }
0x45: {  	_ =	shalt  }
0x46: {  	_ =	shalt  }
0x47: {  	_ =	shalt  }
0x48: {  	_ =	shalt  }
0x49: {  	_ =	shalt  }
0x4a: {  	_ =	shalt  }
0x4b: {  	_ =	shalt  }
0x4c: {  	_ =	shalt  }
0x4d: {  	_ =	shalt  }
0x4e: {  	_ =	shalt  }
0x4f: {  	_ =	shalt  }
0x50: {  	_ =	shalt  }
0x51: {  	_ =	shalt  }
0x52: {  	_ =	shalt  }
0x53: {  	_ =	shalt  }
0x54: {  	_ =	shalt  }
0x55: {  	_ =	shalt  }
0x56: {  	_ =	shalt  }
0x57: {  	_ =	shalt  }
0x58: {  	_ =	shalt  }
0x59: {  	_ =	shalt  }
0x5a: {  	_ =	shalt  }
0x5b: {  	_ =	shalt  }
0x5c: {  	_ =	shalt  }
0x5d: {  	_ =	shalt  }
0x5e: {  	_ =	shalt  }
0x5f: {  	_ =	shalt  }
0x60: {  	_ =	shalt  }
0x61: {  	_ =	shalt  }
0x62: {  	_ =	shalt  }
0x63: {  	_ =	shalt  }
0x64: {  	_ =	shalt  }
0x65: {  	_ =	shalt  }
0x66: {  	_ =	shalt  }
0x67: {  	_ =	shalt  }
0x68: {  	_ =	shalt  }
0x69: {  	_ =	shalt  }
0x6a: {  	_ =	shalt  }
0x6b: {  	_ =	shalt  }
0x6c: {  	_ =	shalt  }
0x6d: {  	_ =	shalt  }
0x6e: {  	_ =	shalt  }
0x6f: {  	_ =	shalt  }
0x70: {  	_ =	shalt  }
0x71: {  	_ =	shalt  }
0x72: {  	_ =	shalt  }
0x73: {  	_ =	shalt  }
0x74: {  	_ =	shalt  }
0x75: {  	_ =	shalt  }
0x76: {  	_ =	shalt  }
0x77: {  	_ =	shalt  }
0x78: {  	_ =	shalt  }
0x79: {  	_ =	shalt  }
0x7a: {  	_ =	shalt  }
0x7b: {  	_ =	shalt  }
0x7c: {  	_ =	shalt  }
0x7d: {  	_ =	shalt  }
0x7e: {  	_ =	shalt  }
0x7f: {  	_ =	shalt  }
0x80: {  	_ =	shalt  }
0x81: {  	_ =	shalt  }
0x82: {  	_ =	shalt  }
0x83: {  	_ =	shalt  }
0x84: {  	_ =	shalt  }
0x85: {  	_ =	shalt  }
0x86: {  	_ =	shalt  }
0x87: {  	_ =	shalt  }
.Lfunc_end0:
.L_simem_size_0:
called_computation_lowered:
.L_overlay_start_0:
0x88: {  	s2 =	sld [smem:$0x3FD9]  }
0x89: {  	s3 =	sld [smem:$0x3FFE];
	_ =	sdelay $0x1  }
0x8a: {  	s1 =	srdreg.scid  }
0x8b: {  	s0 =	sand.u32 $0x1, s1  }
0x8c: {  	s16 =	sshll.u32 s0, $0xA;
	s2 =	sadd.s32 s3, s2  }
0x8d: {  	s2 =	sadd.s32 s2, s16  }
0x8e: {  	[smem:$0x3FBB] =	sst s2  }
0x8f: {  	_ = 	snop  }
0x90: {  	(tm) =	ssettm $0x1  }
0x91: {  	s17 =	sld [smem:$0x3FFB];
	_ =	sdelay $0x3  }
0x92: {  	_ =	strace s17  }
0x93: {  	s2 =	sld [smem:$0x3FFC];
	_ =	sdelay $0x3  }
0x94: {  	_ =	strace s2  }
0x95: {  	s2 =	sld [smem:$0x3FFD];
	_ =	sdelay $0x3  }
0x96: {  	_ =	strace s2  }
0x97: {  	_ =	strace $0x8FFFFFFF  }
0x98: {  	s18 =	sld [smem:$0x3FDB];
	_ =	sdelay $0x1  }
0x99: {  	s19 =	simm.s32 $_scs_section_size  }
0x9a: {  	s4 =	simm.s32 $_size__tile_overlayer_lowered;
	s5 =	simm.s32 $_tile_overlayer_lowered  }
0x9b: {  	s22 =	simm.s32 $0x1BFF;
	s21 =	sshll.u32 s5, $0x1;
	s2 =	sadd.s32 s19, s18  }
0x9c: {  	s6 =	simm.s32 $0x0;
	s20 =	sshll.u32 s4, $0x1;
	s4 =	sadd.s32 s21, s2  }
0x9d: {  	[timem:s6], [sflag:s22] =	dma.local [hbm:s4], s20  }
0x9e: {  	_ =	swait.ge [sflag:s22], s20  }
0x9f: {  	s3 =	ssub.s32 $0x0, s20;
	[sflag:s22] =	ssyncset.done $0x0  }
0xa0: {  	[sflag:s22] =	ssyncadd.s32 s3;
	_ =	sdelay $0x1  }
0xa1: {  	s23 =	simm.s32 $0x1B8B  }
0xa2: {  	_ =	swait.ge [sflag:s23], $0x1  }
0xa3: {  	[sflag:s23] =	ssyncset.done $0x0  }
0xa4: {  	s25 =	simm.s32 $0x1B8E;
	s24 =	sld [smem:$0x3FFE];
	[sflag:s23] =	ssyncadd.s32 $0xFFFFFFFF  }
0xa5: {  	s26 =	simm.s32 $execute0_lowered;
	[smem:$0x3FD2] =	sst s25  }
0xa6: {  	s4 =	sshll.u32 s26, $0x1;
	_ =	strace $0x80000046;
	[dreg:$0x1] =	wrdreg $0xFFFFFFFF  }
0xa7: {  	s28 =	simm.s32 $_size_execute0_lowered;
	s2 =	sadd.s32 s2, s4;
	[dreg:$0x0] =	wrdreg $0x0  }
0xa8: {  	s4 =	sshll.u32 s28, $0x1;
	[dreg:$0x2] =	wrdreg s2  }
0xa9: {  	[dreg:$0x3] =	wrdreg s4  }
0xaa: {  	[dreg:$0x4] =	wrdreg $0xC0  }
0xab: {  	_ =	task [dreg:s6], $0x5FFFF  }
0xac: {  	[dreg:$0x1] =	wrdreg $0xFFFFFFFF  }
0xad: {  	[dreg:$0x0] =	wrdreg $0x60  }
0xae: {  	[dreg:$0x2] =	wrdreg s24  }
0xaf: {  	[dreg:$0x3] =	wrdreg $0xB0000  }
0xb0: {  	[dreg:$0x4] =	wrdreg $0x9  }
0xb1: {  	_ =	task.clear_ibuf [dreg:s6], $0x5FFFF;
	_ =	strace $0x90000046  }
0xb2: {  	s29 =	simm.s32 $0x9;
	_ =	strace $0x80000048  }
0xb3: {  	_ =	swait.ge [sflag:s29], $0x1  }
0xb4: {  	[sflag:s29] =	ssyncadd.s32 $0xFFFFFFFF  }
0xb5: {  	_ =	strace $0x90000048  }
0xb6: {  	_ =	sfence  }
0xb7: {  	s30 =	sld [smem:$0x0];
	_ =	sdelay $0x2  }
0xb8: {  	s31 =	sshll.u32 s1, $0xD;
	s1 =	sshrl.u32 s1, $0x2  }
0xb9: {  	s3 =	sand.u32 $0x4000, s31;
	s1 =	sadd.s32 s1, s30  }
0xba: {  	s0 =	sor.u32 s3, s0;
	s1 =	sshll.u32 s1, $0x11  }
0xbb: {  	s0 =	sor.u32 s1, s0  }
0xbc: {  	s0 =	sadd.s32 $0x8F2B, s0  }
0xbd: {  	[sflag:s0] =	ssyncadd.remote.s32 $0x1  }
0xbe: {  	_ =	sfence.sel $0xFFFF  }
0xbf: {  	[dreg:$0x0] =	wrdreg $0xFFFFFFFF;
	(pc) =	sbr.abs _section_cstart, $3  }
0xc0: {  	[dreg:$0x1] =	wrdreg $0xFFFFFFFF  }
0xc1: {  	_ =	task.clear_ibuf [dreg:s6], $0x2FFFF;
	_ =	strace $0x9FFFFFFF  }
0xc2: {  	(tm) =	ssettm $0x7FFFFFFF  }
0xc3: {  	_ =	shalt  }
tec
execute0_lowered:
.L_overlay_start_1:
0x0: {  	(tag) =	ssettag $0x1  }
0x1: {  	s8 =	rddreg [dreg:$0x0]  }
0x2: {  	s1 =	rddreg [dreg:$0x1]  }
0x3: {  	s0 =	rddreg [dreg:$0x2]  }
0x4: {  	s2 =	simm.s32 $0x0;
	s6 =	srdreg.scid;
	s3 =	stileid.u32  }
0x5: {  	s13 =	simm.s32 $0x2;
	s14 =	simm.s32 $0x3800;
	s15 =	simm.s32 $0x80  }
0x6: {  	s16 =	simm.s32 $0x7000;
	s17 =	simm.s32 $0x1;
	[smem:$0x7FF] =	sst s2  }
0x7: {  	s4 =	sadd.s32 $0x195200, s8;
	s5 =	sadd.s32 $0x66400, s8;
	s6 =	sand.u32 $0x1, s6  }
0x8: {  	s10 =	smul.u32 $0x19000, s3;
	s7 =	sadd.s32 $0x35400, s8;
	s11 =	ssub.s32 $0x2, s6  }
0x9: {  	s8 =	sadd.s32 $0x31BC00, s8;
	s9 =	smul.u32 $0xC8, s3;
	s12 =	sshrl.u32 s11, $0x1  }
0xa: {  	_ =	strace $0x80000047;
	s10 =	sshrl.u32 s10, $0x2;
	s12 =	ssub.s32 s11, s12  }
0xb: {  	s10 =	sadd.s32 s10, s1;
	s11 =	smul.u32 $0x310, s3;
	s12 =	smax.u32 s12, $0x1  }
.LBB2_1:
0xc: {  	s18 =	simm.s32 $0x0  }
.LBB2_2:
0xd: {  	s19 =	sshll.u32 s18, $0x1  }
0xe: {  	s19 =	sor.u32 s6, s19  }
0xf: {  	s22 =	smul.u32 $0xC80, s19;
	_ =	sdelay $0x1  }
0x10: {  	s19 =	sadd.s32 s9, s22  }
0x11: {  	p0 =	sgt.u32 s19, $0x185D8  }
0x12: {  	s19 =	sshll.u32 @!p0 s19, $0x4;
	s20 =	sshll.u32 @!p0 s3, $0x6  }
0x13: {  	s21 =	sshrl.u32 @!p0 s10, $0x3;
	s23 =	sadd.s32 @!p0 s4, s19;
	s20 =	sor.u32 @!p0 $0x1C02, s20  }
0x14: {  	[spmem:s21], [sflag:s20] =	dma.local @!p0 [hbm:s23], $0xC80  }
0x15: {  	s23 =	simm.s32 @!p0 $0x2  }
0x16: {  	_ =	swait.ge @!p0 [sflag:s23], $0xC80  }
0x17: {  	[sflag:s23] =	ssyncset.done @!p0 $0x0  }
0x18: {  	s31 =	sadd.s32 $0xC80, s22;
	[sflag:s23] =	ssyncadd.s32 @!p0 $0xFFFFF380  }
0x19: {  	v0 =	vmov s22;
	s22 =	simm.s32 $0x0;
	v1 =	vmov s31;
	s23 =	simm.s32 $0x0;
	[bflag:$0x0] =	sbarrier.arrive $0xFFFF  }
.LBB2_3:
0x1a: {  	s24 =	smul.u32 $0x70, s23;
	_ =	sdelay $0x1  }
0x1b: {  	s24 =	sadd.s32 s11, s24  }
0x1c: {  	s24 =	sshll.u32 s24, $0x4  }
0x1d: {  	s25 =	sadd.s32 s5, s24  }
0x1e: {  	[tilespmem:s22], [sflag:$0x2] =	stream.linear.gather [hbm4b:s25+s22], $0x3800, $0x38;
	[tilespmem:$0x11440] =	vst v63  }
0x1f: {  	_ =	swait.ge [sflag:s13], $0x3800  }
0x20: {  	[sflag:s13] =	ssyncset.done $0x0  }
0x21: {  	s24 =	sadd.s32 s7, s24;
	[sflag:s13] =	ssyncadd.s32 $0xFFFFC800  }
0x22: {  	[tilespmem:s14], [sflag:$0x2] =	stream.linear.gather [hbm4b:s24+s22], $0x3800, $0x38;
	[tilespmem:$0x11440] =	vst v63  }
0x23: {  	_ =	swait.ge [sflag:s13], $0x3800  }
0x24: {  	[sflag:s13] =	ssyncset.done $0x0  }
0x25: {  	s24 =	simm.s32 $0x0;
	[sflag:s13] =	ssyncadd.s32 $0xFFFFC800  }
0x26: {  	v2 =	vld [tilespmem:s24+$0x3820]  }
0x27: {  	v17 =	vld [tilespmem:s24+$0x3850]  }
0x28: {  	v7 =	vld [tilespmem:s24+$0x3800]  }
0x29: {  	v10 =	vld [tilespmem:s24+$0x3860]  }
0x2a: {  	v12 =	vld [tilespmem:s24+$0x3840]  }
0x2b: {  	v5 =	vld [tilespmem:s24+$0x3810]  }
0x2c: {  	v4 =	vld [tilespmem:s24+$0x50]  }
0x2d: {  	v3 =	vld [tilespmem:s24+$0x60];
	vm0 =	vge.s32 v2, v0  }
0x2e: {  	v11 =	vld [tilespmem:s24+$0x20];
	vm1 =	vlt.s32 v2, v1;
	v16 =	vsub.s32 v2, v0;
	vm2 =	vge.s32 v17, v0  }
0x2f: {  	v6 =	vld [tilespmem:s24+$0x0];
	vm3 =	vlt.s32 v17, v1;
	v14 =	vsub.s32 v7, v0;
	vm4 =	vge.s32 v10, v0  }
0x30: {  	v8 =	vld [tilespmem:s24+$0x3830];
	v9 =	vsub.s32 v12, v0;
	vm5 =	vlt.s32 v10, v1;
	v13 =	vsub.s32 v5, v0  }
0x31: {  	v2 =	vld [tilespmem:s24+$0x30];
	v17 =	vsub.s32 v17, v0;
	vm0 =	vmand vm0, vm1;
	vm2 =	vmand vm2, vm3  }
0x32: {  	vm1 =	vlt.s32 v7, v1;
	vm3 =	vge.s32 v7, v0;
	v7 =	vld [tilespmem:s24+$0x10];
	v15 =	vnsel vm2, $0x0, v4  }
0x33: {  	s25 =	simm.s32 $0x200;
	v16 =	vnsel vm0, $0xC80, v16;
	vm1 =	vmand vm3, vm1;
	vm3 =	vge.s32 v12, v0;
	v4 =	vld [tilespmem:s24+$0x70]  }
.LBB2_4:
0x34: {  	s26 =	sshra.s32 s25, $0x2;
	p1 =	sne.s32 s25, $0xDE00;
	s25 =	sadd.s32 $0x200, s25;
	vm6 =	vlt.s32 v12, v1;
	[tilespmem:s24+$0x50] =	vst v15;
	vm4 =	vmand vm4, vm5;
	v10 =	vsub.s32 v10, v0;
	v15 =	vld [tilespmem:s24+$0x3870]  }
0x35: {  	v12 =	vnsel vm2, $0xC80, v17;
	[tilespmem:s24+$0x3820] =	vst v16;
	v16 =	vld [tilespmem:s24+$0x40];
	v3 =	vnsel vm4, $0x0, v3;
	v10 =	vnsel vm4, $0xC80, v10  }
0x36: {  	vm2 =	vlt.s32 v5, v1;
	v11 =	vnsel vm0, $0x0, v11;
	v17 =	vld [tilespmem:s26+$0x50];
	v18 =	vsub.s32 v8, v0;
	[tilespmem:s24+$0x3860] =	vst v10  }
0x37: {  	vm0 =	vge.s32 v5, v0;
	vm3 =	vmand vm3, vm6;
	v10 =	vnsel vm1, $0xC80, v14;
	v19 =	vld [tilespmem:s26+$0x3820];
	[tilespmem:s24+$0x3850] =	vst v12  }
0x38: {  	v6 =	vnsel vm1, $0x0, v6;
	vm1 =	vge.s32 v8, v0;
	vm4 =	vlt.s32 v8, v1;
	v20 =	vld [tilespmem:s26+$0x3850];
	[tilespmem:s24+$0x3800] =	vst v10  }
0x39: {  	vm0 =	vmand vm0, vm2;
	v21 =	vld [tilespmem:s26+$0x3800];
	[tilespmem:s24+$0x60] =	vst v3;
	vm2 =	vge.s32 v15, v0;
	vm5 =	vlt.s32 v15, v1  }
0x3a: {  	v5 =	vnsel vm0, $0xC80, v13;
	v8 =	vnsel vm3, $0xC80, v9;
	vm1 =	vmand vm1, vm4;
	v3 =	vld [tilespmem:s26+$0x60];
	[tilespmem:s24+$0x20] =	vst v11  }
0x3b: {  	v7 =	vnsel vm0, $0x0, v7;
	v2 =	vnsel vm1, $0x0, v2;
	v9 =	vnsel vm1, $0xC80, v18;
	v10 =	vld [tilespmem:s26+$0x3860];
	[tilespmem:s24+$0x3840] =	vst v8  }
0x3c: {  	vm1 =	vmand vm2, vm5;
	v11 =	vsub.s32 v15, v0;
	v8 =	vnsel vm3, $0x0, v16;
	v12 =	vld [tilespmem:s26+$0x3840];
	[tilespmem:s24+$0x3810] =	vst v5  }
0x3d: {  	v18 =	vnsel vm1, $0xC80, v11;
	vm0 =	vge.s32 v19, v0;
	vm2 =	vlt.s32 v19, v1;
	v5 =	vld [tilespmem:s26+$0x3810];
	[tilespmem:s24+$0x40] =	vst v8  }
0x3e: {  	v4 =	vnsel vm1, $0x0, v4;
	v16 =	vsub.s32 v19, v0;
	vm0 =	vmand vm0, vm2;
	v11 =	vld [tilespmem:s26+$0x20];
	[tilespmem:s24+$0x0] =	vst v6  }
.Ltmp0:
0x3f: {  	vm2 =	vge.s32 v20, v0;
	vm3 =	vlt.s32 v20, v1;
	vm1 =	vlt.s32 v21, v1;
	v6 =	vld [tilespmem:s26+$0x0];
	[tilespmem:s24+$0x30] =	vst v2;
	(pc) =	sbr.rel @p1 .LBB2_4-.Ltmp0, $4  }
0x40: {  	v14 =	vsub.s32 v21, v0;
	vm2 =	vmand vm2, vm3;
	v2 =	vld [tilespmem:s26+$0x30];
	vm4 =	vge.s32 v10, v0;
	[tilespmem:s24+$0x3830] =	vst v9  }
0x41: {  	v15 =	vnsel vm2, $0x0, v17;
	vm5 =	vlt.s32 v10, v1;
	v8 =	vld [tilespmem:s26+$0x3830];
	v9 =	vsub.s32 v12, v0;
	[tilespmem:s24+$0x10] =	vst v7  }
0x42: {  	vm3 =	vge.s32 v21, v0;
	v16 =	vnsel vm0, $0xC80, v16;
	v7 =	vld [tilespmem:s26+$0x10];
	v13 =	vsub.s32 v5, v0;
	[tilespmem:s24+$0x70] =	vst v4  }
0x43: {  	vm1 =	vmand vm3, vm1;
	v17 =	vsub.s32 v20, v0;
	vm3 =	vge.s32 v12, v0;
	v4 =	vld [tilespmem:s26+$0x70];
	[tilespmem:s24+$0x3870] =	vst v18;
	s24 =	smov.u32 s26  }
0x44: {  	[tilespmem:s24+$0x50] =	vst v15  }
0x45: {  	[tilespmem:s24+$0x3820] =	vst v16;
	v17 =	vnsel vm2, $0xC80, v17  }
0x46: {  	v60 =	vnsel vm1, $0xC80, v14;
	[tilespmem:s24+$0x3850] =	vst v17  }
0x47: {  	vm4 =	vmand vm4, vm5;
	v61 =	vnsel vm0, $0x0, v11;
	[tilespmem:s24+$0x3800] =	vst v60  }
0x48: {  	v58 =	vld [tilespmem:s24+$0x3870];
	v10 =	vsub.s32 v10, v0;
	vm15 =	vlt.s32 v12, v1;
	v63 =	vnsel vm1, $0x0, v6;
	[tilespmem:s24+$0x20] =	vst v61  }
0x49: {  	v59 =	vld [tilespmem:s24+$0x40];
	vm8 =	vlt.s32 v5, v1;
	vm9 =	vge.s32 v5, v0;
	v10 =	vnsel vm4, $0xC80, v10;
	[tilespmem:s24+$0x0] =	vst v63  }
0x4a: {  	v3 =	vnsel vm4, $0x0, v3;
	vm2 =	vmand vm3, vm15;
	vm0 =	vmand vm9, vm8;
	[tilespmem:s24+$0x3860] =	vst v10  }
0x4b: {  	[tilespmem:s24+$0x60] =	vst v3;
	v3 =	vnsel vm2, $0xC80, v9;
	vm10 =	vge.s32 v8, v0;
	vm11 =	vlt.s32 v8, v1  }
0x4c: {  	v62 =	vnsel vm0, $0xC80, v13;
	[tilespmem:s24+$0x3840] =	vst v3;
	vm12 =	vmand vm10, vm11  }
0x4d: {  	[tilespmem:s24+$0x3810] =	vst v62;
	v2 =	vnsel vm12, $0x0, v2  }
0x4e: {  	v3 =	vnsel vm2, $0x0, v59;
	vm13 =	vge.s32 v58, v0;
	[tilespmem:s24+$0x30] =	vst v2  }
0x4f: {  	vm14 =	vlt.s32 v58, v1;
	v2 =	vnsel vm0, $0x0, v7;
	[tilespmem:s24+$0x40] =	vst v3;
	v3 =	vsub.s32 v8, v0  }
0x50: {  	vm15 =	vmand vm13, vm14;
	[tilespmem:s24+$0x10] =	vst v2;
	v3 =	vnsel vm12, $0xC80, v3  }
0x51: {  	v4 =	vnsel vm15, $0x0, v4;
	[tilespmem:s24+$0x3830] =	vst v3;
	v3 =	vsub.s32 v58, v0  }
0x52: {  	[tilespmem:s24+$0x70] =	vst v4;
	v2 =	vnsel vm15, $0xC80, v3  }
0x53: {  	s30 =	simm.s32 $0x0;
	[tilespmem:s24+$0x3870] =	vst v2  }
0x54: {  	[tilespmem:s16], [sflag:$0x1] =	stream.indirect.gather [hbm4b:s4+s15], $0x80, s30, s15, $0xb8;
	[tilespmem:$0x11440] =	vst v63  }
0x55: {  	_ =	swait.ge [sflag:s17], $0x4000  }
0x56: {  	[sflag:s17] =	ssyncset.done $0x0  }
0x57: {  	s31 =	simm.s32 $0x3800;
	[sflag:s17] =	ssyncadd.s32 $0xFFFFC000  }
0x58: {  	[spmem:s1] =	stream.indirect.scatter.add.f32 [tilespmem:s16], [sflag:$0x2], $0x80, s31, s15, $0xb8;
	[tilespmem:$0x11440] =	vst v63  }
0x59: {  	_ =	swait.ge [sflag:s13], $0x4000  }
0x5a: {  	s25 =	simm.s32 $0x400;
	s24 =	simm.s32 $0x200;
	[sflag:s13] =	ssyncset.done $0x0  }
.LBB2_6:
0x5b: {  	s26 =	sshra.s32 s24, $0x2  }
0x5c: {  	[sflag:s13] =	ssyncadd.s32 $0xFFFFC000;
	s24 =	smov.u32 s25;
	s28 =	sadd.s32 $0x200, s25  }
0x5d: {  	[tilespmem:s16], [sflag:$0x1] =	stream.indirect.gather [hbm4b:s4+s15], $0x80, s26, s15, $0xb8;
	[tilespmem:$0x11440] =	vst v63  }
0x5e: {  	p1 =	sne.s32 s25, $0xDE00;
	_ =	swait.ge [sflag:s17], $0x4000  }
.Ltmp1:
0x5f: {  	[sflag:s17] =	ssyncset.done $0x0;
	(pc) =	sbr.rel @p1 .LBB2_6-.Ltmp1, $4  }
0x60: {  	s25 =	sadd.s32 $0x3800, s26;
	[sflag:s17] =	ssyncadd.s32 $0xFFFFC000  }
0x61: {  	[spmem:s1] =	stream.indirect.scatter.add.f32 [tilespmem:s16], [sflag:$0x2], $0x80, s25, s15, $0xb8;
	[tilespmem:$0x11440] =	vst v63  }
0x62: {  	_ =	swait.ge [sflag:s13], $0x4000  }
0x63: {  	s25 =	smov.u32 s28;
	[sflag:s13] =	ssyncset.done $0x0  }
0x64: {  	s24 =	sshra.s32 s24, $0x2;
	[sflag:s13] =	ssyncadd.s32 $0xFFFFC000  }
0x65: {  	[tilespmem:s16], [sflag:$0x1] =	stream.indirect.gather [hbm4b:s4+s15], $0x80, s24, s15, $0xb8;
	[tilespmem:$0x11440] =	vst v63  }
0x66: {  	s23 =	sadd.s32 $0x1, s23;
	_ =	swait.ge [sflag:s17], $0x4000  }
0x67: {  	p1 =	sne.s32 s23, $0x7;
	[sflag:s17] =	ssyncset.done $0x0  }
.Ltmp2:
0x68: {  	s24 =	sadd.s32 $0x3800, s24;
	[sflag:s17] =	ssyncadd.s32 $0xFFFFC000;
	(pc) =	sbr.rel @p1 .LBB2_3-.Ltmp2, $4  }
0x69: {  	[spmem:s1] =	stream.indirect.scatter.add.f32 [tilespmem:s16], [sflag:$0x2], $0x80, s24, s15, $0xb8;
	[tilespmem:$0x11440] =	vst v63  }
0x6a: {  	_ =	swait.ge [sflag:s13], $0x4000  }
0x6b: {  	[sflag:s13] =	ssyncset.done $0x0  }
0x6c: {  	[sflag:s13] =	ssyncadd.s32 $0xFFFFC000  }
0x6d: {  	[bflag:$0x0] =	sbarrier.arrive $0xFFFF;
	s19 =	sadd.s32 @!p0 s8, s19  }
0x6e: {  	[hbm:s19], [sflag:s20] =	dma.local @!p0 [spmem:s21], $0xC80  }
0x6f: {  	s19 =	simm.s32 @!p0 $0x2  }
0x70: {  	_ =	swait.ge @!p0 [sflag:s19], $0xC80  }
0x71: {  	s18 =	sadd.s32 $0x1, s18;
	[sflag:s19] =	ssyncset.done @!p0 $0x0  }
0x72: {  	[sflag:s19] =	ssyncadd.s32 @!p0 $0xFFFFF380;
	p0 =	sne.s32 s18, $0x10  }
.Ltmp3:
0x73: {  	_ = 	snop;
	(pc) =	sbr.rel @p0 .LBB2_2-.Ltmp3, $2  }
0x74: {  	_ =	sdelay $0x1  }
0x75: {  	[bflag:$0x0] =	sbarrier.arrive $0xFFFF;
	_ =	sdelay $0x1  }
0x76: {  	s2 =	sadd.s32 $0x1, s2  }
0x77: {  	p0 =	sne.s32 s2, s12  }
.Ltmp4:
0x78: {  	_ = 	snop;
	(pc) =	sbr.rel @p0 .LBB2_1-.Ltmp4, $1  }
0x79: {  	_ =	sdelay $0x3  }
0x7a: {  	_ =	sfence.sel $0x180000  }
0x7b: {  	[bflag:$0x0] =	sbarrier.arrive $0xFFFF  }
0x7c: {  	p0 =	sne.s32 s3, $0x0;
	_ =	strace $0x90000047  }
0x7d: {  	s0 =	sadd.s32 @!p0 $0x100000, s0;
	[bflag:$0x2] =	sbarrier.arrive $0xFFFF  }
0x7e: {  	[sflag:s0] =	ssyncadd.tile.s32 @!p0 $0x1;
	_ =	shalt  }
.Lfunc_end2:
_tile_overlayer_lowered:
.L_overlay_start_2:
0x7f: {  	(tag) =	ssettag $0x2  }
0x80: {  	s0 =	rddreg [dreg:$0x0];
	s2 =	stileid.u32  }
0x81: {  	s1 =	rddreg [dreg:$0x1];
	p0 =	sne.s32 s2, $0x0  }
0x82: {  	s3 =	rddreg [dreg:$0x2];
	[bflag:$0x3] =	sbarrier.arrive $0xFFFF;
	s2 =	simm.s32 @!p0 $0x1C02  }
0x83: {  	[timem:s3], [sflag:s2] =	dma.local @!p0 [hbm:s0], s1  }
0x84: {  	s0 =	simm.s32 @!p0 $0x2  }
0x85: {  	_ =	swait.ge @!p0 [sflag:s0], s1  }
0x86: {  	s1 =	ssub.s32 @!p0 $0x0, s1;
	[sflag:s0] =	ssyncset.done @!p0 $0x0  }
0x87: {  	[sflag:s0] =	ssyncadd.s32 @!p0 s1  }
0x88: {  	[bflag:$0x3] =	sbarrier.arrive $0xFFFF  }
0x89: {  	_ =	shalt  }

// kernel: branch_0_fun.9.cloned.1.call-start
scs
__scs_entry_jumppad:
0x0: {  	(pc) =	sbr.rel $0x88, $3  }
0x1: {  	(tag) =	ssettag $0x0;
	lr =	simm.s32 $0x1  }
0x2: {  	[smem:$0x3F94] =	sst lr;
	_ =	strace $0xD0000000  }
0x3: {  	_ = 	snop  }
0x4: {  	_ = 	snop  }
0x5: {  	_ = 	snop  }
0x6: {  	_ = 	snop  }
0x7: {  	_ = 	snop  }
__scs_overlays_trampoline_lowered:
0x8: {  	[smem:$0x3FA3] =	sst s0  }
0x9: {  	[smem:$0x3FA4] =	sst s1  }
0xa: {  	[smem:$0x3FA5] =	sst s2  }
0xb: {  	[smem:$0x3FA6] =	sst s3  }
0xc: {  	[smem:$0x3FA7] =	sst s4  }
0xd: {  	[smem:$0x3FA8] =	sst s5  }
0xe: {  	[smem:$0x3FA9] =	sst s6  }
0xf: {  	[smem:$0x3FAA] =	sst s7  }
0x10: {  	[smem:$0x3FAB] =	sst s8  }
0x11: {  	[smem:$0x3FAC] =	sst s9;
	s0 =	simm.s32 @!p0 $0x0  }
0x12: {  	s1 =	sld [smem:$0x3F92];
	s0 =	simm.s32 @p0 $0x1  }
0x13: {  	[smem:$0x3FAD] =	sst s0;
	s0 =	simm.s32 @!p1 $0x0  }
0x14: {  	s2 =	sld [smem:$0x3F91];
	s0 =	simm.s32 @p1 $0x1  }
0x15: {  	[smem:$0x3FAE] =	sst s0;
	s0 =	simm.s32 @!p2 $0x0  }
0x16: {  	s3 =	sld [smem:$0x3FDB];
	s0 =	simm.s32 @p2 $0x1  }
0x17: {  	s4 =	simm.s32 $0x1BF5;
	[smem:$0x3FB0] =	sst s0  }
0x18: {  	s0 =	sld [smem:$0x3F93];
	_ =	swait.ge [sflag:s4], $0x0  }
0x19: {  	s7 =	sld [smem:$0x3F94]  }
0x1a: {  	s8 =	sadd.s32 $0xFFFFE003, lr  }
0x1b: {  	s9 =	sadd.s32 $0xFFFFFEF7, lr;
	s5 =	simm.s32 $0xFFFFFFFF;
	p2 =	slt.u32 s8, $0xFFFFF086  }
0x1c: {  	p1 =	slt.u32 s9, $0xF7A;
	s5 =	simm.s32 @!p2 $0x0  }
0x1d: {  	s5 =	simm.s32 @p1 $0x1;
	p0 =	seq.s32 s7, s2  }
0x1e: {  	s7 =	smul.u32 @!p0 $0xF7A, s2;
	p2 =	seq.s32 @!p0 s5, $0x0  }
0x1f: {  	s9 =	smul.u32 $0xF7A, s1;
	s8 =	simm.s32 @!p0 $0x1BF5;
	p2 =	por !p2, p0  }
0x20: {  	[sflag:s8] =	ssyncset.s32 @!p0 $0xFFFFF086;
	s6 =	sadd.s32 @!p0 s3, s7;
	s7 =	simm.s32 @!p0 $0x108  }
0x21: {  	s3 =	sadd.s32 s3, s9;
	s6 =	sadd.s32 @!p0 $0x88, s6;
	s7 =	simm.s32 @p2 $0x1082  }
0x22: {  	[simem:s7], [sflag:s8] =	dma.local @!p0 [hbm:s6], $0xF7A  }
0x23: {  	s9 =	sor.u32 $0xD0000000, s2;
	s6 =	simm.s32 $0x108;
	_ =	swait.ge @!p0 [sflag:s8], $0x0  }
0x24: {  	s3 =	sadd.s32 $0x88, s3;
	s6 =	simm.s32 @!p1 $0x1082;
	[sflag:s4] =	ssyncset.s32 $0xFFFFF086  }
0x25: {  	[simem:s6], [sflag:s4] =	dma.local [hbm:s3], $0xF7A  }
0x26: {  	[smem:$0x3F94] =	sst s1;
	(tag) =	ssettag s2;
	_ =	strace s9  }
0x27: {  	s1 =	sld [smem:$0x3FA4]  }
0x28: {  	s2 =	sld [smem:$0x3FA5]  }
0x29: {  	s4 =	sld [smem:$0x3FA7]  }
0x2a: {  	p0 =	seq.s32 s5, $0x0;
	s5 =	sld [smem:$0x3FA8]  }
0x2b: {  	s6 =	sld [smem:$0x3FA9]  }
0x2c: {  	s7 =	sld [smem:$0x3FAA]  }
0x2d: {  	s3 =	simm.s32 $0x108;
	s8 =	sld [smem:$0x3FAB]  }
0x2e: {  	s3 =	simm.s32 @!p0 $0x1082;
	s9 =	sld [smem:$0x3FAC]  }
0x2f: {  	lr =	sadd.s32 s0, s3;
	s0 =	sld [smem:$0x3FA3]  }
0x30: {  	s3 =	sld [smem:$0x3FA6]  }
0x31: {  	[smem:$0x3FAF] =	sst s10  }
0x32: {  	s10 =	sld [smem:$0x3FAD];
	_ =	sdelay $0x3  }
0x33: {  	p0 =	seq.s32 s10, $0x1;
	s10 =	sld [smem:$0x3FAF];
	_ =	sdelay $0x3  }
0x34: {  	[smem:$0x3FAF] =	sst s10  }
0x35: {  	s10 =	sld [smem:$0x3FAE];
	_ =	sdelay $0x3  }
0x36: {  	p1 =	seq.s32 s10, $0x1;
	s10 =	sld [smem:$0x3FAF];
	_ =	sdelay $0x3  }
0x37: {  	[smem:$0x3FAF] =	sst s10  }
0x38: {  	s10 =	sld [smem:$0x3FB0]  }
0x39: {  	_ = 	snop;
	(pc) =	sbr.ind lr, $3  }
0x3a: {  	_ = 	snop  }
0x3b: {  	_ = 	snop  }
0x3c: {  	p2 =	seq.s32 s10, $0x1;
	s10 =	sld [smem:$0x3FAF]  }
0x3d: {  	_ =	shalt  }
0x3e: {  	_ =	shalt  }
0x3f: {  	_ =	shalt  }
0x40: {  	_ =	shalt  }
0x41: {  	_ =	shalt  }
0x42: {  	_ =	shalt  }
0x43: {  	_ =	shalt  }
0x44: {  	_ =	shalt  }
0x45: {  	_ =	shalt  }
0x46: {  	_ =	shalt  }
0x47: {  	_ =	shalt  }
0x48: {  	_ =	shalt  }
0x49: {  	_ =	shalt  }
0x4a: {  	_ =	shalt  }
0x4b: {  	_ =	shalt  }
0x4c: {  	_ =	shalt  }
0x4d: {  	_ =	shalt  }
0x4e: {  	_ =	shalt  }
0x4f: {  	_ =	shalt  }
0x50: {  	_ =	shalt  }
0x51: {  	_ =	shalt  }
0x52: {  	_ =	shalt  }
0x53: {  	_ =	shalt  }
0x54: {  	_ =	shalt  }
0x55: {  	_ =	shalt  }
0x56: {  	_ =	shalt  }
0x57: {  	_ =	shalt  }
0x58: {  	_ =	shalt  }
0x59: {  	_ =	shalt  }
0x5a: {  	_ =	shalt  }
0x5b: {  	_ =	shalt  }
0x5c: {  	_ =	shalt  }
0x5d: {  	_ =	shalt  }
0x5e: {  	_ =	shalt  }
0x5f: {  	_ =	shalt  }
0x60: {  	_ =	shalt  }
0x61: {  	_ =	shalt  }
0x62: {  	_ =	shalt  }
0x63: {  	_ =	shalt  }
0x64: {  	_ =	shalt  }
0x65: {  	_ =	shalt  }
0x66: {  	_ =	shalt  }
0x67: {  	_ =	shalt  }
0x68: {  	_ =	shalt  }
0x69: {  	_ =	shalt  }
0x6a: {  	_ =	shalt  }
0x6b: {  	_ =	shalt  }
0x6c: {  	_ =	shalt  }
0x6d: {  	_ =	shalt  }
0x6e: {  	_ =	shalt  }
0x6f: {  	_ =	shalt  }
0x70: {  	_ =	shalt  }
0x71: {  	_ =	shalt  }
0x72: {  	_ =	shalt  }
0x73: {  	_ =	shalt  }
0x74: {  	_ =	shalt  }
0x75: {  	_ =	shalt  }
0x76: {  	_ =	shalt  }
0x77: {  	_ =	shalt  }
0x78: {  	_ =	shalt  }
0x79: {  	_ =	shalt  }
0x7a: {  	_ =	shalt  }
0x7b: {  	_ =	shalt  }
0x7c: {  	_ =	shalt  }
0x7d: {  	_ =	shalt  }
0x7e: {  	_ =	shalt  }
0x7f: {  	_ =	shalt  }
0x80: {  	_ =	shalt  }
0x81: {  	_ =	shalt  }
0x82: {  	_ =	shalt  }
0x83: {  	_ =	shalt  }
0x84: {  	_ =	shalt  }
0x85: {  	_ =	shalt  }
0x86: {  	_ =	shalt  }
0x87: {  	_ =	shalt  }
.Lfunc_end0:
.L_simem_size_0:
called_computation.2_lowered:
.L_overlay_start_0:
0x88: {  	s2 =	sld [smem:$0x3FD9]  }
0x89: {  	s3 =	sld [smem:$0x3FFE];
	_ =	sdelay $0x1  }
0x8a: {  	s1 =	srdreg.scid  }
0x8b: {  	s0 =	sand.u32 $0x1, s1  }
0x8c: {  	s16 =	sshll.u32 s0, $0xA;
	s2 =	sadd.s32 s3, s2  }
0x8d: {  	s2 =	sadd.s32 s2, s16  }
0x8e: {  	[smem:$0x3FBB] =	sst s2  }
0x8f: {  	_ = 	snop  }
0x90: {  	(tm) =	ssettm $0x1  }
0x91: {  	s17 =	sld [smem:$0x3FFB];
	_ =	sdelay $0x3  }
0x92: {  	_ =	strace s17  }
0x93: {  	s2 =	sld [smem:$0x3FFC];
	_ =	sdelay $0x3  }
0x94: {  	_ =	strace s2  }
0x95: {  	s2 =	sld [smem:$0x3FFD];
	_ =	sdelay $0x3  }
0x96: {  	_ =	strace s2  }
0x97: {  	_ =	strace $0x8FFFFFFF  }
0x98: {  	s18 =	sld [smem:$0x3FDB];
	_ =	sdelay $0x1  }
0x99: {  	s19 =	simm.s32 $_scs_section_size  }
0x9a: {  	s4 =	simm.s32 $_size__tile_overlayer_lowered;
	s5 =	simm.s32 $_tile_overlayer_lowered  }
0x9b: {  	s22 =	simm.s32 $0x1BFF;
	s21 =	sshll.u32 s5, $0x1;
	s2 =	sadd.s32 s19, s18  }
0x9c: {  	s6 =	simm.s32 $0x0;
	s20 =	sshll.u32 s4, $0x1;
	s4 =	sadd.s32 s21, s2  }
0x9d: {  	[timem:s6], [sflag:s22] =	dma.local [hbm:s4], s20  }
0x9e: {  	_ =	swait.ge [sflag:s22], s20  }
0x9f: {  	s3 =	ssub.s32 $0x0, s20;
	[sflag:s22] =	ssyncset.done $0x0  }
0xa0: {  	[sflag:s22] =	ssyncadd.s32 s3;
	_ =	sdelay $0x1  }
0xa1: {  	s23 =	simm.s32 $0x1B8B  }
0xa2: {  	_ =	swait.ge [sflag:s23], $0x1  }
0xa3: {  	[sflag:s23] =	ssyncset.done $0x0  }
0xa4: {  	s25 =	simm.s32 $0x1B8E;
	s24 =	sld [smem:$0x3FFE];
	[sflag:s23] =	ssyncadd.s32 $0xFFFFFFFF  }
0xa5: {  	s26 =	simm.s32 $execute0_lowered;
	[smem:$0x3FD2] =	sst s25  }
0xa6: {  	s4 =	sshll.u32 s26, $0x1;
	_ =	strace $0x8000004C;
	[dreg:$0x1] =	wrdreg $0xFFFFFFFF  }
0xa7: {  	s28 =	simm.s32 $_size_execute0_lowered;
	s2 =	sadd.s32 s2, s4;
	[dreg:$0x0] =	wrdreg $0x0  }
0xa8: {  	s4 =	sshll.u32 s28, $0x1;
	[dreg:$0x2] =	wrdreg s2  }
0xa9: {  	[dreg:$0x3] =	wrdreg s4  }
0xaa: {  	[dreg:$0x4] =	wrdreg $0xC0  }
0xab: {  	_ =	task [dreg:s6], $0x5FFFF  }
0xac: {  	[dreg:$0x1] =	wrdreg $0xFFFFFFFF  }
0xad: {  	[dreg:$0x0] =	wrdreg $0x60  }
0xae: {  	[dreg:$0x2] =	wrdreg s24  }
0xaf: {  	[dreg:$0x3] =	wrdreg $0xB0000  }
0xb0: {  	[dreg:$0x4] =	wrdreg $0x9  }
0xb1: {  	_ =	task.clear_ibuf [dreg:s6], $0x5FFFF;
	_ =	strace $0x9000004C  }
0xb2: {  	s29 =	simm.s32 $0x9;
	_ =	strace $0x8000004E  }
0xb3: {  	_ =	swait.ge [sflag:s29], $0x1  }
0xb4: {  	[sflag:s29] =	ssyncadd.s32 $0xFFFFFFFF  }
0xb5: {  	_ =	strace $0x9000004E  }
0xb6: {  	_ =	sfence  }
0xb7: {  	s30 =	sld [smem:$0x0];
	_ =	sdelay $0x2  }
0xb8: {  	s31 =	sshll.u32 s1, $0xD;
	s1 =	sshrl.u32 s1, $0x2  }
0xb9: {  	s3 =	sand.u32 $0x4000, s31;
	s1 =	sadd.s32 s1, s30  }
0xba: {  	s0 =	sor.u32 s3, s0;
	s1 =	sshll.u32 s1, $0x11  }
0xbb: {  	s0 =	sor.u32 s1, s0  }
0xbc: {  	s0 =	sadd.s32 $0x8F2B, s0  }
0xbd: {  	[sflag:s0] =	ssyncadd.remote.s32 $0x1  }
0xbe: {  	_ =	sfence.sel $0xFFFF  }
0xbf: {  	[dreg:$0x0] =	wrdreg $0xFFFFFFFF;
	(pc) =	sbr.abs _section_cstart, $3  }
0xc0: {  	[dreg:$0x1] =	wrdreg $0xFFFFFFFF  }
0xc1: {  	_ =	task.clear_ibuf [dreg:s6], $0x2FFFF;
	_ =	strace $0x9FFFFFFF  }
0xc2: {  	(tm) =	ssettm $0x7FFFFFFF  }
0xc3: {  	_ =	shalt  }
tec
execute0_lowered:
.L_overlay_start_1:
0x0: {  	(tag) =	ssettag $0x1  }
0x1: {  	s8 =	rddreg [dreg:$0x0]  }
0x2: {  	s1 =	rddreg [dreg:$0x1]  }
0x3: {  	s0 =	rddreg [dreg:$0x2]  }
0x4: {  	s2 =	simm.s32 $0x0;
	s6 =	srdreg.scid;
	s3 =	stileid.u32  }
0x5: {  	s13 =	simm.s32 $0x2;
	s14 =	simm.s32 $0x3800;
	s15 =	simm.s32 $0x80  }
0x6: {  	s16 =	simm.s32 $0x7000;
	s17 =	simm.s32 $0x1;
	[smem:$0x7FF] =	sst s2  }
0x7: {  	s4 =	sadd.s32 $0x31BE00, s8;
	s5 =	sadd.s32 $0x66400, s8;
	s6 =	sand.u32 $0x1, s6  }
0x8: {  	s10 =	smul.u32 $0x19000, s3;
	s7 =	sadd.s32 $0x35400, s8;
	s11 =	ssub.s32 $0x2, s6  }
0x9: {  	s8 =	sadd.s32 $0x195200, s8;
	s9 =	smul.u32 $0xC8, s3;
	s12 =	sshrl.u32 s11, $0x1  }
0xa: {  	_ =	strace $0x8000004D;
	s10 =	sshrl.u32 s10, $0x2;
	s12 =	ssub.s32 s11, s12  }
0xb: {  	s10 =	sadd.s32 s10, s1;
	s11 =	smul.u32 $0x310, s3;
	s12 =	smax.u32 s12, $0x1  }
.LBB2_1:
0xc: {  	s18 =	simm.s32 $0x0  }
.LBB2_2:
0xd: {  	s19 =	sshll.u32 s18, $0x1  }
0xe: {  	s19 =	sor.u32 s6, s19  }
0xf: {  	s22 =	smul.u32 $0xC80, s19;
	_ =	sdelay $0x1  }
0x10: {  	s19 =	sadd.s32 s9, s22  }
0x11: {  	p0 =	sgt.u32 s19, $0x185D8  }
0x12: {  	s19 =	sshll.u32 @!p0 s19, $0x4;
	s20 =	sshll.u32 @!p0 s3, $0x6  }
0x13: {  	s21 =	sshrl.u32 @!p0 s10, $0x3;
	s23 =	sadd.s32 @!p0 s4, s19;
	s20 =	sor.u32 @!p0 $0x1C02, s20  }
0x14: {  	[spmem:s21], [sflag:s20] =	dma.local @!p0 [hbm:s23], $0xC80  }
0x15: {  	s23 =	simm.s32 @!p0 $0x2  }
0x16: {  	_ =	swait.ge @!p0 [sflag:s23], $0xC80  }
0x17: {  	[sflag:s23] =	ssyncset.done @!p0 $0x0  }
0x18: {  	s31 =	sadd.s32 $0xC80, s22;
	[sflag:s23] =	ssyncadd.s32 @!p0 $0xFFFFF380  }
0x19: {  	v0 =	vmov s22;
	s22 =	simm.s32 $0x0;
	v1 =	vmov s31;
	s23 =	simm.s32 $0x0;
	[bflag:$0x0] =	sbarrier.arrive $0xFFFF  }
.LBB2_3:
0x1a: {  	s24 =	smul.u32 $0x70, s23;
	_ =	sdelay $0x1  }
0x1b: {  	s24 =	sadd.s32 s11, s24  }
0x1c: {  	s24 =	sshll.u32 s24, $0x4  }
0x1d: {  	s25 =	sadd.s32 s5, s24  }
0x1e: {  	[tilespmem:s22], [sflag:$0x2] =	stream.linear.gather [hbm4b:s25+s22], $0x3800, $0x38;
	[tilespmem:$0x11440] =	vst v63  }
0x1f: {  	_ =	swait.ge [sflag:s13], $0x3800  }
0x20: {  	[sflag:s13] =	ssyncset.done $0x0  }
0x21: {  	s24 =	sadd.s32 s7, s24;
	[sflag:s13] =	ssyncadd.s32 $0xFFFFC800  }
0x22: {  	[tilespmem:s14], [sflag:$0x2] =	stream.linear.gather [hbm4b:s24+s22], $0x3800, $0x38;
	[tilespmem:$0x11440] =	vst v63  }
0x23: {  	_ =	swait.ge [sflag:s13], $0x3800  }
0x24: {  	[sflag:s13] =	ssyncset.done $0x0  }
0x25: {  	s24 =	simm.s32 $0x0;
	[sflag:s13] =	ssyncadd.s32 $0xFFFFC800  }
0x26: {  	v2 =	vld [tilespmem:s24+$0x3820]  }
0x27: {  	v17 =	vld [tilespmem:s24+$0x3850]  }
0x28: {  	v7 =	vld [tilespmem:s24+$0x3800]  }
0x29: {  	v10 =	vld [tilespmem:s24+$0x3860]  }
0x2a: {  	v12 =	vld [tilespmem:s24+$0x3840]  }
0x2b: {  	v5 =	vld [tilespmem:s24+$0x3810]  }
0x2c: {  	v4 =	vld [tilespmem:s24+$0x50]  }
0x2d: {  	v3 =	vld [tilespmem:s24+$0x60];
	vm0 =	vge.s32 v2, v0  }
0x2e: {  	v11 =	vld [tilespmem:s24+$0x20];
	vm1 =	vlt.s32 v2, v1;
	v16 =	vsub.s32 v2, v0;
	vm2 =	vge.s32 v17, v0  }
0x2f: {  	v6 =	vld [tilespmem:s24+$0x0];
	vm3 =	vlt.s32 v17, v1;
	v14 =	vsub.s32 v7, v0;
	vm4 =	vge.s32 v10, v0  }
0x30: {  	v8 =	vld [tilespmem:s24+$0x3830];
	v9 =	vsub.s32 v12, v0;
	vm5 =	vlt.s32 v10, v1;
	v13 =	vsub.s32 v5, v0  }
0x31: {  	v2 =	vld [tilespmem:s24+$0x30];
	v17 =	vsub.s32 v17, v0;
	vm0 =	vmand vm0, vm1;
	vm2 =	vmand vm2, vm3  }
0x32: {  	vm1 =	vlt.s32 v7, v1;
	vm3 =	vge.s32 v7, v0;
	v7 =	vld [tilespmem:s24+$0x10];
	v15 =	vnsel vm2, $0x0, v4  }
0x33: {  	s25 =	simm.s32 $0x200;
	v16 =	vnsel vm0, $0xC80, v16;
	vm1 =	vmand vm3, vm1;
	vm3 =	vge.s32 v12, v0;
	v4 =	vld [tilespmem:s24+$0x70]  }
.LBB2_4:
0x34: {  	s26 =	sshra.s32 s25, $0x2;
	p1 =	sne.s32 s25, $0xDE00;
	s25 =	sadd.s32 $0x200, s25;
	vm6 =	vlt.s32 v12, v1;
	[tilespmem:s24+$0x50] =	vst v15;
	vm4 =	vmand vm4, vm5;
	v10 =	vsub.s32 v10, v0;
	v15 =	vld [tilespmem:s24+$0x3870]  }
0x35: {  	v12 =	vnsel vm2, $0xC80, v17;
	[tilespmem:s24+$0x3820] =	vst v16;
	v16 =	vld [tilespmem:s24+$0x40];
	v3 =	vnsel vm4, $0x0, v3;
	v10 =	vnsel vm4, $0xC80, v10  }
0x36: {  	vm2 =	vlt.s32 v5, v1;
	v11 =	vnsel vm0, $0x0, v11;
	v17 =	vld [tilespmem:s26+$0x50];
	v18 =	vsub.s32 v8, v0;
	[tilespmem:s24+$0x3860] =	vst v10  }
0x37: {  	vm0 =	vge.s32 v5, v0;
	vm3 =	vmand vm3, vm6;
	v10 =	vnsel vm1, $0xC80, v14;
	v19 =	vld [tilespmem:s26+$0x3820];
	[tilespmem:s24+$0x3850] =	vst v12  }
0x38: {  	v6 =	vnsel vm1, $0x0, v6;
	vm1 =	vge.s32 v8, v0;
	vm4 =	vlt.s32 v8, v1;
	v20 =	vld [tilespmem:s26+$0x3850];
	[tilespmem:s24+$0x3800] =	vst v10  }
0x39: {  	vm0 =	vmand vm0, vm2;
	v21 =	vld [tilespmem:s26+$0x3800];
	[tilespmem:s24+$0x60] =	vst v3;
	vm2 =	vge.s32 v15, v0;
	vm5 =	vlt.s32 v15, v1  }
0x3a: {  	v5 =	vnsel vm0, $0xC80, v13;
	v8 =	vnsel vm3, $0xC80, v9;
	vm1 =	vmand vm1, vm4;
	v3 =	vld [tilespmem:s26+$0x60];
	[tilespmem:s24+$0x20] =	vst v11  }
0x3b: {  	v7 =	vnsel vm0, $0x0, v7;
	v2 =	vnsel vm1, $0x0, v2;
	v9 =	vnsel vm1, $0xC80, v18;
	v10 =	vld [tilespmem:s26+$0x3860];
	[tilespmem:s24+$0x3840] =	vst v8  }
0x3c: {  	vm1 =	vmand vm2, vm5;
	v11 =	vsub.s32 v15, v0;
	v8 =	vnsel vm3, $0x0, v16;
	v12 =	vld [tilespmem:s26+$0x3840];
	[tilespmem:s24+$0x3810] =	vst v5  }
0x3d: {  	v18 =	vnsel vm1, $0xC80, v11;
	vm0 =	vge.s32 v19, v0;
	vm2 =	vlt.s32 v19, v1;
	v5 =	vld [tilespmem:s26+$0x3810];
	[tilespmem:s24+$0x40] =	vst v8  }
0x3e: {  	v4 =	vnsel vm1, $0x0, v4;
	v16 =	vsub.s32 v19, v0;
	vm0 =	vmand vm0, vm2;
	v11 =	vld [tilespmem:s26+$0x20];
	[tilespmem:s24+$0x0] =	vst v6  }
.Ltmp0:
0x3f: {  	vm2 =	vge.s32 v20, v0;
	vm3 =	vlt.s32 v20, v1;
	vm1 =	vlt.s32 v21, v1;
	v6 =	vld [tilespmem:s26+$0x0];
	[tilespmem:s24+$0x30] =	vst v2;
	(pc) =	sbr.rel @p1 .LBB2_4-.Ltmp0, $4  }
0x40: {  	v14 =	vsub.s32 v21, v0;
	vm2 =	vmand vm2, vm3;
	v2 =	vld [tilespmem:s26+$0x30];
	vm4 =	vge.s32 v10, v0;
	[tilespmem:s24+$0x3830] =	vst v9  }
0x41: {  	v15 =	vnsel vm2, $0x0, v17;
	vm5 =	vlt.s32 v10, v1;
	v8 =	vld [tilespmem:s26+$0x3830];
	v9 =	vsub.s32 v12, v0;
	[tilespmem:s24+$0x10] =	vst v7  }
0x42: {  	vm3 =	vge.s32 v21, v0;
	v16 =	vnsel vm0, $0xC80, v16;
	v7 =	vld [tilespmem:s26+$0x10];
	v13 =	vsub.s32 v5, v0;
	[tilespmem:s24+$0x70] =	vst v4  }
0x43: {  	vm1 =	vmand vm3, vm1;
	v17 =	vsub.s32 v20, v0;
	vm3 =	vge.s32 v12, v0;
	v4 =	vld [tilespmem:s26+$0x70];
	[tilespmem:s24+$0x3870] =	vst v18;
	s24 =	smov.u32 s26  }
0x44: {  	[tilespmem:s24+$0x50] =	vst v15  }
0x45: {  	[tilespmem:s24+$0x3820] =	vst v16;
	v17 =	vnsel vm2, $0xC80, v17  }
0x46: {  	v60 =	vnsel vm1, $0xC80, v14;
	[tilespmem:s24+$0x3850] =	vst v17  }
0x47: {  	vm4 =	vmand vm4, vm5;
	v61 =	vnsel vm0, $0x0, v11;
	[tilespmem:s24+$0x3800] =	vst v60  }
0x48: {  	v58 =	vld [tilespmem:s24+$0x3870];
	v10 =	vsub.s32 v10, v0;
	vm15 =	vlt.s32 v12, v1;
	v63 =	vnsel vm1, $0x0, v6;
	[tilespmem:s24+$0x20] =	vst v61  }
0x49: {  	v59 =	vld [tilespmem:s24+$0x40];
	vm8 =	vlt.s32 v5, v1;
	vm9 =	vge.s32 v5, v0;
	v10 =	vnsel vm4, $0xC80, v10;
	[tilespmem:s24+$0x0] =	vst v63  }
0x4a: {  	v3 =	vnsel vm4, $0x0, v3;
	vm2 =	vmand vm3, vm15;
	vm0 =	vmand vm9, vm8;
	[tilespmem:s24+$0x3860] =	vst v10  }
0x4b: {  	[tilespmem:s24+$0x60] =	vst v3;
	v3 =	vnsel vm2, $0xC80, v9;
	vm10 =	vge.s32 v8, v0;
	vm11 =	vlt.s32 v8, v1  }
0x4c: {  	v62 =	vnsel vm0, $0xC80, v13;
	[tilespmem:s24+$0x3840] =	vst v3;
	vm12 =	vmand vm10, vm11  }
0x4d: {  	[tilespmem:s24+$0x3810] =	vst v62;
	v2 =	vnsel vm12, $0x0, v2  }
0x4e: {  	v3 =	vnsel vm2, $0x0, v59;
	vm13 =	vge.s32 v58, v0;
	[tilespmem:s24+$0x30] =	vst v2  }
0x4f: {  	vm14 =	vlt.s32 v58, v1;
	v2 =	vnsel vm0, $0x0, v7;
	[tilespmem:s24+$0x40] =	vst v3;
	v3 =	vsub.s32 v8, v0  }
0x50: {  	vm15 =	vmand vm13, vm14;
	[tilespmem:s24+$0x10] =	vst v2;
	v3 =	vnsel vm12, $0xC80, v3  }
0x51: {  	v4 =	vnsel vm15, $0x0, v4;
	[tilespmem:s24+$0x3830] =	vst v3;
	v3 =	vsub.s32 v58, v0  }
0x52: {  	[tilespmem:s24+$0x70] =	vst v4;
	v2 =	vnsel vm15, $0xC80, v3  }
0x53: {  	s30 =	simm.s32 $0x0;
	[tilespmem:s24+$0x3870] =	vst v2  }
0x54: {  	[tilespmem:s16], [sflag:$0x1] =	stream.indirect.gather [hbm4b:s4+s15], $0x80, s30, s15, $0xb8;
	[tilespmem:$0x11440] =	vst v63  }
0x55: {  	_ =	swait.ge [sflag:s17], $0x4000  }
0x56: {  	[sflag:s17] =	ssyncset.done $0x0  }
0x57: {  	s31 =	simm.s32 $0x3800;
	[sflag:s17] =	ssyncadd.s32 $0xFFFFC000  }
0x58: {  	[spmem:s1] =	stream.indirect.scatter.add.f32 [tilespmem:s16], [sflag:$0x2], $0x80, s31, s15, $0xb8;
	[tilespmem:$0x11440] =	vst v63  }
0x59: {  	_ =	swait.ge [sflag:s13], $0x4000  }
0x5a: {  	s25 =	simm.s32 $0x400;
	s24 =	simm.s32 $0x200;
	[sflag:s13] =	ssyncset.done $0x0  }
.LBB2_6:
0x5b: {  	s26 =	sshra.s32 s24, $0x2  }
0x5c: {  	[sflag:s13] =	ssyncadd.s32 $0xFFFFC000;
	s24 =	smov.u32 s25;
	s28 =	sadd.s32 $0x200, s25  }
0x5d: {  	[tilespmem:s16], [sflag:$0x1] =	stream.indirect.gather [hbm4b:s4+s15], $0x80, s26, s15, $0xb8;
	[tilespmem:$0x11440] =	vst v63  }
0x5e: {  	p1 =	sne.s32 s25, $0xDE00;
	_ =	swait.ge [sflag:s17], $0x4000  }
.Ltmp1:
0x5f: {  	[sflag:s17] =	ssyncset.done $0x0;
	(pc) =	sbr.rel @p1 .LBB2_6-.Ltmp1, $4  }
0x60: {  	s25 =	sadd.s32 $0x3800, s26;
	[sflag:s17] =	ssyncadd.s32 $0xFFFFC000  }
0x61: {  	[spmem:s1] =	stream.indirect.scatter.add.f32 [tilespmem:s16], [sflag:$0x2], $0x80, s25, s15, $0xb8;
	[tilespmem:$0x11440] =	vst v63  }
0x62: {  	_ =	swait.ge [sflag:s13], $0x4000  }
0x63: {  	s25 =	smov.u32 s28;
	[sflag:s13] =	ssyncset.done $0x0  }
0x64: {  	s24 =	sshra.s32 s24, $0x2;
	[sflag:s13] =	ssyncadd.s32 $0xFFFFC000  }
0x65: {  	[tilespmem:s16], [sflag:$0x1] =	stream.indirect.gather [hbm4b:s4+s15], $0x80, s24, s15, $0xb8;
	[tilespmem:$0x11440] =	vst v63  }
0x66: {  	s23 =	sadd.s32 $0x1, s23;
	_ =	swait.ge [sflag:s17], $0x4000  }
0x67: {  	p1 =	sne.s32 s23, $0x7;
	[sflag:s17] =	ssyncset.done $0x0  }
.Ltmp2:
0x68: {  	s24 =	sadd.s32 $0x3800, s24;
	[sflag:s17] =	ssyncadd.s32 $0xFFFFC000;
	(pc) =	sbr.rel @p1 .LBB2_3-.Ltmp2, $4  }
0x69: {  	[spmem:s1] =	stream.indirect.scatter.add.f32 [tilespmem:s16], [sflag:$0x2], $0x80, s24, s15, $0xb8;
	[tilespmem:$0x11440] =	vst v63  }
0x6a: {  	_ =	swait.ge [sflag:s13], $0x4000  }
0x6b: {  	[sflag:s13] =	ssyncset.done $0x0  }
0x6c: {  	[sflag:s13] =	ssyncadd.s32 $0xFFFFC000  }
0x6d: {  	[bflag:$0x0] =	sbarrier.arrive $0xFFFF;
	s19 =	sadd.s32 @!p0 s8, s19  }
0x6e: {  	[hbm:s19], [sflag:s20] =	dma.local @!p0 [spmem:s21], $0xC80  }
0x6f: {  	s19 =	simm.s32 @!p0 $0x2  }
0x70: {  	_ =	swait.ge @!p0 [sflag:s19], $0xC80  }
0x71: {  	s18 =	sadd.s32 $0x1, s18;
	[sflag:s19] =	ssyncset.done @!p0 $0x0  }
0x72: {  	[sflag:s19] =	ssyncadd.s32 @!p0 $0xFFFFF380;
	p0 =	sne.s32 s18, $0x10  }
.Ltmp3:
0x73: {  	_ = 	snop;
	(pc) =	sbr.rel @p0 .LBB2_2-.Ltmp3, $2  }
0x74: {  	_ =	sdelay $0x1  }
0x75: {  	[bflag:$0x0] =	sbarrier.arrive $0xFFFF;
	_ =	sdelay $0x1  }
0x76: {  	s2 =	sadd.s32 $0x1, s2  }
0x77: {  	p0 =	sne.s32 s2, s12  }
.Ltmp4:
0x78: {  	_ = 	snop;
	(pc) =	sbr.rel @p0 .LBB2_1-.Ltmp4, $1  }
0x79: {  	_ =	sdelay $0x3  }
0x7a: {  	_ =	sfence.sel $0x180000  }
0x7b: {  	[bflag:$0x0] =	sbarrier.arrive $0xFFFF  }
0x7c: {  	p0 =	sne.s32 s3, $0x0;
	_ =	strace $0x9000004D  }
0x7d: {  	s0 =	sadd.s32 @!p0 $0x100000, s0;
	[bflag:$0x2] =	sbarrier.arrive $0xFFFF  }
0x7e: {  	[sflag:s0] =	ssyncadd.tile.s32 @!p0 $0x1;
	_ =	shalt  }
.Lfunc_end2:
_tile_overlayer_lowered:
.L_overlay_start_2:
0x7f: {  	(tag) =	ssettag $0x2  }
0x80: {  	s0 =	rddreg [dreg:$0x0];
	s2 =	stileid.u32  }
0x81: {  	s1 =	rddreg [dreg:$0x1];
	p0 =	sne.s32 s2, $0x0  }
0x82: {  	s3 =	rddreg [dreg:$0x2];
	[bflag:$0x3] =	sbarrier.arrive $0xFFFF;
	s2 =	simm.s32 @!p0 $0x1C02  }
0x83: {  	[timem:s3], [sflag:s2] =	dma.local @!p0 [hbm:s0], s1  }
0x84: {  	s0 =	simm.s32 @!p0 $0x2  }
0x85: {  	_ =	swait.ge @!p0 [sflag:s0], s1  }
0x86: {  	s1 =	ssub.s32 @!p0 $0x0, s1;
	[sflag:s0] =	ssyncset.done @!p0 $0x0  }
0x87: {  	[sflag:s0] =	ssyncadd.s32 @!p0 s1  }
0x88: {  	[bflag:$0x3] =	sbarrier.arrive $0xFFFF  }
0x89: {  	_ =	shalt  }

// kernel: branch_1_fun.12.cloned.1.call-start
scs
__scs_entry_jumppad:
0x0: {  	(pc) =	sbr.rel $0x88, $3  }
0x1: {  	(tag) =	ssettag $0x0;
	lr =	simm.s32 $0x1  }
0x2: {  	[smem:$0x3F94] =	sst lr;
	_ =	strace $0xD0000000  }
0x3: {  	_ = 	snop  }
0x4: {  	_ = 	snop  }
0x5: {  	_ = 	snop  }
0x6: {  	_ = 	snop  }
0x7: {  	_ = 	snop  }
__scs_overlays_trampoline_lowered:
0x8: {  	[smem:$0x3FA3] =	sst s0  }
0x9: {  	[smem:$0x3FA4] =	sst s1  }
0xa: {  	[smem:$0x3FA5] =	sst s2  }
0xb: {  	[smem:$0x3FA6] =	sst s3  }
0xc: {  	[smem:$0x3FA7] =	sst s4  }
0xd: {  	[smem:$0x3FA8] =	sst s5  }
0xe: {  	[smem:$0x3FA9] =	sst s6  }
0xf: {  	[smem:$0x3FAA] =	sst s7  }
0x10: {  	[smem:$0x3FAB] =	sst s8  }
0x11: {  	[smem:$0x3FAC] =	sst s9;
	s0 =	simm.s32 @!p0 $0x0  }
0x12: {  	s1 =	sld [smem:$0x3F92];
	s0 =	simm.s32 @p0 $0x1  }
0x13: {  	[smem:$0x3FAD] =	sst s0;
	s0 =	simm.s32 @!p1 $0x0  }
0x14: {  	s2 =	sld [smem:$0x3F91];
	s0 =	simm.s32 @p1 $0x1  }
0x15: {  	[smem:$0x3FAE] =	sst s0;
	s0 =	simm.s32 @!p2 $0x0  }
0x16: {  	s3 =	sld [smem:$0x3FDB];
	s0 =	simm.s32 @p2 $0x1  }
0x17: {  	s4 =	simm.s32 $0x1BF5;
	[smem:$0x3FB0] =	sst s0  }
0x18: {  	s0 =	sld [smem:$0x3F93];
	_ =	swait.ge [sflag:s4], $0x0  }
0x19: {  	s7 =	sld [smem:$0x3F94]  }
0x1a: {  	s8 =	sadd.s32 $0xFFFFE003, lr  }
0x1b: {  	s9 =	sadd.s32 $0xFFFFFEF7, lr;
	s5 =	simm.s32 $0xFFFFFFFF;
	p2 =	slt.u32 s8, $0xFFFFF086  }
0x1c: {  	p1 =	slt.u32 s9, $0xF7A;
	s5 =	simm.s32 @!p2 $0x0  }
0x1d: {  	s5 =	simm.s32 @p1 $0x1;
	p0 =	seq.s32 s7, s2  }
0x1e: {  	s7 =	smul.u32 @!p0 $0xF7A, s2;
	p2 =	seq.s32 @!p0 s5, $0x0  }
0x1f: {  	s9 =	smul.u32 $0xF7A, s1;
	s8 =	simm.s32 @!p0 $0x1BF5;
	p2 =	por !p2, p0  }
0x20: {  	[sflag:s8] =	ssyncset.s32 @!p0 $0xFFFFF086;
	s6 =	sadd.s32 @!p0 s3, s7;
	s7 =	simm.s32 @!p0 $0x108  }
0x21: {  	s3 =	sadd.s32 s3, s9;
	s6 =	sadd.s32 @!p0 $0x88, s6;
	s7 =	simm.s32 @p2 $0x1082  }
0x22: {  	[simem:s7], [sflag:s8] =	dma.local @!p0 [hbm:s6], $0xF7A  }
0x23: {  	s9 =	sor.u32 $0xD0000000, s2;
	s6 =	simm.s32 $0x108;
	_ =	swait.ge @!p0 [sflag:s8], $0x0  }
0x24: {  	s3 =	sadd.s32 $0x88, s3;
	s6 =	simm.s32 @!p1 $0x1082;
	[sflag:s4] =	ssyncset.s32 $0xFFFFF086  }
0x25: {  	[simem:s6], [sflag:s4] =	dma.local [hbm:s3], $0xF7A  }
0x26: {  	[smem:$0x3F94] =	sst s1;
	(tag) =	ssettag s2;
	_ =	strace s9  }
0x27: {  	s1 =	sld [smem:$0x3FA4]  }
0x28: {  	s2 =	sld [smem:$0x3FA5]  }
0x29: {  	s4 =	sld [smem:$0x3FA7]  }
0x2a: {  	p0 =	seq.s32 s5, $0x0;
	s5 =	sld [smem:$0x3FA8]  }
0x2b: {  	s6 =	sld [smem:$0x3FA9]  }
0x2c: {  	s7 =	sld [smem:$0x3FAA]  }
0x2d: {  	s3 =	simm.s32 $0x108;
	s8 =	sld [smem:$0x3FAB]  }
0x2e: {  	s3 =	simm.s32 @!p0 $0x1082;
	s9 =	sld [smem:$0x3FAC]  }
0x2f: {  	lr =	sadd.s32 s0, s3;
	s0 =	sld [smem:$0x3FA3]  }
0x30: {  	s3 =	sld [smem:$0x3FA6]  }
0x31: {  	[smem:$0x3FAF] =	sst s10  }
0x32: {  	s10 =	sld [smem:$0x3FAD];
	_ =	sdelay $0x3  }
0x33: {  	p0 =	seq.s32 s10, $0x1;
	s10 =	sld [smem:$0x3FAF];
	_ =	sdelay $0x3  }
0x34: {  	[smem:$0x3FAF] =	sst s10  }
0x35: {  	s10 =	sld [smem:$0x3FAE];
	_ =	sdelay $0x3  }
0x36: {  	p1 =	seq.s32 s10, $0x1;
	s10 =	sld [smem:$0x3FAF];
	_ =	sdelay $0x3  }
0x37: {  	[smem:$0x3FAF] =	sst s10  }
0x38: {  	s10 =	sld [smem:$0x3FB0]  }
0x39: {  	_ = 	snop;
	(pc) =	sbr.ind lr, $3  }
0x3a: {  	_ = 	snop  }
0x3b: {  	_ = 	snop  }
0x3c: {  	p2 =	seq.s32 s10, $0x1;
	s10 =	sld [smem:$0x3FAF]  }
0x3d: {  	_ =	shalt  }
0x3e: {  	_ =	shalt  }
0x3f: {  	_ =	shalt  }
0x40: {  	_ =	shalt  }
0x41: {  	_ =	shalt  }
0x42: {  	_ =	shalt  }
0x43: {  	_ =	shalt  }
0x44: {  	_ =	shalt  }
0x45: {  	_ =	shalt  }
0x46: {  	_ =	shalt  }
0x47: {  	_ =	shalt  }
0x48: {  	_ =	shalt  }
0x49: {  	_ =	shalt  }
0x4a: {  	_ =	shalt  }
0x4b: {  	_ =	shalt  }
0x4c: {  	_ =	shalt  }
0x4d: {  	_ =	shalt  }
0x4e: {  	_ =	shalt  }
0x4f: {  	_ =	shalt  }
0x50: {  	_ =	shalt  }
0x51: {  	_ =	shalt  }
0x52: {  	_ =	shalt  }
0x53: {  	_ =	shalt  }
0x54: {  	_ =	shalt  }
0x55: {  	_ =	shalt  }
0x56: {  	_ =	shalt  }
0x57: {  	_ =	shalt  }
0x58: {  	_ =	shalt  }
0x59: {  	_ =	shalt  }
0x5a: {  	_ =	shalt  }
0x5b: {  	_ =	shalt  }
0x5c: {  	_ =	shalt  }
0x5d: {  	_ =	shalt  }
0x5e: {  	_ =	shalt  }
0x5f: {  	_ =	shalt  }
0x60: {  	_ =	shalt  }
0x61: {  	_ =	shalt  }
0x62: {  	_ =	shalt  }
0x63: {  	_ =	shalt  }
0x64: {  	_ =	shalt  }
0x65: {  	_ =	shalt  }
0x66: {  	_ =	shalt  }
0x67: {  	_ =	shalt  }
0x68: {  	_ =	shalt  }
0x69: {  	_ =	shalt  }
0x6a: {  	_ =	shalt  }
0x6b: {  	_ =	shalt  }
0x6c: {  	_ =	shalt  }
0x6d: {  	_ =	shalt  }
0x6e: {  	_ =	shalt  }
0x6f: {  	_ =	shalt  }
0x70: {  	_ =	shalt  }
0x71: {  	_ =	shalt  }
0x72: {  	_ =	shalt  }
0x73: {  	_ =	shalt  }
0x74: {  	_ =	shalt  }
0x75: {  	_ =	shalt  }
0x76: {  	_ =	shalt  }
0x77: {  	_ =	shalt  }
0x78: {  	_ =	shalt  }
0x79: {  	_ =	shalt  }
0x7a: {  	_ =	shalt  }
0x7b: {  	_ =	shalt  }
0x7c: {  	_ =	shalt  }
0x7d: {  	_ =	shalt  }
0x7e: {  	_ =	shalt  }
0x7f: {  	_ =	shalt  }
0x80: {  	_ =	shalt  }
0x81: {  	_ =	shalt  }
0x82: {  	_ =	shalt  }
0x83: {  	_ =	shalt  }
0x84: {  	_ =	shalt  }
0x85: {  	_ =	shalt  }
0x86: {  	_ =	shalt  }
0x87: {  	_ =	shalt  }
.Lfunc_end0:
.L_simem_size_0:
called_computation.5_lowered:
.L_overlay_start_0:
0x88: {  	s2 =	sld [smem:$0x3FD9]  }
0x89: {  	s3 =	sld [smem:$0x3FFE];
	_ =	sdelay $0x1  }
0x8a: {  	s1 =	srdreg.scid  }
0x8b: {  	s0 =	sand.u32 $0x1, s1  }
0x8c: {  	s16 =	sshll.u32 s0, $0xA;
	s2 =	sadd.s32 s3, s2  }
0x8d: {  	s2 =	sadd.s32 s2, s16  }
0x8e: {  	[smem:$0x3FBB] =	sst s2  }
0x8f: {  	_ = 	snop  }
0x90: {  	(tm) =	ssettm $0x1  }
0x91: {  	s17 =	sld [smem:$0x3FFB];
	_ =	sdelay $0x3  }
0x92: {  	_ =	strace s17  }
0x93: {  	s2 =	sld [smem:$0x3FFC];
	_ =	sdelay $0x3  }
0x94: {  	_ =	strace s2  }
0x95: {  	s2 =	sld [smem:$0x3FFD];
	_ =	sdelay $0x3  }
0x96: {  	_ =	strace s2  }
0x97: {  	_ =	strace $0x8FFFFFFF  }
0x98: {  	s18 =	sld [smem:$0x3FDB];
	_ =	sdelay $0x1  }
0x99: {  	s19 =	simm.s32 $_scs_section_size  }
0x9a: {  	s4 =	simm.s32 $_size__tile_overlayer_lowered;
	s5 =	simm.s32 $_tile_overlayer_lowered  }
0x9b: {  	s22 =	simm.s32 $0x1BFF;
	s21 =	sshll.u32 s5, $0x1;
	s2 =	sadd.s32 s19, s18  }
0x9c: {  	s6 =	simm.s32 $0x0;
	s20 =	sshll.u32 s4, $0x1;
	s4 =	sadd.s32 s21, s2  }
0x9d: {  	[timem:s6], [sflag:s22] =	dma.local [hbm:s4], s20  }
0x9e: {  	_ =	swait.ge [sflag:s22], s20  }
0x9f: {  	s3 =	ssub.s32 $0x0, s20;
	[sflag:s22] =	ssyncset.done $0x0  }
0xa0: {  	[sflag:s22] =	ssyncadd.s32 s3;
	_ =	sdelay $0x1  }
0xa1: {  	s23 =	simm.s32 $0x1B8B  }
0xa2: {  	_ =	swait.ge [sflag:s23], $0x1  }
0xa3: {  	[sflag:s23] =	ssyncset.done $0x0  }
0xa4: {  	s25 =	simm.s32 $0x1B8E;
	s24 =	sld [smem:$0x3FFE];
	[sflag:s23] =	ssyncadd.s32 $0xFFFFFFFF  }
0xa5: {  	s26 =	simm.s32 $execute0_lowered;
	[smem:$0x3FD2] =	sst s25  }
0xa6: {  	s4 =	sshll.u32 s26, $0x1;
	_ =	strace $0x80000055;
	[dreg:$0x1] =	wrdreg $0xFFFFFFFF  }
0xa7: {  	s28 =	simm.s32 $_size_execute0_lowered;
	s2 =	sadd.s32 s2, s4;
	[dreg:$0x0] =	wrdreg $0x0  }
0xa8: {  	s4 =	sshll.u32 s28, $0x1;
	[dreg:$0x2] =	wrdreg s2  }
0xa9: {  	[dreg:$0x3] =	wrdreg s4  }
0xaa: {  	[dreg:$0x4] =	wrdreg $0xC0  }
0xab: {  	_ =	task [dreg:s6], $0x5FFFF  }
0xac: {  	[dreg:$0x1] =	wrdreg $0xFFFFFFFF  }
0xad: {  	[dreg:$0x0] =	wrdreg $0x60  }
0xae: {  	[dreg:$0x2] =	wrdreg s24  }
0xaf: {  	[dreg:$0x3] =	wrdreg $0xA8000  }
0xb0: {  	[dreg:$0x4] =	wrdreg $0x9  }
0xb1: {  	_ =	task.clear_ibuf [dreg:s6], $0x5FFFF;
	_ =	strace $0x90000055  }
0xb2: {  	s29 =	simm.s32 $0x9;
	_ =	strace $0x80000057  }
0xb3: {  	_ =	swait.ge [sflag:s29], $0x1  }
0xb4: {  	[sflag:s29] =	ssyncadd.s32 $0xFFFFFFFF  }
0xb5: {  	_ =	strace $0x90000057  }
0xb6: {  	_ =	sfence  }
0xb7: {  	s30 =	sld [smem:$0x0];
	_ =	sdelay $0x2  }
0xb8: {  	s31 =	sshll.u32 s1, $0xD;
	s1 =	sshrl.u32 s1, $0x2  }
0xb9: {  	s3 =	sand.u32 $0x4000, s31;
	s1 =	sadd.s32 s1, s30  }
0xba: {  	s0 =	sor.u32 s3, s0;
	s1 =	sshll.u32 s1, $0x11  }
0xbb: {  	s0 =	sor.u32 s1, s0  }
0xbc: {  	s0 =	sadd.s32 $0x8F2B, s0  }
0xbd: {  	[sflag:s0] =	ssyncadd.remote.s32 $0x1  }
0xbe: {  	_ =	sfence.sel $0xFFFF  }
0xbf: {  	[dreg:$0x0] =	wrdreg $0xFFFFFFFF;
	(pc) =	sbr.abs _section_cstart, $3  }
0xc0: {  	[dreg:$0x1] =	wrdreg $0xFFFFFFFF  }
0xc1: {  	_ =	task.clear_ibuf [dreg:s6], $0x2FFFF;
	_ =	strace $0x9FFFFFFF  }
0xc2: {  	(tm) =	ssettm $0x7FFFFFFF  }
0xc3: {  	_ =	shalt  }
tec
execute0_lowered:
.L_overlay_start_1:
0x0: {  	(tag) =	ssettag $0x1  }
0x1: {  	s8 =	rddreg [dreg:$0x0]  }
0x2: {  	s1 =	rddreg [dreg:$0x1]  }
0x3: {  	s3 =	simm.s32 $0x0;
	s5 =	srdreg.scid;
	s0 =	stileid.u32  }
0x4: {  	s15 =	simm.s32 $0x4;
	s16 =	simm.s32 $0x1400;
	s17 =	simm.s32 $0x7D  }
0x5: {  	s18 =	simm.s32 $0x2800;
	s19 =	simm.s32 $0x6800;
	s20 =	simm.s32 $0x1  }
0x6: {  	s21 =	simm.s32 $0x2;
	s22 =	simm.s32 $0x1380;
	s23 =	simm.s32 $0x2700  }
0x7: {  	s24 =	simm.s32 $0x2780;
	[smem:$0x7FF] =	sst s3;
	s4 =	sadd.s32 $0x258800, s8  }
0x8: {  	s9 =	smul.u32 $0x4E000, s0;
	s6 =	sadd.s32 $0x97400, s8;
	s7 =	sadd.s32 $0xC9400, s8  }
0x9: {  	s5 =	sand.u32 $0x1, s5;
	s8 =	sadd.s32 $0x3DF200, s8;
	s12 =	sadd.s32 $0x124800, s1  }
0xa: {  	p0 =	seq.s32 s0, $0xF;
	_ =	strace $0x80000056;
	s10 =	ssub.s32 $0x2, s5  }
0xb: {  	s12 =	sshrl.u32 @p0 s12, $0x3;
	s13 =	sshll.u32 @!p0 s0, $0x6;
	s11 =	sshrl.u32 s10, $0x1  }
0xc: {  	s9 =	sshrl.u32 s9, $0x2;
	s13 =	sor.u32 @!p0 $0x1C04, s13;
	s11 =	ssub.s32 s10, s11  }
0xd: {  	s14 =	sadd.s32 s9, s1;
	s9 =	smul.u32 $0x270, s0;
	s2 =	smax.u32 s11, $0x1  }
0xe: {  	s10 =	smul.u32 $0x50, s0;
	s14 =	sshrl.u32 @!p0 s14, $0x3;
	[dreg:$0x3] =	wrdreg s2  }
.LBB2_1:
0xf: {  	s25 =	simm.s32 $0x0  }
.LBB2_2:
0x10: {  	s26 =	sshll.u32 s25, $0x1  }
0x11: {  	s29 =	sor.u32 s5, s26  }
0x12: {  	s26 =	smul.u32 @p0 $0x138800, s29;
	_ =	sdelay $0x1  }
0x13: {  	s26 =	sshrl.u32 @p0 s26, $0x3  }
0x14: {  	s28 =	sadd.s32 @p0 s4, s26  }
0x15: {  	s31 =	simm.s32 @p0 $0x1FC4;
	s30 =	smul.u32 $0x2710, s29;
	s28 =	sadd.s32 @p0 $0x24900, s28  }
0x16: {  	[spmem:s12], [sflag:s31] =	dma.local @p0 [hbm:s28], $0x2800  }
0x17: {  	s31 =	simm.s32 @p0 $0x4  }
0x18: {  	s28 =	sadd.s32 @!p0 s9, s30;
	_ =	swait.ge @p0 [sflag:s31], $0x2800  }
0x19: {  	s28 =	sshll.u32 @!p0 s28, $0x4;
	[sflag:s31] =	ssyncset.done @p0 $0x0  }
0x1a: {  	s30 =	sadd.s32 @!p0 s4, s28;
	[sflag:s31] =	ssyncadd.s32 @p0 $0xFFFFD800  }
0x1b: {  	[spmem:s14], [sflag:s13] =	dma.local @!p0 [hbm:s30], $0x2700  }
0x1c: {  	s29 =	smul.u32 $0x500, s29;
	s30 =	simm.s32 @!p0 $0x4  }
0x1d: {  	_ =	swait.ge @!p0 [sflag:s30], $0x2700  }
0x1e: {  	s29 =	sadd.s32 s10, s29;
	[sflag:s30] =	ssyncset.done @!p0 $0x0  }
0x1f: {  	s29 =	sshll.u32 s29, $0x4;
	[sflag:s30] =	ssyncadd.s32 @!p0 $0xFFFFD900  }
0x20: {  	s31 =	simm.s32 $0x0;
	s30 =	sadd.s32 s6, s29;
	[bflag:$0x0] =	sbarrier.arrive $0xFFFF  }
0x21: {  	[tilespmem:s31], [sflag:$0x4] =	stream.linear.gather [hbm4b:s30+s31], $0x1400, $0x38;
	[tilespmem:$0x1E080] =	vst v63  }
0x22: {  	_ =	swait.ge [sflag:s15], $0x1400  }
0x23: {  	[sflag:s15] =	ssyncset.done $0x0  }
0x24: {  	s30 =	sadd.s32 s7, s29;
	[sflag:s15] =	ssyncadd.s32 $0xFFFFEC00  }
0x25: {  	[tilespmem:s16], [sflag:$0x4] =	stream.linear.gather [hbm4b:s30+s31], $0x1400, $0x38;
	[tilespmem:$0x1E080] =	vst v63  }
0x26: {  	_ =	swait.ge [sflag:s15], $0x1400  }
0x27: {  	[sflag:s15] =	ssyncset.done $0x0  }
0x28: {  	[sflag:s15] =	ssyncadd.s32 $0xFFFFEC00  }
0x29: {  	[tilespmem:s18], [sflag:$0x1] =	stream.indirect.gather [hbm4b:s4+s17], $0x80, s31, s17, $0xb8;
	[tilespmem:$0x1E080] =	vst v63  }
0x2a: {  	s30 =	simm.s32 $0x80  }
0x2b: {  	[tilespmem:s19], [sflag:$0x2] =	stream.indirect.gather [hbm4b:s4+s17], $0x80, s30, s17, $0xb8;
	[tilespmem:$0x1E080] =	vst v63  }
0x2c: {  	_ =	swait.ge [sflag:s20], $0x3E80  }
0x2d: {  	[sflag:s20] =	ssyncset.done $0x0  }
0x2e: {  	s30 =	simm.s32 $0x1400;
	[sflag:s20] =	ssyncadd.s32 $0xFFFFC180  }
0x2f: {  	[spmem:s1] =	stream.indirect.scatter.add.f32 [tilespmem:s18], [sflag:$0x4], $0x80, s30, s17, $0xb8;
	[tilespmem:$0x1E080] =	vst v63  }
0x30: {  	_ =	swait.ge [sflag:s15], $0x3E80  }
0x31: {  	[sflag:s15] =	ssyncset.done $0x0  }
0x32: {  	s30 =	simm.s32 $0x100;
	[sflag:s15] =	ssyncadd.s32 $0xFFFFC180  }
0x33: {  	[tilespmem:s18], [sflag:$0x1] =	stream.indirect.gather [hbm4b:s4+s17], $0x80, s30, s17, $0xb8;
	[tilespmem:$0x1E080] =	vst v63  }
0x34: {  	_ =	swait.ge [sflag:s21], $0x3E80  }
0x35: {  	[sflag:s21] =	ssyncset.done $0x0  }
0x36: {  	s30 =	simm.s32 $0x1480;
	[sflag:s21] =	ssyncadd.s32 $0xFFFFC180  }
0x37: {  	[spmem:s1] =	stream.indirect.scatter.add.f32 [tilespmem:s19], [sflag:$0x4], $0x80, s30, s17, $0xb8;
	[tilespmem:$0x1E080] =	vst v63  }
0x38: {  	_ =	swait.ge [sflag:s15], $0x3E80  }
0x39: {  	s31 =	simm.s32 $0x800;
	s30 =	simm.s32 $0x100;
	[sflag:s15] =	ssyncset.done $0x0  }
.LBB2_3:
0x3a: {  	s0 =	sadd.s32 $0x80, s30  }
0x3b: {  	[sflag:s15] =	ssyncadd.s32 $0xFFFFC180;
	s2 =	smov.u32 s31;
	s11 =	sadd.s32 $0x400, s31  }
0x3c: {  	[tilespmem:s19], [sflag:$0x2] =	stream.indirect.gather [hbm4b:s4+s17], $0x80, s0, s17, $0xb8;
	[tilespmem:$0x1E080] =	vst v63  }
0x3d: {  	p1 =	sne.s32 s31, $0x4800;
	_ =	swait.ge [sflag:s20], $0x3E80  }
0x3e: {  	[sflag:s20] =	ssyncset.done $0x0  }
0x3f: {  	s0 =	sadd.s32 $0x1400, s30;
	[sflag:s20] =	ssyncadd.s32 $0xFFFFC180  }
0x40: {  	[spmem:s1] =	stream.indirect.scatter.add.f32 [tilespmem:s18], [sflag:$0x4], $0x80, s0, s17, $0xb8;
	[tilespmem:$0x1E080] =	vst v63  }
0x41: {  	_ =	swait.ge [sflag:s15], $0x3E80  }
0x42: {  	[sflag:s15] =	ssyncset.done $0x0  }
0x43: {  	s0 =	sadd.s32 $0x100, s30;
	[sflag:s15] =	ssyncadd.s32 $0xFFFFC180  }
0x44: {  	[tilespmem:s18], [sflag:$0x1] =	stream.indirect.gather [hbm4b:s4+s17], $0x80, s0, s17, $0xb8;
	[tilespmem:$0x1E080] =	vst v63  }
0x45: {  	_ =	swait.ge [sflag:s21], $0x3E80  }
.Ltmp0:
0x46: {  	[sflag:s21] =	ssyncset.done $0x0;
	(pc) =	sbr.rel @p1 .LBB2_3-.Ltmp0, $4  }
0x47: {  	s0 =	sadd.s32 $0x1480, s30;
	[sflag:s21] =	ssyncadd.s32 $0xFFFFC180  }
0x48: {  	[spmem:s1] =	stream.indirect.scatter.add.f32 [tilespmem:s19], [sflag:$0x4], $0x80, s0, s17, $0xb8;
	[tilespmem:$0x1E080] =	vst v63  }
0x49: {  	_ =	swait.ge [sflag:s15], $0x3E80  }
0x4a: {  	s31 =	smov.u32 s11;
	s30 =	sshra.s32 s2, $0x2;
	[sflag:s15] =	ssyncset.done $0x0  }
0x4b: {  	s0 =	sadd.s32 $0x80, s30;
	[sflag:s15] =	ssyncadd.s32 $0xFFFFC180  }
0x4c: {  	[tilespmem:s19], [sflag:$0x2] =	stream.indirect.gather [hbm4b:s4+s17], $0x80, s0, s17, $0xb8;
	[tilespmem:$0x1E080] =	vst v63  }
0x4d: {  	_ =	swait.ge [sflag:s20], $0x3E80  }
0x4e: {  	[sflag:s20] =	ssyncset.done $0x0  }
0x4f: {  	s31 =	sadd.s32 $0x1400, s30;
	[sflag:s20] =	ssyncadd.s32 $0xFFFFC180  }
0x50: {  	[spmem:s1] =	stream.indirect.scatter.add.f32 [tilespmem:s18], [sflag:$0x4], $0x80, s31, s17, $0xb8;
	[tilespmem:$0x1E080] =	vst v63  }
0x51: {  	_ =	swait.ge [sflag:s15], $0x3E80  }
0x52: {  	[sflag:s15] =	ssyncset.done $0x0  }
0x53: {  	s2 =	sadd.s32 $0x100, s30;
	[sflag:s15] =	ssyncadd.s32 $0xFFFFC180  }
0x54: {  	[tilespmem:s18], [sflag:$0x1] =	stream.indirect.gather [hbm4b:s4+s17], $0x80, s2, s17, $0xb8;
	[tilespmem:$0x1E080] =	vst v63  }
0x55: {  	_ =	swait.ge [sflag:s21], $0x3E80  }
0x56: {  	[sflag:s21] =	ssyncset.done $0x0  }
0x57: {  	s11 =	sadd.s32 $0x1480, s30;
	[sflag:s21] =	ssyncadd.s32 $0xFFFFC180  }
0x58: {  	[spmem:s1] =	stream.indirect.scatter.add.f32 [tilespmem:s19], [sflag:$0x4], $0x80, s11, s17, $0xb8;
	[tilespmem:$0x1E080] =	vst v63  }
0x59: {  	_ =	swait.ge [sflag:s15], $0x3E80  }
0x5a: {  	[sflag:s15] =	ssyncset.done $0x0  }
0x5b: {  	[sflag:s15] =	ssyncadd.s32 $0xFFFFC180  }
0x5c: {  	[tilespmem:s19], [sflag:$0x2] =	stream.indirect.gather [hbm4b:s4+s17], $0x80, s22, s17, $0xb8;
	[tilespmem:$0x1E080] =	vst v63  }
0x5d: {  	_ =	swait.ge [sflag:s20], $0x3E80  }
0x5e: {  	[sflag:s20] =	ssyncset.done $0x0  }
0x5f: {  	[sflag:s20] =	ssyncadd.s32 $0xFFFFC180  }
0x60: {  	[spmem:s1] =	stream.indirect.scatter.add.f32 [tilespmem:s18], [sflag:$0x4], $0x80, s23, s17, $0xb8;
	[tilespmem:$0x1E080] =	vst v63  }
0x61: {  	_ =	swait.ge [sflag:s15], $0x3E80  }
0x62: {  	[sflag:s15] =	ssyncset.done $0x0  }
0x63: {  	[sflag:s15] =	ssyncadd.s32 $0xFFFFC180  }
0x64: {  	_ =	swait.ge [sflag:s21], $0x3E80  }
0x65: {  	[sflag:s21] =	ssyncset.done $0x0  }
0x66: {  	[sflag:s21] =	ssyncadd.s32 $0xFFFFC180  }
0x67: {  	[spmem:s1] =	stream.indirect.scatter.add.f32 [tilespmem:s19], [sflag:$0x4], $0x80, s24, s17, $0xb8;
	[tilespmem:$0x1E080] =	vst v63  }
0x68: {  	_ =	swait.ge [sflag:s15], $0x3E80  }
0x69: {  	s31 =	sadd.s32 $0x280, s29;
	[sflag:s15] =	ssyncset.done $0x0  }
0x6a: {  	s2 =	sadd.s32 s6, s31;
	s11 =	simm.s32 $0x0;
	[sflag:s15] =	ssyncadd.s32 $0xFFFFC180  }
0x6b: {  	[tilespmem:s11], [sflag:$0x4] =	stream.linear.gather [hbm4b:s2+s11], $0x1400, $0x38;
	[tilespmem:$0x1E080] =	vst v63  }
0x6c: {  	_ =	swait.ge [sflag:s15], $0x1400  }
0x6d: {  	[sflag:s15] =	ssyncset.done $0x0  }
0x6e: {  	s0 =	sadd.s32 s7, s31;
	[sflag:s15] =	ssyncadd.s32 $0xFFFFEC00  }
0x6f: {  	[tilespmem:s16], [sflag:$0x4] =	stream.linear.gather [hbm4b:s0+s11], $0x1400, $0x38;
	[tilespmem:$0x1E080] =	vst v63  }
0x70: {  	_ =	swait.ge [sflag:s15], $0x1400  }
0x71: {  	[sflag:s15] =	ssyncset.done $0x0  }
0x72: {  	[sflag:s15] =	ssyncadd.s32 $0xFFFFEC00  }
0x73: {  	[tilespmem:s18], [sflag:$0x1] =	stream.indirect.gather [hbm4b:s4+s17], $0x80, s11, s17, $0xb8;
	[tilespmem:$0x1E080] =	vst v63  }
0x74: {  	s31 =	simm.s32 $0x80  }
0x75: {  	[tilespmem:s19], [sflag:$0x2] =	stream.indirect.gather [hbm4b:s4+s17], $0x80, s31, s17, $0xb8;
	[tilespmem:$0x1E080] =	vst v63  }
0x76: {  	_ =	swait.ge [sflag:s20], $0x3E80  }
0x77: {  	[sflag:s20] =	ssyncset.done $0x0  }
0x78: {  	s2 =	simm.s32 $0x1400;
	[sflag:s20] =	ssyncadd.s32 $0xFFFFC180  }
0x79: {  	[spmem:s1] =	stream.indirect.scatter.add.f32 [tilespmem:s18], [sflag:$0x4], $0x80, s2, s17, $0xb8;
	[tilespmem:$0x1E080] =	vst v63  }
0x7a: {  	_ =	swait.ge [sflag:s15], $0x3E80  }
0x7b: {  	[sflag:s15] =	ssyncset.done $0x0  }
0x7c: {  	s11 =	simm.s32 $0x100;
	[sflag:s15] =	ssyncadd.s32 $0xFFFFC180  }
0x7d: {  	[tilespmem:s18], [sflag:$0x1] =	stream.indirect.gather [hbm4b:s4+s17], $0x80, s11, s17, $0xb8;
	[tilespmem:$0x1E080] =	vst v63  }
0x7e: {  	_ =	swait.ge [sflag:s21], $0x3E80  }
0x7f: {  	[sflag:s21] =	ssyncset.done $0x0  }
0x80: {  	s31 =	simm.s32 $0x1480;
	[sflag:s21] =	ssyncadd.s32 $0xFFFFC180  }
0x81: {  	[spmem:s1] =	stream.indirect.scatter.add.f32 [tilespmem:s19], [sflag:$0x4], $0x80, s31, s17, $0xb8;
	[tilespmem:$0x1E080] =	vst v63  }
0x82: {  	_ =	swait.ge [sflag:s15], $0x3E80  }
0x83: {  	s30 =	simm.s32 $0x800;
	s29 =	simm.s32 $0x100;
	[sflag:s15] =	ssyncset.done $0x0  }
.LBB2_5:
0x84: {  	s0 =	sadd.s32 $0x80, s29  }
0x85: {  	[sflag:s15] =	ssyncadd.s32 $0xFFFFC180;
	s2 =	smov.u32 s30;
	s11 =	sadd.s32 $0x400, s30  }
0x86: {  	[tilespmem:s19], [sflag:$0x2] =	stream.indirect.gather [hbm4b:s4+s17], $0x80, s0, s17, $0xb8;
	[tilespmem:$0x1E080] =	vst v63  }
0x87: {  	p1 =	sne.s32 s30, $0x4800;
	_ =	swait.ge [sflag:s20], $0x3E80  }
0x88: {  	[sflag:s20] =	ssyncset.done $0x0  }
0x89: {  	s0 =	sadd.s32 $0x1400, s29;
	[sflag:s20] =	ssyncadd.s32 $0xFFFFC180  }
0x8a: {  	[spmem:s1] =	stream.indirect.scatter.add.f32 [tilespmem:s18], [sflag:$0x4], $0x80, s0, s17, $0xb8;
	[tilespmem:$0x1E080] =	vst v63  }
0x8b: {  	_ =	swait.ge [sflag:s15], $0x3E80  }
0x8c: {  	[sflag:s15] =	ssyncset.done $0x0  }
0x8d: {  	s0 =	sadd.s32 $0x100, s29;
	[sflag:s15] =	ssyncadd.s32 $0xFFFFC180  }
0x8e: {  	[tilespmem:s18], [sflag:$0x1] =	stream.indirect.gather [hbm4b:s4+s17], $0x80, s0, s17, $0xb8;
	[tilespmem:$0x1E080] =	vst v63  }
0x8f: {  	_ =	swait.ge [sflag:s21], $0x3E80  }
.Ltmp1:
0x90: {  	[sflag:s21] =	ssyncset.done $0x0;
	(pc) =	sbr.rel @p1 .LBB2_5-.Ltmp1, $4  }
0x91: {  	s0 =	sadd.s32 $0x1480, s29;
	[sflag:s21] =	ssyncadd.s32 $0xFFFFC180  }
0x92: {  	[spmem:s1] =	stream.indirect.scatter.add.f32 [tilespmem:s19], [sflag:$0x4], $0x80, s0, s17, $0xb8;
	[tilespmem:$0x1E080] =	vst v63  }
0x93: {  	_ =	swait.ge [sflag:s15], $0x3E80  }
0x94: {  	s30 =	smov.u32 s11;
	s29 =	sshra.s32 s2, $0x2;
	[sflag:s15] =	ssyncset.done $0x0  }
0x95: {  	s0 =	sadd.s32 $0x80, s29;
	[sflag:s15] =	ssyncadd.s32 $0xFFFFC180  }
0x96: {  	[tilespmem:s19], [sflag:$0x2] =	stream.indirect.gather [hbm4b:s4+s17], $0x80, s0, s17, $0xb8;
	[tilespmem:$0x1E080] =	vst v63  }
0x97: {  	_ =	swait.ge [sflag:s20], $0x3E80  }
0x98: {  	[sflag:s20] =	ssyncset.done $0x0  }
0x99: {  	s11 =	sadd.s32 $0x1400, s29;
	[sflag:s20] =	ssyncadd.s32 $0xFFFFC180  }
0x9a: {  	[spmem:s1] =	stream.indirect.scatter.add.f32 [tilespmem:s18], [sflag:$0x4], $0x80, s11, s17, $0xb8;
	[tilespmem:$0x1E080] =	vst v63  }
0x9b: {  	_ =	swait.ge [sflag:s15], $0x3E80  }
0x9c: {  	[sflag:s15] =	ssyncset.done $0x0  }
0x9d: {  	s30 =	sadd.s32 $0x100, s29;
	[sflag:s15] =	ssyncadd.s32 $0xFFFFC180  }
0x9e: {  	[tilespmem:s18], [sflag:$0x1] =	stream.indirect.gather [hbm4b:s4+s17], $0x80, s30, s17, $0xb8;
	[tilespmem:$0x1E080] =	vst v63  }
0x9f: {  	_ =	swait.ge [sflag:s21], $0x3E80  }
0xa0: {  	[sflag:s21] =	ssyncset.done $0x0  }
0xa1: {  	s31 =	sadd.s32 $0x1480, s29;
	[sflag:s21] =	ssyncadd.s32 $0xFFFFC180  }
0xa2: {  	[spmem:s1] =	stream.indirect.scatter.add.f32 [tilespmem:s19], [sflag:$0x4], $0x80, s31, s17, $0xb8;
	[tilespmem:$0x1E080] =	vst v63  }
0xa3: {  	_ =	swait.ge [sflag:s15], $0x3E80  }
0xa4: {  	[sflag:s15] =	ssyncset.done $0x0  }
0xa5: {  	[sflag:s15] =	ssyncadd.s32 $0xFFFFC180  }
0xa6: {  	[tilespmem:s19], [sflag:$0x2] =	stream.indirect.gather [hbm4b:s4+s17], $0x80, s22, s17, $0xb8;
	[tilespmem:$0x1E080] =	vst v63  }
0xa7: {  	_ =	swait.ge [sflag:s20], $0x3E80  }
0xa8: {  	[sflag:s20] =	ssyncset.done $0x0  }
0xa9: {  	[sflag:s20] =	ssyncadd.s32 $0xFFFFC180  }
0xaa: {  	[spmem:s1] =	stream.indirect.scatter.add.f32 [tilespmem:s18], [sflag:$0x4], $0x80, s23, s17, $0xb8;
	[tilespmem:$0x1E080] =	vst v63  }
0xab: {  	_ =	swait.ge [sflag:s15], $0x3E80  }
0xac: {  	[sflag:s15] =	ssyncset.done $0x0  }
0xad: {  	[sflag:s15] =	ssyncadd.s32 $0xFFFFC180  }
0xae: {  	_ =	swait.ge [sflag:s21], $0x3E80  }
0xaf: {  	[sflag:s21] =	ssyncset.done $0x0  }
0xb0: {  	[sflag:s21] =	ssyncadd.s32 $0xFFFFC180  }
0xb1: {  	[spmem:s1] =	stream.indirect.scatter.add.f32 [tilespmem:s19], [sflag:$0x4], $0x80, s24, s17, $0xb8;
	[tilespmem:$0x1E080] =	vst v63  }
0xb2: {  	_ =	swait.ge [sflag:s15], $0x3E80  }
0xb3: {  	[sflag:s15] =	ssyncset.done $0x0  }
0xb4: {  	s0 =	sadd.s32 @p0 s8, s26;
	[sflag:s15] =	ssyncadd.s32 $0xFFFFC180  }
0xb5: {  	s2 =	simm.s32 @p0 $0x1FC3;
	s0 =	sadd.s32 @p0 $0x24900, s0;
	[bflag:$0x0] =	sbarrier.arrive $0xFFFF  }
0xb6: {  	[hbm:s0], [sflag:s2] =	dma.local @p0 [spmem:s12], $0x2800  }
0xb7: {  	s0 =	simm.s32 @p0 $0x3  }
0xb8: {  	_ =	swait.ge @p0 [sflag:s0], $0x2800  }
0xb9: {  	s25 =	sadd.s32 $0x1, s25;
	[sflag:s0] =	ssyncset.done @p0 $0x0  }
0xba: {  	p1 =	sne.s32 s25, $0x5;
	[sflag:s0] =	ssyncadd.s32 @p0 $0xFFFFD800;
	s0 =	sadd.s32 @!p0 s8, s28  }
0xbb: {  	[hbm:s0], [sflag:s13] =	dma.local @!p0 [spmem:s14], $0x2700  }
.Ltmp2:
0xbc: {  	_ = 	snop;
	(pc) =	sbr.rel @p1 .LBB2_2-.Ltmp2, $4  }
0xbd: {  	s0 =	simm.s32 @!p0 $0x4  }
0xbe: {  	_ =	swait.ge @!p0 [sflag:s0], $0x2700  }
0xbf: {  	[sflag:s0] =	ssyncset.done @!p0 $0x0  }
0xc0: {  	[sflag:s0] =	ssyncadd.s32 @!p0 $0xFFFFD900  }
0xc1: {  	s3 =	sadd.s32 $0x1, s3;
	s0 =	rddreg [dreg:$0x3]  }
0xc2: {  	p1 =	sne.s32 s3, s0  }
.Ltmp3:
0xc3: {  	_ = 	snop;
	(pc) =	sbr.rel @p1 .LBB2_1-.Ltmp3, $1  }
0xc4: {  	_ =	sdelay $0x3  }
0xc5: {  	_ =	sfence.sel $0x180000  }
0xc6: {  	[bflag:$0x0] =	sbarrier.arrive $0xFFFF  }
0xc7: {  	_ =	strace $0x90000056  }
0xc8: {  	s0 =	stileid.u32;
	[bflag:$0x2] =	sbarrier.arrive $0xFFFF  }
0xc9: {  	p0 =	sne.s32 s0, $0x0;
	s0 =	rddreg [dreg:$0x2]  }
0xca: {  	s0 =	sadd.s32 @!p0 $0x100000, s0  }
0xcb: {  	[sflag:s0] =	ssyncadd.tile.s32 @!p0 $0x1;
	_ =	shalt  }
.Lfunc_end2:
_tile_overlayer_lowered:
.L_overlay_start_2:
0xcc: {  	(tag) =	ssettag $0x2  }
0xcd: {  	s0 =	rddreg [dreg:$0x0];
	s2 =	stileid.u32  }
0xce: {  	s1 =	rddreg [dreg:$0x1];
	p0 =	sne.s32 s2, $0x0  }
0xcf: {  	s3 =	rddreg [dreg:$0x2];
	[bflag:$0x3] =	sbarrier.arrive $0xFFFF;
	s2 =	simm.s32 @!p0 $0x1C03  }
0xd0: {  	[timem:s3], [sflag:s2] =	dma.local @!p0 [hbm:s0], s1  }
0xd1: {  	s0 =	simm.s32 @!p0 $0x3  }
0xd2: {  	_ =	swait.ge @!p0 [sflag:s0], s1  }
0xd3: {  	s1 =	ssub.s32 @!p0 $0x0, s1;
	[sflag:s0] =	ssyncset.done @!p0 $0x0  }
0xd4: {  	[sflag:s0] =	ssyncadd.s32 @!p0 s1  }
0xd5: {  	[bflag:$0x3] =	sbarrier.arrive $0xFFFF  }
0xd6: {  	_ =	shalt  }

// kernel: branch_1_fun.15.cloned.1.call-start
scs
__scs_entry_jumppad:
0x0: {  	(pc) =	sbr.rel $0x88, $3  }
0x1: {  	(tag) =	ssettag $0x0;
	lr =	simm.s32 $0x1  }
0x2: {  	[smem:$0x3F94] =	sst lr;
	_ =	strace $0xD0000000  }
0x3: {  	_ = 	snop  }
0x4: {  	_ = 	snop  }
0x5: {  	_ = 	snop  }
0x6: {  	_ = 	snop  }
0x7: {  	_ = 	snop  }
__scs_overlays_trampoline_lowered:
0x8: {  	[smem:$0x3FA3] =	sst s0  }
0x9: {  	[smem:$0x3FA4] =	sst s1  }
0xa: {  	[smem:$0x3FA5] =	sst s2  }
0xb: {  	[smem:$0x3FA6] =	sst s3  }
0xc: {  	[smem:$0x3FA7] =	sst s4  }
0xd: {  	[smem:$0x3FA8] =	sst s5  }
0xe: {  	[smem:$0x3FA9] =	sst s6  }
0xf: {  	[smem:$0x3FAA] =	sst s7  }
0x10: {  	[smem:$0x3FAB] =	sst s8  }
0x11: {  	[smem:$0x3FAC] =	sst s9;
	s0 =	simm.s32 @!p0 $0x0  }
0x12: {  	s1 =	sld [smem:$0x3F92];
	s0 =	simm.s32 @p0 $0x1  }
0x13: {  	[smem:$0x3FAD] =	sst s0;
	s0 =	simm.s32 @!p1 $0x0  }
0x14: {  	s2 =	sld [smem:$0x3F91];
	s0 =	simm.s32 @p1 $0x1  }
0x15: {  	[smem:$0x3FAE] =	sst s0;
	s0 =	simm.s32 @!p2 $0x0  }
0x16: {  	s3 =	sld [smem:$0x3FDB];
	s0 =	simm.s32 @p2 $0x1  }
0x17: {  	s4 =	simm.s32 $0x1BF5;
	[smem:$0x3FB0] =	sst s0  }
0x18: {  	s0 =	sld [smem:$0x3F93];
	_ =	swait.ge [sflag:s4], $0x0  }
0x19: {  	s7 =	sld [smem:$0x3F94]  }
0x1a: {  	s8 =	sadd.s32 $0xFFFFE003, lr  }
0x1b: {  	s9 =	sadd.s32 $0xFFFFFEF7, lr;
	s5 =	simm.s32 $0xFFFFFFFF;
	p2 =	slt.u32 s8, $0xFFFFF086  }
0x1c: {  	p1 =	slt.u32 s9, $0xF7A;
	s5 =	simm.s32 @!p2 $0x0  }
0x1d: {  	s5 =	simm.s32 @p1 $0x1;
	p0 =	seq.s32 s7, s2  }
0x1e: {  	s7 =	smul.u32 @!p0 $0xF7A, s2;
	p2 =	seq.s32 @!p0 s5, $0x0  }
0x1f: {  	s9 =	smul.u32 $0xF7A, s1;
	s8 =	simm.s32 @!p0 $0x1BF5;
	p2 =	por !p2, p0  }
0x20: {  	[sflag:s8] =	ssyncset.s32 @!p0 $0xFFFFF086;
	s6 =	sadd.s32 @!p0 s3, s7;
	s7 =	simm.s32 @!p0 $0x108  }
0x21: {  	s3 =	sadd.s32 s3, s9;
	s6 =	sadd.s32 @!p0 $0x88, s6;
	s7 =	simm.s32 @p2 $0x1082  }
0x22: {  	[simem:s7], [sflag:s8] =	dma.local @!p0 [hbm:s6], $0xF7A  }
0x23: {  	s9 =	sor.u32 $0xD0000000, s2;
	s6 =	simm.s32 $0x108;
	_ =	swait.ge @!p0 [sflag:s8], $0x0  }
0x24: {  	s3 =	sadd.s32 $0x88, s3;
	s6 =	simm.s32 @!p1 $0x1082;
	[sflag:s4] =	ssyncset.s32 $0xFFFFF086  }
0x25: {  	[simem:s6], [sflag:s4] =	dma.local [hbm:s3], $0xF7A  }
0x26: {  	[smem:$0x3F94] =	sst s1;
	(tag) =	ssettag s2;
	_ =	strace s9  }
0x27: {  	s1 =	sld [smem:$0x3FA4]  }
0x28: {  	s2 =	sld [smem:$0x3FA5]  }
0x29: {  	s4 =	sld [smem:$0x3FA7]  }
0x2a: {  	p0 =	seq.s32 s5, $0x0;
	s5 =	sld [smem:$0x3FA8]  }
0x2b: {  	s6 =	sld [smem:$0x3FA9]  }
0x2c: {  	s7 =	sld [smem:$0x3FAA]  }
0x2d: {  	s3 =	simm.s32 $0x108;
	s8 =	sld [smem:$0x3FAB]  }
0x2e: {  	s3 =	simm.s32 @!p0 $0x1082;
	s9 =	sld [smem:$0x3FAC]  }
0x2f: {  	lr =	sadd.s32 s0, s3;
	s0 =	sld [smem:$0x3FA3]  }
0x30: {  	s3 =	sld [smem:$0x3FA6]  }
0x31: {  	[smem:$0x3FAF] =	sst s10  }
0x32: {  	s10 =	sld [smem:$0x3FAD];
	_ =	sdelay $0x3  }
0x33: {  	p0 =	seq.s32 s10, $0x1;
	s10 =	sld [smem:$0x3FAF];
	_ =	sdelay $0x3  }
0x34: {  	[smem:$0x3FAF] =	sst s10  }
0x35: {  	s10 =	sld [smem:$0x3FAE];
	_ =	sdelay $0x3  }
0x36: {  	p1 =	seq.s32 s10, $0x1;
	s10 =	sld [smem:$0x3FAF];
	_ =	sdelay $0x3  }
0x37: {  	[smem:$0x3FAF] =	sst s10  }
0x38: {  	s10 =	sld [smem:$0x3FB0]  }
0x39: {  	_ = 	snop;
	(pc) =	sbr.ind lr, $3  }
0x3a: {  	_ = 	snop  }
0x3b: {  	_ = 	snop  }
0x3c: {  	p2 =	seq.s32 s10, $0x1;
	s10 =	sld [smem:$0x3FAF]  }
0x3d: {  	_ =	shalt  }
0x3e: {  	_ =	shalt  }
0x3f: {  	_ =	shalt  }
0x40: {  	_ =	shalt  }
0x41: {  	_ =	shalt  }
0x42: {  	_ =	shalt  }
0x43: {  	_ =	shalt  }
0x44: {  	_ =	shalt  }
0x45: {  	_ =	shalt  }
0x46: {  	_ =	shalt  }
0x47: {  	_ =	shalt  }
0x48: {  	_ =	shalt  }
0x49: {  	_ =	shalt  }
0x4a: {  	_ =	shalt  }
0x4b: {  	_ =	shalt  }
0x4c: {  	_ =	shalt  }
0x4d: {  	_ =	shalt  }
0x4e: {  	_ =	shalt  }
0x4f: {  	_ =	shalt  }
0x50: {  	_ =	shalt  }
0x51: {  	_ =	shalt  }
0x52: {  	_ =	shalt  }
0x53: {  	_ =	shalt  }
0x54: {  	_ =	shalt  }
0x55: {  	_ =	shalt  }
0x56: {  	_ =	shalt  }
0x57: {  	_ =	shalt  }
0x58: {  	_ =	shalt  }
0x59: {  	_ =	shalt  }
0x5a: {  	_ =	shalt  }
0x5b: {  	_ =	shalt  }
0x5c: {  	_ =	shalt  }
0x5d: {  	_ =	shalt  }
0x5e: {  	_ =	shalt  }
0x5f: {  	_ =	shalt  }
0x60: {  	_ =	shalt  }
0x61: {  	_ =	shalt  }
0x62: {  	_ =	shalt  }
0x63: {  	_ =	shalt  }
0x64: {  	_ =	shalt  }
0x65: {  	_ =	shalt  }
0x66: {  	_ =	shalt  }
0x67: {  	_ =	shalt  }
0x68: {  	_ =	shalt  }
0x69: {  	_ =	shalt  }
0x6a: {  	_ =	shalt  }
0x6b: {  	_ =	shalt  }
0x6c: {  	_ =	shalt  }
0x6d: {  	_ =	shalt  }
0x6e: {  	_ =	shalt  }
0x6f: {  	_ =	shalt  }
0x70: {  	_ =	shalt  }
0x71: {  	_ =	shalt  }
0x72: {  	_ =	shalt  }
0x73: {  	_ =	shalt  }
0x74: {  	_ =	shalt  }
0x75: {  	_ =	shalt  }
0x76: {  	_ =	shalt  }
0x77: {  	_ =	shalt  }
0x78: {  	_ =	shalt  }
0x79: {  	_ =	shalt  }
0x7a: {  	_ =	shalt  }
0x7b: {  	_ =	shalt  }
0x7c: {  	_ =	shalt  }
0x7d: {  	_ =	shalt  }
0x7e: {  	_ =	shalt  }
0x7f: {  	_ =	shalt  }
0x80: {  	_ =	shalt  }
0x81: {  	_ =	shalt  }
0x82: {  	_ =	shalt  }
0x83: {  	_ =	shalt  }
0x84: {  	_ =	shalt  }
0x85: {  	_ =	shalt  }
0x86: {  	_ =	shalt  }
0x87: {  	_ =	shalt  }
.Lfunc_end0:
.L_simem_size_0:
called_computation.7_lowered:
.L_overlay_start_0:
0x88: {  	s2 =	sld [smem:$0x3FD9]  }
0x89: {  	s3 =	sld [smem:$0x3FFE];
	_ =	sdelay $0x1  }
0x8a: {  	s1 =	srdreg.scid  }
0x8b: {  	s0 =	sand.u32 $0x1, s1  }
0x8c: {  	s16 =	sshll.u32 s0, $0xA;
	s2 =	sadd.s32 s3, s2  }
0x8d: {  	s2 =	sadd.s32 s2, s16  }
0x8e: {  	[smem:$0x3FBB] =	sst s2  }
0x8f: {  	_ = 	snop  }
0x90: {  	(tm) =	ssettm $0x1  }
0x91: {  	s17 =	sld [smem:$0x3FFB];
	_ =	sdelay $0x3  }
0x92: {  	_ =	strace s17  }
0x93: {  	s2 =	sld [smem:$0x3FFC];
	_ =	sdelay $0x3  }
0x94: {  	_ =	strace s2  }
0x95: {  	s2 =	sld [smem:$0x3FFD];
	_ =	sdelay $0x3  }
0x96: {  	_ =	strace s2  }
0x97: {  	_ =	strace $0x8FFFFFFF  }
0x98: {  	s18 =	sld [smem:$0x3FDB];
	_ =	sdelay $0x1  }
0x99: {  	s19 =	simm.s32 $_scs_section_size  }
0x9a: {  	s4 =	simm.s32 $_size__tile_overlayer_lowered;
	s5 =	simm.s32 $_tile_overlayer_lowered  }
0x9b: {  	s22 =	simm.s32 $0x1BFF;
	s21 =	sshll.u32 s5, $0x1;
	s2 =	sadd.s32 s19, s18  }
0x9c: {  	s6 =	simm.s32 $0x0;
	s20 =	sshll.u32 s4, $0x1;
	s4 =	sadd.s32 s21, s2  }
0x9d: {  	[timem:s6], [sflag:s22] =	dma.local [hbm:s4], s20  }
0x9e: {  	_ =	swait.ge [sflag:s22], s20  }
0x9f: {  	s3 =	ssub.s32 $0x0, s20;
	[sflag:s22] =	ssyncset.done $0x0  }
0xa0: {  	[sflag:s22] =	ssyncadd.s32 s3;
	_ =	sdelay $0x1  }
0xa1: {  	s23 =	simm.s32 $0x1B8B  }
0xa2: {  	_ =	swait.ge [sflag:s23], $0x1  }
0xa3: {  	[sflag:s23] =	ssyncset.done $0x0  }
0xa4: {  	s25 =	simm.s32 $0x1B8E;
	s24 =	sld [smem:$0x3FFE];
	[sflag:s23] =	ssyncadd.s32 $0xFFFFFFFF  }
0xa5: {  	s26 =	simm.s32 $execute0_lowered;
	[smem:$0x3FD2] =	sst s25  }
0xa6: {  	s4 =	sshll.u32 s26, $0x1;
	_ =	strace $0x8000005B;
	[dreg:$0x1] =	wrdreg $0xFFFFFFFF  }
0xa7: {  	s28 =	simm.s32 $_size_execute0_lowered;
	s2 =	sadd.s32 s2, s4;
	[dreg:$0x0] =	wrdreg $0x0  }
0xa8: {  	s4 =	sshll.u32 s28, $0x1;
	[dreg:$0x2] =	wrdreg s2  }
0xa9: {  	[dreg:$0x3] =	wrdreg s4  }
0xaa: {  	[dreg:$0x4] =	wrdreg $0xC0  }
0xab: {  	_ =	task [dreg:s6], $0x5FFFF  }
0xac: {  	[dreg:$0x1] =	wrdreg $0xFFFFFFFF  }
0xad: {  	[dreg:$0x0] =	wrdreg $0x60  }
0xae: {  	[dreg:$0x2] =	wrdreg s24  }
0xaf: {  	[dreg:$0x3] =	wrdreg $0xA8000  }
0xb0: {  	[dreg:$0x4] =	wrdreg $0x9  }
0xb1: {  	_ =	task.clear_ibuf [dreg:s6], $0x5FFFF;
	_ =	strace $0x9000005B  }
0xb2: {  	s29 =	simm.s32 $0x9;
	_ =	strace $0x8000005D  }
0xb3: {  	_ =	swait.ge [sflag:s29], $0x1  }
0xb4: {  	[sflag:s29] =	ssyncadd.s32 $0xFFFFFFFF  }
0xb5: {  	_ =	strace $0x9000005D  }
0xb6: {  	_ =	sfence  }
0xb7: {  	s30 =	sld [smem:$0x0];
	_ =	sdelay $0x2  }
0xb8: {  	s31 =	sshll.u32 s1, $0xD;
	s1 =	sshrl.u32 s1, $0x2  }
0xb9: {  	s3 =	sand.u32 $0x4000, s31;
	s1 =	sadd.s32 s1, s30  }
0xba: {  	s0 =	sor.u32 s3, s0;
	s1 =	sshll.u32 s1, $0x11  }
0xbb: {  	s0 =	sor.u32 s1, s0  }
0xbc: {  	s0 =	sadd.s32 $0x8F2B, s0  }
0xbd: {  	[sflag:s0] =	ssyncadd.remote.s32 $0x1  }
0xbe: {  	_ =	sfence.sel $0xFFFF  }
0xbf: {  	[dreg:$0x0] =	wrdreg $0xFFFFFFFF;
	(pc) =	sbr.abs _section_cstart, $3  }
0xc0: {  	[dreg:$0x1] =	wrdreg $0xFFFFFFFF  }
0xc1: {  	_ =	task.clear_ibuf [dreg:s6], $0x2FFFF;
	_ =	strace $0x9FFFFFFF  }
0xc2: {  	(tm) =	ssettm $0x7FFFFFFF  }
0xc3: {  	_ =	shalt  }
tec
execute0_lowered:
.L_overlay_start_1:
0x0: {  	(tag) =	ssettag $0x1  }
0x1: {  	s8 =	rddreg [dreg:$0x0]  }
0x2: {  	s1 =	rddreg [dreg:$0x1]  }
0x3: {  	s3 =	simm.s32 $0x0;
	s5 =	srdreg.scid;
	s0 =	stileid.u32  }
0x4: {  	s15 =	simm.s32 $0x4;
	s16 =	simm.s32 $0x1400;
	s17 =	simm.s32 $0x7D  }
0x5: {  	s18 =	simm.s32 $0x2800;
	s19 =	simm.s32 $0x6800;
	s20 =	simm.s32 $0x1  }
0x6: {  	s21 =	simm.s32 $0x2;
	s22 =	simm.s32 $0x1380;
	s23 =	simm.s32 $0x2700  }
0x7: {  	s24 =	simm.s32 $0x2780;
	[smem:$0x7FF] =	sst s3;
	s4 =	sadd.s32 $0x31BE00, s8  }
0x8: {  	s9 =	smul.u32 $0x4E000, s0;
	s6 =	sadd.s32 $0x97400, s8;
	s7 =	sadd.s32 $0xC9400, s8  }
0x9: {  	s5 =	sand.u32 $0x1, s5;
	s8 =	sadd.s32 $0x195200, s8;
	s12 =	sadd.s32 $0x124800, s1  }
0xa: {  	p0 =	seq.s32 s0, $0xF;
	_ =	strace $0x8000005C;
	s10 =	ssub.s32 $0x2, s5  }
0xb: {  	s12 =	sshrl.u32 @p0 s12, $0x3;
	s13 =	sshll.u32 @!p0 s0, $0x6;
	s11 =	sshrl.u32 s10, $0x1  }
0xc: {  	s9 =	sshrl.u32 s9, $0x2;
	s13 =	sor.u32 @!p0 $0x1C04, s13;
	s11 =	ssub.s32 s10, s11  }
0xd: {  	s14 =	sadd.s32 s9, s1;
	s9 =	smul.u32 $0x270, s0;
	s2 =	smax.u32 s11, $0x1  }
0xe: {  	s10 =	smul.u32 $0x50, s0;
	s14 =	sshrl.u32 @!p0 s14, $0x3;
	[dreg:$0x3] =	wrdreg s2  }
.LBB2_1:
0xf: {  	s25 =	simm.s32 $0x0  }
.LBB2_2:
0x10: {  	s26 =	sshll.u32 s25, $0x1  }
0x11: {  	s29 =	sor.u32 s5, s26  }
0x12: {  	s26 =	smul.u32 @p0 $0x138800, s29;
	_ =	sdelay $0x1  }
0x13: {  	s26 =	sshrl.u32 @p0 s26, $0x3  }
0x14: {  	s28 =	sadd.s32 @p0 s4, s26  }
0x15: {  	s31 =	simm.s32 @p0 $0x1FC4;
	s30 =	smul.u32 $0x2710, s29;
	s28 =	sadd.s32 @p0 $0x24900, s28  }
0x16: {  	[spmem:s12], [sflag:s31] =	dma.local @p0 [hbm:s28], $0x2800  }
0x17: {  	s31 =	simm.s32 @p0 $0x4  }
0x18: {  	s28 =	sadd.s32 @!p0 s9, s30;
	_ =	swait.ge @p0 [sflag:s31], $0x2800  }
0x19: {  	s28 =	sshll.u32 @!p0 s28, $0x4;
	[sflag:s31] =	ssyncset.done @p0 $0x0  }
0x1a: {  	s30 =	sadd.s32 @!p0 s4, s28;
	[sflag:s31] =	ssyncadd.s32 @p0 $0xFFFFD800  }
0x1b: {  	[spmem:s14], [sflag:s13] =	dma.local @!p0 [hbm:s30], $0x2700  }
0x1c: {  	s29 =	smul.u32 $0x500, s29;
	s30 =	simm.s32 @!p0 $0x4  }
0x1d: {  	_ =	swait.ge @!p0 [sflag:s30], $0x2700  }
0x1e: {  	s29 =	sadd.s32 s10, s29;
	[sflag:s30] =	ssyncset.done @!p0 $0x0  }
0x1f: {  	s29 =	sshll.u32 s29, $0x4;
	[sflag:s30] =	ssyncadd.s32 @!p0 $0xFFFFD900  }
0x20: {  	s31 =	simm.s32 $0x0;
	s30 =	sadd.s32 s6, s29;
	[bflag:$0x0] =	sbarrier.arrive $0xFFFF  }
0x21: {  	[tilespmem:s31], [sflag:$0x4] =	stream.linear.gather [hbm4b:s30+s31], $0x1400, $0x38;
	[tilespmem:$0x1E080] =	vst v63  }
0x22: {  	_ =	swait.ge [sflag:s15], $0x1400  }
0x23: {  	[sflag:s15] =	ssyncset.done $0x0  }
0x24: {  	s30 =	sadd.s32 s7, s29;
	[sflag:s15] =	ssyncadd.s32 $0xFFFFEC00  }
0x25: {  	[tilespmem:s16], [sflag:$0x4] =	stream.linear.gather [hbm4b:s30+s31], $0x1400, $0x38;
	[tilespmem:$0x1E080] =	vst v63  }
0x26: {  	_ =	swait.ge [sflag:s15], $0x1400  }
0x27: {  	[sflag:s15] =	ssyncset.done $0x0  }
0x28: {  	[sflag:s15] =	ssyncadd.s32 $0xFFFFEC00  }
0x29: {  	[tilespmem:s18], [sflag:$0x1] =	stream.indirect.gather [hbm4b:s4+s17], $0x80, s31, s17, $0xb8;
	[tilespmem:$0x1E080] =	vst v63  }
0x2a: {  	s30 =	simm.s32 $0x80  }
0x2b: {  	[tilespmem:s19], [sflag:$0x2] =	stream.indirect.gather [hbm4b:s4+s17], $0x80, s30, s17, $0xb8;
	[tilespmem:$0x1E080] =	vst v63  }
0x2c: {  	_ =	swait.ge [sflag:s20], $0x3E80  }
0x2d: {  	[sflag:s20] =	ssyncset.done $0x0  }
0x2e: {  	s30 =	simm.s32 $0x1400;
	[sflag:s20] =	ssyncadd.s32 $0xFFFFC180  }
0x2f: {  	[spmem:s1] =	stream.indirect.scatter.add.f32 [tilespmem:s18], [sflag:$0x4], $0x80, s30, s17, $0xb8;
	[tilespmem:$0x1E080] =	vst v63  }
0x30: {  	_ =	swait.ge [sflag:s15], $0x3E80  }
0x31: {  	[sflag:s15] =	ssyncset.done $0x0  }
0x32: {  	s30 =	simm.s32 $0x100;
	[sflag:s15] =	ssyncadd.s32 $0xFFFFC180  }
0x33: {  	[tilespmem:s18], [sflag:$0x1] =	stream.indirect.gather [hbm4b:s4+s17], $0x80, s30, s17, $0xb8;
	[tilespmem:$0x1E080] =	vst v63  }
0x34: {  	_ =	swait.ge [sflag:s21], $0x3E80  }
0x35: {  	[sflag:s21] =	ssyncset.done $0x0  }
0x36: {  	s30 =	simm.s32 $0x1480;
	[sflag:s21] =	ssyncadd.s32 $0xFFFFC180  }
0x37: {  	[spmem:s1] =	stream.indirect.scatter.add.f32 [tilespmem:s19], [sflag:$0x4], $0x80, s30, s17, $0xb8;
	[tilespmem:$0x1E080] =	vst v63  }
0x38: {  	_ =	swait.ge [sflag:s15], $0x3E80  }
0x39: {  	s31 =	simm.s32 $0x800;
	s30 =	simm.s32 $0x100;
	[sflag:s15] =	ssyncset.done $0x0  }
.LBB2_3:
0x3a: {  	s0 =	sadd.s32 $0x80, s30  }
0x3b: {  	[sflag:s15] =	ssyncadd.s32 $0xFFFFC180;
	s2 =	smov.u32 s31;
	s11 =	sadd.s32 $0x400, s31  }
0x3c: {  	[tilespmem:s19], [sflag:$0x2] =	stream.indirect.gather [hbm4b:s4+s17], $0x80, s0, s17, $0xb8;
	[tilespmem:$0x1E080] =	vst v63  }
0x3d: {  	p1 =	sne.s32 s31, $0x4800;
	_ =	swait.ge [sflag:s20], $0x3E80  }
0x3e: {  	[sflag:s20] =	ssyncset.done $0x0  }
0x3f: {  	s0 =	sadd.s32 $0x1400, s30;
	[sflag:s20] =	ssyncadd.s32 $0xFFFFC180  }
0x40: {  	[spmem:s1] =	stream.indirect.scatter.add.f32 [tilespmem:s18], [sflag:$0x4], $0x80, s0, s17, $0xb8;
	[tilespmem:$0x1E080] =	vst v63  }
0x41: {  	_ =	swait.ge [sflag:s15], $0x3E80  }
0x42: {  	[sflag:s15] =	ssyncset.done $0x0  }
0x43: {  	s0 =	sadd.s32 $0x100, s30;
	[sflag:s15] =	ssyncadd.s32 $0xFFFFC180  }
0x44: {  	[tilespmem:s18], [sflag:$0x1] =	stream.indirect.gather [hbm4b:s4+s17], $0x80, s0, s17, $0xb8;
	[tilespmem:$0x1E080] =	vst v63  }
0x45: {  	_ =	swait.ge [sflag:s21], $0x3E80  }
.Ltmp0:
0x46: {  	[sflag:s21] =	ssyncset.done $0x0;
	(pc) =	sbr.rel @p1 .LBB2_3-.Ltmp0, $4  }
0x47: {  	s0 =	sadd.s32 $0x1480, s30;
	[sflag:s21] =	ssyncadd.s32 $0xFFFFC180  }
0x48: {  	[spmem:s1] =	stream.indirect.scatter.add.f32 [tilespmem:s19], [sflag:$0x4], $0x80, s0, s17, $0xb8;
	[tilespmem:$0x1E080] =	vst v63  }
0x49: {  	_ =	swait.ge [sflag:s15], $0x3E80  }
0x4a: {  	s31 =	smov.u32 s11;
	s30 =	sshra.s32 s2, $0x2;
	[sflag:s15] =	ssyncset.done $0x0  }
0x4b: {  	s0 =	sadd.s32 $0x80, s30;
	[sflag:s15] =	ssyncadd.s32 $0xFFFFC180  }
0x4c: {  	[tilespmem:s19], [sflag:$0x2] =	stream.indirect.gather [hbm4b:s4+s17], $0x80, s0, s17, $0xb8;
	[tilespmem:$0x1E080] =	vst v63  }
0x4d: {  	_ =	swait.ge [sflag:s20], $0x3E80  }
0x4e: {  	[sflag:s20] =	ssyncset.done $0x0  }
0x4f: {  	s31 =	sadd.s32 $0x1400, s30;
	[sflag:s20] =	ssyncadd.s32 $0xFFFFC180  }
0x50: {  	[spmem:s1] =	stream.indirect.scatter.add.f32 [tilespmem:s18], [sflag:$0x4], $0x80, s31, s17, $0xb8;
	[tilespmem:$0x1E080] =	vst v63  }
0x51: {  	_ =	swait.ge [sflag:s15], $0x3E80  }
0x52: {  	[sflag:s15] =	ssyncset.done $0x0  }
0x53: {  	s2 =	sadd.s32 $0x100, s30;
	[sflag:s15] =	ssyncadd.s32 $0xFFFFC180  }
0x54: {  	[tilespmem:s18], [sflag:$0x1] =	stream.indirect.gather [hbm4b:s4+s17], $0x80, s2, s17, $0xb8;
	[tilespmem:$0x1E080] =	vst v63  }
0x55: {  	_ =	swait.ge [sflag:s21], $0x3E80  }
0x56: {  	[sflag:s21] =	ssyncset.done $0x0  }
0x57: {  	s11 =	sadd.s32 $0x1480, s30;
	[sflag:s21] =	ssyncadd.s32 $0xFFFFC180  }
0x58: {  	[spmem:s1] =	stream.indirect.scatter.add.f32 [tilespmem:s19], [sflag:$0x4], $0x80, s11, s17, $0xb8;
	[tilespmem:$0x1E080] =	vst v63  }
0x59: {  	_ =	swait.ge [sflag:s15], $0x3E80  }
0x5a: {  	[sflag:s15] =	ssyncset.done $0x0  }
0x5b: {  	[sflag:s15] =	ssyncadd.s32 $0xFFFFC180  }
0x5c: {  	[tilespmem:s19], [sflag:$0x2] =	stream.indirect.gather [hbm4b:s4+s17], $0x80, s22, s17, $0xb8;
	[tilespmem:$0x1E080] =	vst v63  }
0x5d: {  	_ =	swait.ge [sflag:s20], $0x3E80  }
0x5e: {  	[sflag:s20] =	ssyncset.done $0x0  }
0x5f: {  	[sflag:s20] =	ssyncadd.s32 $0xFFFFC180  }
0x60: {  	[spmem:s1] =	stream.indirect.scatter.add.f32 [tilespmem:s18], [sflag:$0x4], $0x80, s23, s17, $0xb8;
	[tilespmem:$0x1E080] =	vst v63  }
0x61: {  	_ =	swait.ge [sflag:s15], $0x3E80  }
0x62: {  	[sflag:s15] =	ssyncset.done $0x0  }
0x63: {  	[sflag:s15] =	ssyncadd.s32 $0xFFFFC180  }
0x64: {  	_ =	swait.ge [sflag:s21], $0x3E80  }
0x65: {  	[sflag:s21] =	ssyncset.done $0x0  }
0x66: {  	[sflag:s21] =	ssyncadd.s32 $0xFFFFC180  }
0x67: {  	[spmem:s1] =	stream.indirect.scatter.add.f32 [tilespmem:s19], [sflag:$0x4], $0x80, s24, s17, $0xb8;
	[tilespmem:$0x1E080] =	vst v63  }
0x68: {  	_ =	swait.ge [sflag:s15], $0x3E80  }
0x69: {  	s31 =	sadd.s32 $0x280, s29;
	[sflag:s15] =	ssyncset.done $0x0  }
0x6a: {  	s2 =	sadd.s32 s6, s31;
	s11 =	simm.s32 $0x0;
	[sflag:s15] =	ssyncadd.s32 $0xFFFFC180  }
0x6b: {  	[tilespmem:s11], [sflag:$0x4] =	stream.linear.gather [hbm4b:s2+s11], $0x1400, $0x38;
	[tilespmem:$0x1E080] =	vst v63  }
0x6c: {  	_ =	swait.ge [sflag:s15], $0x1400  }
0x6d: {  	[sflag:s15] =	ssyncset.done $0x0  }
0x6e: {  	s0 =	sadd.s32 s7, s31;
	[sflag:s15] =	ssyncadd.s32 $0xFFFFEC00  }
0x6f: {  	[tilespmem:s16], [sflag:$0x4] =	stream.linear.gather [hbm4b:s0+s11], $0x1400, $0x38;
	[tilespmem:$0x1E080] =	vst v63  }
0x70: {  	_ =	swait.ge [sflag:s15], $0x1400  }
0x71: {  	[sflag:s15] =	ssyncset.done $0x0  }
0x72: {  	[sflag:s15] =	ssyncadd.s32 $0xFFFFEC00  }
0x73: {  	[tilespmem:s18], [sflag:$0x1] =	stream.indirect.gather [hbm4b:s4+s17], $0x80, s11, s17, $0xb8;
	[tilespmem:$0x1E080] =	vst v63  }
0x74: {  	s31 =	simm.s32 $0x80  }
0x75: {  	[tilespmem:s19], [sflag:$0x2] =	stream.indirect.gather [hbm4b:s4+s17], $0x80, s31, s17, $0xb8;
	[tilespmem:$0x1E080] =	vst v63  }
0x76: {  	_ =	swait.ge [sflag:s20], $0x3E80  }
0x77: {  	[sflag:s20] =	ssyncset.done $0x0  }
0x78: {  	s2 =	simm.s32 $0x1400;
	[sflag:s20] =	ssyncadd.s32 $0xFFFFC180  }
0x79: {  	[spmem:s1] =	stream.indirect.scatter.add.f32 [tilespmem:s18], [sflag:$0x4], $0x80, s2, s17, $0xb8;
	[tilespmem:$0x1E080] =	vst v63  }
0x7a: {  	_ =	swait.ge [sflag:s15], $0x3E80  }
0x7b: {  	[sflag:s15] =	ssyncset.done $0x0  }
0x7c: {  	s11 =	simm.s32 $0x100;
	[sflag:s15] =	ssyncadd.s32 $0xFFFFC180  }
0x7d: {  	[tilespmem:s18], [sflag:$0x1] =	stream.indirect.gather [hbm4b:s4+s17], $0x80, s11, s17, $0xb8;
	[tilespmem:$0x1E080] =	vst v63  }
0x7e: {  	_ =	swait.ge [sflag:s21], $0x3E80  }
0x7f: {  	[sflag:s21] =	ssyncset.done $0x0  }
0x80: {  	s31 =	simm.s32 $0x1480;
	[sflag:s21] =	ssyncadd.s32 $0xFFFFC180  }
0x81: {  	[spmem:s1] =	stream.indirect.scatter.add.f32 [tilespmem:s19], [sflag:$0x4], $0x80, s31, s17, $0xb8;
	[tilespmem:$0x1E080] =	vst v63  }
0x82: {  	_ =	swait.ge [sflag:s15], $0x3E80  }
0x83: {  	s30 =	simm.s32 $0x800;
	s29 =	simm.s32 $0x100;
	[sflag:s15] =	ssyncset.done $0x0  }
.LBB2_5:
0x84: {  	s0 =	sadd.s32 $0x80, s29  }
0x85: {  	[sflag:s15] =	ssyncadd.s32 $0xFFFFC180;
	s2 =	smov.u32 s30;
	s11 =	sadd.s32 $0x400, s30  }
0x86: {  	[tilespmem:s19], [sflag:$0x2] =	stream.indirect.gather [hbm4b:s4+s17], $0x80, s0, s17, $0xb8;
	[tilespmem:$0x1E080] =	vst v63  }
0x87: {  	p1 =	sne.s32 s30, $0x4800;
	_ =	swait.ge [sflag:s20], $0x3E80  }
0x88: {  	[sflag:s20] =	ssyncset.done $0x0  }
0x89: {  	s0 =	sadd.s32 $0x1400, s29;
	[sflag:s20] =	ssyncadd.s32 $0xFFFFC180  }
0x8a: {  	[spmem:s1] =	stream.indirect.scatter.add.f32 [tilespmem:s18], [sflag:$0x4], $0x80, s0, s17, $0xb8;
	[tilespmem:$0x1E080] =	vst v63  }
0x8b: {  	_ =	swait.ge [sflag:s15], $0x3E80  }
0x8c: {  	[sflag:s15] =	ssyncset.done $0x0  }
0x8d: {  	s0 =	sadd.s32 $0x100, s29;
	[sflag:s15] =	ssyncadd.s32 $0xFFFFC180  }
0x8e: {  	[tilespmem:s18], [sflag:$0x1] =	stream.indirect.gather [hbm4b:s4+s17], $0x80, s0, s17, $0xb8;
	[tilespmem:$0x1E080] =	vst v63  }
0x8f: {  	_ =	swait.ge [sflag:s21], $0x3E80  }
.Ltmp1:
0x90: {  	[sflag:s21] =	ssyncset.done $0x0;
	(pc) =	sbr.rel @p1 .LBB2_5-.Ltmp1, $4  }
0x91: {  	s0 =	sadd.s32 $0x1480, s29;
	[sflag:s21] =	ssyncadd.s32 $0xFFFFC180  }
0x92: {  	[spmem:s1] =	stream.indirect.scatter.add.f32 [tilespmem:s19], [sflag:$0x4], $0x80, s0, s17, $0xb8;
	[tilespmem:$0x1E080] =	vst v63  }
0x93: {  	_ =	swait.ge [sflag:s15], $0x3E80  }
0x94: {  	s30 =	smov.u32 s11;
	s29 =	sshra.s32 s2, $0x2;
	[sflag:s15] =	ssyncset.done $0x0  }
0x95: {  	s0 =	sadd.s32 $0x80, s29;
	[sflag:s15] =	ssyncadd.s32 $0xFFFFC180  }
0x96: {  	[tilespmem:s19], [sflag:$0x2] =	stream.indirect.gather [hbm4b:s4+s17], $0x80, s0, s17, $0xb8;
	[tilespmem:$0x1E080] =	vst v63  }
0x97: {  	_ =	swait.ge [sflag:s20], $0x3E80  }
0x98: {  	[sflag:s20] =	ssyncset.done $0x0  }
0x99: {  	s11 =	sadd.s32 $0x1400, s29;
	[sflag:s20] =	ssyncadd.s32 $0xFFFFC180  }
0x9a: {  	[spmem:s1] =	stream.indirect.scatter.add.f32 [tilespmem:s18], [sflag:$0x4], $0x80, s11, s17, $0xb8;
	[tilespmem:$0x1E080] =	vst v63  }
0x9b: {  	_ =	swait.ge [sflag:s15], $0x3E80  }
0x9c: {  	[sflag:s15] =	ssyncset.done $0x0  }
0x9d: {  	s30 =	sadd.s32 $0x100, s29;
	[sflag:s15] =	ssyncadd.s32 $0xFFFFC180  }
0x9e: {  	[tilespmem:s18], [sflag:$0x1] =	stream.indirect.gather [hbm4b:s4+s17], $0x80, s30, s17, $0xb8;
	[tilespmem:$0x1E080] =	vst v63  }
0x9f: {  	_ =	swait.ge [sflag:s21], $0x3E80  }
0xa0: {  	[sflag:s21] =	ssyncset.done $0x0  }
0xa1: {  	s31 =	sadd.s32 $0x1480, s29;
	[sflag:s21] =	ssyncadd.s32 $0xFFFFC180  }
0xa2: {  	[spmem:s1] =	stream.indirect.scatter.add.f32 [tilespmem:s19], [sflag:$0x4], $0x80, s31, s17, $0xb8;
	[tilespmem:$0x1E080] =	vst v63  }
0xa3: {  	_ =	swait.ge [sflag:s15], $0x3E80  }
0xa4: {  	[sflag:s15] =	ssyncset.done $0x0  }
0xa5: {  	[sflag:s15] =	ssyncadd.s32 $0xFFFFC180  }
0xa6: {  	[tilespmem:s19], [sflag:$0x2] =	stream.indirect.gather [hbm4b:s4+s17], $0x80, s22, s17, $0xb8;
	[tilespmem:$0x1E080] =	vst v63  }
0xa7: {  	_ =	swait.ge [sflag:s20], $0x3E80  }
0xa8: {  	[sflag:s20] =	ssyncset.done $0x0  }
0xa9: {  	[sflag:s20] =	ssyncadd.s32 $0xFFFFC180  }
0xaa: {  	[spmem:s1] =	stream.indirect.scatter.add.f32 [tilespmem:s18], [sflag:$0x4], $0x80, s23, s17, $0xb8;
	[tilespmem:$0x1E080] =	vst v63  }
0xab: {  	_ =	swait.ge [sflag:s15], $0x3E80  }
0xac: {  	[sflag:s15] =	ssyncset.done $0x0  }
0xad: {  	[sflag:s15] =	ssyncadd.s32 $0xFFFFC180  }
0xae: {  	_ =	swait.ge [sflag:s21], $0x3E80  }
0xaf: {  	[sflag:s21] =	ssyncset.done $0x0  }
0xb0: {  	[sflag:s21] =	ssyncadd.s32 $0xFFFFC180  }
0xb1: {  	[spmem:s1] =	stream.indirect.scatter.add.f32 [tilespmem:s19], [sflag:$0x4], $0x80, s24, s17, $0xb8;
	[tilespmem:$0x1E080] =	vst v63  }
0xb2: {  	_ =	swait.ge [sflag:s15], $0x3E80  }
0xb3: {  	[sflag:s15] =	ssyncset.done $0x0  }
0xb4: {  	s0 =	sadd.s32 @p0 s8, s26;
	[sflag:s15] =	ssyncadd.s32 $0xFFFFC180  }
0xb5: {  	s2 =	simm.s32 @p0 $0x1FC3;
	s0 =	sadd.s32 @p0 $0x24900, s0;
	[bflag:$0x0] =	sbarrier.arrive $0xFFFF  }
0xb6: {  	[hbm:s0], [sflag:s2] =	dma.local @p0 [spmem:s12], $0x2800  }
0xb7: {  	s0 =	simm.s32 @p0 $0x3  }
0xb8: {  	_ =	swait.ge @p0 [sflag:s0], $0x2800  }
0xb9: {  	s25 =	sadd.s32 $0x1, s25;
	[sflag:s0] =	ssyncset.done @p0 $0x0  }
0xba: {  	p1 =	sne.s32 s25, $0x5;
	[sflag:s0] =	ssyncadd.s32 @p0 $0xFFFFD800;
	s0 =	sadd.s32 @!p0 s8, s28  }
0xbb: {  	[hbm:s0], [sflag:s13] =	dma.local @!p0 [spmem:s14], $0x2700  }
.Ltmp2:
0xbc: {  	_ = 	snop;
	(pc) =	sbr.rel @p1 .LBB2_2-.Ltmp2, $4  }
0xbd: {  	s0 =	simm.s32 @!p0 $0x4  }
0xbe: {  	_ =	swait.ge @!p0 [sflag:s0], $0x2700  }
0xbf: {  	[sflag:s0] =	ssyncset.done @!p0 $0x0  }
0xc0: {  	[sflag:s0] =	ssyncadd.s32 @!p0 $0xFFFFD900  }
0xc1: {  	s3 =	sadd.s32 $0x1, s3;
	s0 =	rddreg [dreg:$0x3]  }
0xc2: {  	p1 =	sne.s32 s3, s0  }
.Ltmp3:
0xc3: {  	_ = 	snop;
	(pc) =	sbr.rel @p1 .LBB2_1-.Ltmp3, $1  }
0xc4: {  	_ =	sdelay $0x3  }
0xc5: {  	_ =	sfence.sel $0x180000  }
0xc6: {  	[bflag:$0x0] =	sbarrier.arrive $0xFFFF  }
0xc7: {  	_ =	strace $0x9000005C  }
0xc8: {  	s0 =	stileid.u32;
	[bflag:$0x2] =	sbarrier.arrive $0xFFFF  }
0xc9: {  	p0 =	sne.s32 s0, $0x0;
	s0 =	rddreg [dreg:$0x2]  }
0xca: {  	s0 =	sadd.s32 @!p0 $0x100000, s0  }
0xcb: {  	[sflag:s0] =	ssyncadd.tile.s32 @!p0 $0x1;
	_ =	shalt  }
.Lfunc_end2:
_tile_overlayer_lowered:
.L_overlay_start_2:
0xcc: {  	(tag) =	ssettag $0x2  }
0xcd: {  	s0 =	rddreg [dreg:$0x0];
	s2 =	stileid.u32  }
0xce: {  	s1 =	rddreg [dreg:$0x1];
	p0 =	sne.s32 s2, $0x0  }
0xcf: {  	s3 =	rddreg [dreg:$0x2];
	[bflag:$0x3] =	sbarrier.arrive $0xFFFF;
	s2 =	simm.s32 @!p0 $0x1C03  }
0xd0: {  	[timem:s3], [sflag:s2] =	dma.local @!p0 [hbm:s0], s1  }
0xd1: {  	s0 =	simm.s32 @!p0 $0x3  }
0xd2: {  	_ =	swait.ge @!p0 [sflag:s0], s1  }
0xd3: {  	s1 =	ssub.s32 @!p0 $0x0, s1;
	[sflag:s0] =	ssyncset.done @!p0 $0x0  }
0xd4: {  	[sflag:s0] =	ssyncadd.s32 @!p0 s1  }
0xd5: {  	[bflag:$0x3] =	sbarrier.arrive $0xFFFF  }
0xd6: {  	_ =	shalt  }

// kernel: branch_1_fun.6.cloned.1.call-start
scs
__scs_entry_jumppad:
0x0: {  	(pc) =	sbr.rel $0x88, $3  }
0x1: {  	(tag) =	ssettag $0x0;
	lr =	simm.s32 $0x1  }
0x2: {  	[smem:$0x3F94] =	sst lr;
	_ =	strace $0xD0000000  }
0x3: {  	_ = 	snop  }
0x4: {  	_ = 	snop  }
0x5: {  	_ = 	snop  }
0x6: {  	_ = 	snop  }
0x7: {  	_ = 	snop  }
__scs_overlays_trampoline_lowered:
0x8: {  	[smem:$0x3FA3] =	sst s0  }
0x9: {  	[smem:$0x3FA4] =	sst s1  }
0xa: {  	[smem:$0x3FA5] =	sst s2  }
0xb: {  	[smem:$0x3FA6] =	sst s3  }
0xc: {  	[smem:$0x3FA7] =	sst s4  }
0xd: {  	[smem:$0x3FA8] =	sst s5  }
0xe: {  	[smem:$0x3FA9] =	sst s6  }
0xf: {  	[smem:$0x3FAA] =	sst s7  }
0x10: {  	[smem:$0x3FAB] =	sst s8  }
0x11: {  	[smem:$0x3FAC] =	sst s9;
	s0 =	simm.s32 @!p0 $0x0  }
0x12: {  	s1 =	sld [smem:$0x3F92];
	s0 =	simm.s32 @p0 $0x1  }
0x13: {  	[smem:$0x3FAD] =	sst s0;
	s0 =	simm.s32 @!p1 $0x0  }
0x14: {  	s2 =	sld [smem:$0x3F91];
	s0 =	simm.s32 @p1 $0x1  }
0x15: {  	[smem:$0x3FAE] =	sst s0;
	s0 =	simm.s32 @!p2 $0x0  }
0x16: {  	s3 =	sld [smem:$0x3FDB];
	s0 =	simm.s32 @p2 $0x1  }
0x17: {  	s4 =	simm.s32 $0x1BF5;
	[smem:$0x3FB0] =	sst s0  }
0x18: {  	s0 =	sld [smem:$0x3F93];
	_ =	swait.ge [sflag:s4], $0x0  }
0x19: {  	s7 =	sld [smem:$0x3F94]  }
0x1a: {  	s8 =	sadd.s32 $0xFFFFE003, lr  }
0x1b: {  	s9 =	sadd.s32 $0xFFFFFEF7, lr;
	s5 =	simm.s32 $0xFFFFFFFF;
	p2 =	slt.u32 s8, $0xFFFFF086  }
0x1c: {  	p1 =	slt.u32 s9, $0xF7A;
	s5 =	simm.s32 @!p2 $0x0  }
0x1d: {  	s5 =	simm.s32 @p1 $0x1;
	p0 =	seq.s32 s7, s2  }
0x1e: {  	s7 =	smul.u32 @!p0 $0xF7A, s2;
	p2 =	seq.s32 @!p0 s5, $0x0  }
0x1f: {  	s9 =	smul.u32 $0xF7A, s1;
	s8 =	simm.s32 @!p0 $0x1BF5;
	p2 =	por !p2, p0  }
0x20: {  	[sflag:s8] =	ssyncset.s32 @!p0 $0xFFFFF086;
	s6 =	sadd.s32 @!p0 s3, s7;
	s7 =	simm.s32 @!p0 $0x108  }
0x21: {  	s3 =	sadd.s32 s3, s9;
	s6 =	sadd.s32 @!p0 $0x88, s6;
	s7 =	simm.s32 @p2 $0x1082  }
0x22: {  	[simem:s7], [sflag:s8] =	dma.local @!p0 [hbm:s6], $0xF7A  }
0x23: {  	s9 =	sor.u32 $0xD0000000, s2;
	s6 =	simm.s32 $0x108;
	_ =	swait.ge @!p0 [sflag:s8], $0x0  }
0x24: {  	s3 =	sadd.s32 $0x88, s3;
	s6 =	simm.s32 @!p1 $0x1082;
	[sflag:s4] =	ssyncset.s32 $0xFFFFF086  }
0x25: {  	[simem:s6], [sflag:s4] =	dma.local [hbm:s3], $0xF7A  }
0x26: {  	[smem:$0x3F94] =	sst s1;
	(tag) =	ssettag s2;
	_ =	strace s9  }
0x27: {  	s1 =	sld [smem:$0x3FA4]  }
0x28: {  	s2 =	sld [smem:$0x3FA5]  }
0x29: {  	s4 =	sld [smem:$0x3FA7]  }
0x2a: {  	p0 =	seq.s32 s5, $0x0;
	s5 =	sld [smem:$0x3FA8]  }
0x2b: {  	s6 =	sld [smem:$0x3FA9]  }
0x2c: {  	s7 =	sld [smem:$0x3FAA]  }
0x2d: {  	s3 =	simm.s32 $0x108;
	s8 =	sld [smem:$0x3FAB]  }
0x2e: {  	s3 =	simm.s32 @!p0 $0x1082;
	s9 =	sld [smem:$0x3FAC]  }
0x2f: {  	lr =	sadd.s32 s0, s3;
	s0 =	sld [smem:$0x3FA3]  }
0x30: {  	s3 =	sld [smem:$0x3FA6]  }
0x31: {  	[smem:$0x3FAF] =	sst s10  }
0x32: {  	s10 =	sld [smem:$0x3FAD];
	_ =	sdelay $0x3  }
0x33: {  	p0 =	seq.s32 s10, $0x1;
	s10 =	sld [smem:$0x3FAF];
	_ =	sdelay $0x3  }
0x34: {  	[smem:$0x3FAF] =	sst s10  }
0x35: {  	s10 =	sld [smem:$0x3FAE];
	_ =	sdelay $0x3  }
0x36: {  	p1 =	seq.s32 s10, $0x1;
	s10 =	sld [smem:$0x3FAF];
	_ =	sdelay $0x3  }
0x37: {  	[smem:$0x3FAF] =	sst s10  }
0x38: {  	s10 =	sld [smem:$0x3FB0]  }
0x39: {  	_ = 	snop;
	(pc) =	sbr.ind lr, $3  }
0x3a: {  	_ = 	snop  }
0x3b: {  	_ = 	snop  }
0x3c: {  	p2 =	seq.s32 s10, $0x1;
	s10 =	sld [smem:$0x3FAF]  }
0x3d: {  	_ =	shalt  }
0x3e: {  	_ =	shalt  }
0x3f: {  	_ =	shalt  }
0x40: {  	_ =	shalt  }
0x41: {  	_ =	shalt  }
0x42: {  	_ =	shalt  }
0x43: {  	_ =	shalt  }
0x44: {  	_ =	shalt  }
0x45: {  	_ =	shalt  }
0x46: {  	_ =	shalt  }
0x47: {  	_ =	shalt  }
0x48: {  	_ =	shalt  }
0x49: {  	_ =	shalt  }
0x4a: {  	_ =	shalt  }
0x4b: {  	_ =	shalt  }
0x4c: {  	_ =	shalt  }
0x4d: {  	_ =	shalt  }
0x4e: {  	_ =	shalt  }
0x4f: {  	_ =	shalt  }
0x50: {  	_ =	shalt  }
0x51: {  	_ =	shalt  }
0x52: {  	_ =	shalt  }
0x53: {  	_ =	shalt  }
0x54: {  	_ =	shalt  }
0x55: {  	_ =	shalt  }
0x56: {  	_ =	shalt  }
0x57: {  	_ =	shalt  }
0x58: {  	_ =	shalt  }
0x59: {  	_ =	shalt  }
0x5a: {  	_ =	shalt  }
0x5b: {  	_ =	shalt  }
0x5c: {  	_ =	shalt  }
0x5d: {  	_ =	shalt  }
0x5e: {  	_ =	shalt  }
0x5f: {  	_ =	shalt  }
0x60: {  	_ =	shalt  }
0x61: {  	_ =	shalt  }
0x62: {  	_ =	shalt  }
0x63: {  	_ =	shalt  }
0x64: {  	_ =	shalt  }
0x65: {  	_ =	shalt  }
0x66: {  	_ =	shalt  }
0x67: {  	_ =	shalt  }
0x68: {  	_ =	shalt  }
0x69: {  	_ =	shalt  }
0x6a: {  	_ =	shalt  }
0x6b: {  	_ =	shalt  }
0x6c: {  	_ =	shalt  }
0x6d: {  	_ =	shalt  }
0x6e: {  	_ =	shalt  }
0x6f: {  	_ =	shalt  }
0x70: {  	_ =	shalt  }
0x71: {  	_ =	shalt  }
0x72: {  	_ =	shalt  }
0x73: {  	_ =	shalt  }
0x74: {  	_ =	shalt  }
0x75: {  	_ =	shalt  }
0x76: {  	_ =	shalt  }
0x77: {  	_ =	shalt  }
0x78: {  	_ =	shalt  }
0x79: {  	_ =	shalt  }
0x7a: {  	_ =	shalt  }
0x7b: {  	_ =	shalt  }
0x7c: {  	_ =	shalt  }
0x7d: {  	_ =	shalt  }
0x7e: {  	_ =	shalt  }
0x7f: {  	_ =	shalt  }
0x80: {  	_ =	shalt  }
0x81: {  	_ =	shalt  }
0x82: {  	_ =	shalt  }
0x83: {  	_ =	shalt  }
0x84: {  	_ =	shalt  }
0x85: {  	_ =	shalt  }
0x86: {  	_ =	shalt  }
0x87: {  	_ =	shalt  }
.Lfunc_end0:
.L_simem_size_0:
called_computation.1_lowered:
.L_overlay_start_0:
0x88: {  	s2 =	sld [smem:$0x3FD9]  }
0x89: {  	s3 =	sld [smem:$0x3FFE];
	_ =	sdelay $0x1  }
0x8a: {  	s1 =	srdreg.scid  }
0x8b: {  	s0 =	sand.u32 $0x1, s1  }
0x8c: {  	s16 =	sshll.u32 s0, $0xA;
	s2 =	sadd.s32 s3, s2  }
0x8d: {  	s2 =	sadd.s32 s2, s16  }
0x8e: {  	[smem:$0x3FBB] =	sst s2  }
0x8f: {  	_ = 	snop  }
0x90: {  	(tm) =	ssettm $0x1  }
0x91: {  	s17 =	sld [smem:$0x3FFB];
	_ =	sdelay $0x3  }
0x92: {  	_ =	strace s17  }
0x93: {  	s2 =	sld [smem:$0x3FFC];
	_ =	sdelay $0x3  }
0x94: {  	_ =	strace s2  }
0x95: {  	s2 =	sld [smem:$0x3FFD];
	_ =	sdelay $0x3  }
0x96: {  	_ =	strace s2  }
0x97: {  	_ =	strace $0x8FFFFFFF  }
0x98: {  	s18 =	sld [smem:$0x3FDB];
	_ =	sdelay $0x1  }
0x99: {  	s19 =	simm.s32 $_scs_section_size  }
0x9a: {  	s4 =	simm.s32 $_size__tile_overlayer_lowered;
	s5 =	simm.s32 $_tile_overlayer_lowered  }
0x9b: {  	s22 =	simm.s32 $0x1BFF;
	s21 =	sshll.u32 s5, $0x1;
	s2 =	sadd.s32 s19, s18  }
0x9c: {  	s6 =	simm.s32 $0x0;
	s20 =	sshll.u32 s4, $0x1;
	s4 =	sadd.s32 s21, s2  }
0x9d: {  	[timem:s6], [sflag:s22] =	dma.local [hbm:s4], s20  }
0x9e: {  	_ =	swait.ge [sflag:s22], s20  }
0x9f: {  	s3 =	ssub.s32 $0x0, s20;
	[sflag:s22] =	ssyncset.done $0x0  }
0xa0: {  	[sflag:s22] =	ssyncadd.s32 s3;
	_ =	sdelay $0x1  }
0xa1: {  	s23 =	simm.s32 $0x1B8B  }
0xa2: {  	_ =	swait.ge [sflag:s23], $0x1  }
0xa3: {  	[sflag:s23] =	ssyncset.done $0x0  }
0xa4: {  	s25 =	simm.s32 $0x1B8E;
	s24 =	sld [smem:$0x3FFE];
	[sflag:s23] =	ssyncadd.s32 $0xFFFFFFFF  }
0xa5: {  	s26 =	simm.s32 $execute0_lowered;
	[smem:$0x3FD2] =	sst s25  }
0xa6: {  	s4 =	sshll.u32 s26, $0x1;
	_ =	strace $0x80000049;
	[dreg:$0x1] =	wrdreg $0xFFFFFFFF  }
0xa7: {  	s28 =	simm.s32 $_size_execute0_lowered;
	s2 =	sadd.s32 s2, s4;
	[dreg:$0x0] =	wrdreg $0x0  }
0xa8: {  	s4 =	sshll.u32 s28, $0x1;
	[dreg:$0x2] =	wrdreg s2  }
0xa9: {  	[dreg:$0x3] =	wrdreg s4  }
0xaa: {  	[dreg:$0x4] =	wrdreg $0xC0  }
0xab: {  	_ =	task [dreg:s6], $0x5FFFF  }
0xac: {  	[dreg:$0x1] =	wrdreg $0xFFFFFFFF  }
0xad: {  	[dreg:$0x0] =	wrdreg $0x60  }
0xae: {  	[dreg:$0x2] =	wrdreg s24  }
0xaf: {  	[dreg:$0x3] =	wrdreg $0xA8000  }
0xb0: {  	[dreg:$0x4] =	wrdreg $0x9  }
0xb1: {  	_ =	task.clear_ibuf [dreg:s6], $0x5FFFF;
	_ =	strace $0x90000049  }
0xb2: {  	s29 =	simm.s32 $0x9;
	_ =	strace $0x8000004B  }
0xb3: {  	_ =	swait.ge [sflag:s29], $0x1  }
0xb4: {  	[sflag:s29] =	ssyncadd.s32 $0xFFFFFFFF  }
0xb5: {  	_ =	strace $0x9000004B  }
0xb6: {  	_ =	sfence  }
0xb7: {  	s30 =	sld [smem:$0x0];
	_ =	sdelay $0x2  }
0xb8: {  	s31 =	sshll.u32 s1, $0xD;
	s1 =	sshrl.u32 s1, $0x2  }
0xb9: {  	s3 =	sand.u32 $0x4000, s31;
	s1 =	sadd.s32 s1, s30  }
0xba: {  	s0 =	sor.u32 s3, s0;
	s1 =	sshll.u32 s1, $0x11  }
0xbb: {  	s0 =	sor.u32 s1, s0  }
0xbc: {  	s0 =	sadd.s32 $0x8F2B, s0  }
0xbd: {  	[sflag:s0] =	ssyncadd.remote.s32 $0x1  }
0xbe: {  	_ =	sfence.sel $0xFFFF  }
0xbf: {  	[dreg:$0x0] =	wrdreg $0xFFFFFFFF;
	(pc) =	sbr.abs _section_cstart, $3  }
0xc0: {  	[dreg:$0x1] =	wrdreg $0xFFFFFFFF  }
0xc1: {  	_ =	task.clear_ibuf [dreg:s6], $0x2FFFF;
	_ =	strace $0x9FFFFFFF  }
0xc2: {  	(tm) =	ssettm $0x7FFFFFFF  }
0xc3: {  	_ =	shalt  }
tec
execute0_lowered:
.L_overlay_start_1:
0x0: {  	(tag) =	ssettag $0x1  }
0x1: {  	s8 =	rddreg [dreg:$0x0]  }
0x2: {  	s1 =	rddreg [dreg:$0x1]  }
0x3: {  	s3 =	simm.s32 $0x0;
	s5 =	srdreg.scid;
	s0 =	stileid.u32  }
0x4: {  	s15 =	simm.s32 $0x4;
	s16 =	simm.s32 $0x1400;
	s17 =	simm.s32 $0x7D  }
0x5: {  	s18 =	simm.s32 $0x2800;
	s19 =	simm.s32 $0x6800;
	s20 =	simm.s32 $0x1  }
0x6: {  	s21 =	simm.s32 $0x2;
	s22 =	simm.s32 $0x1380;
	s23 =	simm.s32 $0x2700  }
0x7: {  	s24 =	simm.s32 $0x2780;
	[smem:$0x7FF] =	sst s3;
	s4 =	sadd.s32 $0x195200, s8  }
0x8: {  	s9 =	smul.u32 $0x4E000, s0;
	s6 =	sadd.s32 $0xFB400, s8;
	s7 =	sadd.s32 $0x12D400, s8  }
0x9: {  	s5 =	sand.u32 $0x1, s5;
	s8 =	sadd.s32 $0x31BC00, s8;
	s12 =	sadd.s32 $0x124800, s1  }
0xa: {  	p0 =	seq.s32 s0, $0xF;
	_ =	strace $0x8000004A;
	s10 =	ssub.s32 $0x2, s5  }
0xb: {  	s12 =	sshrl.u32 @p0 s12, $0x3;
	s13 =	sshll.u32 @!p0 s0, $0x6;
	s11 =	sshrl.u32 s10, $0x1  }
0xc: {  	s9 =	sshrl.u32 s9, $0x2;
	s13 =	sor.u32 @!p0 $0x1C04, s13;
	s11 =	ssub.s32 s10, s11  }
0xd: {  	s14 =	sadd.s32 s9, s1;
	s9 =	smul.u32 $0x270, s0;
	s2 =	smax.u32 s11, $0x1  }
0xe: {  	s10 =	smul.u32 $0x50, s0;
	s14 =	sshrl.u32 @!p0 s14, $0x3;
	[dreg:$0x3] =	wrdreg s2  }
.LBB2_1:
0xf: {  	s25 =	simm.s32 $0x0  }
.LBB2_2:
0x10: {  	s26 =	sshll.u32 s25, $0x1  }
0x11: {  	s29 =	sor.u32 s5, s26  }
0x12: {  	s26 =	smul.u32 @p0 $0x138800, s29;
	_ =	sdelay $0x1  }
0x13: {  	s26 =	sshrl.u32 @p0 s26, $0x3  }
0x14: {  	s28 =	sadd.s32 @p0 s4, s26  }
0x15: {  	s31 =	simm.s32 @p0 $0x1FC4;
	s30 =	smul.u32 $0x2710, s29;
	s28 =	sadd.s32 @p0 $0x24900, s28  }
0x16: {  	[spmem:s12], [sflag:s31] =	dma.local @p0 [hbm:s28], $0x2800  }
0x17: {  	s31 =	simm.s32 @p0 $0x4  }
0x18: {  	s28 =	sadd.s32 @!p0 s9, s30;
	_ =	swait.ge @p0 [sflag:s31], $0x2800  }
0x19: {  	s28 =	sshll.u32 @!p0 s28, $0x4;
	[sflag:s31] =	ssyncset.done @p0 $0x0  }
0x1a: {  	s30 =	sadd.s32 @!p0 s4, s28;
	[sflag:s31] =	ssyncadd.s32 @p0 $0xFFFFD800  }
0x1b: {  	[spmem:s14], [sflag:s13] =	dma.local @!p0 [hbm:s30], $0x2700  }
0x1c: {  	s29 =	smul.u32 $0x500, s29;
	s30 =	simm.s32 @!p0 $0x4  }
0x1d: {  	_ =	swait.ge @!p0 [sflag:s30], $0x2700  }
0x1e: {  	s29 =	sadd.s32 s10, s29;
	[sflag:s30] =	ssyncset.done @!p0 $0x0  }
0x1f: {  	s29 =	sshll.u32 s29, $0x4;
	[sflag:s30] =	ssyncadd.s32 @!p0 $0xFFFFD900  }
0x20: {  	s31 =	simm.s32 $0x0;
	s30 =	sadd.s32 s6, s29;
	[bflag:$0x0] =	sbarrier.arrive $0xFFFF  }
0x21: {  	[tilespmem:s31], [sflag:$0x4] =	stream.linear.gather [hbm4b:s30+s31], $0x1400, $0x38;
	[tilespmem:$0x1E080] =	vst v63  }
0x22: {  	_ =	swait.ge [sflag:s15], $0x1400  }
0x23: {  	[sflag:s15] =	ssyncset.done $0x0  }
0x24: {  	s30 =	sadd.s32 s7, s29;
	[sflag:s15] =	ssyncadd.s32 $0xFFFFEC00  }
0x25: {  	[tilespmem:s16], [sflag:$0x4] =	stream.linear.gather [hbm4b:s30+s31], $0x1400, $0x38;
	[tilespmem:$0x1E080] =	vst v63  }
0x26: {  	_ =	swait.ge [sflag:s15], $0x1400  }
0x27: {  	[sflag:s15] =	ssyncset.done $0x0  }
0x28: {  	[sflag:s15] =	ssyncadd.s32 $0xFFFFEC00  }
0x29: {  	[tilespmem:s18], [sflag:$0x1] =	stream.indirect.gather [hbm4b:s4+s17], $0x80, s31, s17, $0xb8;
	[tilespmem:$0x1E080] =	vst v63  }
0x2a: {  	s30 =	simm.s32 $0x80  }
0x2b: {  	[tilespmem:s19], [sflag:$0x2] =	stream.indirect.gather [hbm4b:s4+s17], $0x80, s30, s17, $0xb8;
	[tilespmem:$0x1E080] =	vst v63  }
0x2c: {  	_ =	swait.ge [sflag:s20], $0x3E80  }
0x2d: {  	[sflag:s20] =	ssyncset.done $0x0  }
0x2e: {  	s30 =	simm.s32 $0x1400;
	[sflag:s20] =	ssyncadd.s32 $0xFFFFC180  }
0x2f: {  	[spmem:s1] =	stream.indirect.scatter.add.f32 [tilespmem:s18], [sflag:$0x4], $0x80, s30, s17, $0xb8;
	[tilespmem:$0x1E080] =	vst v63  }
0x30: {  	_ =	swait.ge [sflag:s15], $0x3E80  }
0x31: {  	[sflag:s15] =	ssyncset.done $0x0  }
0x32: {  	s30 =	simm.s32 $0x100;
	[sflag:s15] =	ssyncadd.s32 $0xFFFFC180  }
0x33: {  	[tilespmem:s18], [sflag:$0x1] =	stream.indirect.gather [hbm4b:s4+s17], $0x80, s30, s17, $0xb8;
	[tilespmem:$0x1E080] =	vst v63  }
0x34: {  	_ =	swait.ge [sflag:s21], $0x3E80  }
0x35: {  	[sflag:s21] =	ssyncset.done $0x0  }
0x36: {  	s30 =	simm.s32 $0x1480;
	[sflag:s21] =	ssyncadd.s32 $0xFFFFC180  }
0x37: {  	[spmem:s1] =	stream.indirect.scatter.add.f32 [tilespmem:s19], [sflag:$0x4], $0x80, s30, s17, $0xb8;
	[tilespmem:$0x1E080] =	vst v63  }
0x38: {  	_ =	swait.ge [sflag:s15], $0x3E80  }
0x39: {  	s31 =	simm.s32 $0x800;
	s30 =	simm.s32 $0x100;
	[sflag:s15] =	ssyncset.done $0x0  }
.LBB2_3:
0x3a: {  	s0 =	sadd.s32 $0x80, s30  }
0x3b: {  	[sflag:s15] =	ssyncadd.s32 $0xFFFFC180;
	s2 =	smov.u32 s31;
	s11 =	sadd.s32 $0x400, s31  }
0x3c: {  	[tilespmem:s19], [sflag:$0x2] =	stream.indirect.gather [hbm4b:s4+s17], $0x80, s0, s17, $0xb8;
	[tilespmem:$0x1E080] =	vst v63  }
0x3d: {  	p1 =	sne.s32 s31, $0x4800;
	_ =	swait.ge [sflag:s20], $0x3E80  }
0x3e: {  	[sflag:s20] =	ssyncset.done $0x0  }
0x3f: {  	s0 =	sadd.s32 $0x1400, s30;
	[sflag:s20] =	ssyncadd.s32 $0xFFFFC180  }
0x40: {  	[spmem:s1] =	stream.indirect.scatter.add.f32 [tilespmem:s18], [sflag:$0x4], $0x80, s0, s17, $0xb8;
	[tilespmem:$0x1E080] =	vst v63  }
0x41: {  	_ =	swait.ge [sflag:s15], $0x3E80  }
0x42: {  	[sflag:s15] =	ssyncset.done $0x0  }
0x43: {  	s0 =	sadd.s32 $0x100, s30;
	[sflag:s15] =	ssyncadd.s32 $0xFFFFC180  }
0x44: {  	[tilespmem:s18], [sflag:$0x1] =	stream.indirect.gather [hbm4b:s4+s17], $0x80, s0, s17, $0xb8;
	[tilespmem:$0x1E080] =	vst v63  }
0x45: {  	_ =	swait.ge [sflag:s21], $0x3E80  }
.Ltmp0:
0x46: {  	[sflag:s21] =	ssyncset.done $0x0;
	(pc) =	sbr.rel @p1 .LBB2_3-.Ltmp0, $4  }
0x47: {  	s0 =	sadd.s32 $0x1480, s30;
	[sflag:s21] =	ssyncadd.s32 $0xFFFFC180  }
0x48: {  	[spmem:s1] =	stream.indirect.scatter.add.f32 [tilespmem:s19], [sflag:$0x4], $0x80, s0, s17, $0xb8;
	[tilespmem:$0x1E080] =	vst v63  }
0x49: {  	_ =	swait.ge [sflag:s15], $0x3E80  }
0x4a: {  	s31 =	smov.u32 s11;
	s30 =	sshra.s32 s2, $0x2;
	[sflag:s15] =	ssyncset.done $0x0  }
0x4b: {  	s0 =	sadd.s32 $0x80, s30;
	[sflag:s15] =	ssyncadd.s32 $0xFFFFC180  }
0x4c: {  	[tilespmem:s19], [sflag:$0x2] =	stream.indirect.gather [hbm4b:s4+s17], $0x80, s0, s17, $0xb8;
	[tilespmem:$0x1E080] =	vst v63  }
0x4d: {  	_ =	swait.ge [sflag:s20], $0x3E80  }
0x4e: {  	[sflag:s20] =	ssyncset.done $0x0  }
0x4f: {  	s31 =	sadd.s32 $0x1400, s30;
	[sflag:s20] =	ssyncadd.s32 $0xFFFFC180  }
0x50: {  	[spmem:s1] =	stream.indirect.scatter.add.f32 [tilespmem:s18], [sflag:$0x4], $0x80, s31, s17, $0xb8;
	[tilespmem:$0x1E080] =	vst v63  }
0x51: {  	_ =	swait.ge [sflag:s15], $0x3E80  }
0x52: {  	[sflag:s15] =	ssyncset.done $0x0  }
0x53: {  	s2 =	sadd.s32 $0x100, s30;
	[sflag:s15] =	ssyncadd.s32 $0xFFFFC180  }
0x54: {  	[tilespmem:s18], [sflag:$0x1] =	stream.indirect.gather [hbm4b:s4+s17], $0x80, s2, s17, $0xb8;
	[tilespmem:$0x1E080] =	vst v63  }
0x55: {  	_ =	swait.ge [sflag:s21], $0x3E80  }
0x56: {  	[sflag:s21] =	ssyncset.done $0x0  }
0x57: {  	s11 =	sadd.s32 $0x1480, s30;
	[sflag:s21] =	ssyncadd.s32 $0xFFFFC180  }
0x58: {  	[spmem:s1] =	stream.indirect.scatter.add.f32 [tilespmem:s19], [sflag:$0x4], $0x80, s11, s17, $0xb8;
	[tilespmem:$0x1E080] =	vst v63  }
0x59: {  	_ =	swait.ge [sflag:s15], $0x3E80  }
0x5a: {  	[sflag:s15] =	ssyncset.done $0x0  }
0x5b: {  	[sflag:s15] =	ssyncadd.s32 $0xFFFFC180  }
0x5c: {  	[tilespmem:s19], [sflag:$0x2] =	stream.indirect.gather [hbm4b:s4+s17], $0x80, s22, s17, $0xb8;
	[tilespmem:$0x1E080] =	vst v63  }
0x5d: {  	_ =	swait.ge [sflag:s20], $0x3E80  }
0x5e: {  	[sflag:s20] =	ssyncset.done $0x0  }
0x5f: {  	[sflag:s20] =	ssyncadd.s32 $0xFFFFC180  }
0x60: {  	[spmem:s1] =	stream.indirect.scatter.add.f32 [tilespmem:s18], [sflag:$0x4], $0x80, s23, s17, $0xb8;
	[tilespmem:$0x1E080] =	vst v63  }
0x61: {  	_ =	swait.ge [sflag:s15], $0x3E80  }
0x62: {  	[sflag:s15] =	ssyncset.done $0x0  }
0x63: {  	[sflag:s15] =	ssyncadd.s32 $0xFFFFC180  }
0x64: {  	_ =	swait.ge [sflag:s21], $0x3E80  }
0x65: {  	[sflag:s21] =	ssyncset.done $0x0  }
0x66: {  	[sflag:s21] =	ssyncadd.s32 $0xFFFFC180  }
0x67: {  	[spmem:s1] =	stream.indirect.scatter.add.f32 [tilespmem:s19], [sflag:$0x4], $0x80, s24, s17, $0xb8;
	[tilespmem:$0x1E080] =	vst v63  }
0x68: {  	_ =	swait.ge [sflag:s15], $0x3E80  }
0x69: {  	s31 =	sadd.s32 $0x280, s29;
	[sflag:s15] =	ssyncset.done $0x0  }
0x6a: {  	s2 =	sadd.s32 s6, s31;
	s11 =	simm.s32 $0x0;
	[sflag:s15] =	ssyncadd.s32 $0xFFFFC180  }
0x6b: {  	[tilespmem:s11], [sflag:$0x4] =	stream.linear.gather [hbm4b:s2+s11], $0x1400, $0x38;
	[tilespmem:$0x1E080] =	vst v63  }
0x6c: {  	_ =	swait.ge [sflag:s15], $0x1400  }
0x6d: {  	[sflag:s15] =	ssyncset.done $0x0  }
0x6e: {  	s0 =	sadd.s32 s7, s31;
	[sflag:s15] =	ssyncadd.s32 $0xFFFFEC00  }
0x6f: {  	[tilespmem:s16], [sflag:$0x4] =	stream.linear.gather [hbm4b:s0+s11], $0x1400, $0x38;
	[tilespmem:$0x1E080] =	vst v63  }
0x70: {  	_ =	swait.ge [sflag:s15], $0x1400  }
0x71: {  	[sflag:s15] =	ssyncset.done $0x0  }
0x72: {  	[sflag:s15] =	ssyncadd.s32 $0xFFFFEC00  }
0x73: {  	[tilespmem:s18], [sflag:$0x1] =	stream.indirect.gather [hbm4b:s4+s17], $0x80, s11, s17, $0xb8;
	[tilespmem:$0x1E080] =	vst v63  }
0x74: {  	s31 =	simm.s32 $0x80  }
0x75: {  	[tilespmem:s19], [sflag:$0x2] =	stream.indirect.gather [hbm4b:s4+s17], $0x80, s31, s17, $0xb8;
	[tilespmem:$0x1E080] =	vst v63  }
0x76: {  	_ =	swait.ge [sflag:s20], $0x3E80  }
0x77: {  	[sflag:s20] =	ssyncset.done $0x0  }
0x78: {  	s2 =	simm.s32 $0x1400;
	[sflag:s20] =	ssyncadd.s32 $0xFFFFC180  }
0x79: {  	[spmem:s1] =	stream.indirect.scatter.add.f32 [tilespmem:s18], [sflag:$0x4], $0x80, s2, s17, $0xb8;
	[tilespmem:$0x1E080] =	vst v63  }
0x7a: {  	_ =	swait.ge [sflag:s15], $0x3E80  }
0x7b: {  	[sflag:s15] =	ssyncset.done $0x0  }
0x7c: {  	s11 =	simm.s32 $0x100;
	[sflag:s15] =	ssyncadd.s32 $0xFFFFC180  }
0x7d: {  	[tilespmem:s18], [sflag:$0x1] =	stream.indirect.gather [hbm4b:s4+s17], $0x80, s11, s17, $0xb8;
	[tilespmem:$0x1E080] =	vst v63  }
0x7e: {  	_ =	swait.ge [sflag:s21], $0x3E80  }
0x7f: {  	[sflag:s21] =	ssyncset.done $0x0  }
0x80: {  	s31 =	simm.s32 $0x1480;
	[sflag:s21] =	ssyncadd.s32 $0xFFFFC180  }
0x81: {  	[spmem:s1] =	stream.indirect.scatter.add.f32 [tilespmem:s19], [sflag:$0x4], $0x80, s31, s17, $0xb8;
	[tilespmem:$0x1E080] =	vst v63  }
0x82: {  	_ =	swait.ge [sflag:s15], $0x3E80  }
0x83: {  	s30 =	simm.s32 $0x800;
	s29 =	simm.s32 $0x100;
	[sflag:s15] =	ssyncset.done $0x0  }
.LBB2_5:
0x84: {  	s0 =	sadd.s32 $0x80, s29  }
0x85: {  	[sflag:s15] =	ssyncadd.s32 $0xFFFFC180;
	s2 =	smov.u32 s30;
	s11 =	sadd.s32 $0x400, s30  }
0x86: {  	[tilespmem:s19], [sflag:$0x2] =	stream.indirect.gather [hbm4b:s4+s17], $0x80, s0, s17, $0xb8;
	[tilespmem:$0x1E080] =	vst v63  }
0x87: {  	p1 =	sne.s32 s30, $0x4800;
	_ =	swait.ge [sflag:s20], $0x3E80  }
0x88: {  	[sflag:s20] =	ssyncset.done $0x0  }
0x89: {  	s0 =	sadd.s32 $0x1400, s29;
	[sflag:s20] =	ssyncadd.s32 $0xFFFFC180  }
0x8a: {  	[spmem:s1] =	stream.indirect.scatter.add.f32 [tilespmem:s18], [sflag:$0x4], $0x80, s0, s17, $0xb8;
	[tilespmem:$0x1E080] =	vst v63  }
0x8b: {  	_ =	swait.ge [sflag:s15], $0x3E80  }
0x8c: {  	[sflag:s15] =	ssyncset.done $0x0  }
0x8d: {  	s0 =	sadd.s32 $0x100, s29;
	[sflag:s15] =	ssyncadd.s32 $0xFFFFC180  }
0x8e: {  	[tilespmem:s18], [sflag:$0x1] =	stream.indirect.gather [hbm4b:s4+s17], $0x80, s0, s17, $0xb8;
	[tilespmem:$0x1E080] =	vst v63  }
0x8f: {  	_ =	swait.ge [sflag:s21], $0x3E80  }
.Ltmp1:
0x90: {  	[sflag:s21] =	ssyncset.done $0x0;
	(pc) =	sbr.rel @p1 .LBB2_5-.Ltmp1, $4  }
0x91: {  	s0 =	sadd.s32 $0x1480, s29;
	[sflag:s21] =	ssyncadd.s32 $0xFFFFC180  }
0x92: {  	[spmem:s1] =	stream.indirect.scatter.add.f32 [tilespmem:s19], [sflag:$0x4], $0x80, s0, s17, $0xb8;
	[tilespmem:$0x1E080] =	vst v63  }
0x93: {  	_ =	swait.ge [sflag:s15], $0x3E80  }
0x94: {  	s30 =	smov.u32 s11;
	s29 =	sshra.s32 s2, $0x2;
	[sflag:s15] =	ssyncset.done $0x0  }
0x95: {  	s0 =	sadd.s32 $0x80, s29;
	[sflag:s15] =	ssyncadd.s32 $0xFFFFC180  }
0x96: {  	[tilespmem:s19], [sflag:$0x2] =	stream.indirect.gather [hbm4b:s4+s17], $0x80, s0, s17, $0xb8;
	[tilespmem:$0x1E080] =	vst v63  }
0x97: {  	_ =	swait.ge [sflag:s20], $0x3E80  }
0x98: {  	[sflag:s20] =	ssyncset.done $0x0  }
0x99: {  	s11 =	sadd.s32 $0x1400, s29;
	[sflag:s20] =	ssyncadd.s32 $0xFFFFC180  }
0x9a: {  	[spmem:s1] =	stream.indirect.scatter.add.f32 [tilespmem:s18], [sflag:$0x4], $0x80, s11, s17, $0xb8;
	[tilespmem:$0x1E080] =	vst v63  }
0x9b: {  	_ =	swait.ge [sflag:s15], $0x3E80  }
0x9c: {  	[sflag:s15] =	ssyncset.done $0x0  }
0x9d: {  	s30 =	sadd.s32 $0x100, s29;
	[sflag:s15] =	ssyncadd.s32 $0xFFFFC180  }
0x9e: {  	[tilespmem:s18], [sflag:$0x1] =	stream.indirect.gather [hbm4b:s4+s17], $0x80, s30, s17, $0xb8;
	[tilespmem:$0x1E080] =	vst v63  }
0x9f: {  	_ =	swait.ge [sflag:s21], $0x3E80  }
0xa0: {  	[sflag:s21] =	ssyncset.done $0x0  }
0xa1: {  	s31 =	sadd.s32 $0x1480, s29;
	[sflag:s21] =	ssyncadd.s32 $0xFFFFC180  }
0xa2: {  	[spmem:s1] =	stream.indirect.scatter.add.f32 [tilespmem:s19], [sflag:$0x4], $0x80, s31, s17, $0xb8;
	[tilespmem:$0x1E080] =	vst v63  }
0xa3: {  	_ =	swait.ge [sflag:s15], $0x3E80  }
0xa4: {  	[sflag:s15] =	ssyncset.done $0x0  }
0xa5: {  	[sflag:s15] =	ssyncadd.s32 $0xFFFFC180  }
0xa6: {  	[tilespmem:s19], [sflag:$0x2] =	stream.indirect.gather [hbm4b:s4+s17], $0x80, s22, s17, $0xb8;
	[tilespmem:$0x1E080] =	vst v63  }
0xa7: {  	_ =	swait.ge [sflag:s20], $0x3E80  }
0xa8: {  	[sflag:s20] =	ssyncset.done $0x0  }
0xa9: {  	[sflag:s20] =	ssyncadd.s32 $0xFFFFC180  }
0xaa: {  	[spmem:s1] =	stream.indirect.scatter.add.f32 [tilespmem:s18], [sflag:$0x4], $0x80, s23, s17, $0xb8;
	[tilespmem:$0x1E080] =	vst v63  }
0xab: {  	_ =	swait.ge [sflag:s15], $0x3E80  }
0xac: {  	[sflag:s15] =	ssyncset.done $0x0  }
0xad: {  	[sflag:s15] =	ssyncadd.s32 $0xFFFFC180  }
0xae: {  	_ =	swait.ge [sflag:s21], $0x3E80  }
0xaf: {  	[sflag:s21] =	ssyncset.done $0x0  }
0xb0: {  	[sflag:s21] =	ssyncadd.s32 $0xFFFFC180  }
0xb1: {  	[spmem:s1] =	stream.indirect.scatter.add.f32 [tilespmem:s19], [sflag:$0x4], $0x80, s24, s17, $0xb8;
	[tilespmem:$0x1E080] =	vst v63  }
0xb2: {  	_ =	swait.ge [sflag:s15], $0x3E80  }
0xb3: {  	[sflag:s15] =	ssyncset.done $0x0  }
0xb4: {  	s0 =	sadd.s32 @p0 s8, s26;
	[sflag:s15] =	ssyncadd.s32 $0xFFFFC180  }
0xb5: {  	s2 =	simm.s32 @p0 $0x1FC3;
	s0 =	sadd.s32 @p0 $0x24900, s0;
	[bflag:$0x0] =	sbarrier.arrive $0xFFFF  }
0xb6: {  	[hbm:s0], [sflag:s2] =	dma.local @p0 [spmem:s12], $0x2800  }
0xb7: {  	s0 =	simm.s32 @p0 $0x3  }
0xb8: {  	_ =	swait.ge @p0 [sflag:s0], $0x2800  }
0xb9: {  	s25 =	sadd.s32 $0x1, s25;
	[sflag:s0] =	ssyncset.done @p0 $0x0  }
0xba: {  	p1 =	sne.s32 s25, $0x5;
	[sflag:s0] =	ssyncadd.s32 @p0 $0xFFFFD800;
	s0 =	sadd.s32 @!p0 s8, s28  }
0xbb: {  	[hbm:s0], [sflag:s13] =	dma.local @!p0 [spmem:s14], $0x2700  }
.Ltmp2:
0xbc: {  	_ = 	snop;
	(pc) =	sbr.rel @p1 .LBB2_2-.Ltmp2, $4  }
0xbd: {  	s0 =	simm.s32 @!p0 $0x4  }
0xbe: {  	_ =	swait.ge @!p0 [sflag:s0], $0x2700  }
0xbf: {  	[sflag:s0] =	ssyncset.done @!p0 $0x0  }
0xc0: {  	[sflag:s0] =	ssyncadd.s32 @!p0 $0xFFFFD900  }
0xc1: {  	s3 =	sadd.s32 $0x1, s3;
	s0 =	rddreg [dreg:$0x3]  }
0xc2: {  	p1 =	sne.s32 s3, s0  }
.Ltmp3:
0xc3: {  	_ = 	snop;
	(pc) =	sbr.rel @p1 .LBB2_1-.Ltmp3, $1  }
0xc4: {  	_ =	sdelay $0x3  }
0xc5: {  	_ =	sfence.sel $0x180000  }
0xc6: {  	[bflag:$0x0] =	sbarrier.arrive $0xFFFF  }
0xc7: {  	_ =	strace $0x9000004A  }
0xc8: {  	s0 =	stileid.u32;
	[bflag:$0x2] =	sbarrier.arrive $0xFFFF  }
0xc9: {  	p0 =	sne.s32 s0, $0x0;
	s0 =	rddreg [dreg:$0x2]  }
0xca: {  	s0 =	sadd.s32 @!p0 $0x100000, s0  }
0xcb: {  	[sflag:s0] =	ssyncadd.tile.s32 @!p0 $0x1;
	_ =	shalt  }
.Lfunc_end2:
_tile_overlayer_lowered:
.L_overlay_start_2:
0xcc: {  	(tag) =	ssettag $0x2  }
0xcd: {  	s0 =	rddreg [dreg:$0x0];
	s2 =	stileid.u32  }
0xce: {  	s1 =	rddreg [dreg:$0x1];
	p0 =	sne.s32 s2, $0x0  }
0xcf: {  	s3 =	rddreg [dreg:$0x2];
	[bflag:$0x3] =	sbarrier.arrive $0xFFFF;
	s2 =	simm.s32 @!p0 $0x1C03  }
0xd0: {  	[timem:s3], [sflag:s2] =	dma.local @!p0 [hbm:s0], s1  }
0xd1: {  	s0 =	simm.s32 @!p0 $0x3  }
0xd2: {  	_ =	swait.ge @!p0 [sflag:s0], s1  }
0xd3: {  	s1 =	ssub.s32 @!p0 $0x0, s1;
	[sflag:s0] =	ssyncset.done @!p0 $0x0  }
0xd4: {  	[sflag:s0] =	ssyncadd.s32 @!p0 s1  }
0xd5: {  	[bflag:$0x3] =	sbarrier.arrive $0xFFFF  }
0xd6: {  	_ =	shalt  }

// kernel: branch_1_fun.9.cloned.1.call-start
scs
__scs_entry_jumppad:
0x0: {  	(pc) =	sbr.rel $0x88, $3  }
0x1: {  	(tag) =	ssettag $0x0;
	lr =	simm.s32 $0x1  }
0x2: {  	[smem:$0x3F94] =	sst lr;
	_ =	strace $0xD0000000  }
0x3: {  	_ = 	snop  }
0x4: {  	_ = 	snop  }
0x5: {  	_ = 	snop  }
0x6: {  	_ = 	snop  }
0x7: {  	_ = 	snop  }
__scs_overlays_trampoline_lowered:
0x8: {  	[smem:$0x3FA3] =	sst s0  }
0x9: {  	[smem:$0x3FA4] =	sst s1  }
0xa: {  	[smem:$0x3FA5] =	sst s2  }
0xb: {  	[smem:$0x3FA6] =	sst s3  }
0xc: {  	[smem:$0x3FA7] =	sst s4  }
0xd: {  	[smem:$0x3FA8] =	sst s5  }
0xe: {  	[smem:$0x3FA9] =	sst s6  }
0xf: {  	[smem:$0x3FAA] =	sst s7  }
0x10: {  	[smem:$0x3FAB] =	sst s8  }
0x11: {  	[smem:$0x3FAC] =	sst s9;
	s0 =	simm.s32 @!p0 $0x0  }
0x12: {  	s1 =	sld [smem:$0x3F92];
	s0 =	simm.s32 @p0 $0x1  }
0x13: {  	[smem:$0x3FAD] =	sst s0;
	s0 =	simm.s32 @!p1 $0x0  }
0x14: {  	s2 =	sld [smem:$0x3F91];
	s0 =	simm.s32 @p1 $0x1  }
0x15: {  	[smem:$0x3FAE] =	sst s0;
	s0 =	simm.s32 @!p2 $0x0  }
0x16: {  	s3 =	sld [smem:$0x3FDB];
	s0 =	simm.s32 @p2 $0x1  }
0x17: {  	s4 =	simm.s32 $0x1BF5;
	[smem:$0x3FB0] =	sst s0  }
0x18: {  	s0 =	sld [smem:$0x3F93];
	_ =	swait.ge [sflag:s4], $0x0  }
0x19: {  	s7 =	sld [smem:$0x3F94]  }
0x1a: {  	s8 =	sadd.s32 $0xFFFFE003, lr  }
0x1b: {  	s9 =	sadd.s32 $0xFFFFFEF7, lr;
	s5 =	simm.s32 $0xFFFFFFFF;
	p2 =	slt.u32 s8, $0xFFFFF086  }
0x1c: {  	p1 =	slt.u32 s9, $0xF7A;
	s5 =	simm.s32 @!p2 $0x0  }
0x1d: {  	s5 =	simm.s32 @p1 $0x1;
	p0 =	seq.s32 s7, s2  }
0x1e: {  	s7 =	smul.u32 @!p0 $0xF7A, s2;
	p2 =	seq.s32 @!p0 s5, $0x0  }
0x1f: {  	s9 =	smul.u32 $0xF7A, s1;
	s8 =	simm.s32 @!p0 $0x1BF5;
	p2 =	por !p2, p0  }
0x20: {  	[sflag:s8] =	ssyncset.s32 @!p0 $0xFFFFF086;
	s6 =	sadd.s32 @!p0 s3, s7;
	s7 =	simm.s32 @!p0 $0x108  }
0x21: {  	s3 =	sadd.s32 s3, s9;
	s6 =	sadd.s32 @!p0 $0x88, s6;
	s7 =	simm.s32 @p2 $0x1082  }
0x22: {  	[simem:s7], [sflag:s8] =	dma.local @!p0 [hbm:s6], $0xF7A  }
0x23: {  	s9 =	sor.u32 $0xD0000000, s2;
	s6 =	simm.s32 $0x108;
	_ =	swait.ge @!p0 [sflag:s8], $0x0  }
0x24: {  	s3 =	sadd.s32 $0x88, s3;
	s6 =	simm.s32 @!p1 $0x1082;
	[sflag:s4] =	ssyncset.s32 $0xFFFFF086  }
0x25: {  	[simem:s6], [sflag:s4] =	dma.local [hbm:s3], $0xF7A  }
0x26: {  	[smem:$0x3F94] =	sst s1;
	(tag) =	ssettag s2;
	_ =	strace s9  }
0x27: {  	s1 =	sld [smem:$0x3FA4]  }
0x28: {  	s2 =	sld [smem:$0x3FA5]  }
0x29: {  	s4 =	sld [smem:$0x3FA7]  }
0x2a: {  	p0 =	seq.s32 s5, $0x0;
	s5 =	sld [smem:$0x3FA8]  }
0x2b: {  	s6 =	sld [smem:$0x3FA9]  }
0x2c: {  	s7 =	sld [smem:$0x3FAA]  }
0x2d: {  	s3 =	simm.s32 $0x108;
	s8 =	sld [smem:$0x3FAB]  }
0x2e: {  	s3 =	simm.s32 @!p0 $0x1082;
	s9 =	sld [smem:$0x3FAC]  }
0x2f: {  	lr =	sadd.s32 s0, s3;
	s0 =	sld [smem:$0x3FA3]  }
0x30: {  	s3 =	sld [smem:$0x3FA6]  }
0x31: {  	[smem:$0x3FAF] =	sst s10  }
0x32: {  	s10 =	sld [smem:$0x3FAD];
	_ =	sdelay $0x3  }
0x33: {  	p0 =	seq.s32 s10, $0x1;
	s10 =	sld [smem:$0x3FAF];
	_ =	sdelay $0x3  }
0x34: {  	[smem:$0x3FAF] =	sst s10  }
0x35: {  	s10 =	sld [smem:$0x3FAE];
	_ =	sdelay $0x3  }
0x36: {  	p1 =	seq.s32 s10, $0x1;
	s10 =	sld [smem:$0x3FAF];
	_ =	sdelay $0x3  }
0x37: {  	[smem:$0x3FAF] =	sst s10  }
0x38: {  	s10 =	sld [smem:$0x3FB0]  }
0x39: {  	_ = 	snop;
	(pc) =	sbr.ind lr, $3  }
0x3a: {  	_ = 	snop  }
0x3b: {  	_ = 	snop  }
0x3c: {  	p2 =	seq.s32 s10, $0x1;
	s10 =	sld [smem:$0x3FAF]  }
0x3d: {  	_ =	shalt  }
0x3e: {  	_ =	shalt  }
0x3f: {  	_ =	shalt  }
0x40: {  	_ =	shalt  }
0x41: {  	_ =	shalt  }
0x42: {  	_ =	shalt  }
0x43: {  	_ =	shalt  }
0x44: {  	_ =	shalt  }
0x45: {  	_ =	shalt  }
0x46: {  	_ =	shalt  }
0x47: {  	_ =	shalt  }
0x48: {  	_ =	shalt  }
0x49: {  	_ =	shalt  }
0x4a: {  	_ =	shalt  }
0x4b: {  	_ =	shalt  }
0x4c: {  	_ =	shalt  }
0x4d: {  	_ =	shalt  }
0x4e: {  	_ =	shalt  }
0x4f: {  	_ =	shalt  }
0x50: {  	_ =	shalt  }
0x51: {  	_ =	shalt  }
0x52: {  	_ =	shalt  }
0x53: {  	_ =	shalt  }
0x54: {  	_ =	shalt  }
0x55: {  	_ =	shalt  }
0x56: {  	_ =	shalt  }
0x57: {  	_ =	shalt  }
0x58: {  	_ =	shalt  }
0x59: {  	_ =	shalt  }
0x5a: {  	_ =	shalt  }
0x5b: {  	_ =	shalt  }
0x5c: {  	_ =	shalt  }
0x5d: {  	_ =	shalt  }
0x5e: {  	_ =	shalt  }
0x5f: {  	_ =	shalt  }
0x60: {  	_ =	shalt  }
0x61: {  	_ =	shalt  }
0x62: {  	_ =	shalt  }
0x63: {  	_ =	shalt  }
0x64: {  	_ =	shalt  }
0x65: {  	_ =	shalt  }
0x66: {  	_ =	shalt  }
0x67: {  	_ =	shalt  }
0x68: {  	_ =	shalt  }
0x69: {  	_ =	shalt  }
0x6a: {  	_ =	shalt  }
0x6b: {  	_ =	shalt  }
0x6c: {  	_ =	shalt  }
0x6d: {  	_ =	shalt  }
0x6e: {  	_ =	shalt  }
0x6f: {  	_ =	shalt  }
0x70: {  	_ =	shalt  }
0x71: {  	_ =	shalt  }
0x72: {  	_ =	shalt  }
0x73: {  	_ =	shalt  }
0x74: {  	_ =	shalt  }
0x75: {  	_ =	shalt  }
0x76: {  	_ =	shalt  }
0x77: {  	_ =	shalt  }
0x78: {  	_ =	shalt  }
0x79: {  	_ =	shalt  }
0x7a: {  	_ =	shalt  }
0x7b: {  	_ =	shalt  }
0x7c: {  	_ =	shalt  }
0x7d: {  	_ =	shalt  }
0x7e: {  	_ =	shalt  }
0x7f: {  	_ =	shalt  }
0x80: {  	_ =	shalt  }
0x81: {  	_ =	shalt  }
0x82: {  	_ =	shalt  }
0x83: {  	_ =	shalt  }
0x84: {  	_ =	shalt  }
0x85: {  	_ =	shalt  }
0x86: {  	_ =	shalt  }
0x87: {  	_ =	shalt  }
.Lfunc_end0:
.L_simem_size_0:
called_computation.3_lowered:
.L_overlay_start_0:
0x88: {  	s2 =	sld [smem:$0x3FD9]  }
0x89: {  	s3 =	sld [smem:$0x3FFE];
	_ =	sdelay $0x1  }
0x8a: {  	s1 =	srdreg.scid  }
0x8b: {  	s0 =	sand.u32 $0x1, s1  }
0x8c: {  	s16 =	sshll.u32 s0, $0xA;
	s2 =	sadd.s32 s3, s2  }
0x8d: {  	s2 =	sadd.s32 s2, s16  }
0x8e: {  	[smem:$0x3FBB] =	sst s2  }
0x8f: {  	_ = 	snop  }
0x90: {  	(tm) =	ssettm $0x1  }
0x91: {  	s17 =	sld [smem:$0x3FFB];
	_ =	sdelay $0x3  }
0x92: {  	_ =	strace s17  }
0x93: {  	s2 =	sld [smem:$0x3FFC];
	_ =	sdelay $0x3  }
0x94: {  	_ =	strace s2  }
0x95: {  	s2 =	sld [smem:$0x3FFD];
	_ =	sdelay $0x3  }
0x96: {  	_ =	strace s2  }
0x97: {  	_ =	strace $0x8FFFFFFF  }
0x98: {  	s18 =	sld [smem:$0x3FDB];
	_ =	sdelay $0x1  }
0x99: {  	s19 =	simm.s32 $_scs_section_size  }
0x9a: {  	s4 =	simm.s32 $_size__tile_overlayer_lowered;
	s5 =	simm.s32 $_tile_overlayer_lowered  }
0x9b: {  	s22 =	simm.s32 $0x1BFF;
	s21 =	sshll.u32 s5, $0x1;
	s2 =	sadd.s32 s19, s18  }
0x9c: {  	s6 =	simm.s32 $0x0;
	s20 =	sshll.u32 s4, $0x1;
	s4 =	sadd.s32 s21, s2  }
0x9d: {  	[timem:s6], [sflag:s22] =	dma.local [hbm:s4], s20  }
0x9e: {  	_ =	swait.ge [sflag:s22], s20  }
0x9f: {  	s3 =	ssub.s32 $0x0, s20;
	[sflag:s22] =	ssyncset.done $0x0  }
0xa0: {  	[sflag:s22] =	ssyncadd.s32 s3;
	_ =	sdelay $0x1  }
0xa1: {  	s23 =	simm.s32 $0x1B8B  }
0xa2: {  	_ =	swait.ge [sflag:s23], $0x1  }
0xa3: {  	[sflag:s23] =	ssyncset.done $0x0  }
0xa4: {  	s25 =	simm.s32 $0x1B8E;
	s24 =	sld [smem:$0x3FFE];
	[sflag:s23] =	ssyncadd.s32 $0xFFFFFFFF  }
0xa5: {  	s26 =	simm.s32 $execute0_lowered;
	[smem:$0x3FD2] =	sst s25  }
0xa6: {  	s4 =	sshll.u32 s26, $0x1;
	_ =	strace $0x8000004F;
	[dreg:$0x1] =	wrdreg $0xFFFFFFFF  }
0xa7: {  	s28 =	simm.s32 $_size_execute0_lowered;
	s2 =	sadd.s32 s2, s4;
	[dreg:$0x0] =	wrdreg $0x0  }
0xa8: {  	s4 =	sshll.u32 s28, $0x1;
	[dreg:$0x2] =	wrdreg s2  }
0xa9: {  	[dreg:$0x3] =	wrdreg s4  }
0xaa: {  	[dreg:$0x4] =	wrdreg $0xC0  }
0xab: {  	_ =	task [dreg:s6], $0x5FFFF  }
0xac: {  	[dreg:$0x1] =	wrdreg $0xFFFFFFFF  }
0xad: {  	[dreg:$0x0] =	wrdreg $0x60  }
0xae: {  	[dreg:$0x2] =	wrdreg s24  }
0xaf: {  	[dreg:$0x3] =	wrdreg $0xA8000  }
0xb0: {  	[dreg:$0x4] =	wrdreg $0x9  }
0xb1: {  	_ =	task.clear_ibuf [dreg:s6], $0x5FFFF;
	_ =	strace $0x9000004F  }
0xb2: {  	s29 =	simm.s32 $0x9;
	_ =	strace $0x80000051  }
0xb3: {  	_ =	swait.ge [sflag:s29], $0x1  }
0xb4: {  	[sflag:s29] =	ssyncadd.s32 $0xFFFFFFFF  }
0xb5: {  	_ =	strace $0x90000051  }
0xb6: {  	_ =	sfence  }
0xb7: {  	s30 =	sld [smem:$0x0];
	_ =	sdelay $0x2  }
0xb8: {  	s31 =	sshll.u32 s1, $0xD;
	s1 =	sshrl.u32 s1, $0x2  }
0xb9: {  	s3 =	sand.u32 $0x4000, s31;
	s1 =	sadd.s32 s1, s30  }
0xba: {  	s0 =	sor.u32 s3, s0;
	s1 =	sshll.u32 s1, $0x11  }
0xbb: {  	s0 =	sor.u32 s1, s0  }
0xbc: {  	s0 =	sadd.s32 $0x8F2B, s0  }
0xbd: {  	[sflag:s0] =	ssyncadd.remote.s32 $0x1  }
0xbe: {  	_ =	sfence.sel $0xFFFF  }
0xbf: {  	[dreg:$0x0] =	wrdreg $0xFFFFFFFF;
	(pc) =	sbr.abs _section_cstart, $3  }
0xc0: {  	[dreg:$0x1] =	wrdreg $0xFFFFFFFF  }
0xc1: {  	_ =	task.clear_ibuf [dreg:s6], $0x2FFFF;
	_ =	strace $0x9FFFFFFF  }
0xc2: {  	(tm) =	ssettm $0x7FFFFFFF  }
0xc3: {  	_ =	shalt  }
tec
execute0_lowered:
.L_overlay_start_1:
0x0: {  	(tag) =	ssettag $0x1  }
0x1: {  	s8 =	rddreg [dreg:$0x0]  }
0x2: {  	s1 =	rddreg [dreg:$0x1]  }
0x3: {  	s3 =	simm.s32 $0x0;
	s5 =	srdreg.scid;
	s0 =	stileid.u32  }
0x4: {  	s15 =	simm.s32 $0x4;
	s16 =	simm.s32 $0x1400;
	s17 =	simm.s32 $0x7D  }
0x5: {  	s18 =	simm.s32 $0x2800;
	s19 =	simm.s32 $0x6800;
	s20 =	simm.s32 $0x1  }
0x6: {  	s21 =	simm.s32 $0x2;
	s22 =	simm.s32 $0x1380;
	s23 =	simm.s32 $0x2700  }
0x7: {  	s24 =	simm.s32 $0x2780;
	[smem:$0x7FF] =	sst s3;
	s4 =	sadd.s32 $0x31BE00, s8  }
0x8: {  	s9 =	smul.u32 $0x4E000, s0;
	s6 =	sadd.s32 $0x97400, s8;
	s7 =	sadd.s32 $0xC9400, s8  }
0x9: {  	s5 =	sand.u32 $0x1, s5;
	s8 =	sadd.s32 $0x195200, s8;
	s12 =	sadd.s32 $0x124800, s1  }
0xa: {  	p0 =	seq.s32 s0, $0xF;
	_ =	strace $0x80000050;
	s10 =	ssub.s32 $0x2, s5  }
0xb: {  	s12 =	sshrl.u32 @p0 s12, $0x3;
	s13 =	sshll.u32 @!p0 s0, $0x6;
	s11 =	sshrl.u32 s10, $0x1  }
0xc: {  	s9 =	sshrl.u32 s9, $0x2;
	s13 =	sor.u32 @!p0 $0x1C04, s13;
	s11 =	ssub.s32 s10, s11  }
0xd: {  	s14 =	sadd.s32 s9, s1;
	s9 =	smul.u32 $0x270, s0;
	s2 =	smax.u32 s11, $0x1  }
0xe: {  	s10 =	smul.u32 $0x50, s0;
	s14 =	sshrl.u32 @!p0 s14, $0x3;
	[dreg:$0x3] =	wrdreg s2  }
.LBB2_1:
0xf: {  	s25 =	simm.s32 $0x0  }
.LBB2_2:
0x10: {  	s26 =	sshll.u32 s25, $0x1  }
0x11: {  	s29 =	sor.u32 s5, s26  }
0x12: {  	s26 =	smul.u32 @p0 $0x138800, s29;
	_ =	sdelay $0x1  }
0x13: {  	s26 =	sshrl.u32 @p0 s26, $0x3  }
0x14: {  	s28 =	sadd.s32 @p0 s4, s26  }
0x15: {  	s31 =	simm.s32 @p0 $0x1FC4;
	s30 =	smul.u32 $0x2710, s29;
	s28 =	sadd.s32 @p0 $0x24900, s28  }
0x16: {  	[spmem:s12], [sflag:s31] =	dma.local @p0 [hbm:s28], $0x2800  }
0x17: {  	s31 =	simm.s32 @p0 $0x4  }
0x18: {  	s28 =	sadd.s32 @!p0 s9, s30;
	_ =	swait.ge @p0 [sflag:s31], $0x2800  }
0x19: {  	s28 =	sshll.u32 @!p0 s28, $0x4;
	[sflag:s31] =	ssyncset.done @p0 $0x0  }
0x1a: {  	s30 =	sadd.s32 @!p0 s4, s28;
	[sflag:s31] =	ssyncadd.s32 @p0 $0xFFFFD800  }
0x1b: {  	[spmem:s14], [sflag:s13] =	dma.local @!p0 [hbm:s30], $0x2700  }
0x1c: {  	s29 =	smul.u32 $0x500, s29;
	s30 =	simm.s32 @!p0 $0x4  }
0x1d: {  	_ =	swait.ge @!p0 [sflag:s30], $0x2700  }
0x1e: {  	s29 =	sadd.s32 s10, s29;
	[sflag:s30] =	ssyncset.done @!p0 $0x0  }
0x1f: {  	s29 =	sshll.u32 s29, $0x4;
	[sflag:s30] =	ssyncadd.s32 @!p0 $0xFFFFD900  }
0x20: {  	s31 =	simm.s32 $0x0;
	s30 =	sadd.s32 s6, s29;
	[bflag:$0x0] =	sbarrier.arrive $0xFFFF  }
0x21: {  	[tilespmem:s31], [sflag:$0x4] =	stream.linear.gather [hbm4b:s30+s31], $0x1400, $0x38;
	[tilespmem:$0x1E080] =	vst v63  }
0x22: {  	_ =	swait.ge [sflag:s15], $0x1400  }
0x23: {  	[sflag:s15] =	ssyncset.done $0x0  }
0x24: {  	s30 =	sadd.s32 s7, s29;
	[sflag:s15] =	ssyncadd.s32 $0xFFFFEC00  }
0x25: {  	[tilespmem:s16], [sflag:$0x4] =	stream.linear.gather [hbm4b:s30+s31], $0x1400, $0x38;
	[tilespmem:$0x1E080] =	vst v63  }
0x26: {  	_ =	swait.ge [sflag:s15], $0x1400  }
0x27: {  	[sflag:s15] =	ssyncset.done $0x0  }
0x28: {  	[sflag:s15] =	ssyncadd.s32 $0xFFFFEC00  }
0x29: {  	[tilespmem:s18], [sflag:$0x1] =	stream.indirect.gather [hbm4b:s4+s17], $0x80, s31, s17, $0xb8;
	[tilespmem:$0x1E080] =	vst v63  }
0x2a: {  	s30 =	simm.s32 $0x80  }
0x2b: {  	[tilespmem:s19], [sflag:$0x2] =	stream.indirect.gather [hbm4b:s4+s17], $0x80, s30, s17, $0xb8;
	[tilespmem:$0x1E080] =	vst v63  }
0x2c: {  	_ =	swait.ge [sflag:s20], $0x3E80  }
0x2d: {  	[sflag:s20] =	ssyncset.done $0x0  }
0x2e: {  	s30 =	simm.s32 $0x1400;
	[sflag:s20] =	ssyncadd.s32 $0xFFFFC180  }
0x2f: {  	[spmem:s1] =	stream.indirect.scatter.add.f32 [tilespmem:s18], [sflag:$0x4], $0x80, s30, s17, $0xb8;
	[tilespmem:$0x1E080] =	vst v63  }
0x30: {  	_ =	swait.ge [sflag:s15], $0x3E80  }
0x31: {  	[sflag:s15] =	ssyncset.done $0x0  }
0x32: {  	s30 =	simm.s32 $0x100;
	[sflag:s15] =	ssyncadd.s32 $0xFFFFC180  }
0x33: {  	[tilespmem:s18], [sflag:$0x1] =	stream.indirect.gather [hbm4b:s4+s17], $0x80, s30, s17, $0xb8;
	[tilespmem:$0x1E080] =	vst v63  }
0x34: {  	_ =	swait.ge [sflag:s21], $0x3E80  }
0x35: {  	[sflag:s21] =	ssyncset.done $0x0  }
0x36: {  	s30 =	simm.s32 $0x1480;
	[sflag:s21] =	ssyncadd.s32 $0xFFFFC180  }
0x37: {  	[spmem:s1] =	stream.indirect.scatter.add.f32 [tilespmem:s19], [sflag:$0x4], $0x80, s30, s17, $0xb8;
	[tilespmem:$0x1E080] =	vst v63  }
0x38: {  	_ =	swait.ge [sflag:s15], $0x3E80  }
0x39: {  	s31 =	simm.s32 $0x800;
	s30 =	simm.s32 $0x100;
	[sflag:s15] =	ssyncset.done $0x0  }
.LBB2_3:
0x3a: {  	s0 =	sadd.s32 $0x80, s30  }
0x3b: {  	[sflag:s15] =	ssyncadd.s32 $0xFFFFC180;
	s2 =	smov.u32 s31;
	s11 =	sadd.s32 $0x400, s31  }
0x3c: {  	[tilespmem:s19], [sflag:$0x2] =	stream.indirect.gather [hbm4b:s4+s17], $0x80, s0, s17, $0xb8;
	[tilespmem:$0x1E080] =	vst v63  }
0x3d: {  	p1 =	sne.s32 s31, $0x4800;
	_ =	swait.ge [sflag:s20], $0x3E80  }
0x3e: {  	[sflag:s20] =	ssyncset.done $0x0  }
0x3f: {  	s0 =	sadd.s32 $0x1400, s30;
	[sflag:s20] =	ssyncadd.s32 $0xFFFFC180  }
0x40: {  	[spmem:s1] =	stream.indirect.scatter.add.f32 [tilespmem:s18], [sflag:$0x4], $0x80, s0, s17, $0xb8;
	[tilespmem:$0x1E080] =	vst v63  }
0x41: {  	_ =	swait.ge [sflag:s15], $0x3E80  }
0x42: {  	[sflag:s15] =	ssyncset.done $0x0  }
0x43: {  	s0 =	sadd.s32 $0x100, s30;
	[sflag:s15] =	ssyncadd.s32 $0xFFFFC180  }
0x44: {  	[tilespmem:s18], [sflag:$0x1] =	stream.indirect.gather [hbm4b:s4+s17], $0x80, s0, s17, $0xb8;
	[tilespmem:$0x1E080] =	vst v63  }
0x45: {  	_ =	swait.ge [sflag:s21], $0x3E80  }
.Ltmp0:
0x46: {  	[sflag:s21] =	ssyncset.done $0x0;
	(pc) =	sbr.rel @p1 .LBB2_3-.Ltmp0, $4  }
0x47: {  	s0 =	sadd.s32 $0x1480, s30;
	[sflag:s21] =	ssyncadd.s32 $0xFFFFC180  }
0x48: {  	[spmem:s1] =	stream.indirect.scatter.add.f32 [tilespmem:s19], [sflag:$0x4], $0x80, s0, s17, $0xb8;
	[tilespmem:$0x1E080] =	vst v63  }
0x49: {  	_ =	swait.ge [sflag:s15], $0x3E80  }
0x4a: {  	s31 =	smov.u32 s11;
	s30 =	sshra.s32 s2, $0x2;
	[sflag:s15] =	ssyncset.done $0x0  }
0x4b: {  	s0 =	sadd.s32 $0x80, s30;
	[sflag:s15] =	ssyncadd.s32 $0xFFFFC180  }
0x4c: {  	[tilespmem:s19], [sflag:$0x2] =	stream.indirect.gather [hbm4b:s4+s17], $0x80, s0, s17, $0xb8;
	[tilespmem:$0x1E080] =	vst v63  }
0x4d: {  	_ =	swait.ge [sflag:s20], $0x3E80  }
0x4e: {  	[sflag:s20] =	ssyncset.done $0x0  }
0x4f: {  	s31 =	sadd.s32 $0x1400, s30;
	[sflag:s20] =	ssyncadd.s32 $0xFFFFC180  }
0x50: {  	[spmem:s1] =	stream.indirect.scatter.add.f32 [tilespmem:s18], [sflag:$0x4], $0x80, s31, s17, $0xb8;
	[tilespmem:$0x1E080] =	vst v63  }
0x51: {  	_ =	swait.ge [sflag:s15], $0x3E80  }
0x52: {  	[sflag:s15] =	ssyncset.done $0x0  }
0x53: {  	s2 =	sadd.s32 $0x100, s30;
	[sflag:s15] =	ssyncadd.s32 $0xFFFFC180  }
0x54: {  	[tilespmem:s18], [sflag:$0x1] =	stream.indirect.gather [hbm4b:s4+s17], $0x80, s2, s17, $0xb8;
	[tilespmem:$0x1E080] =	vst v63  }
0x55: {  	_ =	swait.ge [sflag:s21], $0x3E80  }
0x56: {  	[sflag:s21] =	ssyncset.done $0x0  }
0x57: {  	s11 =	sadd.s32 $0x1480, s30;
	[sflag:s21] =	ssyncadd.s32 $0xFFFFC180  }
0x58: {  	[spmem:s1] =	stream.indirect.scatter.add.f32 [tilespmem:s19], [sflag:$0x4], $0x80, s11, s17, $0xb8;
	[tilespmem:$0x1E080] =	vst v63  }
0x59: {  	_ =	swait.ge [sflag:s15], $0x3E80  }
0x5a: {  	[sflag:s15] =	ssyncset.done $0x0  }
0x5b: {  	[sflag:s15] =	ssyncadd.s32 $0xFFFFC180  }
0x5c: {  	[tilespmem:s19], [sflag:$0x2] =	stream.indirect.gather [hbm4b:s4+s17], $0x80, s22, s17, $0xb8;
	[tilespmem:$0x1E080] =	vst v63  }
0x5d: {  	_ =	swait.ge [sflag:s20], $0x3E80  }
0x5e: {  	[sflag:s20] =	ssyncset.done $0x0  }
0x5f: {  	[sflag:s20] =	ssyncadd.s32 $0xFFFFC180  }
0x60: {  	[spmem:s1] =	stream.indirect.scatter.add.f32 [tilespmem:s18], [sflag:$0x4], $0x80, s23, s17, $0xb8;
	[tilespmem:$0x1E080] =	vst v63  }
0x61: {  	_ =	swait.ge [sflag:s15], $0x3E80  }
0x62: {  	[sflag:s15] =	ssyncset.done $0x0  }
0x63: {  	[sflag:s15] =	ssyncadd.s32 $0xFFFFC180  }
0x64: {  	_ =	swait.ge [sflag:s21], $0x3E80  }
0x65: {  	[sflag:s21] =	ssyncset.done $0x0  }
0x66: {  	[sflag:s21] =	ssyncadd.s32 $0xFFFFC180  }
0x67: {  	[spmem:s1] =	stream.indirect.scatter.add.f32 [tilespmem:s19], [sflag:$0x4], $0x80, s24, s17, $0xb8;
	[tilespmem:$0x1E080] =	vst v63  }
0x68: {  	_ =	swait.ge [sflag:s15], $0x3E80  }
0x69: {  	s31 =	sadd.s32 $0x280, s29;
	[sflag:s15] =	ssyncset.done $0x0  }
0x6a: {  	s2 =	sadd.s32 s6, s31;
	s11 =	simm.s32 $0x0;
	[sflag:s15] =	ssyncadd.s32 $0xFFFFC180  }
0x6b: {  	[tilespmem:s11], [sflag:$0x4] =	stream.linear.gather [hbm4b:s2+s11], $0x1400, $0x38;
	[tilespmem:$0x1E080] =	vst v63  }
0x6c: {  	_ =	swait.ge [sflag:s15], $0x1400  }
0x6d: {  	[sflag:s15] =	ssyncset.done $0x0  }
0x6e: {  	s0 =	sadd.s32 s7, s31;
	[sflag:s15] =	ssyncadd.s32 $0xFFFFEC00  }
0x6f: {  	[tilespmem:s16], [sflag:$0x4] =	stream.linear.gather [hbm4b:s0+s11], $0x1400, $0x38;
	[tilespmem:$0x1E080] =	vst v63  }
0x70: {  	_ =	swait.ge [sflag:s15], $0x1400  }
0x71: {  	[sflag:s15] =	ssyncset.done $0x0  }
0x72: {  	[sflag:s15] =	ssyncadd.s32 $0xFFFFEC00  }
0x73: {  	[tilespmem:s18], [sflag:$0x1] =	stream.indirect.gather [hbm4b:s4+s17], $0x80, s11, s17, $0xb8;
	[tilespmem:$0x1E080] =	vst v63  }
0x74: {  	s31 =	simm.s32 $0x80  }
0x75: {  	[tilespmem:s19], [sflag:$0x2] =	stream.indirect.gather [hbm4b:s4+s17], $0x80, s31, s17, $0xb8;
	[tilespmem:$0x1E080] =	vst v63  }
0x76: {  	_ =	swait.ge [sflag:s20], $0x3E80  }
0x77: {  	[sflag:s20] =	ssyncset.done $0x0  }
0x78: {  	s2 =	simm.s32 $0x1400;
	[sflag:s20] =	ssyncadd.s32 $0xFFFFC180  }
0x79: {  	[spmem:s1] =	stream.indirect.scatter.add.f32 [tilespmem:s18], [sflag:$0x4], $0x80, s2, s17, $0xb8;
	[tilespmem:$0x1E080] =	vst v63  }
0x7a: {  	_ =	swait.ge [sflag:s15], $0x3E80  }
0x7b: {  	[sflag:s15] =	ssyncset.done $0x0  }
0x7c: {  	s11 =	simm.s32 $0x100;
	[sflag:s15] =	ssyncadd.s32 $0xFFFFC180  }
0x7d: {  	[tilespmem:s18], [sflag:$0x1] =	stream.indirect.gather [hbm4b:s4+s17], $0x80, s11, s17, $0xb8;
	[tilespmem:$0x1E080] =	vst v63  }
0x7e: {  	_ =	swait.ge [sflag:s21], $0x3E80  }
0x7f: {  	[sflag:s21] =	ssyncset.done $0x0  }
0x80: {  	s31 =	simm.s32 $0x1480;
	[sflag:s21] =	ssyncadd.s32 $0xFFFFC180  }
0x81: {  	[spmem:s1] =	stream.indirect.scatter.add.f32 [tilespmem:s19], [sflag:$0x4], $0x80, s31, s17, $0xb8;
	[tilespmem:$0x1E080] =	vst v63  }
0x82: {  	_ =	swait.ge [sflag:s15], $0x3E80  }
0x83: {  	s30 =	simm.s32 $0x800;
	s29 =	simm.s32 $0x100;
	[sflag:s15] =	ssyncset.done $0x0  }
.LBB2_5:
0x84: {  	s0 =	sadd.s32 $0x80, s29  }
0x85: {  	[sflag:s15] =	ssyncadd.s32 $0xFFFFC180;
	s2 =	smov.u32 s30;
	s11 =	sadd.s32 $0x400, s30  }
0x86: {  	[tilespmem:s19], [sflag:$0x2] =	stream.indirect.gather [hbm4b:s4+s17], $0x80, s0, s17, $0xb8;
	[tilespmem:$0x1E080] =	vst v63  }
0x87: {  	p1 =	sne.s32 s30, $0x4800;
	_ =	swait.ge [sflag:s20], $0x3E80  }
0x88: {  	[sflag:s20] =	ssyncset.done $0x0  }
0x89: {  	s0 =	sadd.s32 $0x1400, s29;
	[sflag:s20] =	ssyncadd.s32 $0xFFFFC180  }
0x8a: {  	[spmem:s1] =	stream.indirect.scatter.add.f32 [tilespmem:s18], [sflag:$0x4], $0x80, s0, s17, $0xb8;
	[tilespmem:$0x1E080] =	vst v63  }
0x8b: {  	_ =	swait.ge [sflag:s15], $0x3E80  }
0x8c: {  	[sflag:s15] =	ssyncset.done $0x0  }
0x8d: {  	s0 =	sadd.s32 $0x100, s29;
	[sflag:s15] =	ssyncadd.s32 $0xFFFFC180  }
0x8e: {  	[tilespmem:s18], [sflag:$0x1] =	stream.indirect.gather [hbm4b:s4+s17], $0x80, s0, s17, $0xb8;
	[tilespmem:$0x1E080] =	vst v63  }
0x8f: {  	_ =	swait.ge [sflag:s21], $0x3E80  }
.Ltmp1:
0x90: {  	[sflag:s21] =	ssyncset.done $0x0;
	(pc) =	sbr.rel @p1 .LBB2_5-.Ltmp1, $4  }
0x91: {  	s0 =	sadd.s32 $0x1480, s29;
	[sflag:s21] =	ssyncadd.s32 $0xFFFFC180  }
0x92: {  	[spmem:s1] =	stream.indirect.scatter.add.f32 [tilespmem:s19], [sflag:$0x4], $0x80, s0, s17, $0xb8;
	[tilespmem:$0x1E080] =	vst v63  }
0x93: {  	_ =	swait.ge [sflag:s15], $0x3E80  }
0x94: {  	s30 =	smov.u32 s11;
	s29 =	sshra.s32 s2, $0x2;
	[sflag:s15] =	ssyncset.done $0x0  }
0x95: {  	s0 =	sadd.s32 $0x80, s29;
	[sflag:s15] =	ssyncadd.s32 $0xFFFFC180  }
0x96: {  	[tilespmem:s19], [sflag:$0x2] =	stream.indirect.gather [hbm4b:s4+s17], $0x80, s0, s17, $0xb8;
	[tilespmem:$0x1E080] =	vst v63  }
0x97: {  	_ =	swait.ge [sflag:s20], $0x3E80  }
0x98: {  	[sflag:s20] =	ssyncset.done $0x0  }
0x99: {  	s11 =	sadd.s32 $0x1400, s29;
	[sflag:s20] =	ssyncadd.s32 $0xFFFFC180  }
0x9a: {  	[spmem:s1] =	stream.indirect.scatter.add.f32 [tilespmem:s18], [sflag:$0x4], $0x80, s11, s17, $0xb8;
	[tilespmem:$0x1E080] =	vst v63  }
0x9b: {  	_ =	swait.ge [sflag:s15], $0x3E80  }
0x9c: {  	[sflag:s15] =	ssyncset.done $0x0  }
0x9d: {  	s30 =	sadd.s32 $0x100, s29;
	[sflag:s15] =	ssyncadd.s32 $0xFFFFC180  }
0x9e: {  	[tilespmem:s18], [sflag:$0x1] =	stream.indirect.gather [hbm4b:s4+s17], $0x80, s30, s17, $0xb8;
	[tilespmem:$0x1E080] =	vst v63  }
0x9f: {  	_ =	swait.ge [sflag:s21], $0x3E80  }
0xa0: {  	[sflag:s21] =	ssyncset.done $0x0  }
0xa1: {  	s31 =	sadd.s32 $0x1480, s29;
	[sflag:s21] =	ssyncadd.s32 $0xFFFFC180  }
0xa2: {  	[spmem:s1] =	stream.indirect.scatter.add.f32 [tilespmem:s19], [sflag:$0x4], $0x80, s31, s17, $0xb8;
	[tilespmem:$0x1E080] =	vst v63  }
0xa3: {  	_ =	swait.ge [sflag:s15], $0x3E80  }
0xa4: {  	[sflag:s15] =	ssyncset.done $0x0  }
0xa5: {  	[sflag:s15] =	ssyncadd.s32 $0xFFFFC180  }
0xa6: {  	[tilespmem:s19], [sflag:$0x2] =	stream.indirect.gather [hbm4b:s4+s17], $0x80, s22, s17, $0xb8;
	[tilespmem:$0x1E080] =	vst v63  }
0xa7: {  	_ =	swait.ge [sflag:s20], $0x3E80  }
0xa8: {  	[sflag:s20] =	ssyncset.done $0x0  }
0xa9: {  	[sflag:s20] =	ssyncadd.s32 $0xFFFFC180  }
0xaa: {  	[spmem:s1] =	stream.indirect.scatter.add.f32 [tilespmem:s18], [sflag:$0x4], $0x80, s23, s17, $0xb8;
	[tilespmem:$0x1E080] =	vst v63  }
0xab: {  	_ =	swait.ge [sflag:s15], $0x3E80  }
0xac: {  	[sflag:s15] =	ssyncset.done $0x0  }
0xad: {  	[sflag:s15] =	ssyncadd.s32 $0xFFFFC180  }
0xae: {  	_ =	swait.ge [sflag:s21], $0x3E80  }
0xaf: {  	[sflag:s21] =	ssyncset.done $0x0  }
0xb0: {  	[sflag:s21] =	ssyncadd.s32 $0xFFFFC180  }
0xb1: {  	[spmem:s1] =	stream.indirect.scatter.add.f32 [tilespmem:s19], [sflag:$0x4], $0x80, s24, s17, $0xb8;
	[tilespmem:$0x1E080] =	vst v63  }
0xb2: {  	_ =	swait.ge [sflag:s15], $0x3E80  }
0xb3: {  	[sflag:s15] =	ssyncset.done $0x0  }
0xb4: {  	s0 =	sadd.s32 @p0 s8, s26;
	[sflag:s15] =	ssyncadd.s32 $0xFFFFC180  }
0xb5: {  	s2 =	simm.s32 @p0 $0x1FC3;
	s0 =	sadd.s32 @p0 $0x24900, s0;
	[bflag:$0x0] =	sbarrier.arrive $0xFFFF  }
0xb6: {  	[hbm:s0], [sflag:s2] =	dma.local @p0 [spmem:s12], $0x2800  }
0xb7: {  	s0 =	simm.s32 @p0 $0x3  }
0xb8: {  	_ =	swait.ge @p0 [sflag:s0], $0x2800  }
0xb9: {  	s25 =	sadd.s32 $0x1, s25;
	[sflag:s0] =	ssyncset.done @p0 $0x0  }
0xba: {  	p1 =	sne.s32 s25, $0x5;
	[sflag:s0] =	ssyncadd.s32 @p0 $0xFFFFD800;
	s0 =	sadd.s32 @!p0 s8, s28  }
0xbb: {  	[hbm:s0], [sflag:s13] =	dma.local @!p0 [spmem:s14], $0x2700  }
.Ltmp2:
0xbc: {  	_ = 	snop;
	(pc) =	sbr.rel @p1 .LBB2_2-.Ltmp2, $4  }
0xbd: {  	s0 =	simm.s32 @!p0 $0x4  }
0xbe: {  	_ =	swait.ge @!p0 [sflag:s0], $0x2700  }
0xbf: {  	[sflag:s0] =	ssyncset.done @!p0 $0x0  }
0xc0: {  	[sflag:s0] =	ssyncadd.s32 @!p0 $0xFFFFD900  }
0xc1: {  	s3 =	sadd.s32 $0x1, s3;
	s0 =	rddreg [dreg:$0x3]  }
0xc2: {  	p1 =	sne.s32 s3, s0  }
.Ltmp3:
0xc3: {  	_ = 	snop;
	(pc) =	sbr.rel @p1 .LBB2_1-.Ltmp3, $1  }
0xc4: {  	_ =	sdelay $0x3  }
0xc5: {  	_ =	sfence.sel $0x180000  }
0xc6: {  	[bflag:$0x0] =	sbarrier.arrive $0xFFFF  }
0xc7: {  	_ =	strace $0x90000050  }
0xc8: {  	s0 =	stileid.u32;
	[bflag:$0x2] =	sbarrier.arrive $0xFFFF  }
0xc9: {  	p0 =	sne.s32 s0, $0x0;
	s0 =	rddreg [dreg:$0x2]  }
0xca: {  	s0 =	sadd.s32 @!p0 $0x100000, s0  }
0xcb: {  	[sflag:s0] =	ssyncadd.tile.s32 @!p0 $0x1;
	_ =	shalt  }
.Lfunc_end2:
_tile_overlayer_lowered:
.L_overlay_start_2:
0xcc: {  	(tag) =	ssettag $0x2  }
0xcd: {  	s0 =	rddreg [dreg:$0x0];
	s2 =	stileid.u32  }
0xce: {  	s1 =	rddreg [dreg:$0x1];
	p0 =	sne.s32 s2, $0x0  }
0xcf: {  	s3 =	rddreg [dreg:$0x2];
	[bflag:$0x3] =	sbarrier.arrive $0xFFFF;
	s2 =	simm.s32 @!p0 $0x1C03  }
0xd0: {  	[timem:s3], [sflag:s2] =	dma.local @!p0 [hbm:s0], s1  }
0xd1: {  	s0 =	simm.s32 @!p0 $0x3  }
0xd2: {  	_ =	swait.ge @!p0 [sflag:s0], s1  }
0xd3: {  	s1 =	ssub.s32 @!p0 $0x0, s1;
	[sflag:s0] =	ssyncset.done @!p0 $0x0  }
0xd4: {  	[sflag:s0] =	ssyncadd.s32 @!p0 s1  }
0xd5: {  	[bflag:$0x3] =	sbarrier.arrive $0xFFFF  }
0xd6: {  	_ =	shalt  }

</sc_bundles>
